<compile_context>
chip_gen: v7x
topology: tpu7x:2x2x1
jax: 0.10.2.dev20260603
libtpu: 0.0.44.dev20260713+nightly
codegen_flags: <defaults>
</compile_context>

<pallas_src>
import functools
import jax
import jax.numpy as jnp
from jax import lax
from jax.experimental import pallas as pl
from jax.experimental.pallas import tpu as pltpu
from jax.experimental.pallas import tpu_sc as plsc

NN = 10000
DD = 128
EE = 160000
ELL = 50000
NSUB = 16
CH = 128

NROWS = 10112
ROWS_PER_W = NROWS // NSUB
E_PAD = 172032
EL_PAD = 51200
ECHUNKS = E_PAD // (NSUB * CH)
LCHUNKS = EL_PAD // (NSUB * CH)
NBUF = 3
PNBUF = 5
NGRP = ECHUNKS // NBUF


@functools.lru_cache(maxsize=None)
def _sc_mesh():
    return plsc.VectorSubcoreMesh(core_axis_name="c", subcore_axis_name="s",
                                  num_cores=2, num_subcores=NSUB)



CW = DD


def _counts_body(sd_uv, sd_vu, czeros_hbm, cones_hbm, out, acc, ones_v, idx,
                 ssem):
    c = lax.axis_index("c")
    s = lax.axis_index("s")
    base_r = s * ROWS_PER_W
    ci0 = s * ECHUNKS
    pltpu.sync_copy(czeros_hbm, acc.at[pl.ds(base_r, ROWS_PER_W)])
    pltpu.sync_copy(cones_hbm, ones_v)

    def dir_loop(sd_ref):
        pltpu.sync_copy(sd_ref.at[pl.ds(ci0, ECHUNKS)], idx)
        plsc.subcore_barrier()

        def fire(k, carry):
            pltpu.async_copy(ones_v, acc.at[idx.at[k, 1]], ssem, add=True)
            return carry
        lax.fori_loop(0, ECHUNKS, fire, 0)

        def drain(k, carry):
            pltpu.make_async_copy(ones_v, acc.at[idx.at[0, 1]], ssem).wait()
            return carry
        lax.fori_loop(0, ECHUNKS, drain, 0)

    @pl.when(c == 0)
    def _():
        dir_loop(sd_uv)

    @pl.when(c == 1)
    def _():
        dir_loop(sd_vu)

    plsc.subcore_barrier()
    pltpu.sync_copy(acc.at[pl.ds(base_r, ROWS_PER_W)],
                    out.at[c, pl.ds(base_r, ROWS_PER_W)])


@functools.lru_cache(maxsize=None)
def _counts_kernel():
    return pl.kernel(
        _counts_body, mesh=_sc_mesh(),
        out_type=jax.ShapeDtypeStruct((2, NROWS, CW), jnp.float32),
        scratch_types=[
            pltpu.VMEM_SHARED((NROWS, CW), jnp.float32),
            pltpu.VMEM((CH, CW), jnp.float32),
            pltpu.VMEM((ECHUNKS, 2, CH), jnp.int32),
            pltpu.SemaphoreType.DMA,
        ],
    )


def _agg_body(tab_u, tab_v, sd_uv, sd_vu, zeros_hbm, out, acc, idx, *rest):
    bufs = rest[:NBUF]
    gsems = rest[NBUF:2 * NBUF]
    ssems = rest[2 * NBUF:3 * NBUF]
    isem = rest[3 * NBUF]
    c = lax.axis_index("c")
    s = lax.axis_index("s")
    base_r = s * ROWS_PER_W
    ci0 = s * ECHUNKS
    pltpu.sync_copy(zeros_hbm, acc.at[pl.ds(base_r, ROWS_PER_W)])

    def dir_loop(tab, sd_ref):
        def gather(b):
            pltpu.async_copy(tab.at[idx.at[b, 0]], bufs[b], gsems[b])

        def gather_wait(b):
            pltpu.make_async_copy(tab.at[idx.at[b, 0]], bufs[b],
                                  gsems[b]).wait()

        def scat(b):
            pltpu.async_copy(bufs[b], acc.at[idx.at[b, 1]], ssems[b],
                             add=True)

        def scat_wait(b):
            pltpu.make_async_copy(bufs[b], acc.at[idx.at[b, 1]],
                                  ssems[b]).wait()

        pltpu.sync_copy(sd_ref.at[pl.ds(ci0, NBUF)], idx)
        plsc.subcore_barrier()

        def group(g, carry):
            @pl.when(g > 0)
            def _():
                pltpu.make_async_copy(sd_ref.at[pl.ds(ci0, NBUF)], idx,
                                      isem).wait()
            for b in range(NBUF):
                gather(b)
            for b in range(NBUF):
                gather_wait(b)
                scat(b)
            for b in range(NBUF):
                scat_wait(b)

            @pl.when(g < NGRP - 1)
            def _():
                pltpu.async_copy(
                    sd_ref.at[pl.ds(ci0 + (g + 1) * NBUF, NBUF)], idx, isem)
            return carry
        lax.fori_loop(0, NGRP, group, 0)

    @pl.when(c == 0)
    def _():
        dir_loop(tab_u, sd_uv)

    @pl.when(c == 1)
    def _():
        dir_loop(tab_v, sd_vu)

    plsc.subcore_barrier()
    pltpu.sync_copy(acc.at[pl.ds(base_r, ROWS_PER_W)],
                    out.at[c, pl.ds(base_r, ROWS_PER_W)])


@functools.lru_cache(maxsize=None)
def _agg_kernel():
    return pl.kernel(
        _agg_body, mesh=_sc_mesh(),
        out_type=jax.ShapeDtypeStruct((2, NROWS, DD), jnp.float32),
        scratch_types=[
            pltpu.VMEM_SHARED((NROWS, DD), jnp.float32),
            pltpu.VMEM((NBUF, 2, CH), jnp.int32),
        ] + [pltpu.VMEM((CH, DD), jnp.float32)] * NBUF
          + [pltpu.SemaphoreType.DMA] * (3 * NBUF + 1),
    )


def _pair_body(h_u, h_v, sd_el, out, *rest):
    sdb = rest[:PNBUF]
    bufs = rest[PNBUF:2 * PNBUF]
    isems = rest[2 * PNBUF:3 * PNBUF]
    gsems = rest[3 * PNBUF:4 * PNBUF]
    ssem = rest[-1]
    c = lax.axis_index("c")
    s = lax.axis_index("s")
    ci0 = s * LCHUNKS

    def dir_loop(tab):
        def group(g, carry):
            base = ci0 + g * PNBUF
            ihs = [pltpu.async_copy(sd_el.at[base + b], sdb[b], isems[b])
                   for b in range(PNBUF)]
            hs = []
            for b in range(PNBUF):
                ihs[b].wait()
                hs.append(pltpu.async_copy(tab.at[sdb[b].at[c]], bufs[b],
                                           gsems[b]))
            shs = []
            for b in range(PNBUF):
                hs[b].wait()
                rbase = pl.multiple_of((base + b) * CH, CH)
                shs.append(pltpu.async_copy(bufs[b],
                                            out.at[c, pl.ds(rbase, CH)],
                                            ssem))
            for h in shs:
                h.wait()
            return carry
        lax.fori_loop(0, LCHUNKS // PNBUF, group, 0)

    @pl.when(c == 0)
    def _():
        dir_loop(h_u)

    @pl.when(c == 1)
    def _():
        dir_loop(h_v)


@functools.lru_cache(maxsize=None)
def _pair_kernel():
    return pl.kernel(
        _pair_body, mesh=_sc_mesh(),
        out_type=jax.ShapeDtypeStruct((2, EL_PAD, DD), jnp.float32),
        scratch_types=[
            pltpu.VMEM((2, CH), jnp.int32)] * PNBUF
          + [pltpu.VMEM((CH, DD), jnp.float32)] * PNBUF
          + [pltpu.SemaphoreType.DMA] * (2 * PNBUF + 1),
    )



RB = 1000
PB = 2048

_full = lambda shape: pl.BlockSpec(shape, lambda i: (0,) * len(shape))


def _comb_body(hu, hv, part0, part1, cnt0, cnt1,
               wnu, wnv, wsu, wsv, buv, bvu, hu2, hv2):
    f32 = jnp.float32
    mean_v = part0[0] / jnp.maximum(cnt0[0], 1.0)
    mean_u = part1[0] / jnp.maximum(cnt1[0], 1.0)
    hv2[...] = jax.nn.relu(
        jnp.dot(hv[...], wsv[...], preferred_element_type=f32)
        + jnp.dot(mean_v, wnu[...], preferred_element_type=f32) + buv[...])
    hu2[...] = jax.nn.relu(
        jnp.dot(hu[...], wsu[...], preferred_element_type=f32)
        + jnp.dot(mean_u, wnv[...], preferred_element_type=f32) + bvu[...])


def _comb_call(hu, hv, parts, cnt2, wnu, wnv, wsu, wsv, buv, bvu):
    node = pl.BlockSpec((RB, DD), lambda i: (i, 0))
    p0 = pl.BlockSpec((1, RB, DD), lambda i: (0, i, 0))
    p1 = pl.BlockSpec((1, RB, DD), lambda i: (1, i, 0))
    c0 = pl.BlockSpec((1, RB, CW), lambda i: (0, i, 0))
    c1 = pl.BlockSpec((1, RB, CW), lambda i: (1, i, 0))
    w = _full((DD, DD))
    b = _full((1, DD))
    return pl.pallas_call(
        _comb_body,
        grid=(NN // RB,),
        in_specs=[node, node, p0, p1, c0, c1, w, w, w, w, b, b],
        out_specs=[node, node],
        out_shape=[jax.ShapeDtypeStruct((NN, DD), jnp.float32)] * 2,
    )(hu, hv, parts, parts, cnt2, cnt2, wnu, wnv, wsu, wsv, buv, bvu)


def _pred_body(gs, gd, wsrc, bsrc, wdst, bdst, out):
    f32 = jnp.float32

    def apply_stack(x, wref, bref):
        for i in range(10):
            x = (jnp.dot(x, wref[i], preferred_element_type=f32)
                 + bref[i:i + 1, :])
        return x

    s = apply_stack(gs[0], wsrc, bsrc)
    d = apply_stack(gd[0], wdst, bdst)
    out[...] = jax.nn.sigmoid(jnp.sum(s * d, axis=1))


def _pred_call(g, wsrc, bsrc, wdst, bdst):
    g0 = pl.BlockSpec((1, PB, DD), lambda i: (0, i, 0))
    g1 = pl.BlockSpec((1, PB, DD), lambda i: (1, i, 0))
    return pl.pallas_call(
        _pred_body,
        grid=(EL_PAD // PB,),
        in_specs=[g0, g1, _full((10, DD, DD)), _full((10, DD)),
                  _full((10, DD, DD)), _full((10, DD))],
        out_specs=pl.BlockSpec((PB,), lambda i: (i,)),
        out_shape=jax.ShapeDtypeStruct((EL_PAD,), jnp.float32),
    )(g, g, wsrc, bsrc, wdst, bdst)



def _pad_edges(ei, n_pad):
    extra = n_pad - ei.shape[1]
    src = jnp.concatenate([ei[0], jnp.zeros((extra,), jnp.int32)])
    dst = jnp.concatenate([ei[1], jnp.full((extra,), NROWS - 1, jnp.int32)])
    return jnp.stack([src.reshape(-1, CH), dst.reshape(-1, CH)], axis=1)


def kernel(x_u, x_v, params, edge_index_uv, edge_index_vu, edge_label_index):
    sd_uv = _pad_edges(edge_index_uv, E_PAD)
    sd_vu = _pad_edges(edge_index_vu, E_PAD)
    extra = EL_PAD - ELL
    sd_el = jnp.stack(
        [jnp.concatenate([edge_label_index[0],
                          jnp.zeros((extra,), jnp.int32)]).reshape(-1, CH),
         jnp.concatenate([edge_label_index[1],
                          jnp.zeros((extra,), jnp.int32)]).reshape(-1, CH)],
        axis=1)

    zeros_hbm = jnp.zeros((ROWS_PER_W, DD), jnp.float32)
    czeros_hbm = jnp.zeros((ROWS_PER_W, CW), jnp.float32)
    cones_hbm = jnp.ones((CH, CW), jnp.float32)

    cnt2 = _counts_kernel()(sd_uv, sd_vu, czeros_hbm, cones_hbm)

    def wmats(p):
        return (p["uv"]["Wneigh"], p["vu"]["Wneigh"],
                p["vu"]["Wself"], p["uv"]["Wself"],
                p["uv"]["b"].reshape(1, DD), p["vu"]["b"].reshape(1, DD))

    layers = list(params["enc"]) + list(params["dec"])

    h_u, h_v = x_u, x_v
    enc_u = enc_v = None
    for li in range(5):
        parts = _agg_kernel()(h_u, h_v, sd_uv, sd_vu, zeros_hbm)
        h_u, h_v = _comb_call(h_u, h_v, parts, cnt2, *wmats(layers[li]))
        if li == 1:
            enc_u, enc_v = h_u, h_v
    f_u, f_v = h_u, h_v

    def stack(ps):
        ws, bs = [], []
        for p in ps:
            w, b = p["W"], p["b"]
            if w.shape[1] != DD:
                w = jnp.pad(w, ((0, 0), (0, DD - w.shape[1])))
                b = jnp.pad(b, (0, DD - b.shape[0]))
            ws.append(w)
            bs.append(b)
        return jnp.stack(ws), jnp.stack(bs)

    wsrc, bsrc = stack(params["sd_src"])
    wdst, bdst = stack(params["sd_dst"])

    g = _pair_kernel()(enc_u, enc_v, sd_el)
    pred = _pred_call(g, wsrc, bsrc, wdst, bdst)

    return (enc_u, enc_v, f_u, f_v, pred[:ELL])

# --- scband reference (transcript-rebuilt; emitter-appended) ---
"""Pipeline reference for scband-graph-bean-39926015983618 (READ-ONLY COPY).

The authoritative reference and input builder live on the scoring server;
editing this copy changes nothing except your own understanding.
"""

import jax, jax.numpy as jnp
import numpy as np

N_U = 10000
N_V = 10000
E = 160000
EL = 50000
D = 128
H = 128
OUT_SD = 50


def _lin(key, din, dout):
    k1, _ = jax.random.split(key)
    s = 1.0 / np.sqrt(din)
    return {"W": jax.random.normal(k1, (din, dout), dtype=jnp.float32) * s,
            "b": jnp.zeros((dout,), jnp.float32)}


def _conv(key, din, dout):
    k1, k2, _ = jax.random.split(key, 3)
    s = 1.0 / np.sqrt(din)
    return {"Wself": jax.random.normal(k1, (din, dout), dtype=jnp.float32) * s,
            "Wneigh": jax.random.normal(k2, (din, dout), dtype=jnp.float32) * s,
            "b": jnp.zeros((dout,), jnp.float32)}


def setup_inputs(seed: int = 0) -> dict:
    key = jax.random.key(seed)
    ks = jax.random.split(key, 40)
    x_u = jax.random.normal(ks[0], (N_U, D), dtype=jnp.float32)
    x_v = jax.random.normal(ks[1], (N_V, D), dtype=jnp.float32)
    edge_index_uv = jax.random.randint(ks[2], (2, E), 0, N_U, dtype=jnp.int32)
    edge_index_vu = jax.random.randint(ks[3], (2, E), 0, N_V, dtype=jnp.int32)
    edge_label_index = jax.random.randint(ks[4], (2, EL), 0, N_U, dtype=jnp.int32)
    i = 5
    enc = []
    for (di, do) in [(D, H), (H, H)]:
        enc.append({"uv": _conv(ks[i], di, do), "vu": _conv(ks[i + 1], di, do)})
        i += 2
    dec = []
    for _ in range(2):
        dec.append({"uv": _conv(ks[i], H, H), "vu": _conv(ks[i + 1], H, H)})
        i += 2
    dec.append({"uv": _conv(ks[i], H, D), "vu": _conv(ks[i + 1], H, D)})
    i += 2
    sd_dims = [(H, H)] + [(H, H)] * 8 + [(H, OUT_SD)]  # num_layers=10
    sd_src = []
    for (di, do) in sd_dims:
        sd_src.append(_lin(ks[i], di, do))
        i += 1
    sd_dst = []
    for (di, do) in sd_dims:
        sd_dst.append(_lin(ks[i], di, do))
        i += 1
    params = {"enc": enc, "dec": dec, "sd_src": sd_src, "sd_dst": sd_dst}
    return {"x_u": x_u, "x_v": x_v, "params": params,
            "edge_index_uv": edge_index_uv, "edge_index_vu": edge_index_vu,
            "edge_label_index": edge_label_index}


def _sage(x_src, x_dst, ei, p):
    src, dst = ei[0], ei[1]
    n = x_dst.shape[0]
    msg = x_src[src]
    agg = jax.ops.segment_sum(msg, dst, num_segments=n)
    cnt = jax.ops.segment_sum(jnp.ones((src.shape[0],), jnp.float32), dst, num_segments=n)
    mean = agg / jnp.clip(cnt, 1.0)[:, None]
    return x_dst @ p["Wself"] + mean @ p["Wneigh"] + p["b"]


def _hetero(h_u, h_v, ei_uv, ei_vu, p):
    nv = _sage(h_u, h_v, ei_uv, p["uv"])
    nu = _sage(h_v, h_u, ei_vu, p["vu"])
    return jax.nn.relu(nu), jax.nn.relu(nv)


def reference(x_u, x_v, params, edge_index_uv, edge_index_vu, edge_label_index):
    h_u, h_v = x_u, x_v
    for p in params["enc"]:
        h_u, h_v = _hetero(h_u, h_v, edge_index_uv, edge_index_vu, p)
    f_u, f_v = h_u, h_v
    for p in params["dec"]:
        f_u, f_v = _hetero(f_u, f_v, edge_index_uv, edge_index_vu, p)
    s = h_u[edge_label_index[0]]
    d = h_v[edge_label_index[1]]
    for lp in params["sd_src"]:
        s = s @ lp["W"] + lp["b"]
    for lp in params["sd_dst"]:
        d = d @ lp["W"] + lp["b"]
    edge_prediction = jax.nn.sigmoid(jnp.sum(s * d, axis=-1))
    return (h_u, h_v, f_u, f_v, edge_prediction)

if __name__ == "__main__":
    import jax
    _d = setup_inputs()
    print(jax.jit(kernel)(*tuple(_d.values())))

</pallas_src>

<mosaic_0001>
#map = affine_map<(d0, d1) -> (0, 0)>
#map1 = affine_map<(d0, d1) -> (0, 0, 0)>
module attributes {stable_mosaic.version = 14 : i64} {
  func.func @_agg_body(%arg0: i32, %arg1: i32, %arg2: memref<10000x128xf32, #tpu.memory_space<hbm>>, %arg3: memref<10000x128xf32, #tpu.memory_space<hbm>>, %arg4: memref<1344x2x128xi32, #tpu.memory_space<hbm>>, %arg5: memref<1344x2x128xi32, #tpu.memory_space<hbm>>, %arg6: memref<632x128xf32, #tpu.memory_space<hbm>>, %arg7: memref<2x10112x128xf32, #tpu.memory_space<hbm>>, %arg8: memref<10112x128xf32, #tpu.memory_space<vmem_shared>>, %arg9: memref<3x2x128xi32, #tpu.memory_space<vmem>>, %arg10: memref<128x128xf32, #tpu.memory_space<vmem>>, %arg11: memref<128x128xf32, #tpu.memory_space<vmem>>, %arg12: memref<128x128xf32, #tpu.memory_space<vmem>>, %arg13: memref<!tpu.dma_semaphore, #tpu.memory_space<semaphore_mem>>, %arg14: memref<!tpu.dma_semaphore, #tpu.memory_space<semaphore_mem>>, %arg15: memref<!tpu.dma_semaphore, #tpu.memory_space<semaphore_mem>>, %arg16: memref<!tpu.dma_semaphore, #tpu.memory_space<semaphore_mem>>, %arg17: memref<!tpu.dma_semaphore, #tpu.memory_space<semaphore_mem>>, %arg18: memref<!tpu.dma_semaphore, #tpu.memory_space<semaphore_mem>>, %arg19: memref<!tpu.dma_semaphore, #tpu.memory_space<semaphore_mem>>, %arg20: memref<!tpu.dma_semaphore, #tpu.memory_space<semaphore_mem>>, %arg21: memref<!tpu.dma_semaphore, #tpu.memory_space<semaphore_mem>>, %arg22: memref<!tpu.dma_semaphore, #tpu.memory_space<semaphore_mem>>) attributes {dimension_semantics = [#tpu.dimension_semantics<core_parallel>, #tpu.dimension_semantics<subcore_parallel>], iteration_bounds = array<i64: 2, 16>, scalar_prefetch = 0 : i64, scratch_operands = 15 : i64, tpu.core_type = #tpu.core_type<sc_vector_subcore>, window_params = [{transform_indices = #map}, {transform_indices = #map}, {transform_indices = #map1}, {transform_indices = #map1}, {transform_indices = #map}, {transform_indices = #map1}]} {
    %mul3A = arith.constant 632 : i32
    %mul3A_0 = arith.muli %arg1, %mul3A : i32
    %mul3A_1 = arith.constant 84 : i32
    %mul3A_2 = arith.muli %arg1, %mul3A_1 : i32
    "tpu.region"() ({
      %run_scoped3A = tpu.sem_alloc : memref<!tpu.dma_semaphore, #tpu.memory_space<semaphore_mem>>
      %dma_start3A = arith.constant 0 : i32
      %dma_start3A_10 = tpu.memref_slice %arg8[%mul3A_0, %dma_start3A] : memref<10112x128xf32, #tpu.memory_space<vmem_shared>> -> memref<632x128xf32, #tpu.memory_space<vmem_shared>>
      tpu.enqueue_dma source(%arg6 : memref<632x128xf32, #tpu.memory_space<hbm>>) target(%dma_start3A_10 : memref<632x128xf32, #tpu.memory_space<vmem_shared>>) target_semaphore(%run_scoped3A : memref<!tpu.dma_semaphore, #tpu.memory_space<semaphore_mem>>)
      %dma_wait3A = arith.constant 0 : i32
      %dma_wait3A_11 = tpu.memref_slice %arg8[%mul3A_0, %dma_wait3A] : memref<10112x128xf32, #tpu.memory_space<vmem_shared>> -> memref<632x128xf32, #tpu.memory_space<vmem_shared>>
      tpu.wait_dma2 semaphore(%run_scoped3A : memref<!tpu.dma_semaphore, #tpu.memory_space<semaphore_mem>>) src(%arg6 : memref<632x128xf32, #tpu.memory_space<hbm>>) dst(%dma_wait3A_11 : memref<632x128xf32, #tpu.memory_space<vmem_shared>>)
      tpu.yield
    }) : () -> ()
    %eq3A = arith.constant 0 : i32
    %eq3A_3 = arith.cmpi eq, %arg0, %eq3A : i32
    %convert_element_type3A = arith.extui %eq3A_3 : i1 to i32
    %cond3A = arith.constant 0 : i32
    %cond3A_4 = arith.cmpi ne, %convert_element_type3A, %cond3A : i32
    scf.if %cond3A_4 {
      "tpu.region"() ({
        %run_scoped3A = tpu.sem_alloc : memref<!tpu.dma_semaphore, #tpu.memory_space<semaphore_mem>>
        %dma_start3A = arith.constant 0 : i32
        %dma_start3A_16 = arith.constant 0 : i32
        %dma_start3A_17 = tpu.memref_slice %arg4[%mul3A_2, %dma_start3A, %dma_start3A_16] : memref<1344x2x128xi32, #tpu.memory_space<hbm>> -> memref<3x2x128xi32, #tpu.memory_space<hbm>>
        %dma_start3A_18 = arith.constant 0 : i32
        %dma_start3A_19 = arith.constant 0 : i32
        %dma_start3A_20 = tpu.memref_slice %arg4[%mul3A_2, %dma_start3A_18, %dma_start3A_19] : memref<1344x2x128xi32, #tpu.memory_space<hbm>> -> memref<3x2x128xi32, #tpu.memory_space<hbm>>
        tpu.enqueue_dma source(%dma_start3A_20 : memref<3x2x128xi32, #tpu.memory_space<hbm>>) target(%arg9 : memref<3x2x128xi32, #tpu.memory_space<vmem>>) target_semaphore(%run_scoped3A : memref<!tpu.dma_semaphore, #tpu.memory_space<semaphore_mem>>)
        %dma_wait3A = arith.constant 0 : i32
        %dma_wait3A_21 = arith.constant 0 : i32
        %dma_wait3A_22 = tpu.memref_slice %arg4[%mul3A_2, %dma_wait3A, %dma_wait3A_21] : memref<1344x2x128xi32, #tpu.memory_space<hbm>> -> memref<3x2x128xi32, #tpu.memory_space<hbm>>
        %dma_wait3A_23 = arith.constant 0 : i32
        %dma_wait3A_24 = arith.constant 0 : i32
        %dma_wait3A_25 = tpu.memref_slice %arg4[%mul3A_2, %dma_wait3A_23, %dma_wait3A_24] : memref<1344x2x128xi32, #tpu.memory_space<hbm>> -> memref<3x2x128xi32, #tpu.memory_space<hbm>>
        tpu.wait_dma2 semaphore(%run_scoped3A : memref<!tpu.dma_semaphore, #tpu.memory_space<semaphore_mem>>) src(%dma_wait3A_25 : memref<3x2x128xi32, #tpu.memory_space<hbm>>) dst(%arg9 : memref<3x2x128xi32, #tpu.memory_space<vmem>>)
        tpu.yield
      }) : () -> ()
      %barrier3A_10 = arith.constant 0 : index
      tpu.barrier barrier_id(%barrier3A_10)
      %scan3A = arith.constant 0 : i32
      %scan3A_11 = arith.constant 0 : i32
      %scan3A_12 = arith.constant 28 : i32
      %scan3A_13 = arith.addi %scan3A_11, %scan3A_12 : i32
      %scan3A_14 = arith.constant 1 : i32
      scf.for %scan3A_16 = %scan3A_11 to %scan3A_13 step %scan3A_14  : i32 {
        %gt3A = arith.constant 0 : i32
        %gt3A_17 = arith.cmpi sgt, %scan3A_16, %gt3A : i32
        %convert_element_type3A_18 = arith.extui %gt3A_17 : i1 to i32
        %cond3A_19 = arith.constant 0 : i32
        %cond3A_20 = arith.cmpi ne, %convert_element_type3A_18, %cond3A_19 : i32
        scf.if %cond3A_20 {
          %dma_wait3A_119 = arith.constant 0 : i32
          %dma_wait3A_120 = arith.constant 0 : i32
          %dma_wait3A_121 = tpu.memref_slice %arg4[%mul3A_2, %dma_wait3A_119, %dma_wait3A_120] : memref<1344x2x128xi32, #tpu.memory_space<hbm>> -> memref<3x2x128xi32, #tpu.memory_space<hbm>>
          %dma_wait3A_122 = arith.constant 0 : i32
          %dma_wait3A_123 = arith.constant 0 : i32
          %dma_wait3A_124 = tpu.memref_slice %arg4[%mul3A_2, %dma_wait3A_122, %dma_wait3A_123] : memref<1344x2x128xi32, #tpu.memory_space<hbm>> -> memref<3x2x128xi32, #tpu.memory_space<hbm>>
          tpu.wait_dma2 semaphore(%arg19 : memref<!tpu.dma_semaphore, #tpu.memory_space<semaphore_mem>>) src(%dma_wait3A_124 : memref<3x2x128xi32, #tpu.memory_space<hbm>>) dst(%arg9 : memref<3x2x128xi32, #tpu.memory_space<vmem>>)
        } else {
        }
        %dma_start3A = arith.constant 0 : i32
        %dma_start3A_21 = arith.constant 0 : i32
        %dma_start3A_22 = arith.constant 0 : i32
        %dma_start3A_23 = tpu.memref_slice %arg9[%dma_start3A, %dma_start3A_21, %dma_start3A_22] : memref<3x2x128xi32, #tpu.memory_space<vmem>> -> memref<1x1x128xi32, #tpu.memory_space<vmem>>
        %dma_start3A_24 = tpu.memref_squeeze %dma_start3A_23 : memref<1x1x128xi32, #tpu.memory_space<vmem>> -> memref<128xi32, #tpu.memory_space<vmem>>
        %dma_start3A_25 = arith.constant 0 : i32
        %dma_start3A_26 = arith.constant 0 : i32
        %dma_start3A_27 = tpu.memref_slice %arg2[%dma_start3A_25, %dma_start3A_26] : memref<10000x128xf32, #tpu.memory_space<hbm>> -> memref<10000x128xf32, #tpu.memory_space<hbm>>
        tpu.enqueue_indirect_dma source(%dma_start3A_27 : memref<10000x128xf32, #tpu.memory_space<hbm>>) target(%arg10 : memref<128x128xf32, #tpu.memory_space<vmem>>) offsets(%dma_start3A_24 : memref<128xi32, #tpu.memory_space<vmem>>) semaphore(%arg13 : memref<!tpu.dma_semaphore, #tpu.memory_space<semaphore_mem>>)
        %dma_start3A_28 = arith.constant 1 : i32
        %dma_start3A_29 = arith.constant 0 : i32
        %dma_start3A_30 = arith.constant 0 : i32
        %dma_start3A_31 = tpu.memref_slice %arg9[%dma_start3A_28, %dma_start3A_29, %dma_start3A_30] : memref<3x2x128xi32, #tpu.memory_space<vmem>> -> memref<1x1x128xi32, #tpu.memory_space<vmem>>
        %dma_start3A_32 = tpu.memref_squeeze %dma_start3A_31 : memref<1x1x128xi32, #tpu.memory_space<vmem>> -> memref<128xi32, #tpu.memory_space<vmem>>
        %dma_start3A_33 = arith.constant 0 : i32
        %dma_start3A_34 = arith.constant 0 : i32
        %dma_start3A_35 = tpu.memref_slice %arg2[%dma_start3A_33, %dma_start3A_34] : memref<10000x128xf32, #tpu.memory_space<hbm>> -> memref<10000x128xf32, #tpu.memory_space<hbm>>
        tpu.enqueue_indirect_dma source(%dma_start3A_35 : memref<10000x128xf32, #tpu.memory_space<hbm>>) target(%arg11 : memref<128x128xf32, #tpu.memory_space<vmem>>) offsets(%dma_start3A_32 : memref<128xi32, #tpu.memory_space<vmem>>) semaphore(%arg14 : memref<!tpu.dma_semaphore, #tpu.memory_space<semaphore_mem>>)
        %dma_start3A_36 = arith.constant 2 : i32
        %dma_start3A_37 = arith.constant 0 : i32
        %dma_start3A_38 = arith.constant 0 : i32
        %dma_start3A_39 = tpu.memref_slice %arg9[%dma_start3A_36, %dma_start3A_37, %dma_start3A_38] : memref<3x2x128xi32, #tpu.memory_space<vmem>> -> memref<1x1x128xi32, #tpu.memory_space<vmem>>
        %dma_start3A_40 = tpu.memref_squeeze %dma_start3A_39 : memref<1x1x128xi32, #tpu.memory_space<vmem>> -> memref<128xi32, #tpu.memory_space<vmem>>
        %dma_start3A_41 = arith.constant 0 : i32
        %dma_start3A_42 = arith.constant 0 : i32
        %dma_start3A_43 = tpu.memref_slice %arg2[%dma_start3A_41, %dma_start3A_42] : memref<10000x128xf32, #tpu.memory_space<hbm>> -> memref<10000x128xf32, #tpu.memory_space<hbm>>
        tpu.enqueue_indirect_dma source(%dma_start3A_43 : memref<10000x128xf32, #tpu.memory_space<hbm>>) target(%arg12 : memref<128x128xf32, #tpu.memory_space<vmem>>) offsets(%dma_start3A_40 : memref<128xi32, #tpu.memory_space<vmem>>) semaphore(%arg15 : memref<!tpu.dma_semaphore, #tpu.memory_space<semaphore_mem>>)
        %dma_wait3A = arith.constant 0 : i32
        %dma_wait3A_44 = arith.constant 0 : i32
        %dma_wait3A_45 = arith.constant 0 : i32
        %dma_wait3A_46 = tpu.memref_slice %arg9[%dma_wait3A, %dma_wait3A_44, %dma_wait3A_45] : memref<3x2x128xi32, #tpu.memory_space<vmem>> -> memref<1x1x128xi32, #tpu.memory_space<vmem>>
        %dma_wait3A_47 = tpu.memref_squeeze %dma_wait3A_46 : memref<1x1x128xi32, #tpu.memory_space<vmem>> -> memref<128xi32, #tpu.memory_space<vmem>>
        %dma_wait3A_48 = arith.constant 0 : i32
        %dma_wait3A_49 = arith.constant 0 : i32
        %dma_wait3A_50 = tpu.memref_slice %arg2[%dma_wait3A_48, %dma_wait3A_49] : memref<10000x128xf32, #tpu.memory_space<hbm>> -> memref<10000x128xf32, #tpu.memory_space<hbm>>
        tpu.wait_indirect_dma semaphore(%arg13 : memref<!tpu.dma_semaphore, #tpu.memory_space<semaphore_mem>>) src(%dma_wait3A_50 : memref<10000x128xf32, #tpu.memory_space<hbm>>) dst(%arg10 : memref<128x128xf32, #tpu.memory_space<vmem>>)
        %dma_start3A_51 = arith.constant 0 : i32
        %dma_start3A_52 = arith.constant 1 : i32
        %dma_start3A_53 = arith.constant 0 : i32
        %dma_start3A_54 = tpu.memref_slice %arg9[%dma_start3A_51, %dma_start3A_52, %dma_start3A_53] : memref<3x2x128xi32, #tpu.memory_space<vmem>> -> memref<1x1x128xi32, #tpu.memory_space<vmem>>
        %dma_start3A_55 = tpu.memref_squeeze %dma_start3A_54 : memref<1x1x128xi32, #tpu.memory_space<vmem>> -> memref<128xi32, #tpu.memory_space<vmem>>
        %dma_start3A_56 = arith.constant 0 : i32
        %dma_start3A_57 = arith.constant 0 : i32
        %dma_start3A_58 = tpu.memref_slice %arg8[%dma_start3A_56, %dma_start3A_57] : memref<10112x128xf32, #tpu.memory_space<vmem_shared>> -> memref<10112x128xf32, #tpu.memory_space<vmem_shared>>
        tpu.enqueue_indirect_dma source(%arg10 : memref<128x128xf32, #tpu.memory_space<vmem>>) target(%dma_start3A_58 : memref<10112x128xf32, #tpu.memory_space<vmem_shared>>) offsets(%dma_start3A_55 : memref<128xi32, #tpu.memory_space<vmem>>) semaphore(%arg16 : memref<!tpu.dma_semaphore, #tpu.memory_space<semaphore_mem>>) {add = true}
        %dma_wait3A_59 = arith.constant 1 : i32
        %dma_wait3A_60 = arith.constant 0 : i32
        %dma_wait3A_61 = arith.constant 0 : i32
        %dma_wait3A_62 = tpu.memref_slice %arg9[%dma_wait3A_59, %dma_wait3A_60, %dma_wait3A_61] : memref<3x2x128xi32, #tpu.memory_space<vmem>> -> memref<1x1x128xi32, #tpu.memory_space<vmem>>
        %dma_wait3A_63 = tpu.memref_squeeze %dma_wait3A_62 : memref<1x1x128xi32, #tpu.memory_space<vmem>> -> memref<128xi32, #tpu.memory_space<vmem>>
        %dma_wait3A_64 = arith.constant 0 : i32
        %dma_wait3A_65 = arith.constant 0 : i32
        %dma_wait3A_66 = tpu.memref_slice %arg2[%dma_wait3A_64, %dma_wait3A_65] : memref<10000x128xf32, #tpu.memory_space<hbm>> -> memref<10000x128xf32, #tpu.memory_space<hbm>>
        tpu.wait_indirect_dma semaphore(%arg14 : memref<!tpu.dma_semaphore, #tpu.memory_space<semaphore_mem>>) src(%dma_wait3A_66 : memref<10000x128xf32, #tpu.memory_space<hbm>>) dst(%arg11 : memref<128x128xf32, #tpu.memory_space<vmem>>)
        %dma_start3A_67 = arith.constant 1 : i32
        %dma_start3A_68 = arith.constant 1 : i32
        %dma_start3A_69 = arith.constant 0 : i32
        %dma_start3A_70 = tpu.memref_slice %arg9[%dma_start3A_67, %dma_start3A_68, %dma_start3A_69] : memref<3x2x128xi32, #tpu.memory_space<vmem>> -> memref<1x1x128xi32, #tpu.memory_space<vmem>>
        %dma_start3A_71 = tpu.memref_squeeze %dma_start3A_70 : memref<1x1x128xi32, #tpu.memory_space<vmem>> -> memref<128xi32, #tpu.memory_space<vmem>>
        %dma_start3A_72 = arith.constant 0 : i32
        %dma_start3A_73 = arith.constant 0 : i32
        %dma_start3A_74 = tpu.memref_slice %arg8[%dma_start3A_72, %dma_start3A_73] : memref<10112x128xf32, #tpu.memory_space<vmem_shared>> -> memref<10112x128xf32, #tpu.memory_space<vmem_shared>>
        tpu.enqueue_indirect_dma source(%arg11 : memref<128x128xf32, #tpu.memory_space<vmem>>) target(%dma_start3A_74 : memref<10112x128xf32, #tpu.memory_space<vmem_shared>>) offsets(%dma_start3A_71 : memref<128xi32, #tpu.memory_space<vmem>>) semaphore(%arg17 : memref<!tpu.dma_semaphore, #tpu.memory_space<semaphore_mem>>) {add = true}
        %dma_wait3A_75 = arith.constant 2 : i32
        %dma_wait3A_76 = arith.constant 0 : i32
        %dma_wait3A_77 = arith.constant 0 : i32
        %dma_wait3A_78 = tpu.memref_slice %arg9[%dma_wait3A_75, %dma_wait3A_76, %dma_wait3A_77] : memref<3x2x128xi32, #tpu.memory_space<vmem>> -> memref<1x1x128xi32, #tpu.memory_space<vmem>>
        %dma_wait3A_79 = tpu.memref_squeeze %dma_wait3A_78 : memref<1x1x128xi32, #tpu.memory_space<vmem>> -> memref<128xi32, #tpu.memory_space<vmem>>
        %dma_wait3A_80 = arith.constant 0 : i32
        %dma_wait3A_81 = arith.constant 0 : i32
        %dma_wait3A_82 = tpu.memref_slice %arg2[%dma_wait3A_80, %dma_wait3A_81] : memref<10000x128xf32, #tpu.memory_space<hbm>> -> memref<10000x128xf32, #tpu.memory_space<hbm>>
        tpu.wait_indirect_dma semaphore(%arg15 : memref<!tpu.dma_semaphore, #tpu.memory_space<semaphore_mem>>) src(%dma_wait3A_82 : memref<10000x128xf32, #tpu.memory_space<hbm>>) dst(%arg12 : memref<128x128xf32, #tpu.memory_space<vmem>>)
        %dma_start3A_83 = arith.constant 2 : i32
        %dma_start3A_84 = arith.constant 1 : i32
        %dma_start3A_85 = arith.constant 0 : i32
        %dma_start3A_86 = tpu.memref_slice %arg9[%dma_start3A_83, %dma_start3A_84, %dma_start3A_85] : memref<3x2x128xi32, #tpu.memory_space<vmem>> -> memref<1x1x128xi32, #tpu.memory_space<vmem>>
        %dma_start3A_87 = tpu.memref_squeeze %dma_start3A_86 : memref<1x1x128xi32, #tpu.memory_space<vmem>> -> memref<128xi32, #tpu.memory_space<vmem>>
        %dma_start3A_88 = arith.constant 0 : i32
        %dma_start3A_89 = arith.constant 0 : i32
        %dma_start3A_90 = tpu.memref_slice %arg8[%dma_start3A_88, %dma_start3A_89] : memref<10112x128xf32, #tpu.memory_space<vmem_shared>> -> memref<10112x128xf32, #tpu.memory_space<vmem_shared>>
        tpu.enqueue_indirect_dma source(%arg12 : memref<128x128xf32, #tpu.memory_space<vmem>>) target(%dma_start3A_90 : memref<10112x128xf32, #tpu.memory_space<vmem_shared>>) offsets(%dma_start3A_87 : memref<128xi32, #tpu.memory_space<vmem>>) semaphore(%arg18 : memref<!tpu.dma_semaphore, #tpu.memory_space<semaphore_mem>>) {add = true}
        %dma_wait3A_91 = arith.constant 0 : i32
        %dma_wait3A_92 = arith.constant 1 : i32
        %dma_wait3A_93 = arith.constant 0 : i32
        %dma_wait3A_94 = tpu.memref_slice %arg9[%dma_wait3A_91, %dma_wait3A_92, %dma_wait3A_93] : memref<3x2x128xi32, #tpu.memory_space<vmem>> -> memref<1x1x128xi32, #tpu.memory_space<vmem>>
        %dma_wait3A_95 = tpu.memref_squeeze %dma_wait3A_94 : memref<1x1x128xi32, #tpu.memory_space<vmem>> -> memref<128xi32, #tpu.memory_space<vmem>>
        %dma_wait3A_96 = arith.constant 0 : i32
        %dma_wait3A_97 = arith.constant 0 : i32
        %dma_wait3A_98 = tpu.memref_slice %arg8[%dma_wait3A_96, %dma_wait3A_97] : memref<10112x128xf32, #tpu.memory_space<vmem_shared>> -> memref<10112x128xf32, #tpu.memory_space<vmem_shared>>
        tpu.wait_indirect_dma semaphore(%arg16 : memref<!tpu.dma_semaphore, #tpu.memory_space<semaphore_mem>>) src(%arg10 : memref<128x128xf32, #tpu.memory_space<vmem>>) dst(%dma_wait3A_98 : memref<10112x128xf32, #tpu.memory_space<vmem_shared>>)
        %dma_wait3A_99 = arith.constant 1 : i32
        %dma_wait3A_100 = arith.constant 1 : i32
        %dma_wait3A_101 = arith.constant 0 : i32
        %dma_wait3A_102 = tpu.memref_slice %arg9[%dma_wait3A_99, %dma_wait3A_100, %dma_wait3A_101] : memref<3x2x128xi32, #tpu.memory_space<vmem>> -> memref<1x1x128xi32, #tpu.memory_space<vmem>>
        %dma_wait3A_103 = tpu.memref_squeeze %dma_wait3A_102 : memref<1x1x128xi32, #tpu.memory_space<vmem>> -> memref<128xi32, #tpu.memory_space<vmem>>
        %dma_wait3A_104 = arith.constant 0 : i32
        %dma_wait3A_105 = arith.constant 0 : i32
        %dma_wait3A_106 = tpu.memref_slice %arg8[%dma_wait3A_104, %dma_wait3A_105] : memref<10112x128xf32, #tpu.memory_space<vmem_shared>> -> memref<10112x128xf32, #tpu.memory_space<vmem_shared>>
        tpu.wait_indirect_dma semaphore(%arg17 : memref<!tpu.dma_semaphore, #tpu.memory_space<semaphore_mem>>) src(%arg11 : memref<128x128xf32, #tpu.memory_space<vmem>>) dst(%dma_wait3A_106 : memref<10112x128xf32, #tpu.memory_space<vmem_shared>>)
        %dma_wait3A_107 = arith.constant 2 : i32
        %dma_wait3A_108 = arith.constant 1 : i32
        %dma_wait3A_109 = arith.constant 0 : i32
        %dma_wait3A_110 = tpu.memref_slice %arg9[%dma_wait3A_107, %dma_wait3A_108, %dma_wait3A_109] : memref<3x2x128xi32, #tpu.memory_space<vmem>> -> memref<1x1x128xi32, #tpu.memory_space<vmem>>
        %dma_wait3A_111 = tpu.memref_squeeze %dma_wait3A_110 : memref<1x1x128xi32, #tpu.memory_space<vmem>> -> memref<128xi32, #tpu.memory_space<vmem>>
        %dma_wait3A_112 = arith.constant 0 : i32
        %dma_wait3A_113 = arith.constant 0 : i32
        %dma_wait3A_114 = tpu.memref_slice %arg8[%dma_wait3A_112, %dma_wait3A_113] : memref<10112x128xf32, #tpu.memory_space<vmem_shared>> -> memref<10112x128xf32, #tpu.memory_space<vmem_shared>>
        tpu.wait_indirect_dma semaphore(%arg18 : memref<!tpu.dma_semaphore, #tpu.memory_space<semaphore_mem>>) src(%arg12 : memref<128x128xf32, #tpu.memory_space<vmem>>) dst(%dma_wait3A_114 : memref<10112x128xf32, #tpu.memory_space<vmem_shared>>)
        %lt3A = arith.constant 27 : i32
        %lt3A_115 = arith.cmpi slt, %scan3A_16, %lt3A : i32
        %convert_element_type3A_116 = arith.extui %lt3A_115 : i1 to i32
        %cond3A_117 = arith.constant 0 : i32
        %cond3A_118 = arith.cmpi ne, %convert_element_type3A_116, %cond3A_117 : i32
        scf.if %cond3A_118 {
          %add3A = arith.constant 1 : i32
          %add3A_119 = arith.addi %scan3A_16, %add3A : i32
          %mul3A_120 = arith.constant 3 : i32
          %mul3A_121 = arith.muli %add3A_119, %mul3A_120 : i32
          %add3A_122 = arith.addi %mul3A_2, %mul3A_121 : i32
          %dma_start3A_123 = arith.constant 0 : i32
          %dma_start3A_124 = arith.constant 0 : i32
          %dma_start3A_125 = tpu.memref_slice %arg4[%add3A_122, %dma_start3A_123, %dma_start3A_124] : memref<1344x2x128xi32, #tpu.memory_space<hbm>> -> memref<3x2x128xi32, #tpu.memory_space<hbm>>
          %dma_start3A_126 = arith.constant 0 : i32
          %dma_start3A_127 = arith.constant 0 : i32
          %dma_start3A_128 = tpu.memref_slice %arg4[%add3A_122, %dma_start3A_126, %dma_start3A_127] : memref<1344x2x128xi32, #tpu.memory_space<hbm>> -> memref<3x2x128xi32, #tpu.memory_space<hbm>>
          tpu.enqueue_dma source(%dma_start3A_128 : memref<3x2x128xi32, #tpu.memory_space<hbm>>) target(%arg9 : memref<3x2x128xi32, #tpu.memory_space<vmem>>) target_semaphore(%arg19 : memref<!tpu.dma_semaphore, #tpu.memory_space<semaphore_mem>>)
        } else {
        }
      }
      %scan3A_15 = arith.constant 28 : i32
    } else {
    }
    %eq3A_5 = arith.constant 1 : i32
    %eq3A_6 = arith.cmpi eq, %arg0, %eq3A_5 : i32
    %convert_element_type3A_7 = arith.extui %eq3A_6 : i1 to i32
    %cond3A_8 = arith.constant 0 : i32
    %cond3A_9 = arith.cmpi ne, %convert_element_type3A_7, %cond3A_8 : i32
    scf.if %cond3A_9 {
      "tpu.region"() ({
        %run_scoped3A = tpu.sem_alloc : memref<!tpu.dma_semaphore, #tpu.memory_space<semaphore_mem>>
        %dma_start3A = arith.constant 0 : i32
        %dma_start3A_16 = arith.constant 0 : i32
        %dma_start3A_17 = tpu.memref_slice %arg5[%mul3A_2, %dma_start3A, %dma_start3A_16] : memref<1344x2x128xi32, #tpu.memory_space<hbm>> -> memref<3x2x128xi32, #tpu.memory_space<hbm>>
        %dma_start3A_18 = arith.constant 0 : i32
        %dma_start3A_19 = arith.constant 0 : i32
        %dma_start3A_20 = tpu.memref_slice %arg5[%mul3A_2, %dma_start3A_18, %dma_start3A_19] : memref<1344x2x128xi32, #tpu.memory_space<hbm>> -> memref<3x2x128xi32, #tpu.memory_space<hbm>>
        tpu.enqueue_dma source(%dma_start3A_20 : memref<3x2x128xi32, #tpu.memory_space<hbm>>) target(%arg9 : memref<3x2x128xi32, #tpu.memory_space<vmem>>) target_semaphore(%run_scoped3A : memref<!tpu.dma_semaphore, #tpu.memory_space<semaphore_mem>>)
        %dma_wait3A = arith.constant 0 : i32
        %dma_wait3A_21 = arith.constant 0 : i32
        %dma_wait3A_22 = tpu.memref_slice %arg5[%mul3A_2, %dma_wait3A, %dma_wait3A_21] : memref<1344x2x128xi32, #tpu.memory_space<hbm>> -> memref<3x2x128xi32, #tpu.memory_space<hbm>>
        %dma_wait3A_23 = arith.constant 0 : i32
        %dma_wait3A_24 = arith.constant 0 : i32
        %dma_wait3A_25 = tpu.memref_slice %arg5[%mul3A_2, %dma_wait3A_23, %dma_wait3A_24] : memref<1344x2x128xi32, #tpu.memory_space<hbm>> -> memref<3x2x128xi32, #tpu.memory_space<hbm>>
        tpu.wait_dma2 semaphore(%run_scoped3A : memref<!tpu.dma_semaphore, #tpu.memory_space<semaphore_mem>>) src(%dma_wait3A_25 : memref<3x2x128xi32, #tpu.memory_space<hbm>>) dst(%arg9 : memref<3x2x128xi32, #tpu.memory_space<vmem>>)
        tpu.yield
      }) : () -> ()
      %barrier3A_10 = arith.constant 0 : index
      tpu.barrier barrier_id(%barrier3A_10)
      %scan3A = arith.constant 0 : i32
      %scan3A_11 = arith.constant 0 : i32
      %scan3A_12 = arith.constant 28 : i32
      %scan3A_13 = arith.addi %scan3A_11, %scan3A_12 : i32
      %scan3A_14 = arith.constant 1 : i32
      scf.for %scan3A_16 = %scan3A_11 to %scan3A_13 step %scan3A_14  : i32 {
        %gt3A = arith.constant 0 : i32
        %gt3A_17 = arith.cmpi sgt, %scan3A_16, %gt3A : i32
        %convert_element_type3A_18 = arith.extui %gt3A_17 : i1 to i32
        %cond3A_19 = arith.constant 0 : i32
        %cond3A_20 = arith.cmpi ne, %convert_element_type3A_18, %cond3A_19 : i32
        scf.if %cond3A_20 {
          %dma_wait3A_119 = arith.constant 0 : i32
          %dma_wait3A_120 = arith.constant 0 : i32
          %dma_wait3A_121 = tpu.memref_slice %arg5[%mul3A_2, %dma_wait3A_119, %dma_wait3A_120] : memref<1344x2x128xi32, #tpu.memory_space<hbm>> -> memref<3x2x128xi32, #tpu.memory_space<hbm>>
          %dma_wait3A_122 = arith.constant 0 : i32
          %dma_wait3A_123 = arith.constant 0 : i32
          %dma_wait3A_124 = tpu.memref_slice %arg5[%mul3A_2, %dma_wait3A_122, %dma_wait3A_123] : memref<1344x2x128xi32, #tpu.memory_space<hbm>> -> memref<3x2x128xi32, #tpu.memory_space<hbm>>
          tpu.wait_dma2 semaphore(%arg19 : memref<!tpu.dma_semaphore, #tpu.memory_space<semaphore_mem>>) src(%dma_wait3A_124 : memref<3x2x128xi32, #tpu.memory_space<hbm>>) dst(%arg9 : memref<3x2x128xi32, #tpu.memory_space<vmem>>)
        } else {
        }
        %dma_start3A = arith.constant 0 : i32
        %dma_start3A_21 = arith.constant 0 : i32
        %dma_start3A_22 = arith.constant 0 : i32
        %dma_start3A_23 = tpu.memref_slice %arg9[%dma_start3A, %dma_start3A_21, %dma_start3A_22] : memref<3x2x128xi32, #tpu.memory_space<vmem>> -> memref<1x1x128xi32, #tpu.memory_space<vmem>>
        %dma_start3A_24 = tpu.memref_squeeze %dma_start3A_23 : memref<1x1x128xi32, #tpu.memory_space<vmem>> -> memref<128xi32, #tpu.memory_space<vmem>>
        %dma_start3A_25 = arith.constant 0 : i32
        %dma_start3A_26 = arith.constant 0 : i32
        %dma_start3A_27 = tpu.memref_slice %arg3[%dma_start3A_25, %dma_start3A_26] : memref<10000x128xf32, #tpu.memory_space<hbm>> -> memref<10000x128xf32, #tpu.memory_space<hbm>>
        tpu.enqueue_indirect_dma source(%dma_start3A_27 : memref<10000x128xf32, #tpu.memory_space<hbm>>) target(%arg10 : memref<128x128xf32, #tpu.memory_space<vmem>>) offsets(%dma_start3A_24 : memref<128xi32, #tpu.memory_space<vmem>>) semaphore(%arg13 : memref<!tpu.dma_semaphore, #tpu.memory_space<semaphore_mem>>)
        %dma_start3A_28 = arith.constant 1 : i32
        %dma_start3A_29 = arith.constant 0 : i32
        %dma_start3A_30 = arith.constant 0 : i32
        %dma_start3A_31 = tpu.memref_slice %arg9[%dma_start3A_28, %dma_start3A_29, %dma_start3A_30] : memref<3x2x128xi32, #tpu.memory_space<vmem>> -> memref<1x1x128xi32, #tpu.memory_space<vmem>>
        %dma_start3A_32 = tpu.memref_squeeze %dma_start3A_31 : memref<1x1x128xi32, #tpu.memory_space<vmem>> -> memref<128xi32, #tpu.memory_space<vmem>>
        %dma_start3A_33 = arith.constant 0 : i32
        %dma_start3A_34 = arith.constant 0 : i32
        %dma_start3A_35 = tpu.memref_slice %arg3[%dma_start3A_33, %dma_start3A_34] : memref<10000x128xf32, #tpu.memory_space<hbm>> -> memref<10000x128xf32, #tpu.memory_space<hbm>>
        tpu.enqueue_indirect_dma source(%dma_start3A_35 : memref<10000x128xf32, #tpu.memory_space<hbm>>) target(%arg11 : memref<128x128xf32, #tpu.memory_space<vmem>>) offsets(%dma_start3A_32 : memref<128xi32, #tpu.memory_space<vmem>>) semaphore(%arg14 : memref<!tpu.dma_semaphore, #tpu.memory_space<semaphore_mem>>)
        %dma_start3A_36 = arith.constant 2 : i32
        %dma_start3A_37 = arith.constant 0 : i32
        %dma_start3A_38 = arith.constant 0 : i32
        %dma_start3A_39 = tpu.memref_slice %arg9[%dma_start3A_36, %dma_start3A_37, %dma_start3A_38] : memref<3x2x128xi32, #tpu.memory_space<vmem>> -> memref<1x1x128xi32, #tpu.memory_space<vmem>>
        %dma_start3A_40 = tpu.memref_squeeze %dma_start3A_39 : memref<1x1x128xi32, #tpu.memory_space<vmem>> -> memref<128xi32, #tpu.memory_space<vmem>>
        %dma_start3A_41 = arith.constant 0 : i32
        %dma_start3A_42 = arith.constant 0 : i32
        %dma_start3A_43 = tpu.memref_slice %arg3[%dma_start3A_41, %dma_start3A_42] : memref<10000x128xf32, #tpu.memory_space<hbm>> -> memref<10000x128xf32, #tpu.memory_space<hbm>>
        tpu.enqueue_indirect_dma source(%dma_start3A_43 : memref<10000x128xf32, #tpu.memory_space<hbm>>) target(%arg12 : memref<128x128xf32, #tpu.memory_space<vmem>>) offsets(%dma_start3A_40 : memref<128xi32, #tpu.memory_space<vmem>>) semaphore(%arg15 : memref<!tpu.dma_semaphore, #tpu.memory_space<semaphore_mem>>)
        %dma_wait3A = arith.constant 0 : i32
        %dma_wait3A_44 = arith.constant 0 : i32
        %dma_wait3A_45 = arith.constant 0 : i32
        %dma_wait3A_46 = tpu.memref_slice %arg9[%dma_wait3A, %dma_wait3A_44, %dma_wait3A_45] : memref<3x2x128xi32, #tpu.memory_space<vmem>> -> memref<1x1x128xi32, #tpu.memory_space<vmem>>
        %dma_wait3A_47 = tpu.memref_squeeze %dma_wait3A_46 : memref<1x1x128xi32, #tpu.memory_space<vmem>> -> memref<128xi32, #tpu.memory_space<vmem>>
        %dma_wait3A_48 = arith.constant 0 : i32
        %dma_wait3A_49 = arith.constant 0 : i32
        %dma_wait3A_50 = tpu.memref_slice %arg3[%dma_wait3A_48, %dma_wait3A_49] : memref<10000x128xf32, #tpu.memory_space<hbm>> -> memref<10000x128xf32, #tpu.memory_space<hbm>>
        tpu.wait_indirect_dma semaphore(%arg13 : memref<!tpu.dma_semaphore, #tpu.memory_space<semaphore_mem>>) src(%dma_wait3A_50 : memref<10000x128xf32, #tpu.memory_space<hbm>>) dst(%arg10 : memref<128x128xf32, #tpu.memory_space<vmem>>)
        %dma_start3A_51 = arith.constant 0 : i32
        %dma_start3A_52 = arith.constant 1 : i32
        %dma_start3A_53 = arith.constant 0 : i32
        %dma_start3A_54 = tpu.memref_slice %arg9[%dma_start3A_51, %dma_start3A_52, %dma_start3A_53] : memref<3x2x128xi32, #tpu.memory_space<vmem>> -> memref<1x1x128xi32, #tpu.memory_space<vmem>>
        %dma_start3A_55 = tpu.memref_squeeze %dma_start3A_54 : memref<1x1x128xi32, #tpu.memory_space<vmem>> -> memref<128xi32, #tpu.memory_space<vmem>>
        %dma_start3A_56 = arith.constant 0 : i32
        %dma_start3A_57 = arith.constant 0 : i32
        %dma_start3A_58 = tpu.memref_slice %arg8[%dma_start3A_56, %dma_start3A_57] : memref<10112x128xf32, #tpu.memory_space<vmem_shared>> -> memref<10112x128xf32, #tpu.memory_space<vmem_shared>>
        tpu.enqueue_indirect_dma source(%arg10 : memref<128x128xf32, #tpu.memory_space<vmem>>) target(%dma_start3A_58 : memref<10112x128xf32, #tpu.memory_space<vmem_shared>>) offsets(%dma_start3A_55 : memref<128xi32, #tpu.memory_space<vmem>>) semaphore(%arg16 : memref<!tpu.dma_semaphore, #tpu.memory_space<semaphore_mem>>) {add = true}
        %dma_wait3A_59 = arith.constant 1 : i32
        %dma_wait3A_60 = arith.constant 0 : i32
        %dma_wait3A_61 = arith.constant 0 : i32
        %dma_wait3A_62 = tpu.memref_slice %arg9[%dma_wait3A_59, %dma_wait3A_60, %dma_wait3A_61] : memref<3x2x128xi32, #tpu.memory_space<vmem>> -> memref<1x1x128xi32, #tpu.memory_space<vmem>>
        %dma_wait3A_63 = tpu.memref_squeeze %dma_wait3A_62 : memref<1x1x128xi32, #tpu.memory_space<vmem>> -> memref<128xi32, #tpu.memory_space<vmem>>
        %dma_wait3A_64 = arith.constant 0 : i32
        %dma_wait3A_65 = arith.constant 0 : i32
        %dma_wait3A_66 = tpu.memref_slice %arg3[%dma_wait3A_64, %dma_wait3A_65] : memref<10000x128xf32, #tpu.memory_space<hbm>> -> memref<10000x128xf32, #tpu.memory_space<hbm>>
        tpu.wait_indirect_dma semaphore(%arg14 : memref<!tpu.dma_semaphore, #tpu.memory_space<semaphore_mem>>) src(%dma_wait3A_66 : memref<10000x128xf32, #tpu.memory_space<hbm>>) dst(%arg11 : memref<128x128xf32, #tpu.memory_space<vmem>>)
        %dma_start3A_67 = arith.constant 1 : i32
        %dma_start3A_68 = arith.constant 1 : i32
        %dma_start3A_69 = arith.constant 0 : i32
        %dma_start3A_70 = tpu.memref_slice %arg9[%dma_start3A_67, %dma_start3A_68, %dma_start3A_69] : memref<3x2x128xi32, #tpu.memory_space<vmem>> -> memref<1x1x128xi32, #tpu.memory_space<vmem>>
        %dma_start3A_71 = tpu.memref_squeeze %dma_start3A_70 : memref<1x1x128xi32, #tpu.memory_space<vmem>> -> memref<128xi32, #tpu.memory_space<vmem>>
        %dma_start3A_72 = arith.constant 0 : i32
        %dma_start3A_73 = arith.constant 0 : i32
        %dma_start3A_74 = tpu.memref_slice %arg8[%dma_start3A_72, %dma_start3A_73] : memref<10112x128xf32, #tpu.memory_space<vmem_shared>> -> memref<10112x128xf32, #tpu.memory_space<vmem_shared>>
        tpu.enqueue_indirect_dma source(%arg11 : memref<128x128xf32, #tpu.memory_space<vmem>>) target(%dma_start3A_74 : memref<10112x128xf32, #tpu.memory_space<vmem_shared>>) offsets(%dma_start3A_71 : memref<128xi32, #tpu.memory_space<vmem>>) semaphore(%arg17 : memref<!tpu.dma_semaphore, #tpu.memory_space<semaphore_mem>>) {add = true}
        %dma_wait3A_75 = arith.constant 2 : i32
        %dma_wait3A_76 = arith.constant 0 : i32
        %dma_wait3A_77 = arith.constant 0 : i32
        %dma_wait3A_78 = tpu.memref_slice %arg9[%dma_wait3A_75, %dma_wait3A_76, %dma_wait3A_77] : memref<3x2x128xi32, #tpu.memory_space<vmem>> -> memref<1x1x128xi32, #tpu.memory_space<vmem>>
        %dma_wait3A_79 = tpu.memref_squeeze %dma_wait3A_78 : memref<1x1x128xi32, #tpu.memory_space<vmem>> -> memref<128xi32, #tpu.memory_space<vmem>>
        %dma_wait3A_80 = arith.constant 0 : i32
        %dma_wait3A_81 = arith.constant 0 : i32
        %dma_wait3A_82 = tpu.memref_slice %arg3[%dma_wait3A_80, %dma_wait3A_81] : memref<10000x128xf32, #tpu.memory_space<hbm>> -> memref<10000x128xf32, #tpu.memory_space<hbm>>
        tpu.wait_indirect_dma semaphore(%arg15 : memref<!tpu.dma_semaphore, #tpu.memory_space<semaphore_mem>>) src(%dma_wait3A_82 : memref<10000x128xf32, #tpu.memory_space<hbm>>) dst(%arg12 : memref<128x128xf32, #tpu.memory_space<vmem>>)
        %dma_start3A_83 = arith.constant 2 : i32
        %dma_start3A_84 = arith.constant 1 : i32
        %dma_start3A_85 = arith.constant 0 : i32
        %dma_start3A_86 = tpu.memref_slice %arg9[%dma_start3A_83, %dma_start3A_84, %dma_start3A_85] : memref<3x2x128xi32, #tpu.memory_space<vmem>> -> memref<1x1x128xi32, #tpu.memory_space<vmem>>
        %dma_start3A_87 = tpu.memref_squeeze %dma_start3A_86 : memref<1x1x128xi32, #tpu.memory_space<vmem>> -> memref<128xi32, #tpu.memory_space<vmem>>
        %dma_start3A_88 = arith.constant 0 : i32
        %dma_start3A_89 = arith.constant 0 : i32
        %dma_start3A_90 = tpu.memref_slice %arg8[%dma_start3A_88, %dma_start3A_89] : memref<10112x128xf32, #tpu.memory_space<vmem_shared>> -> memref<10112x128xf32, #tpu.memory_space<vmem_shared>>
        tpu.enqueue_indirect_dma source(%arg12 : memref<128x128xf32, #tpu.memory_space<vmem>>) target(%dma_start3A_90 : memref<10112x128xf32, #tpu.memory_space<vmem_shared>>) offsets(%dma_start3A_87 : memref<128xi32, #tpu.memory_space<vmem>>) semaphore(%arg18 : memref<!tpu.dma_semaphore, #tpu.memory_space<semaphore_mem>>) {add = true}
        %dma_wait3A_91 = arith.constant 0 : i32
        %dma_wait3A_92 = arith.constant 1 : i32
        %dma_wait3A_93 = arith.constant 0 : i32
        %dma_wait3A_94 = tpu.memref_slice %arg9[%dma_wait3A_91, %dma_wait3A_92, %dma_wait3A_93] : memref<3x2x128xi32, #tpu.memory_space<vmem>> -> memref<1x1x128xi32, #tpu.memory_space<vmem>>
        %dma_wait3A_95 = tpu.memref_squeeze %dma_wait3A_94 : memref<1x1x128xi32, #tpu.memory_space<vmem>> -> memref<128xi32, #tpu.memory_space<vmem>>
        %dma_wait3A_96 = arith.constant 0 : i32
        %dma_wait3A_97 = arith.constant 0 : i32
        %dma_wait3A_98 = tpu.memref_slice %arg8[%dma_wait3A_96, %dma_wait3A_97] : memref<10112x128xf32, #tpu.memory_space<vmem_shared>> -> memref<10112x128xf32, #tpu.memory_space<vmem_shared>>
        tpu.wait_indirect_dma semaphore(%arg16 : memref<!tpu.dma_semaphore, #tpu.memory_space<semaphore_mem>>) src(%arg10 : memref<128x128xf32, #tpu.memory_space<vmem>>) dst(%dma_wait3A_98 : memref<10112x128xf32, #tpu.memory_space<vmem_shared>>)
        %dma_wait3A_99 = arith.constant 1 : i32
        %dma_wait3A_100 = arith.constant 1 : i32
        %dma_wait3A_101 = arith.constant 0 : i32
        %dma_wait3A_102 = tpu.memref_slice %arg9[%dma_wait3A_99, %dma_wait3A_100, %dma_wait3A_101] : memref<3x2x128xi32, #tpu.memory_space<vmem>> -> memref<1x1x128xi32, #tpu.memory_space<vmem>>
        %dma_wait3A_103 = tpu.memref_squeeze %dma_wait3A_102 : memref<1x1x128xi32, #tpu.memory_space<vmem>> -> memref<128xi32, #tpu.memory_space<vmem>>
        %dma_wait3A_104 = arith.constant 0 : i32
        %dma_wait3A_105 = arith.constant 0 : i32
        %dma_wait3A_106 = tpu.memref_slice %arg8[%dma_wait3A_104, %dma_wait3A_105] : memref<10112x128xf32, #tpu.memory_space<vmem_shared>> -> memref<10112x128xf32, #tpu.memory_space<vmem_shared>>
        tpu.wait_indirect_dma semaphore(%arg17 : memref<!tpu.dma_semaphore, #tpu.memory_space<semaphore_mem>>) src(%arg11 : memref<128x128xf32, #tpu.memory_space<vmem>>) dst(%dma_wait3A_106 : memref<10112x128xf32, #tpu.memory_space<vmem_shared>>)
        %dma_wait3A_107 = arith.constant 2 : i32
        %dma_wait3A_108 = arith.constant 1 : i32
        %dma_wait3A_109 = arith.constant 0 : i32
        %dma_wait3A_110 = tpu.memref_slice %arg9[%dma_wait3A_107, %dma_wait3A_108, %dma_wait3A_109] : memref<3x2x128xi32, #tpu.memory_space<vmem>> -> memref<1x1x128xi32, #tpu.memory_space<vmem>>
        %dma_wait3A_111 = tpu.memref_squeeze %dma_wait3A_110 : memref<1x1x128xi32, #tpu.memory_space<vmem>> -> memref<128xi32, #tpu.memory_space<vmem>>
        %dma_wait3A_112 = arith.constant 0 : i32
        %dma_wait3A_113 = arith.constant 0 : i32
        %dma_wait3A_114 = tpu.memref_slice %arg8[%dma_wait3A_112, %dma_wait3A_113] : memref<10112x128xf32, #tpu.memory_space<vmem_shared>> -> memref<10112x128xf32, #tpu.memory_space<vmem_shared>>
        tpu.wait_indirect_dma semaphore(%arg18 : memref<!tpu.dma_semaphore, #tpu.memory_space<semaphore_mem>>) src(%arg12 : memref<128x128xf32, #tpu.memory_space<vmem>>) dst(%dma_wait3A_114 : memref<10112x128xf32, #tpu.memory_space<vmem_shared>>)
        %lt3A = arith.constant 27 : i32
        %lt3A_115 = arith.cmpi slt, %scan3A_16, %lt3A : i32
        %convert_element_type3A_116 = arith.extui %lt3A_115 : i1 to i32
        %cond3A_117 = arith.constant 0 : i32
        %cond3A_118 = arith.cmpi ne, %convert_element_type3A_116, %cond3A_117 : i32
        scf.if %cond3A_118 {
          %add3A = arith.constant 1 : i32
          %add3A_119 = arith.addi %scan3A_16, %add3A : i32
          %mul3A_120 = arith.constant 3 : i32
          %mul3A_121 = arith.muli %add3A_119, %mul3A_120 : i32
          %add3A_122 = arith.addi %mul3A_2, %mul3A_121 : i32
          %dma_start3A_123 = arith.constant 0 : i32
          %dma_start3A_124 = arith.constant 0 : i32
          %dma_start3A_125 = tpu.memref_slice %arg5[%add3A_122, %dma_start3A_123, %dma_start3A_124] : memref<1344x2x128xi32, #tpu.memory_space<hbm>> -> memref<3x2x128xi32, #tpu.memory_space<hbm>>
          %dma_start3A_126 = arith.constant 0 : i32
          %dma_start3A_127 = arith.constant 0 : i32
          %dma_start3A_128 = tpu.memref_slice %arg5[%add3A_122, %dma_start3A_126, %dma_start3A_127] : memref<1344x2x128xi32, #tpu.memory_space<hbm>> -> memref<3x2x128xi32, #tpu.memory_space<hbm>>
          tpu.enqueue_dma source(%dma_start3A_128 : memref<3x2x128xi32, #tpu.memory_space<hbm>>) target(%arg9 : memref<3x2x128xi32, #tpu.memory_space<vmem>>) target_semaphore(%arg19 : memref<!tpu.dma_semaphore, #tpu.memory_space<semaphore_mem>>)
        } else {
        }
      }
      %scan3A_15 = arith.constant 28 : i32
    } else {
    }
    %barrier3A = arith.constant 0 : index
    tpu.barrier barrier_id(%barrier3A)
    "tpu.region"() ({
      %run_scoped3A = tpu.sem_alloc : memref<!tpu.dma_semaphore, #tpu.memory_space<semaphore_mem>>
      %dma_start3A = arith.constant 0 : i32
      %dma_start3A_10 = tpu.memref_slice %arg7[%arg0, %mul3A_0, %dma_start3A] : memref<2x10112x128xf32, #tpu.memory_space<hbm>> -> memref<1x632x128xf32, #tpu.memory_space<hbm>>
      %dma_start3A_11 = tpu.memref_squeeze %dma_start3A_10 : memref<1x632x128xf32, #tpu.memory_space<hbm>> -> memref<632x128xf32, #tpu.memory_space<hbm>>
      %dma_start3A_12 = arith.constant 0 : i32
      %dma_start3A_13 = tpu.memref_slice %arg8[%mul3A_0, %dma_start3A_12] : memref<10112x128xf32, #tpu.memory_space<vmem_shared>> -> memref<632x128xf32, #tpu.memory_space<vmem_shared>>
      tpu.enqueue_dma source(%dma_start3A_13 : memref<632x128xf32, #tpu.memory_space<vmem_shared>>) target(%dma_start3A_11 : memref<632x128xf32, #tpu.memory_space<hbm>>) target_semaphore(%run_scoped3A : memref<!tpu.dma_semaphore, #tpu.memory_space<semaphore_mem>>)
      %dma_wait3A = arith.constant 0 : i32
      %dma_wait3A_14 = tpu.memref_slice %arg7[%arg0, %mul3A_0, %dma_wait3A] : memref<2x10112x128xf32, #tpu.memory_space<hbm>> -> memref<1x632x128xf32, #tpu.memory_space<hbm>>
      %dma_wait3A_15 = tpu.memref_squeeze %dma_wait3A_14 : memref<1x632x128xf32, #tpu.memory_space<hbm>> -> memref<632x128xf32, #tpu.memory_space<hbm>>
      %dma_wait3A_16 = arith.constant 0 : i32
      %dma_wait3A_17 = tpu.memref_slice %arg8[%mul3A_0, %dma_wait3A_16] : memref<10112x128xf32, #tpu.memory_space<vmem_shared>> -> memref<632x128xf32, #tpu.memory_space<vmem_shared>>
      tpu.wait_dma2 semaphore(%run_scoped3A : memref<!tpu.dma_semaphore, #tpu.memory_space<semaphore_mem>>) src(%dma_wait3A_17 : memref<632x128xf32, #tpu.memory_space<vmem_shared>>) dst(%dma_wait3A_15 : memref<632x128xf32, #tpu.memory_space<hbm>>)
      tpu.yield
    }) : () -> ()
    return
  }
}

#map = affine_map<(d0, d1) -> (0, 0, 0)>
#map1 = affine_map<(d0, d1) -> (0, 0)>
module attributes {stable_mosaic.version = 14 : i64} {
  func.func @_counts_body(%arg0: i32, %arg1: i32, %arg2: memref<1344x2x128xi32, #tpu.memory_space<hbm>>, %arg3: memref<1344x2x128xi32, #tpu.memory_space<hbm>>, %arg4: memref<632x128xf32, #tpu.memory_space<hbm>>, %arg5: memref<128x128xf32, #tpu.memory_space<hbm>>, %arg6: memref<2x10112x128xf32, #tpu.memory_space<hbm>>, %arg7: memref<10112x128xf32, #tpu.memory_space<vmem_shared>>, %arg8: memref<128x128xf32, #tpu.memory_space<vmem>>, %arg9: memref<84x2x128xi32, #tpu.memory_space<vmem>>, %arg10: memref<!tpu.dma_semaphore, #tpu.memory_space<semaphore_mem>>) attributes {dimension_semantics = [#tpu.dimension_semantics<core_parallel>, #tpu.dimension_semantics<subcore_parallel>], iteration_bounds = array<i64: 2, 16>, scalar_prefetch = 0 : i64, scratch_operands = 4 : i64, tpu.core_type = #tpu.core_type<sc_vector_subcore>, window_params = [{transform_indices = #map}, {transform_indices = #map}, {transform_indices = #map1}, {transform_indices = #map1}, {transform_indices = #map}]} {
    %mul3A = arith.constant 632 : i32
    %mul3A_0 = arith.muli %arg1, %mul3A : i32
    %mul3A_1 = arith.constant 84 : i32
    %mul3A_2 = arith.muli %arg1, %mul3A_1 : i32
    "tpu.region"() ({
      %run_scoped3A = tpu.sem_alloc : memref<!tpu.dma_semaphore, #tpu.memory_space<semaphore_mem>>
      %dma_start3A = arith.constant 0 : i32
      %dma_start3A_10 = tpu.memref_slice %arg7[%mul3A_0, %dma_start3A] : memref<10112x128xf32, #tpu.memory_space<vmem_shared>> -> memref<632x128xf32, #tpu.memory_space<vmem_shared>>
      tpu.enqueue_dma source(%arg4 : memref<632x128xf32, #tpu.memory_space<hbm>>) target(%dma_start3A_10 : memref<632x128xf32, #tpu.memory_space<vmem_shared>>) target_semaphore(%run_scoped3A : memref<!tpu.dma_semaphore, #tpu.memory_space<semaphore_mem>>)
      %dma_wait3A = arith.constant 0 : i32
      %dma_wait3A_11 = tpu.memref_slice %arg7[%mul3A_0, %dma_wait3A] : memref<10112x128xf32, #tpu.memory_space<vmem_shared>> -> memref<632x128xf32, #tpu.memory_space<vmem_shared>>
      tpu.wait_dma2 semaphore(%run_scoped3A : memref<!tpu.dma_semaphore, #tpu.memory_space<semaphore_mem>>) src(%arg4 : memref<632x128xf32, #tpu.memory_space<hbm>>) dst(%dma_wait3A_11 : memref<632x128xf32, #tpu.memory_space<vmem_shared>>)
      tpu.yield
    }) : () -> ()
    "tpu.region"() ({
      %run_scoped3A = tpu.sem_alloc : memref<!tpu.dma_semaphore, #tpu.memory_space<semaphore_mem>>
      tpu.enqueue_dma source(%arg5 : memref<128x128xf32, #tpu.memory_space<hbm>>) target(%arg8 : memref<128x128xf32, #tpu.memory_space<vmem>>) target_semaphore(%run_scoped3A : memref<!tpu.dma_semaphore, #tpu.memory_space<semaphore_mem>>)
      tpu.wait_dma2 semaphore(%run_scoped3A : memref<!tpu.dma_semaphore, #tpu.memory_space<semaphore_mem>>) src(%arg5 : memref<128x128xf32, #tpu.memory_space<hbm>>) dst(%arg8 : memref<128x128xf32, #tpu.memory_space<vmem>>)
      tpu.yield
    }) : () -> ()
    %eq3A = arith.constant 0 : i32
    %eq3A_3 = arith.cmpi eq, %arg0, %eq3A : i32
    %convert_element_type3A = arith.extui %eq3A_3 : i1 to i32
    %cond3A = arith.constant 0 : i32
    %cond3A_4 = arith.cmpi ne, %convert_element_type3A, %cond3A : i32
    scf.if %cond3A_4 {
      "tpu.region"() ({
        %run_scoped3A = tpu.sem_alloc : memref<!tpu.dma_semaphore, #tpu.memory_space<semaphore_mem>>
        %dma_start3A = arith.constant 0 : i32
        %dma_start3A_22 = arith.constant 0 : i32
        %dma_start3A_23 = tpu.memref_slice %arg2[%mul3A_2, %dma_start3A, %dma_start3A_22] : memref<1344x2x128xi32, #tpu.memory_space<hbm>> -> memref<84x2x128xi32, #tpu.memory_space<hbm>>
        %dma_start3A_24 = arith.constant 0 : i32
        %dma_start3A_25 = arith.constant 0 : i32
        %dma_start3A_26 = tpu.memref_slice %arg2[%mul3A_2, %dma_start3A_24, %dma_start3A_25] : memref<1344x2x128xi32, #tpu.memory_space<hbm>> -> memref<84x2x128xi32, #tpu.memory_space<hbm>>
        tpu.enqueue_dma source(%dma_start3A_26 : memref<84x2x128xi32, #tpu.memory_space<hbm>>) target(%arg9 : memref<84x2x128xi32, #tpu.memory_space<vmem>>) target_semaphore(%run_scoped3A : memref<!tpu.dma_semaphore, #tpu.memory_space<semaphore_mem>>)
        %dma_wait3A = arith.constant 0 : i32
        %dma_wait3A_27 = arith.constant 0 : i32
        %dma_wait3A_28 = tpu.memref_slice %arg2[%mul3A_2, %dma_wait3A, %dma_wait3A_27] : memref<1344x2x128xi32, #tpu.memory_space<hbm>> -> memref<84x2x128xi32, #tpu.memory_space<hbm>>
        %dma_wait3A_29 = arith.constant 0 : i32
        %dma_wait3A_30 = arith.constant 0 : i32
        %dma_wait3A_31 = tpu.memref_slice %arg2[%mul3A_2, %dma_wait3A_29, %dma_wait3A_30] : memref<1344x2x128xi32, #tpu.memory_space<hbm>> -> memref<84x2x128xi32, #tpu.memory_space<hbm>>
        tpu.wait_dma2 semaphore(%run_scoped3A : memref<!tpu.dma_semaphore, #tpu.memory_space<semaphore_mem>>) src(%dma_wait3A_31 : memref<84x2x128xi32, #tpu.memory_space<hbm>>) dst(%arg9 : memref<84x2x128xi32, #tpu.memory_space<vmem>>)
        tpu.yield
      }) : () -> ()
      %barrier3A_10 = arith.constant 0 : index
      tpu.barrier barrier_id(%barrier3A_10)
      %scan3A = arith.constant 0 : i32
      %scan3A_11 = arith.constant 0 : i32
      %scan3A_12 = arith.constant 84 : i32
      %scan3A_13 = arith.addi %scan3A_11, %scan3A_12 : i32
      %scan3A_14 = arith.constant 1 : i32
      scf.for %scan3A_22 = %scan3A_11 to %scan3A_13 step %scan3A_14  : i32 {
        %dma_start3A = arith.constant 1 : i32
        %dma_start3A_23 = arith.constant 0 : i32
        %dma_start3A_24 = tpu.memref_slice %arg9[%scan3A_22, %dma_start3A, %dma_start3A_23] : memref<84x2x128xi32, #tpu.memory_space<vmem>> -> memref<1x1x128xi32, #tpu.memory_space<vmem>>
        %dma_start3A_25 = tpu.memref_squeeze %dma_start3A_24 : memref<1x1x128xi32, #tpu.memory_space<vmem>> -> memref<128xi32, #tpu.memory_space<vmem>>
        %dma_start3A_26 = arith.constant 0 : i32
        %dma_start3A_27 = arith.constant 0 : i32
        %dma_start3A_28 = tpu.memref_slice %arg7[%dma_start3A_26, %dma_start3A_27] : memref<10112x128xf32, #tpu.memory_space<vmem_shared>> -> memref<10112x128xf32, #tpu.memory_space<vmem_shared>>
        tpu.enqueue_indirect_dma source(%arg8 : memref<128x128xf32, #tpu.memory_space<vmem>>) target(%dma_start3A_28 : memref<10112x128xf32, #tpu.memory_space<vmem_shared>>) offsets(%dma_start3A_25 : memref<128xi32, #tpu.memory_space<vmem>>) semaphore(%arg10 : memref<!tpu.dma_semaphore, #tpu.memory_space<semaphore_mem>>) {add = true}
      }
      %scan3A_15 = arith.constant 84 : i32
      %scan3A_16 = arith.constant 0 : i32
      %scan3A_17 = arith.constant 0 : i32
      %scan3A_18 = arith.constant 84 : i32
      %scan3A_19 = arith.addi %scan3A_17, %scan3A_18 : i32
      %scan3A_20 = arith.constant 1 : i32
      scf.for %scan3A_22 = %scan3A_17 to %scan3A_19 step %scan3A_20  : i32 {
        %dma_wait3A = arith.constant 0 : i32
        %dma_wait3A_23 = arith.constant 1 : i32
        %dma_wait3A_24 = arith.constant 0 : i32
        %dma_wait3A_25 = tpu.memref_slice %arg9[%dma_wait3A, %dma_wait3A_23, %dma_wait3A_24] : memref<84x2x128xi32, #tpu.memory_space<vmem>> -> memref<1x1x128xi32, #tpu.memory_space<vmem>>
        %dma_wait3A_26 = tpu.memref_squeeze %dma_wait3A_25 : memref<1x1x128xi32, #tpu.memory_space<vmem>> -> memref<128xi32, #tpu.memory_space<vmem>>
        %dma_wait3A_27 = arith.constant 0 : i32
        %dma_wait3A_28 = arith.constant 0 : i32
        %dma_wait3A_29 = tpu.memref_slice %arg7[%dma_wait3A_27, %dma_wait3A_28] : memref<10112x128xf32, #tpu.memory_space<vmem_shared>> -> memref<10112x128xf32, #tpu.memory_space<vmem_shared>>
        tpu.wait_indirect_dma semaphore(%arg10 : memref<!tpu.dma_semaphore, #tpu.memory_space<semaphore_mem>>) src(%arg8 : memref<128x128xf32, #tpu.memory_space<vmem>>) dst(%dma_wait3A_29 : memref<10112x128xf32, #tpu.memory_space<vmem_shared>>)
      }
      %scan3A_21 = arith.constant 84 : i32
    } else {
    }
    %eq3A_5 = arith.constant 1 : i32
    %eq3A_6 = arith.cmpi eq, %arg0, %eq3A_5 : i32
    %convert_element_type3A_7 = arith.extui %eq3A_6 : i1 to i32
    %cond3A_8 = arith.constant 0 : i32
    %cond3A_9 = arith.cmpi ne, %convert_element_type3A_7, %cond3A_8 : i32
    scf.if %cond3A_9 {
      "tpu.region"() ({
        %run_scoped3A = tpu.sem_alloc : memref<!tpu.dma_semaphore, #tpu.memory_space<semaphore_mem>>
        %dma_start3A = arith.constant 0 : i32
        %dma_start3A_22 = arith.constant 0 : i32
        %dma_start3A_23 = tpu.memref_slice %arg3[%mul3A_2, %dma_start3A, %dma_start3A_22] : memref<1344x2x128xi32, #tpu.memory_space<hbm>> -> memref<84x2x128xi32, #tpu.memory_space<hbm>>
        %dma_start3A_24 = arith.constant 0 : i32
        %dma_start3A_25 = arith.constant 0 : i32
        %dma_start3A_26 = tpu.memref_slice %arg3[%mul3A_2, %dma_start3A_24, %dma_start3A_25] : memref<1344x2x128xi32, #tpu.memory_space<hbm>> -> memref<84x2x128xi32, #tpu.memory_space<hbm>>
        tpu.enqueue_dma source(%dma_start3A_26 : memref<84x2x128xi32, #tpu.memory_space<hbm>>) target(%arg9 : memref<84x2x128xi32, #tpu.memory_space<vmem>>) target_semaphore(%run_scoped3A : memref<!tpu.dma_semaphore, #tpu.memory_space<semaphore_mem>>)
        %dma_wait3A = arith.constant 0 : i32
        %dma_wait3A_27 = arith.constant 0 : i32
        %dma_wait3A_28 = tpu.memref_slice %arg3[%mul3A_2, %dma_wait3A, %dma_wait3A_27] : memref<1344x2x128xi32, #tpu.memory_space<hbm>> -> memref<84x2x128xi32, #tpu.memory_space<hbm>>
        %dma_wait3A_29 = arith.constant 0 : i32
        %dma_wait3A_30 = arith.constant 0 : i32
        %dma_wait3A_31 = tpu.memref_slice %arg3[%mul3A_2, %dma_wait3A_29, %dma_wait3A_30] : memref<1344x2x128xi32, #tpu.memory_space<hbm>> -> memref<84x2x128xi32, #tpu.memory_space<hbm>>
        tpu.wait_dma2 semaphore(%run_scoped3A : memref<!tpu.dma_semaphore, #tpu.memory_space<semaphore_mem>>) src(%dma_wait3A_31 : memref<84x2x128xi32, #tpu.memory_space<hbm>>) dst(%arg9 : memref<84x2x128xi32, #tpu.memory_space<vmem>>)
        tpu.yield
      }) : () -> ()
      %barrier3A_10 = arith.constant 0 : index
      tpu.barrier barrier_id(%barrier3A_10)
      %scan3A = arith.constant 0 : i32
      %scan3A_11 = arith.constant 0 : i32
      %scan3A_12 = arith.constant 84 : i32
      %scan3A_13 = arith.addi %scan3A_11, %scan3A_12 : i32
      %scan3A_14 = arith.constant 1 : i32
      scf.for %scan3A_22 = %scan3A_11 to %scan3A_13 step %scan3A_14  : i32 {
        %dma_start3A = arith.constant 1 : i32
        %dma_start3A_23 = arith.constant 0 : i32
        %dma_start3A_24 = tpu.memref_slice %arg9[%scan3A_22, %dma_start3A, %dma_start3A_23] : memref<84x2x128xi32, #tpu.memory_space<vmem>> -> memref<1x1x128xi32, #tpu.memory_space<vmem>>
        %dma_start3A_25 = tpu.memref_squeeze %dma_start3A_24 : memref<1x1x128xi32, #tpu.memory_space<vmem>> -> memref<128xi32, #tpu.memory_space<vmem>>
        %dma_start3A_26 = arith.constant 0 : i32
        %dma_start3A_27 = arith.constant 0 : i32
        %dma_start3A_28 = tpu.memref_slice %arg7[%dma_start3A_26, %dma_start3A_27] : memref<10112x128xf32, #tpu.memory_space<vmem_shared>> -> memref<10112x128xf32, #tpu.memory_space<vmem_shared>>
        tpu.enqueue_indirect_dma source(%arg8 : memref<128x128xf32, #tpu.memory_space<vmem>>) target(%dma_start3A_28 : memref<10112x128xf32, #tpu.memory_space<vmem_shared>>) offsets(%dma_start3A_25 : memref<128xi32, #tpu.memory_space<vmem>>) semaphore(%arg10 : memref<!tpu.dma_semaphore, #tpu.memory_space<semaphore_mem>>) {add = true}
      }
      %scan3A_15 = arith.constant 84 : i32
      %scan3A_16 = arith.constant 0 : i32
      %scan3A_17 = arith.constant 0 : i32
      %scan3A_18 = arith.constant 84 : i32
      %scan3A_19 = arith.addi %scan3A_17, %scan3A_18 : i32
      %scan3A_20 = arith.constant 1 : i32
      scf.for %scan3A_22 = %scan3A_17 to %scan3A_19 step %scan3A_20  : i32 {
        %dma_wait3A = arith.constant 0 : i32
        %dma_wait3A_23 = arith.constant 1 : i32
        %dma_wait3A_24 = arith.constant 0 : i32
        %dma_wait3A_25 = tpu.memref_slice %arg9[%dma_wait3A, %dma_wait3A_23, %dma_wait3A_24] : memref<84x2x128xi32, #tpu.memory_space<vmem>> -> memref<1x1x128xi32, #tpu.memory_space<vmem>>
        %dma_wait3A_26 = tpu.memref_squeeze %dma_wait3A_25 : memref<1x1x128xi32, #tpu.memory_space<vmem>> -> memref<128xi32, #tpu.memory_space<vmem>>
        %dma_wait3A_27 = arith.constant 0 : i32
        %dma_wait3A_28 = arith.constant 0 : i32
        %dma_wait3A_29 = tpu.memref_slice %arg7[%dma_wait3A_27, %dma_wait3A_28] : memref<10112x128xf32, #tpu.memory_space<vmem_shared>> -> memref<10112x128xf32, #tpu.memory_space<vmem_shared>>
        tpu.wait_indirect_dma semaphore(%arg10 : memref<!tpu.dma_semaphore, #tpu.memory_space<semaphore_mem>>) src(%arg8 : memref<128x128xf32, #tpu.memory_space<vmem>>) dst(%dma_wait3A_29 : memref<10112x128xf32, #tpu.memory_space<vmem_shared>>)
      }
      %scan3A_21 = arith.constant 84 : i32
    } else {
    }
    %barrier3A = arith.constant 0 : index
    tpu.barrier barrier_id(%barrier3A)
    "tpu.region"() ({
      %run_scoped3A = tpu.sem_alloc : memref<!tpu.dma_semaphore, #tpu.memory_space<semaphore_mem>>
      %dma_start3A = arith.constant 0 : i32
      %dma_start3A_10 = tpu.memref_slice %arg6[%arg0, %mul3A_0, %dma_start3A] : memref<2x10112x128xf32, #tpu.memory_space<hbm>> -> memref<1x632x128xf32, #tpu.memory_space<hbm>>
      %dma_start3A_11 = tpu.memref_squeeze %dma_start3A_10 : memref<1x632x128xf32, #tpu.memory_space<hbm>> -> memref<632x128xf32, #tpu.memory_space<hbm>>
      %dma_start3A_12 = arith.constant 0 : i32
      %dma_start3A_13 = tpu.memref_slice %arg7[%mul3A_0, %dma_start3A_12] : memref<10112x128xf32, #tpu.memory_space<vmem_shared>> -> memref<632x128xf32, #tpu.memory_space<vmem_shared>>
      tpu.enqueue_dma source(%dma_start3A_13 : memref<632x128xf32, #tpu.memory_space<vmem_shared>>) target(%dma_start3A_11 : memref<632x128xf32, #tpu.memory_space<hbm>>) target_semaphore(%run_scoped3A : memref<!tpu.dma_semaphore, #tpu.memory_space<semaphore_mem>>)
      %dma_wait3A = arith.constant 0 : i32
      %dma_wait3A_14 = tpu.memref_slice %arg6[%arg0, %mul3A_0, %dma_wait3A] : memref<2x10112x128xf32, #tpu.memory_space<hbm>> -> memref<1x632x128xf32, #tpu.memory_space<hbm>>
      %dma_wait3A_15 = tpu.memref_squeeze %dma_wait3A_14 : memref<1x632x128xf32, #tpu.memory_space<hbm>> -> memref<632x128xf32, #tpu.memory_space<hbm>>
      %dma_wait3A_16 = arith.constant 0 : i32
      %dma_wait3A_17 = tpu.memref_slice %arg7[%mul3A_0, %dma_wait3A_16] : memref<10112x128xf32, #tpu.memory_space<vmem_shared>> -> memref<632x128xf32, #tpu.memory_space<vmem_shared>>
      tpu.wait_dma2 semaphore(%run_scoped3A : memref<!tpu.dma_semaphore, #tpu.memory_space<semaphore_mem>>) src(%dma_wait3A_17 : memref<632x128xf32, #tpu.memory_space<vmem_shared>>) dst(%dma_wait3A_15 : memref<632x128xf32, #tpu.memory_space<hbm>>)
      tpu.yield
    }) : () -> ()
    return
  }
}

#map = affine_map<(d0, d1) -> (0, 0)>
#map1 = affine_map<(d0, d1) -> (0, 0, 0)>
module attributes {stable_mosaic.version = 14 : i64} {
  func.func @_agg_body(%arg0: i32, %arg1: i32, %arg2: memref<10000x128xf32, #tpu.memory_space<hbm>>, %arg3: memref<10000x128xf32, #tpu.memory_space<hbm>>, %arg4: memref<1344x2x128xi32, #tpu.memory_space<hbm>>, %arg5: memref<1344x2x128xi32, #tpu.memory_space<hbm>>, %arg6: memref<632x128xf32, #tpu.memory_space<hbm>>, %arg7: memref<2x10112x128xf32, #tpu.memory_space<hbm>>, %arg8: memref<10112x128xf32, #tpu.memory_space<vmem_shared>>, %arg9: memref<3x2x128xi32, #tpu.memory_space<vmem>>, %arg10: memref<128x128xf32, #tpu.memory_space<vmem>>, %arg11: memref<128x128xf32, #tpu.memory_space<vmem>>, %arg12: memref<128x128xf32, #tpu.memory_space<vmem>>, %arg13: memref<!tpu.dma_semaphore, #tpu.memory_space<semaphore_mem>>, %arg14: memref<!tpu.dma_semaphore, #tpu.memory_space<semaphore_mem>>, %arg15: memref<!tpu.dma_semaphore, #tpu.memory_space<semaphore_mem>>, %arg16: memref<!tpu.dma_semaphore, #tpu.memory_space<semaphore_mem>>, %arg17: memref<!tpu.dma_semaphore, #tpu.memory_space<semaphore_mem>>, %arg18: memref<!tpu.dma_semaphore, #tpu.memory_space<semaphore_mem>>, %arg19: memref<!tpu.dma_semaphore, #tpu.memory_space<semaphore_mem>>, %arg20: memref<!tpu.dma_semaphore, #tpu.memory_space<semaphore_mem>>, %arg21: memref<!tpu.dma_semaphore, #tpu.memory_space<semaphore_mem>>, %arg22: memref<!tpu.dma_semaphore, #tpu.memory_space<semaphore_mem>>) attributes {dimension_semantics = [#tpu.dimension_semantics<core_parallel>, #tpu.dimension_semantics<subcore_parallel>], iteration_bounds = array<i64: 2, 16>, scalar_prefetch = 0 : i64, scratch_operands = 15 : i64, tpu.core_type = #tpu.core_type<sc_vector_subcore>, window_params = [{transform_indices = #map}, {transform_indices = #map}, {transform_indices = #map1}, {transform_indices = #map1}, {transform_indices = #map}, {transform_indices = #map1}]} {
    %mul3A = arith.constant 632 : i32
    %mul3A_0 = arith.muli %arg1, %mul3A : i32
    %mul3A_1 = arith.constant 84 : i32
    %mul3A_2 = arith.muli %arg1, %mul3A_1 : i32
    "tpu.region"() ({
      %run_scoped3A = tpu.sem_alloc : memref<!tpu.dma_semaphore, #tpu.memory_space<semaphore_mem>>
      %dma_start3A = arith.constant 0 : i32
      %dma_start3A_10 = tpu.memref_slice %arg8[%mul3A_0, %dma_start3A] : memref<10112x128xf32, #tpu.memory_space<vmem_shared>> -> memref<632x128xf32, #tpu.memory_space<vmem_shared>>
      tpu.enqueue_dma source(%arg6 : memref<632x128xf32, #tpu.memory_space<hbm>>) target(%dma_start3A_10 : memref<632x128xf32, #tpu.memory_space<vmem_shared>>) target_semaphore(%run_scoped3A : memref<!tpu.dma_semaphore, #tpu.memory_space<semaphore_mem>>)
      %dma_wait3A = arith.constant 0 : i32
      %dma_wait3A_11 = tpu.memref_slice %arg8[%mul3A_0, %dma_wait3A] : memref<10112x128xf32, #tpu.memory_space<vmem_shared>> -> memref<632x128xf32, #tpu.memory_space<vmem_shared>>
      tpu.wait_dma2 semaphore(%run_scoped3A : memref<!tpu.dma_semaphore, #tpu.memory_space<semaphore_mem>>) src(%arg6 : memref<632x128xf32, #tpu.memory_space<hbm>>) dst(%dma_wait3A_11 : memref<632x128xf32, #tpu.memory_space<vmem_shared>>)
      tpu.yield
    }) : () -> ()
    %eq3A = arith.constant 0 : i32
    %eq3A_3 = arith.cmpi eq, %arg0, %eq3A : i32
    %convert_element_type3A = arith.extui %eq3A_3 : i1 to i32
    %cond3A = arith.constant 0 : i32
    %cond3A_4 = arith.cmpi ne, %convert_element_type3A, %cond3A : i32
    scf.if %cond3A_4 {
      "tpu.region"() ({
        %run_scoped3A = tpu.sem_alloc : memref<!tpu.dma_semaphore, #tpu.memory_space<semaphore_mem>>
        %dma_start3A = arith.constant 0 : i32
        %dma_start3A_16 = arith.constant 0 : i32
        %dma_start3A_17 = tpu.memref_slice %arg4[%mul3A_2, %dma_start3A, %dma_start3A_16] : memref<1344x2x128xi32, #tpu.memory_space<hbm>> -> memref<3x2x128xi32, #tpu.memory_space<hbm>>
        %dma_start3A_18 = arith.constant 0 : i32
        %dma_start3A_19 = arith.constant 0 : i32
        %dma_start3A_20 = tpu.memref_slice %arg4[%mul3A_2, %dma_start3A_18, %dma_start3A_19] : memref<1344x2x128xi32, #tpu.memory_space<hbm>> -> memref<3x2x128xi32, #tpu.memory_space<hbm>>
        tpu.enqueue_dma source(%dma_start3A_20 : memref<3x2x128xi32, #tpu.memory_space<hbm>>) target(%arg9 : memref<3x2x128xi32, #tpu.memory_space<vmem>>) target_semaphore(%run_scoped3A : memref<!tpu.dma_semaphore, #tpu.memory_space<semaphore_mem>>)
        %dma_wait3A = arith.constant 0 : i32
        %dma_wait3A_21 = arith.constant 0 : i32
        %dma_wait3A_22 = tpu.memref_slice %arg4[%mul3A_2, %dma_wait3A, %dma_wait3A_21] : memref<1344x2x128xi32, #tpu.memory_space<hbm>> -> memref<3x2x128xi32, #tpu.memory_space<hbm>>
        %dma_wait3A_23 = arith.constant 0 : i32
        %dma_wait3A_24 = arith.constant 0 : i32
        %dma_wait3A_25 = tpu.memref_slice %arg4[%mul3A_2, %dma_wait3A_23, %dma_wait3A_24] : memref<1344x2x128xi32, #tpu.memory_space<hbm>> -> memref<3x2x128xi32, #tpu.memory_space<hbm>>
        tpu.wait_dma2 semaphore(%run_scoped3A : memref<!tpu.dma_semaphore, #tpu.memory_space<semaphore_mem>>) src(%dma_wait3A_25 : memref<3x2x128xi32, #tpu.memory_space<hbm>>) dst(%arg9 : memref<3x2x128xi32, #tpu.memory_space<vmem>>)
        tpu.yield
      }) : () -> ()
      %barrier3A_10 = arith.constant 0 : index
      tpu.barrier barrier_id(%barrier3A_10)
      %scan3A = arith.constant 0 : i32
      %scan3A_11 = arith.constant 0 : i32
      %scan3A_12 = arith.constant 28 : i32
      %scan3A_13 = arith.addi %scan3A_11, %scan3A_12 : i32
      %scan3A_14 = arith.constant 1 : i32
      scf.for %scan3A_16 = %scan3A_11 to %scan3A_13 step %scan3A_14  : i32 {
        %gt3A = arith.constant 0 : i32
        %gt3A_17 = arith.cmpi sgt, %scan3A_16, %gt3A : i32
        %convert_element_type3A_18 = arith.extui %gt3A_17 : i1 to i32
        %cond3A_19 = arith.constant 0 : i32
        %cond3A_20 = arith.cmpi ne, %convert_element_type3A_18, %cond3A_19 : i32
        scf.if %cond3A_20 {
          %dma_wait3A_119 = arith.constant 0 : i32
          %dma_wait3A_120 = arith.constant 0 : i32
          %dma_wait3A_121 = tpu.memref_slice %arg4[%mul3A_2, %dma_wait3A_119, %dma_wait3A_120] : memref<1344x2x128xi32, #tpu.memory_space<hbm>> -> memref<3x2x128xi32, #tpu.memory_space<hbm>>
          %dma_wait3A_122 = arith.constant 0 : i32
          %dma_wait3A_123 = arith.constant 0 : i32
          %dma_wait3A_124 = tpu.memref_slice %arg4[%mul3A_2, %dma_wait3A_122, %dma_wait3A_123] : memref<1344x2x128xi32, #tpu.memory_space<hbm>> -> memref<3x2x128xi32, #tpu.memory_space<hbm>>
          tpu.wait_dma2 semaphore(%arg19 : memref<!tpu.dma_semaphore, #tpu.memory_space<semaphore_mem>>) src(%dma_wait3A_124 : memref<3x2x128xi32, #tpu.memory_space<hbm>>) dst(%arg9 : memref<3x2x128xi32, #tpu.memory_space<vmem>>)
        } else {
        }
        %dma_start3A = arith.constant 0 : i32
        %dma_start3A_21 = arith.constant 0 : i32
        %dma_start3A_22 = arith.constant 0 : i32
        %dma_start3A_23 = tpu.memref_slice %arg9[%dma_start3A, %dma_start3A_21, %dma_start3A_22] : memref<3x2x128xi32, #tpu.memory_space<vmem>> -> memref<1x1x128xi32, #tpu.memory_space<vmem>>
        %dma_start3A_24 = tpu.memref_squeeze %dma_start3A_23 : memref<1x1x128xi32, #tpu.memory_space<vmem>> -> memref<128xi32, #tpu.memory_space<vmem>>
        %dma_start3A_25 = arith.constant 0 : i32
        %dma_start3A_26 = arith.constant 0 : i32
        %dma_start3A_27 = tpu.memref_slice %arg2[%dma_start3A_25, %dma_start3A_26] : memref<10000x128xf32, #tpu.memory_space<hbm>> -> memref<10000x128xf32, #tpu.memory_space<hbm>>
        tpu.enqueue_indirect_dma source(%dma_start3A_27 : memref<10000x128xf32, #tpu.memory_space<hbm>>) target(%arg10 : memref<128x128xf32, #tpu.memory_space<vmem>>) offsets(%dma_start3A_24 : memref<128xi32, #tpu.memory_space<vmem>>) semaphore(%arg13 : memref<!tpu.dma_semaphore, #tpu.memory_space<semaphore_mem>>)
        %dma_start3A_28 = arith.constant 1 : i32
        %dma_start3A_29 = arith.constant 0 : i32
        %dma_start3A_30 = arith.constant 0 : i32
        %dma_start3A_31 = tpu.memref_slice %arg9[%dma_start3A_28, %dma_start3A_29, %dma_start3A_30] : memref<3x2x128xi32, #tpu.memory_space<vmem>> -> memref<1x1x128xi32, #tpu.memory_space<vmem>>
        %dma_start3A_32 = tpu.memref_squeeze %dma_start3A_31 : memref<1x1x128xi32, #tpu.memory_space<vmem>> -> memref<128xi32, #tpu.memory_space<vmem>>
        %dma_start3A_33 = arith.constant 0 : i32
        %dma_start3A_34 = arith.constant 0 : i32
        %dma_start3A_35 = tpu.memref_slice %arg2[%dma_start3A_33, %dma_start3A_34] : memref<10000x128xf32, #tpu.memory_space<hbm>> -> memref<10000x128xf32, #tpu.memory_space<hbm>>
        tpu.enqueue_indirect_dma source(%dma_start3A_35 : memref<10000x128xf32, #tpu.memory_space<hbm>>) target(%arg11 : memref<128x128xf32, #tpu.memory_space<vmem>>) offsets(%dma_start3A_32 : memref<128xi32, #tpu.memory_space<vmem>>) semaphore(%arg14 : memref<!tpu.dma_semaphore, #tpu.memory_space<semaphore_mem>>)
        %dma_start3A_36 = arith.constant 2 : i32
        %dma_start3A_37 = arith.constant 0 : i32
        %dma_start3A_38 = arith.constant 0 : i32
        %dma_start3A_39 = tpu.memref_slice %arg9[%dma_start3A_36, %dma_start3A_37, %dma_start3A_38] : memref<3x2x128xi32, #tpu.memory_space<vmem>> -> memref<1x1x128xi32, #tpu.memory_space<vmem>>
        %dma_start3A_40 = tpu.memref_squeeze %dma_start3A_39 : memref<1x1x128xi32, #tpu.memory_space<vmem>> -> memref<128xi32, #tpu.memory_space<vmem>>
        %dma_start3A_41 = arith.constant 0 : i32
        %dma_start3A_42 = arith.constant 0 : i32
        %dma_start3A_43 = tpu.memref_slice %arg2[%dma_start3A_41, %dma_start3A_42] : memref<10000x128xf32, #tpu.memory_space<hbm>> -> memref<10000x128xf32, #tpu.memory_space<hbm>>
        tpu.enqueue_indirect_dma source(%dma_start3A_43 : memref<10000x128xf32, #tpu.memory_space<hbm>>) target(%arg12 : memref<128x128xf32, #tpu.memory_space<vmem>>) offsets(%dma_start3A_40 : memref<128xi32, #tpu.memory_space<vmem>>) semaphore(%arg15 : memref<!tpu.dma_semaphore, #tpu.memory_space<semaphore_mem>>)
        %dma_wait3A = arith.constant 0 : i32
        %dma_wait3A_44 = arith.constant 0 : i32
        %dma_wait3A_45 = arith.constant 0 : i32
        %dma_wait3A_46 = tpu.memref_slice %arg9[%dma_wait3A, %dma_wait3A_44, %dma_wait3A_45] : memref<3x2x128xi32, #tpu.memory_space<vmem>> -> memref<1x1x128xi32, #tpu.memory_space<vmem>>
        %dma_wait3A_47 = tpu.memref_squeeze %dma_wait3A_46 : memref<1x1x128xi32, #tpu.memory_space<vmem>> -> memref<128xi32, #tpu.memory_space<vmem>>
        %dma_wait3A_48 = arith.constant 0 : i32
        %dma_wait3A_49 = arith.constant 0 : i32
        %dma_wait3A_50 = tpu.memref_slice %arg2[%dma_wait3A_48, %dma_wait3A_49] : memref<10000x128xf32, #tpu.memory_space<hbm>> -> memref<10000x128xf32, #tpu.memory_space<hbm>>
        tpu.wait_indirect_dma semaphore(%arg13 : memref<!tpu.dma_semaphore, #tpu.memory_space<semaphore_mem>>) src(%dma_wait3A_50 : memref<10000x128xf32, #tpu.memory_space<hbm>>) dst(%arg10 : memref<128x128xf32, #tpu.memory_space<vmem>>)
        %dma_start3A_51 = arith.constant 0 : i32
        %dma_start3A_52 = arith.constant 1 : i32
        %dma_start3A_53 = arith.constant 0 : i32
        %dma_start3A_54 = tpu.memref_slice %arg9[%dma_start3A_51, %dma_start3A_52, %dma_start3A_53] : memref<3x2x128xi32, #tpu.memory_space<vmem>> -> memref<1x1x128xi32, #tpu.memory_space<vmem>>
        %dma_start3A_55 = tpu.memref_squeeze %dma_start3A_54 : memref<1x1x128xi32, #tpu.memory_space<vmem>> -> memref<128xi32, #tpu.memory_space<vmem>>
        %dma_start3A_56 = arith.constant 0 : i32
        %dma_start3A_57 = arith.constant 0 : i32
        %dma_start3A_58 = tpu.memref_slice %arg8[%dma_start3A_56, %dma_start3A_57] : memref<10112x128xf32, #tpu.memory_space<vmem_shared>> -> memref<10112x128xf32, #tpu.memory_space<vmem_shared>>
        tpu.enqueue_indirect_dma source(%arg10 : memref<128x128xf32, #tpu.memory_space<vmem>>) target(%dma_start3A_58 : memref<10112x128xf32, #tpu.memory_space<vmem_shared>>) offsets(%dma_start3A_55 : memref<128xi32, #tpu.memory_space<vmem>>) semaphore(%arg16 : memref<!tpu.dma_semaphore, #tpu.memory_space<semaphore_mem>>) {add = true}
        %dma_wait3A_59 = arith.constant 1 : i32
        %dma_wait3A_60 = arith.constant 0 : i32
        %dma_wait3A_61 = arith.constant 0 : i32
        %dma_wait3A_62 = tpu.memref_slice %arg9[%dma_wait3A_59, %dma_wait3A_60, %dma_wait3A_61] : memref<3x2x128xi32, #tpu.memory_space<vmem>> -> memref<1x1x128xi32, #tpu.memory_space<vmem>>
        %dma_wait3A_63 = tpu.memref_squeeze %dma_wait3A_62 : memref<1x1x128xi32, #tpu.memory_space<vmem>> -> memref<128xi32, #tpu.memory_space<vmem>>
        %dma_wait3A_64 = arith.constant 0 : i32
        %dma_wait3A_65 = arith.constant 0 : i32
        %dma_wait3A_66 = tpu.memref_slice %arg2[%dma_wait3A_64, %dma_wait3A_65] : memref<10000x128xf32, #tpu.memory_space<hbm>> -> memref<10000x128xf32, #tpu.memory_space<hbm>>
        tpu.wait_indirect_dma semaphore(%arg14 : memref<!tpu.dma_semaphore, #tpu.memory_space<semaphore_mem>>) src(%dma_wait3A_66 : memref<10000x128xf32, #tpu.memory_space<hbm>>) dst(%arg11 : memref<128x128xf32, #tpu.memory_space<vmem>>)
        %dma_start3A_67 = arith.constant 1 : i32
        %dma_start3A_68 = arith.constant 1 : i32
        %dma_start3A_69 = arith.constant 0 : i32
        %dma_start3A_70 = tpu.memref_slice %arg9[%dma_start3A_67, %dma_start3A_68, %dma_start3A_69] : memref<3x2x128xi32, #tpu.memory_space<vmem>> -> memref<1x1x128xi32, #tpu.memory_space<vmem>>
        %dma_start3A_71 = tpu.memref_squeeze %dma_start3A_70 : memref<1x1x128xi32, #tpu.memory_space<vmem>> -> memref<128xi32, #tpu.memory_space<vmem>>
        %dma_start3A_72 = arith.constant 0 : i32
        %dma_start3A_73 = arith.constant 0 : i32
        %dma_start3A_74 = tpu.memref_slice %arg8[%dma_start3A_72, %dma_start3A_73] : memref<10112x128xf32, #tpu.memory_space<vmem_shared>> -> memref<10112x128xf32, #tpu.memory_space<vmem_shared>>
        tpu.enqueue_indirect_dma source(%arg11 : memref<128x128xf32, #tpu.memory_space<vmem>>) target(%dma_start3A_74 : memref<10112x128xf32, #tpu.memory_space<vmem_shared>>) offsets(%dma_start3A_71 : memref<128xi32, #tpu.memory_space<vmem>>) semaphore(%arg17 : memref<!tpu.dma_semaphore, #tpu.memory_space<semaphore_mem>>) {add = true}
        %dma_wait3A_75 = arith.constant 2 : i32
        %dma_wait3A_76 = arith.constant 0 : i32
        %dma_wait3A_77 = arith.constant 0 : i32
        %dma_wait3A_78 = tpu.memref_slice %arg9[%dma_wait3A_75, %dma_wait3A_76, %dma_wait3A_77] : memref<3x2x128xi32, #tpu.memory_space<vmem>> -> memref<1x1x128xi32, #tpu.memory_space<vmem>>
        %dma_wait3A_79 = tpu.memref_squeeze %dma_wait3A_78 : memref<1x1x128xi32, #tpu.memory_space<vmem>> -> memref<128xi32, #tpu.memory_space<vmem>>
        %dma_wait3A_80 = arith.constant 0 : i32
        %dma_wait3A_81 = arith.constant 0 : i32
        %dma_wait3A_82 = tpu.memref_slice %arg2[%dma_wait3A_80, %dma_wait3A_81] : memref<10000x128xf32, #tpu.memory_space<hbm>> -> memref<10000x128xf32, #tpu.memory_space<hbm>>
        tpu.wait_indirect_dma semaphore(%arg15 : memref<!tpu.dma_semaphore, #tpu.memory_space<semaphore_mem>>) src(%dma_wait3A_82 : memref<10000x128xf32, #tpu.memory_space<hbm>>) dst(%arg12 : memref<128x128xf32, #tpu.memory_space<vmem>>)
        %dma_start3A_83 = arith.constant 2 : i32
        %dma_start3A_84 = arith.constant 1 : i32
        %dma_start3A_85 = arith.constant 0 : i32
        %dma_start3A_86 = tpu.memref_slice %arg9[%dma_start3A_83, %dma_start3A_84, %dma_start3A_85] : memref<3x2x128xi32, #tpu.memory_space<vmem>> -> memref<1x1x128xi32, #tpu.memory_space<vmem>>
        %dma_start3A_87 = tpu.memref_squeeze %dma_start3A_86 : memref<1x1x128xi32, #tpu.memory_space<vmem>> -> memref<128xi32, #tpu.memory_space<vmem>>
        %dma_start3A_88 = arith.constant 0 : i32
        %dma_start3A_89 = arith.constant 0 : i32
        %dma_start3A_90 = tpu.memref_slice %arg8[%dma_start3A_88, %dma_start3A_89] : memref<10112x128xf32, #tpu.memory_space<vmem_shared>> -> memref<10112x128xf32, #tpu.memory_space<vmem_shared>>
        tpu.enqueue_indirect_dma source(%arg12 : memref<128x128xf32, #tpu.memory_space<vmem>>) target(%dma_start3A_90 : memref<10112x128xf32, #tpu.memory_space<vmem_shared>>) offsets(%dma_start3A_87 : memref<128xi32, #tpu.memory_space<vmem>>) semaphore(%arg18 : memref<!tpu.dma_semaphore, #tpu.memory_space<semaphore_mem>>) {add = true}
        %dma_wait3A_91 = arith.constant 0 : i32
        %dma_wait3A_92 = arith.constant 1 : i32
        %dma_wait3A_93 = arith.constant 0 : i32
        %dma_wait3A_94 = tpu.memref_slice %arg9[%dma_wait3A_91, %dma_wait3A_92, %dma_wait3A_93] : memref<3x2x128xi32, #tpu.memory_space<vmem>> -> memref<1x1x128xi32, #tpu.memory_space<vmem>>
        %dma_wait3A_95 = tpu.memref_squeeze %dma_wait3A_94 : memref<1x1x128xi32, #tpu.memory_space<vmem>> -> memref<128xi32, #tpu.memory_space<vmem>>
        %dma_wait3A_96 = arith.constant 0 : i32
        %dma_wait3A_97 = arith.constant 0 : i32
        %dma_wait3A_98 = tpu.memref_slice %arg8[%dma_wait3A_96, %dma_wait3A_97] : memref<10112x128xf32, #tpu.memory_space<vmem_shared>> -> memref<10112x128xf32, #tpu.memory_space<vmem_shared>>
        tpu.wait_indirect_dma semaphore(%arg16 : memref<!tpu.dma_semaphore, #tpu.memory_space<semaphore_mem>>) src(%arg10 : memref<128x128xf32, #tpu.memory_space<vmem>>) dst(%dma_wait3A_98 : memref<10112x128xf32, #tpu.memory_space<vmem_shared>>)
        %dma_wait3A_99 = arith.constant 1 : i32
        %dma_wait3A_100 = arith.constant 1 : i32
        %dma_wait3A_101 = arith.constant 0 : i32
        %dma_wait3A_102 = tpu.memref_slice %arg9[%dma_wait3A_99, %dma_wait3A_100, %dma_wait3A_101] : memref<3x2x128xi32, #tpu.memory_space<vmem>> -> memref<1x1x128xi32, #tpu.memory_space<vmem>>
        %dma_wait3A_103 = tpu.memref_squeeze %dma_wait3A_102 : memref<1x1x128xi32, #tpu.memory_space<vmem>> -> memref<128xi32, #tpu.memory_space<vmem>>
        %dma_wait3A_104 = arith.constant 0 : i32
        %dma_wait3A_105 = arith.constant 0 : i32
        %dma_wait3A_106 = tpu.memref_slice %arg8[%dma_wait3A_104, %dma_wait3A_105] : memref<10112x128xf32, #tpu.memory_space<vmem_shared>> -> memref<10112x128xf32, #tpu.memory_space<vmem_shared>>
        tpu.wait_indirect_dma semaphore(%arg17 : memref<!tpu.dma_semaphore, #tpu.memory_space<semaphore_mem>>) src(%arg11 : memref<128x128xf32, #tpu.memory_space<vmem>>) dst(%dma_wait3A_106 : memref<10112x128xf32, #tpu.memory_space<vmem_shared>>)
        %dma_wait3A_107 = arith.constant 2 : i32
        %dma_wait3A_108 = arith.constant 1 : i32
        %dma_wait3A_109 = arith.constant 0 : i32
        %dma_wait3A_110 = tpu.memref_slice %arg9[%dma_wait3A_107, %dma_wait3A_108, %dma_wait3A_109] : memref<3x2x128xi32, #tpu.memory_space<vmem>> -> memref<1x1x128xi32, #tpu.memory_space<vmem>>
        %dma_wait3A_111 = tpu.memref_squeeze %dma_wait3A_110 : memref<1x1x128xi32, #tpu.memory_space<vmem>> -> memref<128xi32, #tpu.memory_space<vmem>>
        %dma_wait3A_112 = arith.constant 0 : i32
        %dma_wait3A_113 = arith.constant 0 : i32
        %dma_wait3A_114 = tpu.memref_slice %arg8[%dma_wait3A_112, %dma_wait3A_113] : memref<10112x128xf32, #tpu.memory_space<vmem_shared>> -> memref<10112x128xf32, #tpu.memory_space<vmem_shared>>
        tpu.wait_indirect_dma semaphore(%arg18 : memref<!tpu.dma_semaphore, #tpu.memory_space<semaphore_mem>>) src(%arg12 : memref<128x128xf32, #tpu.memory_space<vmem>>) dst(%dma_wait3A_114 : memref<10112x128xf32, #tpu.memory_space<vmem_shared>>)
        %lt3A = arith.constant 27 : i32
        %lt3A_115 = arith.cmpi slt, %scan3A_16, %lt3A : i32
        %convert_element_type3A_116 = arith.extui %lt3A_115 : i1 to i32
        %cond3A_117 = arith.constant 0 : i32
        %cond3A_118 = arith.cmpi ne, %convert_element_type3A_116, %cond3A_117 : i32
        scf.if %cond3A_118 {
          %add3A = arith.constant 1 : i32
          %add3A_119 = arith.addi %scan3A_16, %add3A : i32
          %mul3A_120 = arith.constant 3 : i32
          %mul3A_121 = arith.muli %add3A_119, %mul3A_120 : i32
          %add3A_122 = arith.addi %mul3A_2, %mul3A_121 : i32
          %dma_start3A_123 = arith.constant 0 : i32
          %dma_start3A_124 = arith.constant 0 : i32
          %dma_start3A_125 = tpu.memref_slice %arg4[%add3A_122, %dma_start3A_123, %dma_start3A_124] : memref<1344x2x128xi32, #tpu.memory_space<hbm>> -> memref<3x2x128xi32, #tpu.memory_space<hbm>>
          %dma_start3A_126 = arith.constant 0 : i32
          %dma_start3A_127 = arith.constant 0 : i32
          %dma_start3A_128 = tpu.memref_slice %arg4[%add3A_122, %dma_start3A_126, %dma_start3A_127] : memref<1344x2x128xi32, #tpu.memory_space<hbm>> -> memref<3x2x128xi32, #tpu.memory_space<hbm>>
          tpu.enqueue_dma source(%dma_start3A_128 : memref<3x2x128xi32, #tpu.memory_space<hbm>>) target(%arg9 : memref<3x2x128xi32, #tpu.memory_space<vmem>>) target_semaphore(%arg19 : memref<!tpu.dma_semaphore, #tpu.memory_space<semaphore_mem>>)
        } else {
        }
      }
      %scan3A_15 = arith.constant 28 : i32
    } else {
    }
    %eq3A_5 = arith.constant 1 : i32
    %eq3A_6 = arith.cmpi eq, %arg0, %eq3A_5 : i32
    %convert_element_type3A_7 = arith.extui %eq3A_6 : i1 to i32
    %cond3A_8 = arith.constant 0 : i32
    %cond3A_9 = arith.cmpi ne, %convert_element_type3A_7, %cond3A_8 : i32
    scf.if %cond3A_9 {
      "tpu.region"() ({
        %run_scoped3A = tpu.sem_alloc : memref<!tpu.dma_semaphore, #tpu.memory_space<semaphore_mem>>
        %dma_start3A = arith.constant 0 : i32
        %dma_start3A_16 = arith.constant 0 : i32
        %dma_start3A_17 = tpu.memref_slice %arg5[%mul3A_2, %dma_start3A, %dma_start3A_16] : memref<1344x2x128xi32, #tpu.memory_space<hbm>> -> memref<3x2x128xi32, #tpu.memory_space<hbm>>
        %dma_start3A_18 = arith.constant 0 : i32
        %dma_start3A_19 = arith.constant 0 : i32
        %dma_start3A_20 = tpu.memref_slice %arg5[%mul3A_2, %dma_start3A_18, %dma_start3A_19] : memref<1344x2x128xi32, #tpu.memory_space<hbm>> -> memref<3x2x128xi32, #tpu.memory_space<hbm>>
        tpu.enqueue_dma source(%dma_start3A_20 : memref<3x2x128xi32, #tpu.memory_space<hbm>>) target(%arg9 : memref<3x2x128xi32, #tpu.memory_space<vmem>>) target_semaphore(%run_scoped3A : memref<!tpu.dma_semaphore, #tpu.memory_space<semaphore_mem>>)
        %dma_wait3A = arith.constant 0 : i32
        %dma_wait3A_21 = arith.constant 0 : i32
        %dma_wait3A_22 = tpu.memref_slice %arg5[%mul3A_2, %dma_wait3A, %dma_wait3A_21] : memref<1344x2x128xi32, #tpu.memory_space<hbm>> -> memref<3x2x128xi32, #tpu.memory_space<hbm>>
        %dma_wait3A_23 = arith.constant 0 : i32
        %dma_wait3A_24 = arith.constant 0 : i32
        %dma_wait3A_25 = tpu.memref_slice %arg5[%mul3A_2, %dma_wait3A_23, %dma_wait3A_24] : memref<1344x2x128xi32, #tpu.memory_space<hbm>> -> memref<3x2x128xi32, #tpu.memory_space<hbm>>
        tpu.wait_dma2 semaphore(%run_scoped3A : memref<!tpu.dma_semaphore, #tpu.memory_space<semaphore_mem>>) src(%dma_wait3A_25 : memref<3x2x128xi32, #tpu.memory_space<hbm>>) dst(%arg9 : memref<3x2x128xi32, #tpu.memory_space<vmem>>)
        tpu.yield
      }) : () -> ()
      %barrier3A_10 = arith.constant 0 : index
      tpu.barrier barrier_id(%barrier3A_10)
      %scan3A = arith.constant 0 : i32
      %scan3A_11 = arith.constant 0 : i32
      %scan3A_12 = arith.constant 28 : i32
      %scan3A_13 = arith.addi %scan3A_11, %scan3A_12 : i32
      %scan3A_14 = arith.constant 1 : i32
      scf.for %scan3A_16 = %scan3A_11 to %scan3A_13 step %scan3A_14  : i32 {
        %gt3A = arith.constant 0 : i32
        %gt3A_17 = arith.cmpi sgt, %scan3A_16, %gt3A : i32
        %convert_element_type3A_18 = arith.extui %gt3A_17 : i1 to i32
        %cond3A_19 = arith.constant 0 : i32
        %cond3A_20 = arith.cmpi ne, %convert_element_type3A_18, %cond3A_19 : i32
        scf.if %cond3A_20 {
          %dma_wait3A_119 = arith.constant 0 : i32
          %dma_wait3A_120 = arith.constant 0 : i32
          %dma_wait3A_121 = tpu.memref_slice %arg5[%mul3A_2, %dma_wait3A_119, %dma_wait3A_120] : memref<1344x2x128xi32, #tpu.memory_space<hbm>> -> memref<3x2x128xi32, #tpu.memory_space<hbm>>
          %dma_wait3A_122 = arith.constant 0 : i32
          %dma_wait3A_123 = arith.constant 0 : i32
          %dma_wait3A_124 = tpu.memref_slice %arg5[%mul3A_2, %dma_wait3A_122, %dma_wait3A_123] : memref<1344x2x128xi32, #tpu.memory_space<hbm>> -> memref<3x2x128xi32, #tpu.memory_space<hbm>>
          tpu.wait_dma2 semaphore(%arg19 : memref<!tpu.dma_semaphore, #tpu.memory_space<semaphore_mem>>) src(%dma_wait3A_124 : memref<3x2x128xi32, #tpu.memory_space<hbm>>) dst(%arg9 : memref<3x2x128xi32, #tpu.memory_space<vmem>>)
        } else {
        }
        %dma_start3A = arith.constant 0 : i32
        %dma_start3A_21 = arith.constant 0 : i32
        %dma_start3A_22 = arith.constant 0 : i32
        %dma_start3A_23 = tpu.memref_slice %arg9[%dma_start3A, %dma_start3A_21, %dma_start3A_22] : memref<3x2x128xi32, #tpu.memory_space<vmem>> -> memref<1x1x128xi32, #tpu.memory_space<vmem>>
        %dma_start3A_24 = tpu.memref_squeeze %dma_start3A_23 : memref<1x1x128xi32, #tpu.memory_space<vmem>> -> memref<128xi32, #tpu.memory_space<vmem>>
        %dma_start3A_25 = arith.constant 0 : i32
        %dma_start3A_26 = arith.constant 0 : i32
        %dma_start3A_27 = tpu.memref_slice %arg3[%dma_start3A_25, %dma_start3A_26] : memref<10000x128xf32, #tpu.memory_space<hbm>> -> memref<10000x128xf32, #tpu.memory_space<hbm>>
        tpu.enqueue_indirect_dma source(%dma_start3A_27 : memref<10000x128xf32, #tpu.memory_space<hbm>>) target(%arg10 : memref<128x128xf32, #tpu.memory_space<vmem>>) offsets(%dma_start3A_24 : memref<128xi32, #tpu.memory_space<vmem>>) semaphore(%arg13 : memref<!tpu.dma_semaphore, #tpu.memory_space<semaphore_mem>>)
        %dma_start3A_28 = arith.constant 1 : i32
        %dma_start3A_29 = arith.constant 0 : i32
        %dma_start3A_30 = arith.constant 0 : i32
        %dma_start3A_31 = tpu.memref_slice %arg9[%dma_start3A_28, %dma_start3A_29, %dma_start3A_30] : memref<3x2x128xi32, #tpu.memory_space<vmem>> -> memref<1x1x128xi32, #tpu.memory_space<vmem>>
        %dma_start3A_32 = tpu.memref_squeeze %dma_start3A_31 : memref<1x1x128xi32, #tpu.memory_space<vmem>> -> memref<128xi32, #tpu.memory_space<vmem>>
        %dma_start3A_33 = arith.constant 0 : i32
        %dma_start3A_34 = arith.constant 0 : i32
        %dma_start3A_35 = tpu.memref_slice %arg3[%dma_start3A_33, %dma_start3A_34] : memref<10000x128xf32, #tpu.memory_space<hbm>> -> memref<10000x128xf32, #tpu.memory_space<hbm>>
        tpu.enqueue_indirect_dma source(%dma_start3A_35 : memref<10000x128xf32, #tpu.memory_space<hbm>>) target(%arg11 : memref<128x128xf32, #tpu.memory_space<vmem>>) offsets(%dma_start3A_32 : memref<128xi32, #tpu.memory_space<vmem>>) semaphore(%arg14 : memref<!tpu.dma_semaphore, #tpu.memory_space<semaphore_mem>>)
        %dma_start3A_36 = arith.constant 2 : i32
        %dma_start3A_37 = arith.constant 0 : i32
        %dma_start3A_38 = arith.constant 0 : i32
        %dma_start3A_39 = tpu.memref_slice %arg9[%dma_start3A_36, %dma_start3A_37, %dma_start3A_38] : memref<3x2x128xi32, #tpu.memory_space<vmem>> -> memref<1x1x128xi32, #tpu.memory_space<vmem>>
        %dma_start3A_40 = tpu.memref_squeeze %dma_start3A_39 : memref<1x1x128xi32, #tpu.memory_space<vmem>> -> memref<128xi32, #tpu.memory_space<vmem>>
        %dma_start3A_41 = arith.constant 0 : i32
        %dma_start3A_42 = arith.constant 0 : i32
        %dma_start3A_43 = tpu.memref_slice %arg3[%dma_start3A_41, %dma_start3A_42] : memref<10000x128xf32, #tpu.memory_space<hbm>> -> memref<10000x128xf32, #tpu.memory_space<hbm>>
        tpu.enqueue_indirect_dma source(%dma_start3A_43 : memref<10000x128xf32, #tpu.memory_space<hbm>>) target(%arg12 : memref<128x128xf32, #tpu.memory_space<vmem>>) offsets(%dma_start3A_40 : memref<128xi32, #tpu.memory_space<vmem>>) semaphore(%arg15 : memref<!tpu.dma_semaphore, #tpu.memory_space<semaphore_mem>>)
        %dma_wait3A = arith.constant 0 : i32
        %dma_wait3A_44 = arith.constant 0 : i32
        %dma_wait3A_45 = arith.constant 0 : i32
        %dma_wait3A_46 = tpu.memref_slice %arg9[%dma_wait3A, %dma_wait3A_44, %dma_wait3A_45] : memref<3x2x128xi32, #tpu.memory_space<vmem>> -> memref<1x1x128xi32, #tpu.memory_space<vmem>>
        %dma_wait3A_47 = tpu.memref_squeeze %dma_wait3A_46 : memref<1x1x128xi32, #tpu.memory_space<vmem>> -> memref<128xi32, #tpu.memory_space<vmem>>
        %dma_wait3A_48 = arith.constant 0 : i32
        %dma_wait3A_49 = arith.constant 0 : i32
        %dma_wait3A_50 = tpu.memref_slice %arg3[%dma_wait3A_48, %dma_wait3A_49] : memref<10000x128xf32, #tpu.memory_space<hbm>> -> memref<10000x128xf32, #tpu.memory_space<hbm>>
        tpu.wait_indirect_dma semaphore(%arg13 : memref<!tpu.dma_semaphore, #tpu.memory_space<semaphore_mem>>) src(%dma_wait3A_50 : memref<10000x128xf32, #tpu.memory_space<hbm>>) dst(%arg10 : memref<128x128xf32, #tpu.memory_space<vmem>>)
        %dma_start3A_51 = arith.constant 0 : i32
        %dma_start3A_52 = arith.constant 1 : i32
        %dma_start3A_53 = arith.constant 0 : i32
        %dma_start3A_54 = tpu.memref_slice %arg9[%dma_start3A_51, %dma_start3A_52, %dma_start3A_53] : memref<3x2x128xi32, #tpu.memory_space<vmem>> -> memref<1x1x128xi32, #tpu.memory_space<vmem>>
        %dma_start3A_55 = tpu.memref_squeeze %dma_start3A_54 : memref<1x1x128xi32, #tpu.memory_space<vmem>> -> memref<128xi32, #tpu.memory_space<vmem>>
        %dma_start3A_56 = arith.constant 0 : i32
        %dma_start3A_57 = arith.constant 0 : i32
        %dma_start3A_58 = tpu.memref_slice %arg8[%dma_start3A_56, %dma_start3A_57] : memref<10112x128xf32, #tpu.memory_space<vmem_shared>> -> memref<10112x128xf32, #tpu.memory_space<vmem_shared>>
        tpu.enqueue_indirect_dma source(%arg10 : memref<128x128xf32, #tpu.memory_space<vmem>>) target(%dma_start3A_58 : memref<10112x128xf32, #tpu.memory_space<vmem_shared>>) offsets(%dma_start3A_55 : memref<128xi32, #tpu.memory_space<vmem>>) semaphore(%arg16 : memref<!tpu.dma_semaphore, #tpu.memory_space<semaphore_mem>>) {add = true}
        %dma_wait3A_59 = arith.constant 1 : i32
        %dma_wait3A_60 = arith.constant 0 : i32
        %dma_wait3A_61 = arith.constant 0 : i32
        %dma_wait3A_62 = tpu.memref_slice %arg9[%dma_wait3A_59, %dma_wait3A_60, %dma_wait3A_61] : memref<3x2x128xi32, #tpu.memory_space<vmem>> -> memref<1x1x128xi32, #tpu.memory_space<vmem>>
        %dma_wait3A_63 = tpu.memref_squeeze %dma_wait3A_62 : memref<1x1x128xi32, #tpu.memory_space<vmem>> -> memref<128xi32, #tpu.memory_space<vmem>>
        %dma_wait3A_64 = arith.constant 0 : i32
        %dma_wait3A_65 = arith.constant 0 : i32
        %dma_wait3A_66 = tpu.memref_slice %arg3[%dma_wait3A_64, %dma_wait3A_65] : memref<10000x128xf32, #tpu.memory_space<hbm>> -> memref<10000x128xf32, #tpu.memory_space<hbm>>
        tpu.wait_indirect_dma semaphore(%arg14 : memref<!tpu.dma_semaphore, #tpu.memory_space<semaphore_mem>>) src(%dma_wait3A_66 : memref<10000x128xf32, #tpu.memory_space<hbm>>) dst(%arg11 : memref<128x128xf32, #tpu.memory_space<vmem>>)
        %dma_start3A_67 = arith.constant 1 : i32
        %dma_start3A_68 = arith.constant 1 : i32
        %dma_start3A_69 = arith.constant 0 : i32
        %dma_start3A_70 = tpu.memref_slice %arg9[%dma_start3A_67, %dma_start3A_68, %dma_start3A_69] : memref<3x2x128xi32, #tpu.memory_space<vmem>> -> memref<1x1x128xi32, #tpu.memory_space<vmem>>
        %dma_start3A_71 = tpu.memref_squeeze %dma_start3A_70 : memref<1x1x128xi32, #tpu.memory_space<vmem>> -> memref<128xi32, #tpu.memory_space<vmem>>
        %dma_start3A_72 = arith.constant 0 : i32
        %dma_start3A_73 = arith.constant 0 : i32
        %dma_start3A_74 = tpu.memref_slice %arg8[%dma_start3A_72, %dma_start3A_73] : memref<10112x128xf32, #tpu.memory_space<vmem_shared>> -> memref<10112x128xf32, #tpu.memory_space<vmem_shared>>
        tpu.enqueue_indirect_dma source(%arg11 : memref<128x128xf32, #tpu.memory_space<vmem>>) target(%dma_start3A_74 : memref<10112x128xf32, #tpu.memory_space<vmem_shared>>) offsets(%dma_start3A_71 : memref<128xi32, #tpu.memory_space<vmem>>) semaphore(%arg17 : memref<!tpu.dma_semaphore, #tpu.memory_space<semaphore_mem>>) {add = true}
        %dma_wait3A_75 = arith.constant 2 : i32
        %dma_wait3A_76 = arith.constant 0 : i32
        %dma_wait3A_77 = arith.constant 0 : i32
        %dma_wait3A_78 = tpu.memref_slice %arg9[%dma_wait3A_75, %dma_wait3A_76, %dma_wait3A_77] : memref<3x2x128xi32, #tpu.memory_space<vmem>> -> memref<1x1x128xi32, #tpu.memory_space<vmem>>
        %dma_wait3A_79 = tpu.memref_squeeze %dma_wait3A_78 : memref<1x1x128xi32, #tpu.memory_space<vmem>> -> memref<128xi32, #tpu.memory_space<vmem>>
        %dma_wait3A_80 = arith.constant 0 : i32
        %dma_wait3A_81 = arith.constant 0 : i32
        %dma_wait3A_82 = tpu.memref_slice %arg3[%dma_wait3A_80, %dma_wait3A_81] : memref<10000x128xf32, #tpu.memory_space<hbm>> -> memref<10000x128xf32, #tpu.memory_space<hbm>>
        tpu.wait_indirect_dma semaphore(%arg15 : memref<!tpu.dma_semaphore, #tpu.memory_space<semaphore_mem>>) src(%dma_wait3A_82 : memref<10000x128xf32, #tpu.memory_space<hbm>>) dst(%arg12 : memref<128x128xf32, #tpu.memory_space<vmem>>)
        %dma_start3A_83 = arith.constant 2 : i32
        %dma_start3A_84 = arith.constant 1 : i32
        %dma_start3A_85 = arith.constant 0 : i32
        %dma_start3A_86 = tpu.memref_slice %arg9[%dma_start3A_83, %dma_start3A_84, %dma_start3A_85] : memref<3x2x128xi32, #tpu.memory_space<vmem>> -> memref<1x1x128xi32, #tpu.memory_space<vmem>>
        %dma_start3A_87 = tpu.memref_squeeze %dma_start3A_86 : memref<1x1x128xi32, #tpu.memory_space<vmem>> -> memref<128xi32, #tpu.memory_space<vmem>>
        %dma_start3A_88 = arith.constant 0 : i32
        %dma_start3A_89 = arith.constant 0 : i32
        %dma_start3A_90 = tpu.memref_slice %arg8[%dma_start3A_88, %dma_start3A_89] : memref<10112x128xf32, #tpu.memory_space<vmem_shared>> -> memref<10112x128xf32, #tpu.memory_space<vmem_shared>>
        tpu.enqueue_indirect_dma source(%arg12 : memref<128x128xf32, #tpu.memory_space<vmem>>) target(%dma_start3A_90 : memref<10112x128xf32, #tpu.memory_space<vmem_shared>>) offsets(%dma_start3A_87 : memref<128xi32, #tpu.memory_space<vmem>>) semaphore(%arg18 : memref<!tpu.dma_semaphore, #tpu.memory_space<semaphore_mem>>) {add = true}
        %dma_wait3A_91 = arith.constant 0 : i32
        %dma_wait3A_92 = arith.constant 1 : i32
        %dma_wait3A_93 = arith.constant 0 : i32
        %dma_wait3A_94 = tpu.memref_slice %arg9[%dma_wait3A_91, %dma_wait3A_92, %dma_wait3A_93] : memref<3x2x128xi32, #tpu.memory_space<vmem>> -> memref<1x1x128xi32, #tpu.memory_space<vmem>>
        %dma_wait3A_95 = tpu.memref_squeeze %dma_wait3A_94 : memref<1x1x128xi32, #tpu.memory_space<vmem>> -> memref<128xi32, #tpu.memory_space<vmem>>
        %dma_wait3A_96 = arith.constant 0 : i32
        %dma_wait3A_97 = arith.constant 0 : i32
        %dma_wait3A_98 = tpu.memref_slice %arg8[%dma_wait3A_96, %dma_wait3A_97] : memref<10112x128xf32, #tpu.memory_space<vmem_shared>> -> memref<10112x128xf32, #tpu.memory_space<vmem_shared>>
        tpu.wait_indirect_dma semaphore(%arg16 : memref<!tpu.dma_semaphore, #tpu.memory_space<semaphore_mem>>) src(%arg10 : memref<128x128xf32, #tpu.memory_space<vmem>>) dst(%dma_wait3A_98 : memref<10112x128xf32, #tpu.memory_space<vmem_shared>>)
        %dma_wait3A_99 = arith.constant 1 : i32
        %dma_wait3A_100 = arith.constant 1 : i32
        %dma_wait3A_101 = arith.constant 0 : i32
        %dma_wait3A_102 = tpu.memref_slice %arg9[%dma_wait3A_99, %dma_wait3A_100, %dma_wait3A_101] : memref<3x2x128xi32, #tpu.memory_space<vmem>> -> memref<1x1x128xi32, #tpu.memory_space<vmem>>
        %dma_wait3A_103 = tpu.memref_squeeze %dma_wait3A_102 : memref<1x1x128xi32, #tpu.memory_space<vmem>> -> memref<128xi32, #tpu.memory_space<vmem>>
        %dma_wait3A_104 = arith.constant 0 : i32
        %dma_wait3A_105 = arith.constant 0 : i32
        %dma_wait3A_106 = tpu.memref_slice %arg8[%dma_wait3A_104, %dma_wait3A_105] : memref<10112x128xf32, #tpu.memory_space<vmem_shared>> -> memref<10112x128xf32, #tpu.memory_space<vmem_shared>>
        tpu.wait_indirect_dma semaphore(%arg17 : memref<!tpu.dma_semaphore, #tpu.memory_space<semaphore_mem>>) src(%arg11 : memref<128x128xf32, #tpu.memory_space<vmem>>) dst(%dma_wait3A_106 : memref<10112x128xf32, #tpu.memory_space<vmem_shared>>)
        %dma_wait3A_107 = arith.constant 2 : i32
        %dma_wait3A_108 = arith.constant 1 : i32
        %dma_wait3A_109 = arith.constant 0 : i32
        %dma_wait3A_110 = tpu.memref_slice %arg9[%dma_wait3A_107, %dma_wait3A_108, %dma_wait3A_109] : memref<3x2x128xi32, #tpu.memory_space<vmem>> -> memref<1x1x128xi32, #tpu.memory_space<vmem>>
        %dma_wait3A_111 = tpu.memref_squeeze %dma_wait3A_110 : memref<1x1x128xi32, #tpu.memory_space<vmem>> -> memref<128xi32, #tpu.memory_space<vmem>>
        %dma_wait3A_112 = arith.constant 0 : i32
        %dma_wait3A_113 = arith.constant 0 : i32
        %dma_wait3A_114 = tpu.memref_slice %arg8[%dma_wait3A_112, %dma_wait3A_113] : memref<10112x128xf32, #tpu.memory_space<vmem_shared>> -> memref<10112x128xf32, #tpu.memory_space<vmem_shared>>
        tpu.wait_indirect_dma semaphore(%arg18 : memref<!tpu.dma_semaphore, #tpu.memory_space<semaphore_mem>>) src(%arg12 : memref<128x128xf32, #tpu.memory_space<vmem>>) dst(%dma_wait3A_114 : memref<10112x128xf32, #tpu.memory_space<vmem_shared>>)
        %lt3A = arith.constant 27 : i32
        %lt3A_115 = arith.cmpi slt, %scan3A_16, %lt3A : i32
        %convert_element_type3A_116 = arith.extui %lt3A_115 : i1 to i32
        %cond3A_117 = arith.constant 0 : i32
        %cond3A_118 = arith.cmpi ne, %convert_element_type3A_116, %cond3A_117 : i32
        scf.if %cond3A_118 {
          %add3A = arith.constant 1 : i32
          %add3A_119 = arith.addi %scan3A_16, %add3A : i32
          %mul3A_120 = arith.constant 3 : i32
          %mul3A_121 = arith.muli %add3A_119, %mul3A_120 : i32
          %add3A_122 = arith.addi %mul3A_2, %mul3A_121 : i32
          %dma_start3A_123 = arith.constant 0 : i32
          %dma_start3A_124 = arith.constant 0 : i32
          %dma_start3A_125 = tpu.memref_slice %arg5[%add3A_122, %dma_start3A_123, %dma_start3A_124] : memref<1344x2x128xi32, #tpu.memory_space<hbm>> -> memref<3x2x128xi32, #tpu.memory_space<hbm>>
          %dma_start3A_126 = arith.constant 0 : i32
          %dma_start3A_127 = arith.constant 0 : i32
          %dma_start3A_128 = tpu.memref_slice %arg5[%add3A_122, %dma_start3A_126, %dma_start3A_127] : memref<1344x2x128xi32, #tpu.memory_space<hbm>> -> memref<3x2x128xi32, #tpu.memory_space<hbm>>
          tpu.enqueue_dma source(%dma_start3A_128 : memref<3x2x128xi32, #tpu.memory_space<hbm>>) target(%arg9 : memref<3x2x128xi32, #tpu.memory_space<vmem>>) target_semaphore(%arg19 : memref<!tpu.dma_semaphore, #tpu.memory_space<semaphore_mem>>)
        } else {
        }
      }
      %scan3A_15 = arith.constant 28 : i32
    } else {
    }
    %barrier3A = arith.constant 0 : index
    tpu.barrier barrier_id(%barrier3A)
    "tpu.region"() ({
      %run_scoped3A = tpu.sem_alloc : memref<!tpu.dma_semaphore, #tpu.memory_space<semaphore_mem>>
      %dma_start3A = arith.constant 0 : i32
      %dma_start3A_10 = tpu.memref_slice %arg7[%arg0, %mul3A_0, %dma_start3A] : memref<2x10112x128xf32, #tpu.memory_space<hbm>> -> memref<1x632x128xf32, #tpu.memory_space<hbm>>
      %dma_start3A_11 = tpu.memref_squeeze %dma_start3A_10 : memref<1x632x128xf32, #tpu.memory_space<hbm>> -> memref<632x128xf32, #tpu.memory_space<hbm>>
      %dma_start3A_12 = arith.constant 0 : i32
      %dma_start3A_13 = tpu.memref_slice %arg8[%mul3A_0, %dma_start3A_12] : memref<10112x128xf32, #tpu.memory_space<vmem_shared>> -> memref<632x128xf32, #tpu.memory_space<vmem_shared>>
      tpu.enqueue_dma source(%dma_start3A_13 : memref<632x128xf32, #tpu.memory_space<vmem_shared>>) target(%dma_start3A_11 : memref<632x128xf32, #tpu.memory_space<hbm>>) target_semaphore(%run_scoped3A : memref<!tpu.dma_semaphore, #tpu.memory_space<semaphore_mem>>)
      %dma_wait3A = arith.constant 0 : i32
      %dma_wait3A_14 = tpu.memref_slice %arg7[%arg0, %mul3A_0, %dma_wait3A] : memref<2x10112x128xf32, #tpu.memory_space<hbm>> -> memref<1x632x128xf32, #tpu.memory_space<hbm>>
      %dma_wait3A_15 = tpu.memref_squeeze %dma_wait3A_14 : memref<1x632x128xf32, #tpu.memory_space<hbm>> -> memref<632x128xf32, #tpu.memory_space<hbm>>
      %dma_wait3A_16 = arith.constant 0 : i32
      %dma_wait3A_17 = tpu.memref_slice %arg8[%mul3A_0, %dma_wait3A_16] : memref<10112x128xf32, #tpu.memory_space<vmem_shared>> -> memref<632x128xf32, #tpu.memory_space<vmem_shared>>
      tpu.wait_dma2 semaphore(%run_scoped3A : memref<!tpu.dma_semaphore, #tpu.memory_space<semaphore_mem>>) src(%dma_wait3A_17 : memref<632x128xf32, #tpu.memory_space<vmem_shared>>) dst(%dma_wait3A_15 : memref<632x128xf32, #tpu.memory_space<hbm>>)
      tpu.yield
    }) : () -> ()
    return
  }
}

#map = affine_map<(d0, d1) -> (0, 0)>
#map1 = affine_map<(d0, d1) -> (0, 0, 0)>
module attributes {stable_mosaic.version = 14 : i64} {
  func.func @_agg_body(%arg0: i32, %arg1: i32, %arg2: memref<10000x128xf32, #tpu.memory_space<hbm>>, %arg3: memref<10000x128xf32, #tpu.memory_space<hbm>>, %arg4: memref<1344x2x128xi32, #tpu.memory_space<hbm>>, %arg5: memref<1344x2x128xi32, #tpu.memory_space<hbm>>, %arg6: memref<632x128xf32, #tpu.memory_space<hbm>>, %arg7: memref<2x10112x128xf32, #tpu.memory_space<hbm>>, %arg8: memref<10112x128xf32, #tpu.memory_space<vmem_shared>>, %arg9: memref<3x2x128xi32, #tpu.memory_space<vmem>>, %arg10: memref<128x128xf32, #tpu.memory_space<vmem>>, %arg11: memref<128x128xf32, #tpu.memory_space<vmem>>, %arg12: memref<128x128xf32, #tpu.memory_space<vmem>>, %arg13: memref<!tpu.dma_semaphore, #tpu.memory_space<semaphore_mem>>, %arg14: memref<!tpu.dma_semaphore, #tpu.memory_space<semaphore_mem>>, %arg15: memref<!tpu.dma_semaphore, #tpu.memory_space<semaphore_mem>>, %arg16: memref<!tpu.dma_semaphore, #tpu.memory_space<semaphore_mem>>, %arg17: memref<!tpu.dma_semaphore, #tpu.memory_space<semaphore_mem>>, %arg18: memref<!tpu.dma_semaphore, #tpu.memory_space<semaphore_mem>>, %arg19: memref<!tpu.dma_semaphore, #tpu.memory_space<semaphore_mem>>, %arg20: memref<!tpu.dma_semaphore, #tpu.memory_space<semaphore_mem>>, %arg21: memref<!tpu.dma_semaphore, #tpu.memory_space<semaphore_mem>>, %arg22: memref<!tpu.dma_semaphore, #tpu.memory_space<semaphore_mem>>) attributes {dimension_semantics = [#tpu.dimension_semantics<core_parallel>, #tpu.dimension_semantics<subcore_parallel>], iteration_bounds = array<i64: 2, 16>, scalar_prefetch = 0 : i64, scratch_operands = 15 : i64, tpu.core_type = #tpu.core_type<sc_vector_subcore>, window_params = [{transform_indices = #map}, {transform_indices = #map}, {transform_indices = #map1}, {transform_indices = #map1}, {transform_indices = #map}, {transform_indices = #map1}]} {
    %mul3A = arith.constant 632 : i32
    %mul3A_0 = arith.muli %arg1, %mul3A : i32
    %mul3A_1 = arith.constant 84 : i32
    %mul3A_2 = arith.muli %arg1, %mul3A_1 : i32
    "tpu.region"() ({
      %run_scoped3A = tpu.sem_alloc : memref<!tpu.dma_semaphore, #tpu.memory_space<semaphore_mem>>
      %dma_start3A = arith.constant 0 : i32
      %dma_start3A_10 = tpu.memref_slice %arg8[%mul3A_0, %dma_start3A] : memref<10112x128xf32, #tpu.memory_space<vmem_shared>> -> memref<632x128xf32, #tpu.memory_space<vmem_shared>>
      tpu.enqueue_dma source(%arg6 : memref<632x128xf32, #tpu.memory_space<hbm>>) target(%dma_start3A_10 : memref<632x128xf32, #tpu.memory_space<vmem_shared>>) target_semaphore(%run_scoped3A : memref<!tpu.dma_semaphore, #tpu.memory_space<semaphore_mem>>)
      %dma_wait3A = arith.constant 0 : i32
      %dma_wait3A_11 = tpu.memref_slice %arg8[%mul3A_0, %dma_wait3A] : memref<10112x128xf32, #tpu.memory_space<vmem_shared>> -> memref<632x128xf32, #tpu.memory_space<vmem_shared>>
      tpu.wait_dma2 semaphore(%run_scoped3A : memref<!tpu.dma_semaphore, #tpu.memory_space<semaphore_mem>>) src(%arg6 : memref<632x128xf32, #tpu.memory_space<hbm>>) dst(%dma_wait3A_11 : memref<632x128xf32, #tpu.memory_space<vmem_shared>>)
      tpu.yield
    }) : () -> ()
    %eq3A = arith.constant 0 : i32
    %eq3A_3 = arith.cmpi eq, %arg0, %eq3A : i32
    %convert_element_type3A = arith.extui %eq3A_3 : i1 to i32
    %cond3A = arith.constant 0 : i32
    %cond3A_4 = arith.cmpi ne, %convert_element_type3A, %cond3A : i32
    scf.if %cond3A_4 {
      "tpu.region"() ({
        %run_scoped3A = tpu.sem_alloc : memref<!tpu.dma_semaphore, #tpu.memory_space<semaphore_mem>>
        %dma_start3A = arith.constant 0 : i32
        %dma_start3A_16 = arith.constant 0 : i32
        %dma_start3A_17 = tpu.memref_slice %arg4[%mul3A_2, %dma_start3A, %dma_start3A_16] : memref<1344x2x128xi32, #tpu.memory_space<hbm>> -> memref<3x2x128xi32, #tpu.memory_space<hbm>>
        %dma_start3A_18 = arith.constant 0 : i32
        %dma_start3A_19 = arith.constant 0 : i32
        %dma_start3A_20 = tpu.memref_slice %arg4[%mul3A_2, %dma_start3A_18, %dma_start3A_19] : memref<1344x2x128xi32, #tpu.memory_space<hbm>> -> memref<3x2x128xi32, #tpu.memory_space<hbm>>
        tpu.enqueue_dma source(%dma_start3A_20 : memref<3x2x128xi32, #tpu.memory_space<hbm>>) target(%arg9 : memref<3x2x128xi32, #tpu.memory_space<vmem>>) target_semaphore(%run_scoped3A : memref<!tpu.dma_semaphore, #tpu.memory_space<semaphore_mem>>)
        %dma_wait3A = arith.constant 0 : i32
        %dma_wait3A_21 = arith.constant 0 : i32
        %dma_wait3A_22 = tpu.memref_slice %arg4[%mul3A_2, %dma_wait3A, %dma_wait3A_21] : memref<1344x2x128xi32, #tpu.memory_space<hbm>> -> memref<3x2x128xi32, #tpu.memory_space<hbm>>
        %dma_wait3A_23 = arith.constant 0 : i32
        %dma_wait3A_24 = arith.constant 0 : i32
        %dma_wait3A_25 = tpu.memref_slice %arg4[%mul3A_2, %dma_wait3A_23, %dma_wait3A_24] : memref<1344x2x128xi32, #tpu.memory_space<hbm>> -> memref<3x2x128xi32, #tpu.memory_space<hbm>>
        tpu.wait_dma2 semaphore(%run_scoped3A : memref<!tpu.dma_semaphore, #tpu.memory_space<semaphore_mem>>) src(%dma_wait3A_25 : memref<3x2x128xi32, #tpu.memory_space<hbm>>) dst(%arg9 : memref<3x2x128xi32, #tpu.memory_space<vmem>>)
        tpu.yield
      }) : () -> ()
      %barrier3A_10 = arith.constant 0 : index
      tpu.barrier barrier_id(%barrier3A_10)
      %scan3A = arith.constant 0 : i32
      %scan3A_11 = arith.constant 0 : i32
      %scan3A_12 = arith.constant 28 : i32
      %scan3A_13 = arith.addi %scan3A_11, %scan3A_12 : i32
      %scan3A_14 = arith.constant 1 : i32
      scf.for %scan3A_16 = %scan3A_11 to %scan3A_13 step %scan3A_14  : i32 {
        %gt3A = arith.constant 0 : i32
        %gt3A_17 = arith.cmpi sgt, %scan3A_16, %gt3A : i32
        %convert_element_type3A_18 = arith.extui %gt3A_17 : i1 to i32
        %cond3A_19 = arith.constant 0 : i32
        %cond3A_20 = arith.cmpi ne, %convert_element_type3A_18, %cond3A_19 : i32
        scf.if %cond3A_20 {
          %dma_wait3A_119 = arith.constant 0 : i32
          %dma_wait3A_120 = arith.constant 0 : i32
          %dma_wait3A_121 = tpu.memref_slice %arg4[%mul3A_2, %dma_wait3A_119, %dma_wait3A_120] : memref<1344x2x128xi32, #tpu.memory_space<hbm>> -> memref<3x2x128xi32, #tpu.memory_space<hbm>>
          %dma_wait3A_122 = arith.constant 0 : i32
          %dma_wait3A_123 = arith.constant 0 : i32
          %dma_wait3A_124 = tpu.memref_slice %arg4[%mul3A_2, %dma_wait3A_122, %dma_wait3A_123] : memref<1344x2x128xi32, #tpu.memory_space<hbm>> -> memref<3x2x128xi32, #tpu.memory_space<hbm>>
          tpu.wait_dma2 semaphore(%arg19 : memref<!tpu.dma_semaphore, #tpu.memory_space<semaphore_mem>>) src(%dma_wait3A_124 : memref<3x2x128xi32, #tpu.memory_space<hbm>>) dst(%arg9 : memref<3x2x128xi32, #tpu.memory_space<vmem>>)
        } else {
        }
        %dma_start3A = arith.constant 0 : i32
        %dma_start3A_21 = arith.constant 0 : i32
        %dma_start3A_22 = arith.constant 0 : i32
        %dma_start3A_23 = tpu.memref_slice %arg9[%dma_start3A, %dma_start3A_21, %dma_start3A_22] : memref<3x2x128xi32, #tpu.memory_space<vmem>> -> memref<1x1x128xi32, #tpu.memory_space<vmem>>
        %dma_start3A_24 = tpu.memref_squeeze %dma_start3A_23 : memref<1x1x128xi32, #tpu.memory_space<vmem>> -> memref<128xi32, #tpu.memory_space<vmem>>
        %dma_start3A_25 = arith.constant 0 : i32
        %dma_start3A_26 = arith.constant 0 : i32
        %dma_start3A_27 = tpu.memref_slice %arg2[%dma_start3A_25, %dma_start3A_26] : memref<10000x128xf32, #tpu.memory_space<hbm>> -> memref<10000x128xf32, #tpu.memory_space<hbm>>
        tpu.enqueue_indirect_dma source(%dma_start3A_27 : memref<10000x128xf32, #tpu.memory_space<hbm>>) target(%arg10 : memref<128x128xf32, #tpu.memory_space<vmem>>) offsets(%dma_start3A_24 : memref<128xi32, #tpu.memory_space<vmem>>) semaphore(%arg13 : memref<!tpu.dma_semaphore, #tpu.memory_space<semaphore_mem>>)
        %dma_start3A_28 = arith.constant 1 : i32
        %dma_start3A_29 = arith.constant 0 : i32
        %dma_start3A_30 = arith.constant 0 : i32
        %dma_start3A_31 = tpu.memref_slice %arg9[%dma_start3A_28, %dma_start3A_29, %dma_start3A_30] : memref<3x2x128xi32, #tpu.memory_space<vmem>> -> memref<1x1x128xi32, #tpu.memory_space<vmem>>
        %dma_start3A_32 = tpu.memref_squeeze %dma_start3A_31 : memref<1x1x128xi32, #tpu.memory_space<vmem>> -> memref<128xi32, #tpu.memory_space<vmem>>
        %dma_start3A_33 = arith.constant 0 : i32
        %dma_start3A_34 = arith.constant 0 : i32
        %dma_start3A_35 = tpu.memref_slice %arg2[%dma_start3A_33, %dma_start3A_34] : memref<10000x128xf32, #tpu.memory_space<hbm>> -> memref<10000x128xf32, #tpu.memory_space<hbm>>
        tpu.enqueue_indirect_dma source(%dma_start3A_35 : memref<10000x128xf32, #tpu.memory_space<hbm>>) target(%arg11 : memref<128x128xf32, #tpu.memory_space<vmem>>) offsets(%dma_start3A_32 : memref<128xi32, #tpu.memory_space<vmem>>) semaphore(%arg14 : memref<!tpu.dma_semaphore, #tpu.memory_space<semaphore_mem>>)
        %dma_start3A_36 = arith.constant 2 : i32
        %dma_start3A_37 = arith.constant 0 : i32
        %dma_start3A_38 = arith.constant 0 : i32
        %dma_start3A_39 = tpu.memref_slice %arg9[%dma_start3A_36, %dma_start3A_37, %dma_start3A_38] : memref<3x2x128xi32, #tpu.memory_space<vmem>> -> memref<1x1x128xi32, #tpu.memory_space<vmem>>
        %dma_start3A_40 = tpu.memref_squeeze %dma_start3A_39 : memref<1x1x128xi32, #tpu.memory_space<vmem>> -> memref<128xi32, #tpu.memory_space<vmem>>
        %dma_start3A_41 = arith.constant 0 : i32
        %dma_start3A_42 = arith.constant 0 : i32
        %dma_start3A_43 = tpu.memref_slice %arg2[%dma_start3A_41, %dma_start3A_42] : memref<10000x128xf32, #tpu.memory_space<hbm>> -> memref<10000x128xf32, #tpu.memory_space<hbm>>
        tpu.enqueue_indirect_dma source(%dma_start3A_43 : memref<10000x128xf32, #tpu.memory_space<hbm>>) target(%arg12 : memref<128x128xf32, #tpu.memory_space<vmem>>) offsets(%dma_start3A_40 : memref<128xi32, #tpu.memory_space<vmem>>) semaphore(%arg15 : memref<!tpu.dma_semaphore, #tpu.memory_space<semaphore_mem>>)
        %dma_wait3A = arith.constant 0 : i32
        %dma_wait3A_44 = arith.constant 0 : i32
        %dma_wait3A_45 = arith.constant 0 : i32
        %dma_wait3A_46 = tpu.memref_slice %arg9[%dma_wait3A, %dma_wait3A_44, %dma_wait3A_45] : memref<3x2x128xi32, #tpu.memory_space<vmem>> -> memref<1x1x128xi32, #tpu.memory_space<vmem>>
        %dma_wait3A_47 = tpu.memref_squeeze %dma_wait3A_46 : memref<1x1x128xi32, #tpu.memory_space<vmem>> -> memref<128xi32, #tpu.memory_space<vmem>>
        %dma_wait3A_48 = arith.constant 0 : i32
        %dma_wait3A_49 = arith.constant 0 : i32
        %dma_wait3A_50 = tpu.memref_slice %arg2[%dma_wait3A_48, %dma_wait3A_49] : memref<10000x128xf32, #tpu.memory_space<hbm>> -> memref<10000x128xf32, #tpu.memory_space<hbm>>
        tpu.wait_indirect_dma semaphore(%arg13 : memref<!tpu.dma_semaphore, #tpu.memory_space<semaphore_mem>>) src(%dma_wait3A_50 : memref<10000x128xf32, #tpu.memory_space<hbm>>) dst(%arg10 : memref<128x128xf32, #tpu.memory_space<vmem>>)
        %dma_start3A_51 = arith.constant 0 : i32
        %dma_start3A_52 = arith.constant 1 : i32
        %dma_start3A_53 = arith.constant 0 : i32
        %dma_start3A_54 = tpu.memref_slice %arg9[%dma_start3A_51, %dma_start3A_52, %dma_start3A_53] : memref<3x2x128xi32, #tpu.memory_space<vmem>> -> memref<1x1x128xi32, #tpu.memory_space<vmem>>
        %dma_start3A_55 = tpu.memref_squeeze %dma_start3A_54 : memref<1x1x128xi32, #tpu.memory_space<vmem>> -> memref<128xi32, #tpu.memory_space<vmem>>
        %dma_start3A_56 = arith.constant 0 : i32
        %dma_start3A_57 = arith.constant 0 : i32
        %dma_start3A_58 = tpu.memref_slice %arg8[%dma_start3A_56, %dma_start3A_57] : memref<10112x128xf32, #tpu.memory_space<vmem_shared>> -> memref<10112x128xf32, #tpu.memory_space<vmem_shared>>
        tpu.enqueue_indirect_dma source(%arg10 : memref<128x128xf32, #tpu.memory_space<vmem>>) target(%dma_start3A_58 : memref<10112x128xf32, #tpu.memory_space<vmem_shared>>) offsets(%dma_start3A_55 : memref<128xi32, #tpu.memory_space<vmem>>) semaphore(%arg16 : memref<!tpu.dma_semaphore, #tpu.memory_space<semaphore_mem>>) {add = true}
        %dma_wait3A_59 = arith.constant 1 : i32
        %dma_wait3A_60 = arith.constant 0 : i32
        %dma_wait3A_61 = arith.constant 0 : i32
        %dma_wait3A_62 = tpu.memref_slice %arg9[%dma_wait3A_59, %dma_wait3A_60, %dma_wait3A_61] : memref<3x2x128xi32, #tpu.memory_space<vmem>> -> memref<1x1x128xi32, #tpu.memory_space<vmem>>
        %dma_wait3A_63 = tpu.memref_squeeze %dma_wait3A_62 : memref<1x1x128xi32, #tpu.memory_space<vmem>> -> memref<128xi32, #tpu.memory_space<vmem>>
        %dma_wait3A_64 = arith.constant 0 : i32
        %dma_wait3A_65 = arith.constant 0 : i32
        %dma_wait3A_66 = tpu.memref_slice %arg2[%dma_wait3A_64, %dma_wait3A_65] : memref<10000x128xf32, #tpu.memory_space<hbm>> -> memref<10000x128xf32, #tpu.memory_space<hbm>>
        tpu.wait_indirect_dma semaphore(%arg14 : memref<!tpu.dma_semaphore, #tpu.memory_space<semaphore_mem>>) src(%dma_wait3A_66 : memref<10000x128xf32, #tpu.memory_space<hbm>>) dst(%arg11 : memref<128x128xf32, #tpu.memory_space<vmem>>)
        %dma_start3A_67 = arith.constant 1 : i32
        %dma_start3A_68 = arith.constant 1 : i32
        %dma_start3A_69 = arith.constant 0 : i32
        %dma_start3A_70 = tpu.memref_slice %arg9[%dma_start3A_67, %dma_start3A_68, %dma_start3A_69] : memref<3x2x128xi32, #tpu.memory_space<vmem>> -> memref<1x1x128xi32, #tpu.memory_space<vmem>>
        %dma_start3A_71 = tpu.memref_squeeze %dma_start3A_70 : memref<1x1x128xi32, #tpu.memory_space<vmem>> -> memref<128xi32, #tpu.memory_space<vmem>>
        %dma_start3A_72 = arith.constant 0 : i32
        %dma_start3A_73 = arith.constant 0 : i32
        %dma_start3A_74 = tpu.memref_slice %arg8[%dma_start3A_72, %dma_start3A_73] : memref<10112x128xf32, #tpu.memory_space<vmem_shared>> -> memref<10112x128xf32, #tpu.memory_space<vmem_shared>>
        tpu.enqueue_indirect_dma source(%arg11 : memref<128x128xf32, #tpu.memory_space<vmem>>) target(%dma_start3A_74 : memref<10112x128xf32, #tpu.memory_space<vmem_shared>>) offsets(%dma_start3A_71 : memref<128xi32, #tpu.memory_space<vmem>>) semaphore(%arg17 : memref<!tpu.dma_semaphore, #tpu.memory_space<semaphore_mem>>) {add = true}
        %dma_wait3A_75 = arith.constant 2 : i32
        %dma_wait3A_76 = arith.constant 0 : i32
        %dma_wait3A_77 = arith.constant 0 : i32
        %dma_wait3A_78 = tpu.memref_slice %arg9[%dma_wait3A_75, %dma_wait3A_76, %dma_wait3A_77] : memref<3x2x128xi32, #tpu.memory_space<vmem>> -> memref<1x1x128xi32, #tpu.memory_space<vmem>>
        %dma_wait3A_79 = tpu.memref_squeeze %dma_wait3A_78 : memref<1x1x128xi32, #tpu.memory_space<vmem>> -> memref<128xi32, #tpu.memory_space<vmem>>
        %dma_wait3A_80 = arith.constant 0 : i32
        %dma_wait3A_81 = arith.constant 0 : i32
        %dma_wait3A_82 = tpu.memref_slice %arg2[%dma_wait3A_80, %dma_wait3A_81] : memref<10000x128xf32, #tpu.memory_space<hbm>> -> memref<10000x128xf32, #tpu.memory_space<hbm>>
        tpu.wait_indirect_dma semaphore(%arg15 : memref<!tpu.dma_semaphore, #tpu.memory_space<semaphore_mem>>) src(%dma_wait3A_82 : memref<10000x128xf32, #tpu.memory_space<hbm>>) dst(%arg12 : memref<128x128xf32, #tpu.memory_space<vmem>>)
        %dma_start3A_83 = arith.constant 2 : i32
        %dma_start3A_84 = arith.constant 1 : i32
        %dma_start3A_85 = arith.constant 0 : i32
        %dma_start3A_86 = tpu.memref_slice %arg9[%dma_start3A_83, %dma_start3A_84, %dma_start3A_85] : memref<3x2x128xi32, #tpu.memory_space<vmem>> -> memref<1x1x128xi32, #tpu.memory_space<vmem>>
        %dma_start3A_87 = tpu.memref_squeeze %dma_start3A_86 : memref<1x1x128xi32, #tpu.memory_space<vmem>> -> memref<128xi32, #tpu.memory_space<vmem>>
        %dma_start3A_88 = arith.constant 0 : i32
        %dma_start3A_89 = arith.constant 0 : i32
        %dma_start3A_90 = tpu.memref_slice %arg8[%dma_start3A_88, %dma_start3A_89] : memref<10112x128xf32, #tpu.memory_space<vmem_shared>> -> memref<10112x128xf32, #tpu.memory_space<vmem_shared>>
        tpu.enqueue_indirect_dma source(%arg12 : memref<128x128xf32, #tpu.memory_space<vmem>>) target(%dma_start3A_90 : memref<10112x128xf32, #tpu.memory_space<vmem_shared>>) offsets(%dma_start3A_87 : memref<128xi32, #tpu.memory_space<vmem>>) semaphore(%arg18 : memref<!tpu.dma_semaphore, #tpu.memory_space<semaphore_mem>>) {add = true}
        %dma_wait3A_91 = arith.constant 0 : i32
        %dma_wait3A_92 = arith.constant 1 : i32
        %dma_wait3A_93 = arith.constant 0 : i32
        %dma_wait3A_94 = tpu.memref_slice %arg9[%dma_wait3A_91, %dma_wait3A_92, %dma_wait3A_93] : memref<3x2x128xi32, #tpu.memory_space<vmem>> -> memref<1x1x128xi32, #tpu.memory_space<vmem>>
        %dma_wait3A_95 = tpu.memref_squeeze %dma_wait3A_94 : memref<1x1x128xi32, #tpu.memory_space<vmem>> -> memref<128xi32, #tpu.memory_space<vmem>>
        %dma_wait3A_96 = arith.constant 0 : i32
        %dma_wait3A_97 = arith.constant 0 : i32
        %dma_wait3A_98 = tpu.memref_slice %arg8[%dma_wait3A_96, %dma_wait3A_97] : memref<10112x128xf32, #tpu.memory_space<vmem_shared>> -> memref<10112x128xf32, #tpu.memory_space<vmem_shared>>
        tpu.wait_indirect_dma semaphore(%arg16 : memref<!tpu.dma_semaphore, #tpu.memory_space<semaphore_mem>>) src(%arg10 : memref<128x128xf32, #tpu.memory_space<vmem>>) dst(%dma_wait3A_98 : memref<10112x128xf32, #tpu.memory_space<vmem_shared>>)
        %dma_wait3A_99 = arith.constant 1 : i32
        %dma_wait3A_100 = arith.constant 1 : i32
        %dma_wait3A_101 = arith.constant 0 : i32
        %dma_wait3A_102 = tpu.memref_slice %arg9[%dma_wait3A_99, %dma_wait3A_100, %dma_wait3A_101] : memref<3x2x128xi32, #tpu.memory_space<vmem>> -> memref<1x1x128xi32, #tpu.memory_space<vmem>>
        %dma_wait3A_103 = tpu.memref_squeeze %dma_wait3A_102 : memref<1x1x128xi32, #tpu.memory_space<vmem>> -> memref<128xi32, #tpu.memory_space<vmem>>
        %dma_wait3A_104 = arith.constant 0 : i32
        %dma_wait3A_105 = arith.constant 0 : i32
        %dma_wait3A_106 = tpu.memref_slice %arg8[%dma_wait3A_104, %dma_wait3A_105] : memref<10112x128xf32, #tpu.memory_space<vmem_shared>> -> memref<10112x128xf32, #tpu.memory_space<vmem_shared>>
        tpu.wait_indirect_dma semaphore(%arg17 : memref<!tpu.dma_semaphore, #tpu.memory_space<semaphore_mem>>) src(%arg11 : memref<128x128xf32, #tpu.memory_space<vmem>>) dst(%dma_wait3A_106 : memref<10112x128xf32, #tpu.memory_space<vmem_shared>>)
        %dma_wait3A_107 = arith.constant 2 : i32
        %dma_wait3A_108 = arith.constant 1 : i32
        %dma_wait3A_109 = arith.constant 0 : i32
        %dma_wait3A_110 = tpu.memref_slice %arg9[%dma_wait3A_107, %dma_wait3A_108, %dma_wait3A_109] : memref<3x2x128xi32, #tpu.memory_space<vmem>> -> memref<1x1x128xi32, #tpu.memory_space<vmem>>
        %dma_wait3A_111 = tpu.memref_squeeze %dma_wait3A_110 : memref<1x1x128xi32, #tpu.memory_space<vmem>> -> memref<128xi32, #tpu.memory_space<vmem>>
        %dma_wait3A_112 = arith.constant 0 : i32
        %dma_wait3A_113 = arith.constant 0 : i32
        %dma_wait3A_114 = tpu.memref_slice %arg8[%dma_wait3A_112, %dma_wait3A_113] : memref<10112x128xf32, #tpu.memory_space<vmem_shared>> -> memref<10112x128xf32, #tpu.memory_space<vmem_shared>>
        tpu.wait_indirect_dma semaphore(%arg18 : memref<!tpu.dma_semaphore, #tpu.memory_space<semaphore_mem>>) src(%arg12 : memref<128x128xf32, #tpu.memory_space<vmem>>) dst(%dma_wait3A_114 : memref<10112x128xf32, #tpu.memory_space<vmem_shared>>)
        %lt3A = arith.constant 27 : i32
        %lt3A_115 = arith.cmpi slt, %scan3A_16, %lt3A : i32
        %convert_element_type3A_116 = arith.extui %lt3A_115 : i1 to i32
        %cond3A_117 = arith.constant 0 : i32
        %cond3A_118 = arith.cmpi ne, %convert_element_type3A_116, %cond3A_117 : i32
        scf.if %cond3A_118 {
          %add3A = arith.constant 1 : i32
          %add3A_119 = arith.addi %scan3A_16, %add3A : i32
          %mul3A_120 = arith.constant 3 : i32
          %mul3A_121 = arith.muli %add3A_119, %mul3A_120 : i32
          %add3A_122 = arith.addi %mul3A_2, %mul3A_121 : i32
          %dma_start3A_123 = arith.constant 0 : i32
          %dma_start3A_124 = arith.constant 0 : i32
          %dma_start3A_125 = tpu.memref_slice %arg4[%add3A_122, %dma_start3A_123, %dma_start3A_124] : memref<1344x2x128xi32, #tpu.memory_space<hbm>> -> memref<3x2x128xi32, #tpu.memory_space<hbm>>
          %dma_start3A_126 = arith.constant 0 : i32
          %dma_start3A_127 = arith.constant 0 : i32
          %dma_start3A_128 = tpu.memref_slice %arg4[%add3A_122, %dma_start3A_126, %dma_start3A_127] : memref<1344x2x128xi32, #tpu.memory_space<hbm>> -> memref<3x2x128xi32, #tpu.memory_space<hbm>>
          tpu.enqueue_dma source(%dma_start3A_128 : memref<3x2x128xi32, #tpu.memory_space<hbm>>) target(%arg9 : memref<3x2x128xi32, #tpu.memory_space<vmem>>) target_semaphore(%arg19 : memref<!tpu.dma_semaphore, #tpu.memory_space<semaphore_mem>>)
        } else {
        }
      }
      %scan3A_15 = arith.constant 28 : i32
    } else {
    }
    %eq3A_5 = arith.constant 1 : i32
    %eq3A_6 = arith.cmpi eq, %arg0, %eq3A_5 : i32
    %convert_element_type3A_7 = arith.extui %eq3A_6 : i1 to i32
    %cond3A_8 = arith.constant 0 : i32
    %cond3A_9 = arith.cmpi ne, %convert_element_type3A_7, %cond3A_8 : i32
    scf.if %cond3A_9 {
      "tpu.region"() ({
        %run_scoped3A = tpu.sem_alloc : memref<!tpu.dma_semaphore, #tpu.memory_space<semaphore_mem>>
        %dma_start3A = arith.constant 0 : i32
        %dma_start3A_16 = arith.constant 0 : i32
        %dma_start3A_17 = tpu.memref_slice %arg5[%mul3A_2, %dma_start3A, %dma_start3A_16] : memref<1344x2x128xi32, #tpu.memory_space<hbm>> -> memref<3x2x128xi32, #tpu.memory_space<hbm>>
        %dma_start3A_18 = arith.constant 0 : i32
        %dma_start3A_19 = arith.constant 0 : i32
        %dma_start3A_20 = tpu.memref_slice %arg5[%mul3A_2, %dma_start3A_18, %dma_start3A_19] : memref<1344x2x128xi32, #tpu.memory_space<hbm>> -> memref<3x2x128xi32, #tpu.memory_space<hbm>>
        tpu.enqueue_dma source(%dma_start3A_20 : memref<3x2x128xi32, #tpu.memory_space<hbm>>) target(%arg9 : memref<3x2x128xi32, #tpu.memory_space<vmem>>) target_semaphore(%run_scoped3A : memref<!tpu.dma_semaphore, #tpu.memory_space<semaphore_mem>>)
        %dma_wait3A = arith.constant 0 : i32
        %dma_wait3A_21 = arith.constant 0 : i32
        %dma_wait3A_22 = tpu.memref_slice %arg5[%mul3A_2, %dma_wait3A, %dma_wait3A_21] : memref<1344x2x128xi32, #tpu.memory_space<hbm>> -> memref<3x2x128xi32, #tpu.memory_space<hbm>>
        %dma_wait3A_23 = arith.constant 0 : i32
        %dma_wait3A_24 = arith.constant 0 : i32
        %dma_wait3A_25 = tpu.memref_slice %arg5[%mul3A_2, %dma_wait3A_23, %dma_wait3A_24] : memref<1344x2x128xi32, #tpu.memory_space<hbm>> -> memref<3x2x128xi32, #tpu.memory_space<hbm>>
        tpu.wait_dma2 semaphore(%run_scoped3A : memref<!tpu.dma_semaphore, #tpu.memory_space<semaphore_mem>>) src(%dma_wait3A_25 : memref<3x2x128xi32, #tpu.memory_space<hbm>>) dst(%arg9 : memref<3x2x128xi32, #tpu.memory_space<vmem>>)
        tpu.yield
      }) : () -> ()
      %barrier3A_10 = arith.constant 0 : index
      tpu.barrier barrier_id(%barrier3A_10)
      %scan3A = arith.constant 0 : i32
      %scan3A_11 = arith.constant 0 : i32
      %scan3A_12 = arith.constant 28 : i32
      %scan3A_13 = arith.addi %scan3A_11, %scan3A_12 : i32
      %scan3A_14 = arith.constant 1 : i32
      scf.for %scan3A_16 = %scan3A_11 to %scan3A_13 step %scan3A_14  : i32 {
        %gt3A = arith.constant 0 : i32
        %gt3A_17 = arith.cmpi sgt, %scan3A_16, %gt3A : i32
        %convert_element_type3A_18 = arith.extui %gt3A_17 : i1 to i32
        %cond3A_19 = arith.constant 0 : i32
        %cond3A_20 = arith.cmpi ne, %convert_element_type3A_18, %cond3A_19 : i32
        scf.if %cond3A_20 {
          %dma_wait3A_119 = arith.constant 0 : i32
          %dma_wait3A_120 = arith.constant 0 : i32
          %dma_wait3A_121 = tpu.memref_slice %arg5[%mul3A_2, %dma_wait3A_119, %dma_wait3A_120] : memref<1344x2x128xi32, #tpu.memory_space<hbm>> -> memref<3x2x128xi32, #tpu.memory_space<hbm>>
          %dma_wait3A_122 = arith.constant 0 : i32
          %dma_wait3A_123 = arith.constant 0 : i32
          %dma_wait3A_124 = tpu.memref_slice %arg5[%mul3A_2, %dma_wait3A_122, %dma_wait3A_123] : memref<1344x2x128xi32, #tpu.memory_space<hbm>> -> memref<3x2x128xi32, #tpu.memory_space<hbm>>
          tpu.wait_dma2 semaphore(%arg19 : memref<!tpu.dma_semaphore, #tpu.memory_space<semaphore_mem>>) src(%dma_wait3A_124 : memref<3x2x128xi32, #tpu.memory_space<hbm>>) dst(%arg9 : memref<3x2x128xi32, #tpu.memory_space<vmem>>)
        } else {
        }
        %dma_start3A = arith.constant 0 : i32
        %dma_start3A_21 = arith.constant 0 : i32
        %dma_start3A_22 = arith.constant 0 : i32
        %dma_start3A_23 = tpu.memref_slice %arg9[%dma_start3A, %dma_start3A_21, %dma_start3A_22] : memref<3x2x128xi32, #tpu.memory_space<vmem>> -> memref<1x1x128xi32, #tpu.memory_space<vmem>>
        %dma_start3A_24 = tpu.memref_squeeze %dma_start3A_23 : memref<1x1x128xi32, #tpu.memory_space<vmem>> -> memref<128xi32, #tpu.memory_space<vmem>>
        %dma_start3A_25 = arith.constant 0 : i32
        %dma_start3A_26 = arith.constant 0 : i32
        %dma_start3A_27 = tpu.memref_slice %arg3[%dma_start3A_25, %dma_start3A_26] : memref<10000x128xf32, #tpu.memory_space<hbm>> -> memref<10000x128xf32, #tpu.memory_space<hbm>>
        tpu.enqueue_indirect_dma source(%dma_start3A_27 : memref<10000x128xf32, #tpu.memory_space<hbm>>) target(%arg10 : memref<128x128xf32, #tpu.memory_space<vmem>>) offsets(%dma_start3A_24 : memref<128xi32, #tpu.memory_space<vmem>>) semaphore(%arg13 : memref<!tpu.dma_semaphore, #tpu.memory_space<semaphore_mem>>)
        %dma_start3A_28 = arith.constant 1 : i32
        %dma_start3A_29 = arith.constant 0 : i32
        %dma_start3A_30 = arith.constant 0 : i32
        %dma_start3A_31 = tpu.memref_slice %arg9[%dma_start3A_28, %dma_start3A_29, %dma_start3A_30] : memref<3x2x128xi32, #tpu.memory_space<vmem>> -> memref<1x1x128xi32, #tpu.memory_space<vmem>>
        %dma_start3A_32 = tpu.memref_squeeze %dma_start3A_31 : memref<1x1x128xi32, #tpu.memory_space<vmem>> -> memref<128xi32, #tpu.memory_space<vmem>>
        %dma_start3A_33 = arith.constant 0 : i32
        %dma_start3A_34 = arith.constant 0 : i32
        %dma_start3A_35 = tpu.memref_slice %arg3[%dma_start3A_33, %dma_start3A_34] : memref<10000x128xf32, #tpu.memory_space<hbm>> -> memref<10000x128xf32, #tpu.memory_space<hbm>>
        tpu.enqueue_indirect_dma source(%dma_start3A_35 : memref<10000x128xf32, #tpu.memory_space<hbm>>) target(%arg11 : memref<128x128xf32, #tpu.memory_space<vmem>>) offsets(%dma_start3A_32 : memref<128xi32, #tpu.memory_space<vmem>>) semaphore(%arg14 : memref<!tpu.dma_semaphore, #tpu.memory_space<semaphore_mem>>)
        %dma_start3A_36 = arith.constant 2 : i32
        %dma_start3A_37 = arith.constant 0 : i32
        %dma_start3A_38 = arith.constant 0 : i32
        %dma_start3A_39 = tpu.memref_slice %arg9[%dma_start3A_36, %dma_start3A_37, %dma_start3A_38] : memref<3x2x128xi32, #tpu.memory_space<vmem>> -> memref<1x1x128xi32, #tpu.memory_space<vmem>>
        %dma_start3A_40 = tpu.memref_squeeze %dma_start3A_39 : memref<1x1x128xi32, #tpu.memory_space<vmem>> -> memref<128xi32, #tpu.memory_space<vmem>>
        %dma_start3A_41 = arith.constant 0 : i32
        %dma_start3A_42 = arith.constant 0 : i32
        %dma_start3A_43 = tpu.memref_slice %arg3[%dma_start3A_41, %dma_start3A_42] : memref<10000x128xf32, #tpu.memory_space<hbm>> -> memref<10000x128xf32, #tpu.memory_space<hbm>>
        tpu.enqueue_indirect_dma source(%dma_start3A_43 : memref<10000x128xf32, #tpu.memory_space<hbm>>) target(%arg12 : memref<128x128xf32, #tpu.memory_space<vmem>>) offsets(%dma_start3A_40 : memref<128xi32, #tpu.memory_space<vmem>>) semaphore(%arg15 : memref<!tpu.dma_semaphore, #tpu.memory_space<semaphore_mem>>)
        %dma_wait3A = arith.constant 0 : i32
        %dma_wait3A_44 = arith.constant 0 : i32
        %dma_wait3A_45 = arith.constant 0 : i32
        %dma_wait3A_46 = tpu.memref_slice %arg9[%dma_wait3A, %dma_wait3A_44, %dma_wait3A_45] : memref<3x2x128xi32, #tpu.memory_space<vmem>> -> memref<1x1x128xi32, #tpu.memory_space<vmem>>
        %dma_wait3A_47 = tpu.memref_squeeze %dma_wait3A_46 : memref<1x1x128xi32, #tpu.memory_space<vmem>> -> memref<128xi32, #tpu.memory_space<vmem>>
        %dma_wait3A_48 = arith.constant 0 : i32
        %dma_wait3A_49 = arith.constant 0 : i32
        %dma_wait3A_50 = tpu.memref_slice %arg3[%dma_wait3A_48, %dma_wait3A_49] : memref<10000x128xf32, #tpu.memory_space<hbm>> -> memref<10000x128xf32, #tpu.memory_space<hbm>>
        tpu.wait_indirect_dma semaphore(%arg13 : memref<!tpu.dma_semaphore, #tpu.memory_space<semaphore_mem>>) src(%dma_wait3A_50 : memref<10000x128xf32, #tpu.memory_space<hbm>>) dst(%arg10 : memref<128x128xf32, #tpu.memory_space<vmem>>)
        %dma_start3A_51 = arith.constant 0 : i32
        %dma_start3A_52 = arith.constant 1 : i32
        %dma_start3A_53 = arith.constant 0 : i32
        %dma_start3A_54 = tpu.memref_slice %arg9[%dma_start3A_51, %dma_start3A_52, %dma_start3A_53] : memref<3x2x128xi32, #tpu.memory_space<vmem>> -> memref<1x1x128xi32, #tpu.memory_space<vmem>>
        %dma_start3A_55 = tpu.memref_squeeze %dma_start3A_54 : memref<1x1x128xi32, #tpu.memory_space<vmem>> -> memref<128xi32, #tpu.memory_space<vmem>>
        %dma_start3A_56 = arith.constant 0 : i32
        %dma_start3A_57 = arith.constant 0 : i32
        %dma_start3A_58 = tpu.memref_slice %arg8[%dma_start3A_56, %dma_start3A_57] : memref<10112x128xf32, #tpu.memory_space<vmem_shared>> -> memref<10112x128xf32, #tpu.memory_space<vmem_shared>>
        tpu.enqueue_indirect_dma source(%arg10 : memref<128x128xf32, #tpu.memory_space<vmem>>) target(%dma_start3A_58 : memref<10112x128xf32, #tpu.memory_space<vmem_shared>>) offsets(%dma_start3A_55 : memref<128xi32, #tpu.memory_space<vmem>>) semaphore(%arg16 : memref<!tpu.dma_semaphore, #tpu.memory_space<semaphore_mem>>) {add = true}
        %dma_wait3A_59 = arith.constant 1 : i32
        %dma_wait3A_60 = arith.constant 0 : i32
        %dma_wait3A_61 = arith.constant 0 : i32
        %dma_wait3A_62 = tpu.memref_slice %arg9[%dma_wait3A_59, %dma_wait3A_60, %dma_wait3A_61] : memref<3x2x128xi32, #tpu.memory_space<vmem>> -> memref<1x1x128xi32, #tpu.memory_space<vmem>>
        %dma_wait3A_63 = tpu.memref_squeeze %dma_wait3A_62 : memref<1x1x128xi32, #tpu.memory_space<vmem>> -> memref<128xi32, #tpu.memory_space<vmem>>
        %dma_wait3A_64 = arith.constant 0 : i32
        %dma_wait3A_65 = arith.constant 0 : i32
        %dma_wait3A_66 = tpu.memref_slice %arg3[%dma_wait3A_64, %dma_wait3A_65] : memref<10000x128xf32, #tpu.memory_space<hbm>> -> memref<10000x128xf32, #tpu.memory_space<hbm>>
        tpu.wait_indirect_dma semaphore(%arg14 : memref<!tpu.dma_semaphore, #tpu.memory_space<semaphore_mem>>) src(%dma_wait3A_66 : memref<10000x128xf32, #tpu.memory_space<hbm>>) dst(%arg11 : memref<128x128xf32, #tpu.memory_space<vmem>>)
        %dma_start3A_67 = arith.constant 1 : i32
        %dma_start3A_68 = arith.constant 1 : i32
        %dma_start3A_69 = arith.constant 0 : i32
        %dma_start3A_70 = tpu.memref_slice %arg9[%dma_start3A_67, %dma_start3A_68, %dma_start3A_69] : memref<3x2x128xi32, #tpu.memory_space<vmem>> -> memref<1x1x128xi32, #tpu.memory_space<vmem>>
        %dma_start3A_71 = tpu.memref_squeeze %dma_start3A_70 : memref<1x1x128xi32, #tpu.memory_space<vmem>> -> memref<128xi32, #tpu.memory_space<vmem>>
        %dma_start3A_72 = arith.constant 0 : i32
        %dma_start3A_73 = arith.constant 0 : i32
        %dma_start3A_74 = tpu.memref_slice %arg8[%dma_start3A_72, %dma_start3A_73] : memref<10112x128xf32, #tpu.memory_space<vmem_shared>> -> memref<10112x128xf32, #tpu.memory_space<vmem_shared>>
        tpu.enqueue_indirect_dma source(%arg11 : memref<128x128xf32, #tpu.memory_space<vmem>>) target(%dma_start3A_74 : memref<10112x128xf32, #tpu.memory_space<vmem_shared>>) offsets(%dma_start3A_71 : memref<128xi32, #tpu.memory_space<vmem>>) semaphore(%arg17 : memref<!tpu.dma_semaphore, #tpu.memory_space<semaphore_mem>>) {add = true}
        %dma_wait3A_75 = arith.constant 2 : i32
        %dma_wait3A_76 = arith.constant 0 : i32
        %dma_wait3A_77 = arith.constant 0 : i32
        %dma_wait3A_78 = tpu.memref_slice %arg9[%dma_wait3A_75, %dma_wait3A_76, %dma_wait3A_77] : memref<3x2x128xi32, #tpu.memory_space<vmem>> -> memref<1x1x128xi32, #tpu.memory_space<vmem>>
        %dma_wait3A_79 = tpu.memref_squeeze %dma_wait3A_78 : memref<1x1x128xi32, #tpu.memory_space<vmem>> -> memref<128xi32, #tpu.memory_space<vmem>>
        %dma_wait3A_80 = arith.constant 0 : i32
        %dma_wait3A_81 = arith.constant 0 : i32
        %dma_wait3A_82 = tpu.memref_slice %arg3[%dma_wait3A_80, %dma_wait3A_81] : memref<10000x128xf32, #tpu.memory_space<hbm>> -> memref<10000x128xf32, #tpu.memory_space<hbm>>
        tpu.wait_indirect_dma semaphore(%arg15 : memref<!tpu.dma_semaphore, #tpu.memory_space<semaphore_mem>>) src(%dma_wait3A_82 : memref<10000x128xf32, #tpu.memory_space<hbm>>) dst(%arg12 : memref<128x128xf32, #tpu.memory_space<vmem>>)
        %dma_start3A_83 = arith.constant 2 : i32
        %dma_start3A_84 = arith.constant 1 : i32
        %dma_start3A_85 = arith.constant 0 : i32
        %dma_start3A_86 = tpu.memref_slice %arg9[%dma_start3A_83, %dma_start3A_84, %dma_start3A_85] : memref<3x2x128xi32, #tpu.memory_space<vmem>> -> memref<1x1x128xi32, #tpu.memory_space<vmem>>
        %dma_start3A_87 = tpu.memref_squeeze %dma_start3A_86 : memref<1x1x128xi32, #tpu.memory_space<vmem>> -> memref<128xi32, #tpu.memory_space<vmem>>
        %dma_start3A_88 = arith.constant 0 : i32
        %dma_start3A_89 = arith.constant 0 : i32
        %dma_start3A_90 = tpu.memref_slice %arg8[%dma_start3A_88, %dma_start3A_89] : memref<10112x128xf32, #tpu.memory_space<vmem_shared>> -> memref<10112x128xf32, #tpu.memory_space<vmem_shared>>
        tpu.enqueue_indirect_dma source(%arg12 : memref<128x128xf32, #tpu.memory_space<vmem>>) target(%dma_start3A_90 : memref<10112x128xf32, #tpu.memory_space<vmem_shared>>) offsets(%dma_start3A_87 : memref<128xi32, #tpu.memory_space<vmem>>) semaphore(%arg18 : memref<!tpu.dma_semaphore, #tpu.memory_space<semaphore_mem>>) {add = true}
        %dma_wait3A_91 = arith.constant 0 : i32
        %dma_wait3A_92 = arith.constant 1 : i32
        %dma_wait3A_93 = arith.constant 0 : i32
        %dma_wait3A_94 = tpu.memref_slice %arg9[%dma_wait3A_91, %dma_wait3A_92, %dma_wait3A_93] : memref<3x2x128xi32, #tpu.memory_space<vmem>> -> memref<1x1x128xi32, #tpu.memory_space<vmem>>
        %dma_wait3A_95 = tpu.memref_squeeze %dma_wait3A_94 : memref<1x1x128xi32, #tpu.memory_space<vmem>> -> memref<128xi32, #tpu.memory_space<vmem>>
        %dma_wait3A_96 = arith.constant 0 : i32
        %dma_wait3A_97 = arith.constant 0 : i32
        %dma_wait3A_98 = tpu.memref_slice %arg8[%dma_wait3A_96, %dma_wait3A_97] : memref<10112x128xf32, #tpu.memory_space<vmem_shared>> -> memref<10112x128xf32, #tpu.memory_space<vmem_shared>>
        tpu.wait_indirect_dma semaphore(%arg16 : memref<!tpu.dma_semaphore, #tpu.memory_space<semaphore_mem>>) src(%arg10 : memref<128x128xf32, #tpu.memory_space<vmem>>) dst(%dma_wait3A_98 : memref<10112x128xf32, #tpu.memory_space<vmem_shared>>)
        %dma_wait3A_99 = arith.constant 1 : i32
        %dma_wait3A_100 = arith.constant 1 : i32
        %dma_wait3A_101 = arith.constant 0 : i32
        %dma_wait3A_102 = tpu.memref_slice %arg9[%dma_wait3A_99, %dma_wait3A_100, %dma_wait3A_101] : memref<3x2x128xi32, #tpu.memory_space<vmem>> -> memref<1x1x128xi32, #tpu.memory_space<vmem>>
        %dma_wait3A_103 = tpu.memref_squeeze %dma_wait3A_102 : memref<1x1x128xi32, #tpu.memory_space<vmem>> -> memref<128xi32, #tpu.memory_space<vmem>>
        %dma_wait3A_104 = arith.constant 0 : i32
        %dma_wait3A_105 = arith.constant 0 : i32
        %dma_wait3A_106 = tpu.memref_slice %arg8[%dma_wait3A_104, %dma_wait3A_105] : memref<10112x128xf32, #tpu.memory_space<vmem_shared>> -> memref<10112x128xf32, #tpu.memory_space<vmem_shared>>
        tpu.wait_indirect_dma semaphore(%arg17 : memref<!tpu.dma_semaphore, #tpu.memory_space<semaphore_mem>>) src(%arg11 : memref<128x128xf32, #tpu.memory_space<vmem>>) dst(%dma_wait3A_106 : memref<10112x128xf32, #tpu.memory_space<vmem_shared>>)
        %dma_wait3A_107 = arith.constant 2 : i32
        %dma_wait3A_108 = arith.constant 1 : i32
        %dma_wait3A_109 = arith.constant 0 : i32
        %dma_wait3A_110 = tpu.memref_slice %arg9[%dma_wait3A_107, %dma_wait3A_108, %dma_wait3A_109] : memref<3x2x128xi32, #tpu.memory_space<vmem>> -> memref<1x1x128xi32, #tpu.memory_space<vmem>>
        %dma_wait3A_111 = tpu.memref_squeeze %dma_wait3A_110 : memref<1x1x128xi32, #tpu.memory_space<vmem>> -> memref<128xi32, #tpu.memory_space<vmem>>
        %dma_wait3A_112 = arith.constant 0 : i32
        %dma_wait3A_113 = arith.constant 0 : i32
        %dma_wait3A_114 = tpu.memref_slice %arg8[%dma_wait3A_112, %dma_wait3A_113] : memref<10112x128xf32, #tpu.memory_space<vmem_shared>> -> memref<10112x128xf32, #tpu.memory_space<vmem_shared>>
        tpu.wait_indirect_dma semaphore(%arg18 : memref<!tpu.dma_semaphore, #tpu.memory_space<semaphore_mem>>) src(%arg12 : memref<128x128xf32, #tpu.memory_space<vmem>>) dst(%dma_wait3A_114 : memref<10112x128xf32, #tpu.memory_space<vmem_shared>>)
        %lt3A = arith.constant 27 : i32
        %lt3A_115 = arith.cmpi slt, %scan3A_16, %lt3A : i32
        %convert_element_type3A_116 = arith.extui %lt3A_115 : i1 to i32
        %cond3A_117 = arith.constant 0 : i32
        %cond3A_118 = arith.cmpi ne, %convert_element_type3A_116, %cond3A_117 : i32
        scf.if %cond3A_118 {
          %add3A = arith.constant 1 : i32
          %add3A_119 = arith.addi %scan3A_16, %add3A : i32
          %mul3A_120 = arith.constant 3 : i32
          %mul3A_121 = arith.muli %add3A_119, %mul3A_120 : i32
          %add3A_122 = arith.addi %mul3A_2, %mul3A_121 : i32
          %dma_start3A_123 = arith.constant 0 : i32
          %dma_start3A_124 = arith.constant 0 : i32
          %dma_start3A_125 = tpu.memref_slice %arg5[%add3A_122, %dma_start3A_123, %dma_start3A_124] : memref<1344x2x128xi32, #tpu.memory_space<hbm>> -> memref<3x2x128xi32, #tpu.memory_space<hbm>>
          %dma_start3A_126 = arith.constant 0 : i32
          %dma_start3A_127 = arith.constant 0 : i32
          %dma_start3A_128 = tpu.memref_slice %arg5[%add3A_122, %dma_start3A_126, %dma_start3A_127] : memref<1344x2x128xi32, #tpu.memory_space<hbm>> -> memref<3x2x128xi32, #tpu.memory_space<hbm>>
          tpu.enqueue_dma source(%dma_start3A_128 : memref<3x2x128xi32, #tpu.memory_space<hbm>>) target(%arg9 : memref<3x2x128xi32, #tpu.memory_space<vmem>>) target_semaphore(%arg19 : memref<!tpu.dma_semaphore, #tpu.memory_space<semaphore_mem>>)
        } else {
        }
      }
      %scan3A_15 = arith.constant 28 : i32
    } else {
    }
    %barrier3A = arith.constant 0 : index
    tpu.barrier barrier_id(%barrier3A)
    "tpu.region"() ({
      %run_scoped3A = tpu.sem_alloc : memref<!tpu.dma_semaphore, #tpu.memory_space<semaphore_mem>>
      %dma_start3A = arith.constant 0 : i32
      %dma_start3A_10 = tpu.memref_slice %arg7[%arg0, %mul3A_0, %dma_start3A] : memref<2x10112x128xf32, #tpu.memory_space<hbm>> -> memref<1x632x128xf32, #tpu.memory_space<hbm>>
      %dma_start3A_11 = tpu.memref_squeeze %dma_start3A_10 : memref<1x632x128xf32, #tpu.memory_space<hbm>> -> memref<632x128xf32, #tpu.memory_space<hbm>>
      %dma_start3A_12 = arith.constant 0 : i32
      %dma_start3A_13 = tpu.memref_slice %arg8[%mul3A_0, %dma_start3A_12] : memref<10112x128xf32, #tpu.memory_space<vmem_shared>> -> memref<632x128xf32, #tpu.memory_space<vmem_shared>>
      tpu.enqueue_dma source(%dma_start3A_13 : memref<632x128xf32, #tpu.memory_space<vmem_shared>>) target(%dma_start3A_11 : memref<632x128xf32, #tpu.memory_space<hbm>>) target_semaphore(%run_scoped3A : memref<!tpu.dma_semaphore, #tpu.memory_space<semaphore_mem>>)
      %dma_wait3A = arith.constant 0 : i32
      %dma_wait3A_14 = tpu.memref_slice %arg7[%arg0, %mul3A_0, %dma_wait3A] : memref<2x10112x128xf32, #tpu.memory_space<hbm>> -> memref<1x632x128xf32, #tpu.memory_space<hbm>>
      %dma_wait3A_15 = tpu.memref_squeeze %dma_wait3A_14 : memref<1x632x128xf32, #tpu.memory_space<hbm>> -> memref<632x128xf32, #tpu.memory_space<hbm>>
      %dma_wait3A_16 = arith.constant 0 : i32
      %dma_wait3A_17 = tpu.memref_slice %arg8[%mul3A_0, %dma_wait3A_16] : memref<10112x128xf32, #tpu.memory_space<vmem_shared>> -> memref<632x128xf32, #tpu.memory_space<vmem_shared>>
      tpu.wait_dma2 semaphore(%run_scoped3A : memref<!tpu.dma_semaphore, #tpu.memory_space<semaphore_mem>>) src(%dma_wait3A_17 : memref<632x128xf32, #tpu.memory_space<vmem_shared>>) dst(%dma_wait3A_15 : memref<632x128xf32, #tpu.memory_space<hbm>>)
      tpu.yield
    }) : () -> ()
    return
  }
}

#map = affine_map<(d0, d1) -> (0, 0)>
#map1 = affine_map<(d0, d1) -> (0, 0, 0)>
module attributes {stable_mosaic.version = 14 : i64} {
  func.func @_agg_body(%arg0: i32, %arg1: i32, %arg2: memref<10000x128xf32, #tpu.memory_space<hbm>>, %arg3: memref<10000x128xf32, #tpu.memory_space<hbm>>, %arg4: memref<1344x2x128xi32, #tpu.memory_space<hbm>>, %arg5: memref<1344x2x128xi32, #tpu.memory_space<hbm>>, %arg6: memref<632x128xf32, #tpu.memory_space<hbm>>, %arg7: memref<2x10112x128xf32, #tpu.memory_space<hbm>>, %arg8: memref<10112x128xf32, #tpu.memory_space<vmem_shared>>, %arg9: memref<3x2x128xi32, #tpu.memory_space<vmem>>, %arg10: memref<128x128xf32, #tpu.memory_space<vmem>>, %arg11: memref<128x128xf32, #tpu.memory_space<vmem>>, %arg12: memref<128x128xf32, #tpu.memory_space<vmem>>, %arg13: memref<!tpu.dma_semaphore, #tpu.memory_space<semaphore_mem>>, %arg14: memref<!tpu.dma_semaphore, #tpu.memory_space<semaphore_mem>>, %arg15: memref<!tpu.dma_semaphore, #tpu.memory_space<semaphore_mem>>, %arg16: memref<!tpu.dma_semaphore, #tpu.memory_space<semaphore_mem>>, %arg17: memref<!tpu.dma_semaphore, #tpu.memory_space<semaphore_mem>>, %arg18: memref<!tpu.dma_semaphore, #tpu.memory_space<semaphore_mem>>, %arg19: memref<!tpu.dma_semaphore, #tpu.memory_space<semaphore_mem>>, %arg20: memref<!tpu.dma_semaphore, #tpu.memory_space<semaphore_mem>>, %arg21: memref<!tpu.dma_semaphore, #tpu.memory_space<semaphore_mem>>, %arg22: memref<!tpu.dma_semaphore, #tpu.memory_space<semaphore_mem>>) attributes {dimension_semantics = [#tpu.dimension_semantics<core_parallel>, #tpu.dimension_semantics<subcore_parallel>], iteration_bounds = array<i64: 2, 16>, scalar_prefetch = 0 : i64, scratch_operands = 15 : i64, tpu.core_type = #tpu.core_type<sc_vector_subcore>, window_params = [{transform_indices = #map}, {transform_indices = #map}, {transform_indices = #map1}, {transform_indices = #map1}, {transform_indices = #map}, {transform_indices = #map1}]} {
    %mul3A = arith.constant 632 : i32
    %mul3A_0 = arith.muli %arg1, %mul3A : i32
    %mul3A_1 = arith.constant 84 : i32
    %mul3A_2 = arith.muli %arg1, %mul3A_1 : i32
    "tpu.region"() ({
      %run_scoped3A = tpu.sem_alloc : memref<!tpu.dma_semaphore, #tpu.memory_space<semaphore_mem>>
      %dma_start3A = arith.constant 0 : i32
      %dma_start3A_10 = tpu.memref_slice %arg8[%mul3A_0, %dma_start3A] : memref<10112x128xf32, #tpu.memory_space<vmem_shared>> -> memref<632x128xf32, #tpu.memory_space<vmem_shared>>
      tpu.enqueue_dma source(%arg6 : memref<632x128xf32, #tpu.memory_space<hbm>>) target(%dma_start3A_10 : memref<632x128xf32, #tpu.memory_space<vmem_shared>>) target_semaphore(%run_scoped3A : memref<!tpu.dma_semaphore, #tpu.memory_space<semaphore_mem>>)
      %dma_wait3A = arith.constant 0 : i32
      %dma_wait3A_11 = tpu.memref_slice %arg8[%mul3A_0, %dma_wait3A] : memref<10112x128xf32, #tpu.memory_space<vmem_shared>> -> memref<632x128xf32, #tpu.memory_space<vmem_shared>>
      tpu.wait_dma2 semaphore(%run_scoped3A : memref<!tpu.dma_semaphore, #tpu.memory_space<semaphore_mem>>) src(%arg6 : memref<632x128xf32, #tpu.memory_space<hbm>>) dst(%dma_wait3A_11 : memref<632x128xf32, #tpu.memory_space<vmem_shared>>)
      tpu.yield
    }) : () -> ()
    %eq3A = arith.constant 0 : i32
    %eq3A_3 = arith.cmpi eq, %arg0, %eq3A : i32
    %convert_element_type3A = arith.extui %eq3A_3 : i1 to i32
    %cond3A = arith.constant 0 : i32
    %cond3A_4 = arith.cmpi ne, %convert_element_type3A, %cond3A : i32
    scf.if %cond3A_4 {
      "tpu.region"() ({
        %run_scoped3A = tpu.sem_alloc : memref<!tpu.dma_semaphore, #tpu.memory_space<semaphore_mem>>
        %dma_start3A = arith.constant 0 : i32
        %dma_start3A_16 = arith.constant 0 : i32
        %dma_start3A_17 = tpu.memref_slice %arg4[%mul3A_2, %dma_start3A, %dma_start3A_16] : memref<1344x2x128xi32, #tpu.memory_space<hbm>> -> memref<3x2x128xi32, #tpu.memory_space<hbm>>
        %dma_start3A_18 = arith.constant 0 : i32
        %dma_start3A_19 = arith.constant 0 : i32
        %dma_start3A_20 = tpu.memref_slice %arg4[%mul3A_2, %dma_start3A_18, %dma_start3A_19] : memref<1344x2x128xi32, #tpu.memory_space<hbm>> -> memref<3x2x128xi32, #tpu.memory_space<hbm>>
        tpu.enqueue_dma source(%dma_start3A_20 : memref<3x2x128xi32, #tpu.memory_space<hbm>>) target(%arg9 : memref<3x2x128xi32, #tpu.memory_space<vmem>>) target_semaphore(%run_scoped3A : memref<!tpu.dma_semaphore, #tpu.memory_space<semaphore_mem>>)
        %dma_wait3A = arith.constant 0 : i32
        %dma_wait3A_21 = arith.constant 0 : i32
        %dma_wait3A_22 = tpu.memref_slice %arg4[%mul3A_2, %dma_wait3A, %dma_wait3A_21] : memref<1344x2x128xi32, #tpu.memory_space<hbm>> -> memref<3x2x128xi32, #tpu.memory_space<hbm>>
        %dma_wait3A_23 = arith.constant 0 : i32
        %dma_wait3A_24 = arith.constant 0 : i32
        %dma_wait3A_25 = tpu.memref_slice %arg4[%mul3A_2, %dma_wait3A_23, %dma_wait3A_24] : memref<1344x2x128xi32, #tpu.memory_space<hbm>> -> memref<3x2x128xi32, #tpu.memory_space<hbm>>
        tpu.wait_dma2 semaphore(%run_scoped3A : memref<!tpu.dma_semaphore, #tpu.memory_space<semaphore_mem>>) src(%dma_wait3A_25 : memref<3x2x128xi32, #tpu.memory_space<hbm>>) dst(%arg9 : memref<3x2x128xi32, #tpu.memory_space<vmem>>)
        tpu.yield
      }) : () -> ()
      %barrier3A_10 = arith.constant 0 : index
      tpu.barrier barrier_id(%barrier3A_10)
      %scan3A = arith.constant 0 : i32
      %scan3A_11 = arith.constant 0 : i32
      %scan3A_12 = arith.constant 28 : i32
      %scan3A_13 = arith.addi %scan3A_11, %scan3A_12 : i32
      %scan3A_14 = arith.constant 1 : i32
      scf.for %scan3A_16 = %scan3A_11 to %scan3A_13 step %scan3A_14  : i32 {
        %gt3A = arith.constant 0 : i32
        %gt3A_17 = arith.cmpi sgt, %scan3A_16, %gt3A : i32
        %convert_element_type3A_18 = arith.extui %gt3A_17 : i1 to i32
        %cond3A_19 = arith.constant 0 : i32
        %cond3A_20 = arith.cmpi ne, %convert_element_type3A_18, %cond3A_19 : i32
        scf.if %cond3A_20 {
          %dma_wait3A_119 = arith.constant 0 : i32
          %dma_wait3A_120 = arith.constant 0 : i32
          %dma_wait3A_121 = tpu.memref_slice %arg4[%mul3A_2, %dma_wait3A_119, %dma_wait3A_120] : memref<1344x2x128xi32, #tpu.memory_space<hbm>> -> memref<3x2x128xi32, #tpu.memory_space<hbm>>
          %dma_wait3A_122 = arith.constant 0 : i32
          %dma_wait3A_123 = arith.constant 0 : i32
          %dma_wait3A_124 = tpu.memref_slice %arg4[%mul3A_2, %dma_wait3A_122, %dma_wait3A_123] : memref<1344x2x128xi32, #tpu.memory_space<hbm>> -> memref<3x2x128xi32, #tpu.memory_space<hbm>>
          tpu.wait_dma2 semaphore(%arg19 : memref<!tpu.dma_semaphore, #tpu.memory_space<semaphore_mem>>) src(%dma_wait3A_124 : memref<3x2x128xi32, #tpu.memory_space<hbm>>) dst(%arg9 : memref<3x2x128xi32, #tpu.memory_space<vmem>>)
        } else {
        }
        %dma_start3A = arith.constant 0 : i32
        %dma_start3A_21 = arith.constant 0 : i32
        %dma_start3A_22 = arith.constant 0 : i32
        %dma_start3A_23 = tpu.memref_slice %arg9[%dma_start3A, %dma_start3A_21, %dma_start3A_22] : memref<3x2x128xi32, #tpu.memory_space<vmem>> -> memref<1x1x128xi32, #tpu.memory_space<vmem>>
        %dma_start3A_24 = tpu.memref_squeeze %dma_start3A_23 : memref<1x1x128xi32, #tpu.memory_space<vmem>> -> memref<128xi32, #tpu.memory_space<vmem>>
        %dma_start3A_25 = arith.constant 0 : i32
        %dma_start3A_26 = arith.constant 0 : i32
        %dma_start3A_27 = tpu.memref_slice %arg2[%dma_start3A_25, %dma_start3A_26] : memref<10000x128xf32, #tpu.memory_space<hbm>> -> memref<10000x128xf32, #tpu.memory_space<hbm>>
        tpu.enqueue_indirect_dma source(%dma_start3A_27 : memref<10000x128xf32, #tpu.memory_space<hbm>>) target(%arg10 : memref<128x128xf32, #tpu.memory_space<vmem>>) offsets(%dma_start3A_24 : memref<128xi32, #tpu.memory_space<vmem>>) semaphore(%arg13 : memref<!tpu.dma_semaphore, #tpu.memory_space<semaphore_mem>>)
        %dma_start3A_28 = arith.constant 1 : i32
        %dma_start3A_29 = arith.constant 0 : i32
        %dma_start3A_30 = arith.constant 0 : i32
        %dma_start3A_31 = tpu.memref_slice %arg9[%dma_start3A_28, %dma_start3A_29, %dma_start3A_30] : memref<3x2x128xi32, #tpu.memory_space<vmem>> -> memref<1x1x128xi32, #tpu.memory_space<vmem>>
        %dma_start3A_32 = tpu.memref_squeeze %dma_start3A_31 : memref<1x1x128xi32, #tpu.memory_space<vmem>> -> memref<128xi32, #tpu.memory_space<vmem>>
        %dma_start3A_33 = arith.constant 0 : i32
        %dma_start3A_34 = arith.constant 0 : i32
        %dma_start3A_35 = tpu.memref_slice %arg2[%dma_start3A_33, %dma_start3A_34] : memref<10000x128xf32, #tpu.memory_space<hbm>> -> memref<10000x128xf32, #tpu.memory_space<hbm>>
        tpu.enqueue_indirect_dma source(%dma_start3A_35 : memref<10000x128xf32, #tpu.memory_space<hbm>>) target(%arg11 : memref<128x128xf32, #tpu.memory_space<vmem>>) offsets(%dma_start3A_32 : memref<128xi32, #tpu.memory_space<vmem>>) semaphore(%arg14 : memref<!tpu.dma_semaphore, #tpu.memory_space<semaphore_mem>>)
        %dma_start3A_36 = arith.constant 2 : i32
        %dma_start3A_37 = arith.constant 0 : i32
        %dma_start3A_38 = arith.constant 0 : i32
        %dma_start3A_39 = tpu.memref_slice %arg9[%dma_start3A_36, %dma_start3A_37, %dma_start3A_38] : memref<3x2x128xi32, #tpu.memory_space<vmem>> -> memref<1x1x128xi32, #tpu.memory_space<vmem>>
        %dma_start3A_40 = tpu.memref_squeeze %dma_start3A_39 : memref<1x1x128xi32, #tpu.memory_space<vmem>> -> memref<128xi32, #tpu.memory_space<vmem>>
        %dma_start3A_41 = arith.constant 0 : i32
        %dma_start3A_42 = arith.constant 0 : i32
        %dma_start3A_43 = tpu.memref_slice %arg2[%dma_start3A_41, %dma_start3A_42] : memref<10000x128xf32, #tpu.memory_space<hbm>> -> memref<10000x128xf32, #tpu.memory_space<hbm>>
        tpu.enqueue_indirect_dma source(%dma_start3A_43 : memref<10000x128xf32, #tpu.memory_space<hbm>>) target(%arg12 : memref<128x128xf32, #tpu.memory_space<vmem>>) offsets(%dma_start3A_40 : memref<128xi32, #tpu.memory_space<vmem>>) semaphore(%arg15 : memref<!tpu.dma_semaphore, #tpu.memory_space<semaphore_mem>>)
        %dma_wait3A = arith.constant 0 : i32
        %dma_wait3A_44 = arith.constant 0 : i32
        %dma_wait3A_45 = arith.constant 0 : i32
        %dma_wait3A_46 = tpu.memref_slice %arg9[%dma_wait3A, %dma_wait3A_44, %dma_wait3A_45] : memref<3x2x128xi32, #tpu.memory_space<vmem>> -> memref<1x1x128xi32, #tpu.memory_space<vmem>>
        %dma_wait3A_47 = tpu.memref_squeeze %dma_wait3A_46 : memref<1x1x128xi32, #tpu.memory_space<vmem>> -> memref<128xi32, #tpu.memory_space<vmem>>
        %dma_wait3A_48 = arith.constant 0 : i32
        %dma_wait3A_49 = arith.constant 0 : i32
        %dma_wait3A_50 = tpu.memref_slice %arg2[%dma_wait3A_48, %dma_wait3A_49] : memref<10000x128xf32, #tpu.memory_space<hbm>> -> memref<10000x128xf32, #tpu.memory_space<hbm>>
        tpu.wait_indirect_dma semaphore(%arg13 : memref<!tpu.dma_semaphore, #tpu.memory_space<semaphore_mem>>) src(%dma_wait3A_50 : memref<10000x128xf32, #tpu.memory_space<hbm>>) dst(%arg10 : memref<128x128xf32, #tpu.memory_space<vmem>>)
        %dma_start3A_51 = arith.constant 0 : i32
        %dma_start3A_52 = arith.constant 1 : i32
        %dma_start3A_53 = arith.constant 0 : i32
        %dma_start3A_54 = tpu.memref_slice %arg9[%dma_start3A_51, %dma_start3A_52, %dma_start3A_53] : memref<3x2x128xi32, #tpu.memory_space<vmem>> -> memref<1x1x128xi32, #tpu.memory_space<vmem>>
        %dma_start3A_55 = tpu.memref_squeeze %dma_start3A_54 : memref<1x1x128xi32, #tpu.memory_space<vmem>> -> memref<128xi32, #tpu.memory_space<vmem>>
        %dma_start3A_56 = arith.constant 0 : i32
        %dma_start3A_57 = arith.constant 0 : i32
        %dma_start3A_58 = tpu.memref_slice %arg8[%dma_start3A_56, %dma_start3A_57] : memref<10112x128xf32, #tpu.memory_space<vmem_shared>> -> memref<10112x128xf32, #tpu.memory_space<vmem_shared>>
        tpu.enqueue_indirect_dma source(%arg10 : memref<128x128xf32, #tpu.memory_space<vmem>>) target(%dma_start3A_58 : memref<10112x128xf32, #tpu.memory_space<vmem_shared>>) offsets(%dma_start3A_55 : memref<128xi32, #tpu.memory_space<vmem>>) semaphore(%arg16 : memref<!tpu.dma_semaphore, #tpu.memory_space<semaphore_mem>>) {add = true}
        %dma_wait3A_59 = arith.constant 1 : i32
        %dma_wait3A_60 = arith.constant 0 : i32
        %dma_wait3A_61 = arith.constant 0 : i32
        %dma_wait3A_62 = tpu.memref_slice %arg9[%dma_wait3A_59, %dma_wait3A_60, %dma_wait3A_61] : memref<3x2x128xi32, #tpu.memory_space<vmem>> -> memref<1x1x128xi32, #tpu.memory_space<vmem>>
        %dma_wait3A_63 = tpu.memref_squeeze %dma_wait3A_62 : memref<1x1x128xi32, #tpu.memory_space<vmem>> -> memref<128xi32, #tpu.memory_space<vmem>>
        %dma_wait3A_64 = arith.constant 0 : i32
        %dma_wait3A_65 = arith.constant 0 : i32
        %dma_wait3A_66 = tpu.memref_slice %arg2[%dma_wait3A_64, %dma_wait3A_65] : memref<10000x128xf32, #tpu.memory_space<hbm>> -> memref<10000x128xf32, #tpu.memory_space<hbm>>
        tpu.wait_indirect_dma semaphore(%arg14 : memref<!tpu.dma_semaphore, #tpu.memory_space<semaphore_mem>>) src(%dma_wait3A_66 : memref<10000x128xf32, #tpu.memory_space<hbm>>) dst(%arg11 : memref<128x128xf32, #tpu.memory_space<vmem>>)
        %dma_start3A_67 = arith.constant 1 : i32
        %dma_start3A_68 = arith.constant 1 : i32
        %dma_start3A_69 = arith.constant 0 : i32
        %dma_start3A_70 = tpu.memref_slice %arg9[%dma_start3A_67, %dma_start3A_68, %dma_start3A_69] : memref<3x2x128xi32, #tpu.memory_space<vmem>> -> memref<1x1x128xi32, #tpu.memory_space<vmem>>
        %dma_start3A_71 = tpu.memref_squeeze %dma_start3A_70 : memref<1x1x128xi32, #tpu.memory_space<vmem>> -> memref<128xi32, #tpu.memory_space<vmem>>
        %dma_start3A_72 = arith.constant 0 : i32
        %dma_start3A_73 = arith.constant 0 : i32
        %dma_start3A_74 = tpu.memref_slice %arg8[%dma_start3A_72, %dma_start3A_73] : memref<10112x128xf32, #tpu.memory_space<vmem_shared>> -> memref<10112x128xf32, #tpu.memory_space<vmem_shared>>
        tpu.enqueue_indirect_dma source(%arg11 : memref<128x128xf32, #tpu.memory_space<vmem>>) target(%dma_start3A_74 : memref<10112x128xf32, #tpu.memory_space<vmem_shared>>) offsets(%dma_start3A_71 : memref<128xi32, #tpu.memory_space<vmem>>) semaphore(%arg17 : memref<!tpu.dma_semaphore, #tpu.memory_space<semaphore_mem>>) {add = true}
        %dma_wait3A_75 = arith.constant 2 : i32
        %dma_wait3A_76 = arith.constant 0 : i32
        %dma_wait3A_77 = arith.constant 0 : i32
        %dma_wait3A_78 = tpu.memref_slice %arg9[%dma_wait3A_75, %dma_wait3A_76, %dma_wait3A_77] : memref<3x2x128xi32, #tpu.memory_space<vmem>> -> memref<1x1x128xi32, #tpu.memory_space<vmem>>
        %dma_wait3A_79 = tpu.memref_squeeze %dma_wait3A_78 : memref<1x1x128xi32, #tpu.memory_space<vmem>> -> memref<128xi32, #tpu.memory_space<vmem>>
        %dma_wait3A_80 = arith.constant 0 : i32
        %dma_wait3A_81 = arith.constant 0 : i32
        %dma_wait3A_82 = tpu.memref_slice %arg2[%dma_wait3A_80, %dma_wait3A_81] : memref<10000x128xf32, #tpu.memory_space<hbm>> -> memref<10000x128xf32, #tpu.memory_space<hbm>>
        tpu.wait_indirect_dma semaphore(%arg15 : memref<!tpu.dma_semaphore, #tpu.memory_space<semaphore_mem>>) src(%dma_wait3A_82 : memref<10000x128xf32, #tpu.memory_space<hbm>>) dst(%arg12 : memref<128x128xf32, #tpu.memory_space<vmem>>)
        %dma_start3A_83 = arith.constant 2 : i32
        %dma_start3A_84 = arith.constant 1 : i32
        %dma_start3A_85 = arith.constant 0 : i32
        %dma_start3A_86 = tpu.memref_slice %arg9[%dma_start3A_83, %dma_start3A_84, %dma_start3A_85] : memref<3x2x128xi32, #tpu.memory_space<vmem>> -> memref<1x1x128xi32, #tpu.memory_space<vmem>>
        %dma_start3A_87 = tpu.memref_squeeze %dma_start3A_86 : memref<1x1x128xi32, #tpu.memory_space<vmem>> -> memref<128xi32, #tpu.memory_space<vmem>>
        %dma_start3A_88 = arith.constant 0 : i32
        %dma_start3A_89 = arith.constant 0 : i32
        %dma_start3A_90 = tpu.memref_slice %arg8[%dma_start3A_88, %dma_start3A_89] : memref<10112x128xf32, #tpu.memory_space<vmem_shared>> -> memref<10112x128xf32, #tpu.memory_space<vmem_shared>>
        tpu.enqueue_indirect_dma source(%arg12 : memref<128x128xf32, #tpu.memory_space<vmem>>) target(%dma_start3A_90 : memref<10112x128xf32, #tpu.memory_space<vmem_shared>>) offsets(%dma_start3A_87 : memref<128xi32, #tpu.memory_space<vmem>>) semaphore(%arg18 : memref<!tpu.dma_semaphore, #tpu.memory_space<semaphore_mem>>) {add = true}
        %dma_wait3A_91 = arith.constant 0 : i32
        %dma_wait3A_92 = arith.constant 1 : i32
        %dma_wait3A_93 = arith.constant 0 : i32
        %dma_wait3A_94 = tpu.memref_slice %arg9[%dma_wait3A_91, %dma_wait3A_92, %dma_wait3A_93] : memref<3x2x128xi32, #tpu.memory_space<vmem>> -> memref<1x1x128xi32, #tpu.memory_space<vmem>>
        %dma_wait3A_95 = tpu.memref_squeeze %dma_wait3A_94 : memref<1x1x128xi32, #tpu.memory_space<vmem>> -> memref<128xi32, #tpu.memory_space<vmem>>
        %dma_wait3A_96 = arith.constant 0 : i32
        %dma_wait3A_97 = arith.constant 0 : i32
        %dma_wait3A_98 = tpu.memref_slice %arg8[%dma_wait3A_96, %dma_wait3A_97] : memref<10112x128xf32, #tpu.memory_space<vmem_shared>> -> memref<10112x128xf32, #tpu.memory_space<vmem_shared>>
        tpu.wait_indirect_dma semaphore(%arg16 : memref<!tpu.dma_semaphore, #tpu.memory_space<semaphore_mem>>) src(%arg10 : memref<128x128xf32, #tpu.memory_space<vmem>>) dst(%dma_wait3A_98 : memref<10112x128xf32, #tpu.memory_space<vmem_shared>>)
        %dma_wait3A_99 = arith.constant 1 : i32
        %dma_wait3A_100 = arith.constant 1 : i32
        %dma_wait3A_101 = arith.constant 0 : i32
        %dma_wait3A_102 = tpu.memref_slice %arg9[%dma_wait3A_99, %dma_wait3A_100, %dma_wait3A_101] : memref<3x2x128xi32, #tpu.memory_space<vmem>> -> memref<1x1x128xi32, #tpu.memory_space<vmem>>
        %dma_wait3A_103 = tpu.memref_squeeze %dma_wait3A_102 : memref<1x1x128xi32, #tpu.memory_space<vmem>> -> memref<128xi32, #tpu.memory_space<vmem>>
        %dma_wait3A_104 = arith.constant 0 : i32
        %dma_wait3A_105 = arith.constant 0 : i32
        %dma_wait3A_106 = tpu.memref_slice %arg8[%dma_wait3A_104, %dma_wait3A_105] : memref<10112x128xf32, #tpu.memory_space<vmem_shared>> -> memref<10112x128xf32, #tpu.memory_space<vmem_shared>>
        tpu.wait_indirect_dma semaphore(%arg17 : memref<!tpu.dma_semaphore, #tpu.memory_space<semaphore_mem>>) src(%arg11 : memref<128x128xf32, #tpu.memory_space<vmem>>) dst(%dma_wait3A_106 : memref<10112x128xf32, #tpu.memory_space<vmem_shared>>)
        %dma_wait3A_107 = arith.constant 2 : i32
        %dma_wait3A_108 = arith.constant 1 : i32
        %dma_wait3A_109 = arith.constant 0 : i32
        %dma_wait3A_110 = tpu.memref_slice %arg9[%dma_wait3A_107, %dma_wait3A_108, %dma_wait3A_109] : memref<3x2x128xi32, #tpu.memory_space<vmem>> -> memref<1x1x128xi32, #tpu.memory_space<vmem>>
        %dma_wait3A_111 = tpu.memref_squeeze %dma_wait3A_110 : memref<1x1x128xi32, #tpu.memory_space<vmem>> -> memref<128xi32, #tpu.memory_space<vmem>>
        %dma_wait3A_112 = arith.constant 0 : i32
        %dma_wait3A_113 = arith.constant 0 : i32
        %dma_wait3A_114 = tpu.memref_slice %arg8[%dma_wait3A_112, %dma_wait3A_113] : memref<10112x128xf32, #tpu.memory_space<vmem_shared>> -> memref<10112x128xf32, #tpu.memory_space<vmem_shared>>
        tpu.wait_indirect_dma semaphore(%arg18 : memref<!tpu.dma_semaphore, #tpu.memory_space<semaphore_mem>>) src(%arg12 : memref<128x128xf32, #tpu.memory_space<vmem>>) dst(%dma_wait3A_114 : memref<10112x128xf32, #tpu.memory_space<vmem_shared>>)
        %lt3A = arith.constant 27 : i32
        %lt3A_115 = arith.cmpi slt, %scan3A_16, %lt3A : i32
        %convert_element_type3A_116 = arith.extui %lt3A_115 : i1 to i32
        %cond3A_117 = arith.constant 0 : i32
        %cond3A_118 = arith.cmpi ne, %convert_element_type3A_116, %cond3A_117 : i32
        scf.if %cond3A_118 {
          %add3A = arith.constant 1 : i32
          %add3A_119 = arith.addi %scan3A_16, %add3A : i32
          %mul3A_120 = arith.constant 3 : i32
          %mul3A_121 = arith.muli %add3A_119, %mul3A_120 : i32
          %add3A_122 = arith.addi %mul3A_2, %mul3A_121 : i32
          %dma_start3A_123 = arith.constant 0 : i32
          %dma_start3A_124 = arith.constant 0 : i32
          %dma_start3A_125 = tpu.memref_slice %arg4[%add3A_122, %dma_start3A_123, %dma_start3A_124] : memref<1344x2x128xi32, #tpu.memory_space<hbm>> -> memref<3x2x128xi32, #tpu.memory_space<hbm>>
          %dma_start3A_126 = arith.constant 0 : i32
          %dma_start3A_127 = arith.constant 0 : i32
          %dma_start3A_128 = tpu.memref_slice %arg4[%add3A_122, %dma_start3A_126, %dma_start3A_127] : memref<1344x2x128xi32, #tpu.memory_space<hbm>> -> memref<3x2x128xi32, #tpu.memory_space<hbm>>
          tpu.enqueue_dma source(%dma_start3A_128 : memref<3x2x128xi32, #tpu.memory_space<hbm>>) target(%arg9 : memref<3x2x128xi32, #tpu.memory_space<vmem>>) target_semaphore(%arg19 : memref<!tpu.dma_semaphore, #tpu.memory_space<semaphore_mem>>)
        } else {
        }
      }
      %scan3A_15 = arith.constant 28 : i32
    } else {
    }
    %eq3A_5 = arith.constant 1 : i32
    %eq3A_6 = arith.cmpi eq, %arg0, %eq3A_5 : i32
    %convert_element_type3A_7 = arith.extui %eq3A_6 : i1 to i32
    %cond3A_8 = arith.constant 0 : i32
    %cond3A_9 = arith.cmpi ne, %convert_element_type3A_7, %cond3A_8 : i32
    scf.if %cond3A_9 {
      "tpu.region"() ({
        %run_scoped3A = tpu.sem_alloc : memref<!tpu.dma_semaphore, #tpu.memory_space<semaphore_mem>>
        %dma_start3A = arith.constant 0 : i32
        %dma_start3A_16 = arith.constant 0 : i32
        %dma_start3A_17 = tpu.memref_slice %arg5[%mul3A_2, %dma_start3A, %dma_start3A_16] : memref<1344x2x128xi32, #tpu.memory_space<hbm>> -> memref<3x2x128xi32, #tpu.memory_space<hbm>>
        %dma_start3A_18 = arith.constant 0 : i32
        %dma_start3A_19 = arith.constant 0 : i32
        %dma_start3A_20 = tpu.memref_slice %arg5[%mul3A_2, %dma_start3A_18, %dma_start3A_19] : memref<1344x2x128xi32, #tpu.memory_space<hbm>> -> memref<3x2x128xi32, #tpu.memory_space<hbm>>
        tpu.enqueue_dma source(%dma_start3A_20 : memref<3x2x128xi32, #tpu.memory_space<hbm>>) target(%arg9 : memref<3x2x128xi32, #tpu.memory_space<vmem>>) target_semaphore(%run_scoped3A : memref<!tpu.dma_semaphore, #tpu.memory_space<semaphore_mem>>)
        %dma_wait3A = arith.constant 0 : i32
        %dma_wait3A_21 = arith.constant 0 : i32
        %dma_wait3A_22 = tpu.memref_slice %arg5[%mul3A_2, %dma_wait3A, %dma_wait3A_21] : memref<1344x2x128xi32, #tpu.memory_space<hbm>> -> memref<3x2x128xi32, #tpu.memory_space<hbm>>
        %dma_wait3A_23 = arith.constant 0 : i32
        %dma_wait3A_24 = arith.constant 0 : i32
        %dma_wait3A_25 = tpu.memref_slice %arg5[%mul3A_2, %dma_wait3A_23, %dma_wait3A_24] : memref<1344x2x128xi32, #tpu.memory_space<hbm>> -> memref<3x2x128xi32, #tpu.memory_space<hbm>>
        tpu.wait_dma2 semaphore(%run_scoped3A : memref<!tpu.dma_semaphore, #tpu.memory_space<semaphore_mem>>) src(%dma_wait3A_25 : memref<3x2x128xi32, #tpu.memory_space<hbm>>) dst(%arg9 : memref<3x2x128xi32, #tpu.memory_space<vmem>>)
        tpu.yield
      }) : () -> ()
      %barrier3A_10 = arith.constant 0 : index
      tpu.barrier barrier_id(%barrier3A_10)
      %scan3A = arith.constant 0 : i32
      %scan3A_11 = arith.constant 0 : i32
      %scan3A_12 = arith.constant 28 : i32
      %scan3A_13 = arith.addi %scan3A_11, %scan3A_12 : i32
      %scan3A_14 = arith.constant 1 : i32
      scf.for %scan3A_16 = %scan3A_11 to %scan3A_13 step %scan3A_14  : i32 {
        %gt3A = arith.constant 0 : i32
        %gt3A_17 = arith.cmpi sgt, %scan3A_16, %gt3A : i32
        %convert_element_type3A_18 = arith.extui %gt3A_17 : i1 to i32
        %cond3A_19 = arith.constant 0 : i32
        %cond3A_20 = arith.cmpi ne, %convert_element_type3A_18, %cond3A_19 : i32
        scf.if %cond3A_20 {
          %dma_wait3A_119 = arith.constant 0 : i32
          %dma_wait3A_120 = arith.constant 0 : i32
          %dma_wait3A_121 = tpu.memref_slice %arg5[%mul3A_2, %dma_wait3A_119, %dma_wait3A_120] : memref<1344x2x128xi32, #tpu.memory_space<hbm>> -> memref<3x2x128xi32, #tpu.memory_space<hbm>>
          %dma_wait3A_122 = arith.constant 0 : i32
          %dma_wait3A_123 = arith.constant 0 : i32
          %dma_wait3A_124 = tpu.memref_slice %arg5[%mul3A_2, %dma_wait3A_122, %dma_wait3A_123] : memref<1344x2x128xi32, #tpu.memory_space<hbm>> -> memref<3x2x128xi32, #tpu.memory_space<hbm>>
          tpu.wait_dma2 semaphore(%arg19 : memref<!tpu.dma_semaphore, #tpu.memory_space<semaphore_mem>>) src(%dma_wait3A_124 : memref<3x2x128xi32, #tpu.memory_space<hbm>>) dst(%arg9 : memref<3x2x128xi32, #tpu.memory_space<vmem>>)
        } else {
        }
        %dma_start3A = arith.constant 0 : i32
        %dma_start3A_21 = arith.constant 0 : i32
        %dma_start3A_22 = arith.constant 0 : i32
        %dma_start3A_23 = tpu.memref_slice %arg9[%dma_start3A, %dma_start3A_21, %dma_start3A_22] : memref<3x2x128xi32, #tpu.memory_space<vmem>> -> memref<1x1x128xi32, #tpu.memory_space<vmem>>
        %dma_start3A_24 = tpu.memref_squeeze %dma_start3A_23 : memref<1x1x128xi32, #tpu.memory_space<vmem>> -> memref<128xi32, #tpu.memory_space<vmem>>
        %dma_start3A_25 = arith.constant 0 : i32
        %dma_start3A_26 = arith.constant 0 : i32
        %dma_start3A_27 = tpu.memref_slice %arg3[%dma_start3A_25, %dma_start3A_26] : memref<10000x128xf32, #tpu.memory_space<hbm>> -> memref<10000x128xf32, #tpu.memory_space<hbm>>
        tpu.enqueue_indirect_dma source(%dma_start3A_27 : memref<10000x128xf32, #tpu.memory_space<hbm>>) target(%arg10 : memref<128x128xf32, #tpu.memory_space<vmem>>) offsets(%dma_start3A_24 : memref<128xi32, #tpu.memory_space<vmem>>) semaphore(%arg13 : memref<!tpu.dma_semaphore, #tpu.memory_space<semaphore_mem>>)
        %dma_start3A_28 = arith.constant 1 : i32
        %dma_start3A_29 = arith.constant 0 : i32
        %dma_start3A_30 = arith.constant 0 : i32
        %dma_start3A_31 = tpu.memref_slice %arg9[%dma_start3A_28, %dma_start3A_29, %dma_start3A_30] : memref<3x2x128xi32, #tpu.memory_space<vmem>> -> memref<1x1x128xi32, #tpu.memory_space<vmem>>
        %dma_start3A_32 = tpu.memref_squeeze %dma_start3A_31 : memref<1x1x128xi32, #tpu.memory_space<vmem>> -> memref<128xi32, #tpu.memory_space<vmem>>
        %dma_start3A_33 = arith.constant 0 : i32
        %dma_start3A_34 = arith.constant 0 : i32
        %dma_start3A_35 = tpu.memref_slice %arg3[%dma_start3A_33, %dma_start3A_34] : memref<10000x128xf32, #tpu.memory_space<hbm>> -> memref<10000x128xf32, #tpu.memory_space<hbm>>
        tpu.enqueue_indirect_dma source(%dma_start3A_35 : memref<10000x128xf32, #tpu.memory_space<hbm>>) target(%arg11 : memref<128x128xf32, #tpu.memory_space<vmem>>) offsets(%dma_start3A_32 : memref<128xi32, #tpu.memory_space<vmem>>) semaphore(%arg14 : memref<!tpu.dma_semaphore, #tpu.memory_space<semaphore_mem>>)
        %dma_start3A_36 = arith.constant 2 : i32
        %dma_start3A_37 = arith.constant 0 : i32
        %dma_start3A_38 = arith.constant 0 : i32
        %dma_start3A_39 = tpu.memref_slice %arg9[%dma_start3A_36, %dma_start3A_37, %dma_start3A_38] : memref<3x2x128xi32, #tpu.memory_space<vmem>> -> memref<1x1x128xi32, #tpu.memory_space<vmem>>
        %dma_start3A_40 = tpu.memref_squeeze %dma_start3A_39 : memref<1x1x128xi32, #tpu.memory_space<vmem>> -> memref<128xi32, #tpu.memory_space<vmem>>
        %dma_start3A_41 = arith.constant 0 : i32
        %dma_start3A_42 = arith.constant 0 : i32
        %dma_start3A_43 = tpu.memref_slice %arg3[%dma_start3A_41, %dma_start3A_42] : memref<10000x128xf32, #tpu.memory_space<hbm>> -> memref<10000x128xf32, #tpu.memory_space<hbm>>
        tpu.enqueue_indirect_dma source(%dma_start3A_43 : memref<10000x128xf32, #tpu.memory_space<hbm>>) target(%arg12 : memref<128x128xf32, #tpu.memory_space<vmem>>) offsets(%dma_start3A_40 : memref<128xi32, #tpu.memory_space<vmem>>) semaphore(%arg15 : memref<!tpu.dma_semaphore, #tpu.memory_space<semaphore_mem>>)
        %dma_wait3A = arith.constant 0 : i32
        %dma_wait3A_44 = arith.constant 0 : i32
        %dma_wait3A_45 = arith.constant 0 : i32
        %dma_wait3A_46 = tpu.memref_slice %arg9[%dma_wait3A, %dma_wait3A_44, %dma_wait3A_45] : memref<3x2x128xi32, #tpu.memory_space<vmem>> -> memref<1x1x128xi32, #tpu.memory_space<vmem>>
        %dma_wait3A_47 = tpu.memref_squeeze %dma_wait3A_46 : memref<1x1x128xi32, #tpu.memory_space<vmem>> -> memref<128xi32, #tpu.memory_space<vmem>>
        %dma_wait3A_48 = arith.constant 0 : i32
        %dma_wait3A_49 = arith.constant 0 : i32
        %dma_wait3A_50 = tpu.memref_slice %arg3[%dma_wait3A_48, %dma_wait3A_49] : memref<10000x128xf32, #tpu.memory_space<hbm>> -> memref<10000x128xf32, #tpu.memory_space<hbm>>
        tpu.wait_indirect_dma semaphore(%arg13 : memref<!tpu.dma_semaphore, #tpu.memory_space<semaphore_mem>>) src(%dma_wait3A_50 : memref<10000x128xf32, #tpu.memory_space<hbm>>) dst(%arg10 : memref<128x128xf32, #tpu.memory_space<vmem>>)
        %dma_start3A_51 = arith.constant 0 : i32
        %dma_start3A_52 = arith.constant 1 : i32
        %dma_start3A_53 = arith.constant 0 : i32
        %dma_start3A_54 = tpu.memref_slice %arg9[%dma_start3A_51, %dma_start3A_52, %dma_start3A_53] : memref<3x2x128xi32, #tpu.memory_space<vmem>> -> memref<1x1x128xi32, #tpu.memory_space<vmem>>
        %dma_start3A_55 = tpu.memref_squeeze %dma_start3A_54 : memref<1x1x128xi32, #tpu.memory_space<vmem>> -> memref<128xi32, #tpu.memory_space<vmem>>
        %dma_start3A_56 = arith.constant 0 : i32
        %dma_start3A_57 = arith.constant 0 : i32
        %dma_start3A_58 = tpu.memref_slice %arg8[%dma_start3A_56, %dma_start3A_57] : memref<10112x128xf32, #tpu.memory_space<vmem_shared>> -> memref<10112x128xf32, #tpu.memory_space<vmem_shared>>
        tpu.enqueue_indirect_dma source(%arg10 : memref<128x128xf32, #tpu.memory_space<vmem>>) target(%dma_start3A_58 : memref<10112x128xf32, #tpu.memory_space<vmem_shared>>) offsets(%dma_start3A_55 : memref<128xi32, #tpu.memory_space<vmem>>) semaphore(%arg16 : memref<!tpu.dma_semaphore, #tpu.memory_space<semaphore_mem>>) {add = true}
        %dma_wait3A_59 = arith.constant 1 : i32
        %dma_wait3A_60 = arith.constant 0 : i32
        %dma_wait3A_61 = arith.constant 0 : i32
        %dma_wait3A_62 = tpu.memref_slice %arg9[%dma_wait3A_59, %dma_wait3A_60, %dma_wait3A_61] : memref<3x2x128xi32, #tpu.memory_space<vmem>> -> memref<1x1x128xi32, #tpu.memory_space<vmem>>
        %dma_wait3A_63 = tpu.memref_squeeze %dma_wait3A_62 : memref<1x1x128xi32, #tpu.memory_space<vmem>> -> memref<128xi32, #tpu.memory_space<vmem>>
        %dma_wait3A_64 = arith.constant 0 : i32
        %dma_wait3A_65 = arith.constant 0 : i32
        %dma_wait3A_66 = tpu.memref_slice %arg3[%dma_wait3A_64, %dma_wait3A_65] : memref<10000x128xf32, #tpu.memory_space<hbm>> -> memref<10000x128xf32, #tpu.memory_space<hbm>>
        tpu.wait_indirect_dma semaphore(%arg14 : memref<!tpu.dma_semaphore, #tpu.memory_space<semaphore_mem>>) src(%dma_wait3A_66 : memref<10000x128xf32, #tpu.memory_space<hbm>>) dst(%arg11 : memref<128x128xf32, #tpu.memory_space<vmem>>)
        %dma_start3A_67 = arith.constant 1 : i32
        %dma_start3A_68 = arith.constant 1 : i32
        %dma_start3A_69 = arith.constant 0 : i32
        %dma_start3A_70 = tpu.memref_slice %arg9[%dma_start3A_67, %dma_start3A_68, %dma_start3A_69] : memref<3x2x128xi32, #tpu.memory_space<vmem>> -> memref<1x1x128xi32, #tpu.memory_space<vmem>>
        %dma_start3A_71 = tpu.memref_squeeze %dma_start3A_70 : memref<1x1x128xi32, #tpu.memory_space<vmem>> -> memref<128xi32, #tpu.memory_space<vmem>>
        %dma_start3A_72 = arith.constant 0 : i32
        %dma_start3A_73 = arith.constant 0 : i32
        %dma_start3A_74 = tpu.memref_slice %arg8[%dma_start3A_72, %dma_start3A_73] : memref<10112x128xf32, #tpu.memory_space<vmem_shared>> -> memref<10112x128xf32, #tpu.memory_space<vmem_shared>>
        tpu.enqueue_indirect_dma source(%arg11 : memref<128x128xf32, #tpu.memory_space<vmem>>) target(%dma_start3A_74 : memref<10112x128xf32, #tpu.memory_space<vmem_shared>>) offsets(%dma_start3A_71 : memref<128xi32, #tpu.memory_space<vmem>>) semaphore(%arg17 : memref<!tpu.dma_semaphore, #tpu.memory_space<semaphore_mem>>) {add = true}
        %dma_wait3A_75 = arith.constant 2 : i32
        %dma_wait3A_76 = arith.constant 0 : i32
        %dma_wait3A_77 = arith.constant 0 : i32
        %dma_wait3A_78 = tpu.memref_slice %arg9[%dma_wait3A_75, %dma_wait3A_76, %dma_wait3A_77] : memref<3x2x128xi32, #tpu.memory_space<vmem>> -> memref<1x1x128xi32, #tpu.memory_space<vmem>>
        %dma_wait3A_79 = tpu.memref_squeeze %dma_wait3A_78 : memref<1x1x128xi32, #tpu.memory_space<vmem>> -> memref<128xi32, #tpu.memory_space<vmem>>
        %dma_wait3A_80 = arith.constant 0 : i32
        %dma_wait3A_81 = arith.constant 0 : i32
        %dma_wait3A_82 = tpu.memref_slice %arg3[%dma_wait3A_80, %dma_wait3A_81] : memref<10000x128xf32, #tpu.memory_space<hbm>> -> memref<10000x128xf32, #tpu.memory_space<hbm>>
        tpu.wait_indirect_dma semaphore(%arg15 : memref<!tpu.dma_semaphore, #tpu.memory_space<semaphore_mem>>) src(%dma_wait3A_82 : memref<10000x128xf32, #tpu.memory_space<hbm>>) dst(%arg12 : memref<128x128xf32, #tpu.memory_space<vmem>>)
        %dma_start3A_83 = arith.constant 2 : i32
        %dma_start3A_84 = arith.constant 1 : i32
        %dma_start3A_85 = arith.constant 0 : i32
        %dma_start3A_86 = tpu.memref_slice %arg9[%dma_start3A_83, %dma_start3A_84, %dma_start3A_85] : memref<3x2x128xi32, #tpu.memory_space<vmem>> -> memref<1x1x128xi32, #tpu.memory_space<vmem>>
        %dma_start3A_87 = tpu.memref_squeeze %dma_start3A_86 : memref<1x1x128xi32, #tpu.memory_space<vmem>> -> memref<128xi32, #tpu.memory_space<vmem>>
        %dma_start3A_88 = arith.constant 0 : i32
        %dma_start3A_89 = arith.constant 0 : i32
        %dma_start3A_90 = tpu.memref_slice %arg8[%dma_start3A_88, %dma_start3A_89] : memref<10112x128xf32, #tpu.memory_space<vmem_shared>> -> memref<10112x128xf32, #tpu.memory_space<vmem_shared>>
        tpu.enqueue_indirect_dma source(%arg12 : memref<128x128xf32, #tpu.memory_space<vmem>>) target(%dma_start3A_90 : memref<10112x128xf32, #tpu.memory_space<vmem_shared>>) offsets(%dma_start3A_87 : memref<128xi32, #tpu.memory_space<vmem>>) semaphore(%arg18 : memref<!tpu.dma_semaphore, #tpu.memory_space<semaphore_mem>>) {add = true}
        %dma_wait3A_91 = arith.constant 0 : i32
        %dma_wait3A_92 = arith.constant 1 : i32
        %dma_wait3A_93 = arith.constant 0 : i32
        %dma_wait3A_94 = tpu.memref_slice %arg9[%dma_wait3A_91, %dma_wait3A_92, %dma_wait3A_93] : memref<3x2x128xi32, #tpu.memory_space<vmem>> -> memref<1x1x128xi32, #tpu.memory_space<vmem>>
        %dma_wait3A_95 = tpu.memref_squeeze %dma_wait3A_94 : memref<1x1x128xi32, #tpu.memory_space<vmem>> -> memref<128xi32, #tpu.memory_space<vmem>>
        %dma_wait3A_96 = arith.constant 0 : i32
        %dma_wait3A_97 = arith.constant 0 : i32
        %dma_wait3A_98 = tpu.memref_slice %arg8[%dma_wait3A_96, %dma_wait3A_97] : memref<10112x128xf32, #tpu.memory_space<vmem_shared>> -> memref<10112x128xf32, #tpu.memory_space<vmem_shared>>
        tpu.wait_indirect_dma semaphore(%arg16 : memref<!tpu.dma_semaphore, #tpu.memory_space<semaphore_mem>>) src(%arg10 : memref<128x128xf32, #tpu.memory_space<vmem>>) dst(%dma_wait3A_98 : memref<10112x128xf32, #tpu.memory_space<vmem_shared>>)
        %dma_wait3A_99 = arith.constant 1 : i32
        %dma_wait3A_100 = arith.constant 1 : i32
        %dma_wait3A_101 = arith.constant 0 : i32
        %dma_wait3A_102 = tpu.memref_slice %arg9[%dma_wait3A_99, %dma_wait3A_100, %dma_wait3A_101] : memref<3x2x128xi32, #tpu.memory_space<vmem>> -> memref<1x1x128xi32, #tpu.memory_space<vmem>>
        %dma_wait3A_103 = tpu.memref_squeeze %dma_wait3A_102 : memref<1x1x128xi32, #tpu.memory_space<vmem>> -> memref<128xi32, #tpu.memory_space<vmem>>
        %dma_wait3A_104 = arith.constant 0 : i32
        %dma_wait3A_105 = arith.constant 0 : i32
        %dma_wait3A_106 = tpu.memref_slice %arg8[%dma_wait3A_104, %dma_wait3A_105] : memref<10112x128xf32, #tpu.memory_space<vmem_shared>> -> memref<10112x128xf32, #tpu.memory_space<vmem_shared>>
        tpu.wait_indirect_dma semaphore(%arg17 : memref<!tpu.dma_semaphore, #tpu.memory_space<semaphore_mem>>) src(%arg11 : memref<128x128xf32, #tpu.memory_space<vmem>>) dst(%dma_wait3A_106 : memref<10112x128xf32, #tpu.memory_space<vmem_shared>>)
        %dma_wait3A_107 = arith.constant 2 : i32
        %dma_wait3A_108 = arith.constant 1 : i32
        %dma_wait3A_109 = arith.constant 0 : i32
        %dma_wait3A_110 = tpu.memref_slice %arg9[%dma_wait3A_107, %dma_wait3A_108, %dma_wait3A_109] : memref<3x2x128xi32, #tpu.memory_space<vmem>> -> memref<1x1x128xi32, #tpu.memory_space<vmem>>
        %dma_wait3A_111 = tpu.memref_squeeze %dma_wait3A_110 : memref<1x1x128xi32, #tpu.memory_space<vmem>> -> memref<128xi32, #tpu.memory_space<vmem>>
        %dma_wait3A_112 = arith.constant 0 : i32
        %dma_wait3A_113 = arith.constant 0 : i32
        %dma_wait3A_114 = tpu.memref_slice %arg8[%dma_wait3A_112, %dma_wait3A_113] : memref<10112x128xf32, #tpu.memory_space<vmem_shared>> -> memref<10112x128xf32, #tpu.memory_space<vmem_shared>>
        tpu.wait_indirect_dma semaphore(%arg18 : memref<!tpu.dma_semaphore, #tpu.memory_space<semaphore_mem>>) src(%arg12 : memref<128x128xf32, #tpu.memory_space<vmem>>) dst(%dma_wait3A_114 : memref<10112x128xf32, #tpu.memory_space<vmem_shared>>)
        %lt3A = arith.constant 27 : i32
        %lt3A_115 = arith.cmpi slt, %scan3A_16, %lt3A : i32
        %convert_element_type3A_116 = arith.extui %lt3A_115 : i1 to i32
        %cond3A_117 = arith.constant 0 : i32
        %cond3A_118 = arith.cmpi ne, %convert_element_type3A_116, %cond3A_117 : i32
        scf.if %cond3A_118 {
          %add3A = arith.constant 1 : i32
          %add3A_119 = arith.addi %scan3A_16, %add3A : i32
          %mul3A_120 = arith.constant 3 : i32
          %mul3A_121 = arith.muli %add3A_119, %mul3A_120 : i32
          %add3A_122 = arith.addi %mul3A_2, %mul3A_121 : i32
          %dma_start3A_123 = arith.constant 0 : i32
          %dma_start3A_124 = arith.constant 0 : i32
          %dma_start3A_125 = tpu.memref_slice %arg5[%add3A_122, %dma_start3A_123, %dma_start3A_124] : memref<1344x2x128xi32, #tpu.memory_space<hbm>> -> memref<3x2x128xi32, #tpu.memory_space<hbm>>
          %dma_start3A_126 = arith.constant 0 : i32
          %dma_start3A_127 = arith.constant 0 : i32
          %dma_start3A_128 = tpu.memref_slice %arg5[%add3A_122, %dma_start3A_126, %dma_start3A_127] : memref<1344x2x128xi32, #tpu.memory_space<hbm>> -> memref<3x2x128xi32, #tpu.memory_space<hbm>>
          tpu.enqueue_dma source(%dma_start3A_128 : memref<3x2x128xi32, #tpu.memory_space<hbm>>) target(%arg9 : memref<3x2x128xi32, #tpu.memory_space<vmem>>) target_semaphore(%arg19 : memref<!tpu.dma_semaphore, #tpu.memory_space<semaphore_mem>>)
        } else {
        }
      }
      %scan3A_15 = arith.constant 28 : i32
    } else {
    }
    %barrier3A = arith.constant 0 : index
    tpu.barrier barrier_id(%barrier3A)
    "tpu.region"() ({
      %run_scoped3A = tpu.sem_alloc : memref<!tpu.dma_semaphore, #tpu.memory_space<semaphore_mem>>
      %dma_start3A = arith.constant 0 : i32
      %dma_start3A_10 = tpu.memref_slice %arg7[%arg0, %mul3A_0, %dma_start3A] : memref<2x10112x128xf32, #tpu.memory_space<hbm>> -> memref<1x632x128xf32, #tpu.memory_space<hbm>>
      %dma_start3A_11 = tpu.memref_squeeze %dma_start3A_10 : memref<1x632x128xf32, #tpu.memory_space<hbm>> -> memref<632x128xf32, #tpu.memory_space<hbm>>
      %dma_start3A_12 = arith.constant 0 : i32
      %dma_start3A_13 = tpu.memref_slice %arg8[%mul3A_0, %dma_start3A_12] : memref<10112x128xf32, #tpu.memory_space<vmem_shared>> -> memref<632x128xf32, #tpu.memory_space<vmem_shared>>
      tpu.enqueue_dma source(%dma_start3A_13 : memref<632x128xf32, #tpu.memory_space<vmem_shared>>) target(%dma_start3A_11 : memref<632x128xf32, #tpu.memory_space<hbm>>) target_semaphore(%run_scoped3A : memref<!tpu.dma_semaphore, #tpu.memory_space<semaphore_mem>>)
      %dma_wait3A = arith.constant 0 : i32
      %dma_wait3A_14 = tpu.memref_slice %arg7[%arg0, %mul3A_0, %dma_wait3A] : memref<2x10112x128xf32, #tpu.memory_space<hbm>> -> memref<1x632x128xf32, #tpu.memory_space<hbm>>
      %dma_wait3A_15 = tpu.memref_squeeze %dma_wait3A_14 : memref<1x632x128xf32, #tpu.memory_space<hbm>> -> memref<632x128xf32, #tpu.memory_space<hbm>>
      %dma_wait3A_16 = arith.constant 0 : i32
      %dma_wait3A_17 = tpu.memref_slice %arg8[%mul3A_0, %dma_wait3A_16] : memref<10112x128xf32, #tpu.memory_space<vmem_shared>> -> memref<632x128xf32, #tpu.memory_space<vmem_shared>>
      tpu.wait_dma2 semaphore(%run_scoped3A : memref<!tpu.dma_semaphore, #tpu.memory_space<semaphore_mem>>) src(%dma_wait3A_17 : memref<632x128xf32, #tpu.memory_space<vmem_shared>>) dst(%dma_wait3A_15 : memref<632x128xf32, #tpu.memory_space<hbm>>)
      tpu.yield
    }) : () -> ()
    return
  }
}

#map = affine_map<(d0, d1) -> (0, 0)>
#map1 = affine_map<(d0, d1) -> (0, 0, 0)>
module attributes {stable_mosaic.version = 14 : i64} {
  func.func @_pair_body(%arg0: i32, %arg1: i32, %arg2: memref<10000x128xf32, #tpu.memory_space<hbm>>, %arg3: memref<10000x128xf32, #tpu.memory_space<hbm>>, %arg4: memref<400x2x128xi32, #tpu.memory_space<hbm>>, %arg5: memref<2x51200x128xf32, #tpu.memory_space<hbm>>, %arg6: memref<2x128xi32, #tpu.memory_space<vmem>>, %arg7: memref<2x128xi32, #tpu.memory_space<vmem>>, %arg8: memref<2x128xi32, #tpu.memory_space<vmem>>, %arg9: memref<2x128xi32, #tpu.memory_space<vmem>>, %arg10: memref<2x128xi32, #tpu.memory_space<vmem>>, %arg11: memref<128x128xf32, #tpu.memory_space<vmem>>, %arg12: memref<128x128xf32, #tpu.memory_space<vmem>>, %arg13: memref<128x128xf32, #tpu.memory_space<vmem>>, %arg14: memref<128x128xf32, #tpu.memory_space<vmem>>, %arg15: memref<128x128xf32, #tpu.memory_space<vmem>>, %arg16: memref<!tpu.dma_semaphore, #tpu.memory_space<semaphore_mem>>, %arg17: memref<!tpu.dma_semaphore, #tpu.memory_space<semaphore_mem>>, %arg18: memref<!tpu.dma_semaphore, #tpu.memory_space<semaphore_mem>>, %arg19: memref<!tpu.dma_semaphore, #tpu.memory_space<semaphore_mem>>, %arg20: memref<!tpu.dma_semaphore, #tpu.memory_space<semaphore_mem>>, %arg21: memref<!tpu.dma_semaphore, #tpu.memory_space<semaphore_mem>>, %arg22: memref<!tpu.dma_semaphore, #tpu.memory_space<semaphore_mem>>, %arg23: memref<!tpu.dma_semaphore, #tpu.memory_space<semaphore_mem>>, %arg24: memref<!tpu.dma_semaphore, #tpu.memory_space<semaphore_mem>>, %arg25: memref<!tpu.dma_semaphore, #tpu.memory_space<semaphore_mem>>, %arg26: memref<!tpu.dma_semaphore, #tpu.memory_space<semaphore_mem>>) attributes {dimension_semantics = [#tpu.dimension_semantics<core_parallel>, #tpu.dimension_semantics<subcore_parallel>], iteration_bounds = array<i64: 2, 16>, scalar_prefetch = 0 : i64, scratch_operands = 21 : i64, tpu.core_type = #tpu.core_type<sc_vector_subcore>, window_params = [{transform_indices = #map}, {transform_indices = #map}, {transform_indices = #map1}, {transform_indices = #map1}]} {
    %mul3A = arith.constant 25 : i32
    %mul3A_0 = arith.muli %arg1, %mul3A : i32
    %eq3A = arith.constant 0 : i32
    %eq3A_1 = arith.cmpi eq, %arg0, %eq3A : i32
    %convert_element_type3A = arith.extui %eq3A_1 : i1 to i32
    %cond3A = arith.constant 0 : i32
    %cond3A_2 = arith.cmpi ne, %convert_element_type3A, %cond3A : i32
    scf.if %cond3A_2 {
      %scan3A = arith.constant 0 : i32
      %scan3A_8 = arith.constant 0 : i32
      %scan3A_9 = arith.constant 5 : i32
      %scan3A_10 = arith.addi %scan3A_8, %scan3A_9 : i32
      %scan3A_11 = arith.constant 1 : i32
      scf.for %scan3A_13 = %scan3A_8 to %scan3A_10 step %scan3A_11  : i32 {
        %mul3A_14 = arith.constant 5 : i32
        %mul3A_15 = arith.muli %scan3A_13, %mul3A_14 : i32
        %add3A = arith.addi %mul3A_0, %mul3A_15 : i32
        %add3A_16 = arith.constant 0 : i32
        %add3A_17 = arith.addi %add3A, %add3A_16 : i32
        %dma_start3A = arith.constant 0 : i32
        %dma_start3A_18 = arith.constant 0 : i32
        %dma_start3A_19 = tpu.memref_slice %arg4[%add3A_17, %dma_start3A, %dma_start3A_18] : memref<400x2x128xi32, #tpu.memory_space<hbm>> -> memref<1x2x128xi32, #tpu.memory_space<hbm>>
        %dma_start3A_20 = tpu.memref_squeeze %dma_start3A_19 : memref<1x2x128xi32, #tpu.memory_space<hbm>> -> memref<2x128xi32, #tpu.memory_space<hbm>>
        %dma_start3A_21 = arith.constant 0 : i32
        %dma_start3A_22 = arith.constant 0 : i32
        %dma_start3A_23 = tpu.memref_slice %arg4[%add3A_17, %dma_start3A_21, %dma_start3A_22] : memref<400x2x128xi32, #tpu.memory_space<hbm>> -> memref<1x2x128xi32, #tpu.memory_space<hbm>>
        %dma_start3A_24 = tpu.memref_squeeze %dma_start3A_23 : memref<1x2x128xi32, #tpu.memory_space<hbm>> -> memref<2x128xi32, #tpu.memory_space<hbm>>
        tpu.enqueue_dma source(%dma_start3A_24 : memref<2x128xi32, #tpu.memory_space<hbm>>) target(%arg6 : memref<2x128xi32, #tpu.memory_space<vmem>>) target_semaphore(%arg16 : memref<!tpu.dma_semaphore, #tpu.memory_space<semaphore_mem>>)
        %add3A_25 = arith.constant 1 : i32
        %add3A_26 = arith.addi %add3A, %add3A_25 : i32
        %dma_start3A_27 = arith.constant 0 : i32
        %dma_start3A_28 = arith.constant 0 : i32
        %dma_start3A_29 = tpu.memref_slice %arg4[%add3A_26, %dma_start3A_27, %dma_start3A_28] : memref<400x2x128xi32, #tpu.memory_space<hbm>> -> memref<1x2x128xi32, #tpu.memory_space<hbm>>
        %dma_start3A_30 = tpu.memref_squeeze %dma_start3A_29 : memref<1x2x128xi32, #tpu.memory_space<hbm>> -> memref<2x128xi32, #tpu.memory_space<hbm>>
        %dma_start3A_31 = arith.constant 0 : i32
        %dma_start3A_32 = arith.constant 0 : i32
        %dma_start3A_33 = tpu.memref_slice %arg4[%add3A_26, %dma_start3A_31, %dma_start3A_32] : memref<400x2x128xi32, #tpu.memory_space<hbm>> -> memref<1x2x128xi32, #tpu.memory_space<hbm>>
        %dma_start3A_34 = tpu.memref_squeeze %dma_start3A_33 : memref<1x2x128xi32, #tpu.memory_space<hbm>> -> memref<2x128xi32, #tpu.memory_space<hbm>>
        tpu.enqueue_dma source(%dma_start3A_34 : memref<2x128xi32, #tpu.memory_space<hbm>>) target(%arg7 : memref<2x128xi32, #tpu.memory_space<vmem>>) target_semaphore(%arg17 : memref<!tpu.dma_semaphore, #tpu.memory_space<semaphore_mem>>)
        %add3A_35 = arith.constant 2 : i32
        %add3A_36 = arith.addi %add3A, %add3A_35 : i32
        %dma_start3A_37 = arith.constant 0 : i32
        %dma_start3A_38 = arith.constant 0 : i32
        %dma_start3A_39 = tpu.memref_slice %arg4[%add3A_36, %dma_start3A_37, %dma_start3A_38] : memref<400x2x128xi32, #tpu.memory_space<hbm>> -> memref<1x2x128xi32, #tpu.memory_space<hbm>>
        %dma_start3A_40 = tpu.memref_squeeze %dma_start3A_39 : memref<1x2x128xi32, #tpu.memory_space<hbm>> -> memref<2x128xi32, #tpu.memory_space<hbm>>
        %dma_start3A_41 = arith.constant 0 : i32
        %dma_start3A_42 = arith.constant 0 : i32
        %dma_start3A_43 = tpu.memref_slice %arg4[%add3A_36, %dma_start3A_41, %dma_start3A_42] : memref<400x2x128xi32, #tpu.memory_space<hbm>> -> memref<1x2x128xi32, #tpu.memory_space<hbm>>
        %dma_start3A_44 = tpu.memref_squeeze %dma_start3A_43 : memref<1x2x128xi32, #tpu.memory_space<hbm>> -> memref<2x128xi32, #tpu.memory_space<hbm>>
        tpu.enqueue_dma source(%dma_start3A_44 : memref<2x128xi32, #tpu.memory_space<hbm>>) target(%arg8 : memref<2x128xi32, #tpu.memory_space<vmem>>) target_semaphore(%arg18 : memref<!tpu.dma_semaphore, #tpu.memory_space<semaphore_mem>>)
        %add3A_45 = arith.constant 3 : i32
        %add3A_46 = arith.addi %add3A, %add3A_45 : i32
        %dma_start3A_47 = arith.constant 0 : i32
        %dma_start3A_48 = arith.constant 0 : i32
        %dma_start3A_49 = tpu.memref_slice %arg4[%add3A_46, %dma_start3A_47, %dma_start3A_48] : memref<400x2x128xi32, #tpu.memory_space<hbm>> -> memref<1x2x128xi32, #tpu.memory_space<hbm>>
        %dma_start3A_50 = tpu.memref_squeeze %dma_start3A_49 : memref<1x2x128xi32, #tpu.memory_space<hbm>> -> memref<2x128xi32, #tpu.memory_space<hbm>>
        %dma_start3A_51 = arith.constant 0 : i32
        %dma_start3A_52 = arith.constant 0 : i32
        %dma_start3A_53 = tpu.memref_slice %arg4[%add3A_46, %dma_start3A_51, %dma_start3A_52] : memref<400x2x128xi32, #tpu.memory_space<hbm>> -> memref<1x2x128xi32, #tpu.memory_space<hbm>>
        %dma_start3A_54 = tpu.memref_squeeze %dma_start3A_53 : memref<1x2x128xi32, #tpu.memory_space<hbm>> -> memref<2x128xi32, #tpu.memory_space<hbm>>
        tpu.enqueue_dma source(%dma_start3A_54 : memref<2x128xi32, #tpu.memory_space<hbm>>) target(%arg9 : memref<2x128xi32, #tpu.memory_space<vmem>>) target_semaphore(%arg19 : memref<!tpu.dma_semaphore, #tpu.memory_space<semaphore_mem>>)
        %add3A_55 = arith.constant 4 : i32
        %add3A_56 = arith.addi %add3A, %add3A_55 : i32
        %dma_start3A_57 = arith.constant 0 : i32
        %dma_start3A_58 = arith.constant 0 : i32
        %dma_start3A_59 = tpu.memref_slice %arg4[%add3A_56, %dma_start3A_57, %dma_start3A_58] : memref<400x2x128xi32, #tpu.memory_space<hbm>> -> memref<1x2x128xi32, #tpu.memory_space<hbm>>
        %dma_start3A_60 = tpu.memref_squeeze %dma_start3A_59 : memref<1x2x128xi32, #tpu.memory_space<hbm>> -> memref<2x128xi32, #tpu.memory_space<hbm>>
        %dma_start3A_61 = arith.constant 0 : i32
        %dma_start3A_62 = arith.constant 0 : i32
        %dma_start3A_63 = tpu.memref_slice %arg4[%add3A_56, %dma_start3A_61, %dma_start3A_62] : memref<400x2x128xi32, #tpu.memory_space<hbm>> -> memref<1x2x128xi32, #tpu.memory_space<hbm>>
        %dma_start3A_64 = tpu.memref_squeeze %dma_start3A_63 : memref<1x2x128xi32, #tpu.memory_space<hbm>> -> memref<2x128xi32, #tpu.memory_space<hbm>>
        tpu.enqueue_dma source(%dma_start3A_64 : memref<2x128xi32, #tpu.memory_space<hbm>>) target(%arg10 : memref<2x128xi32, #tpu.memory_space<vmem>>) target_semaphore(%arg20 : memref<!tpu.dma_semaphore, #tpu.memory_space<semaphore_mem>>)
        %dma_wait3A = arith.constant 0 : i32
        %dma_wait3A_65 = arith.constant 0 : i32
        %dma_wait3A_66 = tpu.memref_slice %arg4[%add3A_17, %dma_wait3A, %dma_wait3A_65] : memref<400x2x128xi32, #tpu.memory_space<hbm>> -> memref<1x2x128xi32, #tpu.memory_space<hbm>>
        %dma_wait3A_67 = tpu.memref_squeeze %dma_wait3A_66 : memref<1x2x128xi32, #tpu.memory_space<hbm>> -> memref<2x128xi32, #tpu.memory_space<hbm>>
        %dma_wait3A_68 = arith.constant 0 : i32
        %dma_wait3A_69 = arith.constant 0 : i32
        %dma_wait3A_70 = tpu.memref_slice %arg4[%add3A_17, %dma_wait3A_68, %dma_wait3A_69] : memref<400x2x128xi32, #tpu.memory_space<hbm>> -> memref<1x2x128xi32, #tpu.memory_space<hbm>>
        %dma_wait3A_71 = tpu.memref_squeeze %dma_wait3A_70 : memref<1x2x128xi32, #tpu.memory_space<hbm>> -> memref<2x128xi32, #tpu.memory_space<hbm>>
        tpu.wait_dma2 semaphore(%arg16 : memref<!tpu.dma_semaphore, #tpu.memory_space<semaphore_mem>>) src(%dma_wait3A_71 : memref<2x128xi32, #tpu.memory_space<hbm>>) dst(%arg6 : memref<2x128xi32, #tpu.memory_space<vmem>>)
        %dma_start3A_72 = arith.constant 0 : i32
        %dma_start3A_73 = tpu.memref_slice %arg6[%arg0, %dma_start3A_72] : memref<2x128xi32, #tpu.memory_space<vmem>> -> memref<1x128xi32, #tpu.memory_space<vmem>>
        %dma_start3A_74 = tpu.memref_squeeze %dma_start3A_73 : memref<1x128xi32, #tpu.memory_space<vmem>> -> memref<128xi32, #tpu.memory_space<vmem>>
        %dma_start3A_75 = arith.constant 0 : i32
        %dma_start3A_76 = arith.constant 0 : i32
        %dma_start3A_77 = tpu.memref_slice %arg2[%dma_start3A_75, %dma_start3A_76] : memref<10000x128xf32, #tpu.memory_space<hbm>> -> memref<10000x128xf32, #tpu.memory_space<hbm>>
        tpu.enqueue_indirect_dma source(%dma_start3A_77 : memref<10000x128xf32, #tpu.memory_space<hbm>>) target(%arg11 : memref<128x128xf32, #tpu.memory_space<vmem>>) offsets(%dma_start3A_74 : memref<128xi32, #tpu.memory_space<vmem>>) semaphore(%arg21 : memref<!tpu.dma_semaphore, #tpu.memory_space<semaphore_mem>>)
        %dma_wait3A_78 = arith.constant 0 : i32
        %dma_wait3A_79 = arith.constant 0 : i32
        %dma_wait3A_80 = tpu.memref_slice %arg4[%add3A_26, %dma_wait3A_78, %dma_wait3A_79] : memref<400x2x128xi32, #tpu.memory_space<hbm>> -> memref<1x2x128xi32, #tpu.memory_space<hbm>>
        %dma_wait3A_81 = tpu.memref_squeeze %dma_wait3A_80 : memref<1x2x128xi32, #tpu.memory_space<hbm>> -> memref<2x128xi32, #tpu.memory_space<hbm>>
        %dma_wait3A_82 = arith.constant 0 : i32
        %dma_wait3A_83 = arith.constant 0 : i32
        %dma_wait3A_84 = tpu.memref_slice %arg4[%add3A_26, %dma_wait3A_82, %dma_wait3A_83] : memref<400x2x128xi32, #tpu.memory_space<hbm>> -> memref<1x2x128xi32, #tpu.memory_space<hbm>>
        %dma_wait3A_85 = tpu.memref_squeeze %dma_wait3A_84 : memref<1x2x128xi32, #tpu.memory_space<hbm>> -> memref<2x128xi32, #tpu.memory_space<hbm>>
        tpu.wait_dma2 semaphore(%arg17 : memref<!tpu.dma_semaphore, #tpu.memory_space<semaphore_mem>>) src(%dma_wait3A_85 : memref<2x128xi32, #tpu.memory_space<hbm>>) dst(%arg7 : memref<2x128xi32, #tpu.memory_space<vmem>>)
        %dma_start3A_86 = arith.constant 0 : i32
        %dma_start3A_87 = tpu.memref_slice %arg7[%arg0, %dma_start3A_86] : memref<2x128xi32, #tpu.memory_space<vmem>> -> memref<1x128xi32, #tpu.memory_space<vmem>>
        %dma_start3A_88 = tpu.memref_squeeze %dma_start3A_87 : memref<1x128xi32, #tpu.memory_space<vmem>> -> memref<128xi32, #tpu.memory_space<vmem>>
        %dma_start3A_89 = arith.constant 0 : i32
        %dma_start3A_90 = arith.constant 0 : i32
        %dma_start3A_91 = tpu.memref_slice %arg2[%dma_start3A_89, %dma_start3A_90] : memref<10000x128xf32, #tpu.memory_space<hbm>> -> memref<10000x128xf32, #tpu.memory_space<hbm>>
        tpu.enqueue_indirect_dma source(%dma_start3A_91 : memref<10000x128xf32, #tpu.memory_space<hbm>>) target(%arg12 : memref<128x128xf32, #tpu.memory_space<vmem>>) offsets(%dma_start3A_88 : memref<128xi32, #tpu.memory_space<vmem>>) semaphore(%arg22 : memref<!tpu.dma_semaphore, #tpu.memory_space<semaphore_mem>>)
        %dma_wait3A_92 = arith.constant 0 : i32
        %dma_wait3A_93 = arith.constant 0 : i32
        %dma_wait3A_94 = tpu.memref_slice %arg4[%add3A_36, %dma_wait3A_92, %dma_wait3A_93] : memref<400x2x128xi32, #tpu.memory_space<hbm>> -> memref<1x2x128xi32, #tpu.memory_space<hbm>>
        %dma_wait3A_95 = tpu.memref_squeeze %dma_wait3A_94 : memref<1x2x128xi32, #tpu.memory_space<hbm>> -> memref<2x128xi32, #tpu.memory_space<hbm>>
        %dma_wait3A_96 = arith.constant 0 : i32
        %dma_wait3A_97 = arith.constant 0 : i32
        %dma_wait3A_98 = tpu.memref_slice %arg4[%add3A_36, %dma_wait3A_96, %dma_wait3A_97] : memref<400x2x128xi32, #tpu.memory_space<hbm>> -> memref<1x2x128xi32, #tpu.memory_space<hbm>>
        %dma_wait3A_99 = tpu.memref_squeeze %dma_wait3A_98 : memref<1x2x128xi32, #tpu.memory_space<hbm>> -> memref<2x128xi32, #tpu.memory_space<hbm>>
        tpu.wait_dma2 semaphore(%arg18 : memref<!tpu.dma_semaphore, #tpu.memory_space<semaphore_mem>>) src(%dma_wait3A_99 : memref<2x128xi32, #tpu.memory_space<hbm>>) dst(%arg8 : memref<2x128xi32, #tpu.memory_space<vmem>>)
        %dma_start3A_100 = arith.constant 0 : i32
        %dma_start3A_101 = tpu.memref_slice %arg8[%arg0, %dma_start3A_100] : memref<2x128xi32, #tpu.memory_space<vmem>> -> memref<1x128xi32, #tpu.memory_space<vmem>>
        %dma_start3A_102 = tpu.memref_squeeze %dma_start3A_101 : memref<1x128xi32, #tpu.memory_space<vmem>> -> memref<128xi32, #tpu.memory_space<vmem>>
        %dma_start3A_103 = arith.constant 0 : i32
        %dma_start3A_104 = arith.constant 0 : i32
        %dma_start3A_105 = tpu.memref_slice %arg2[%dma_start3A_103, %dma_start3A_104] : memref<10000x128xf32, #tpu.memory_space<hbm>> -> memref<10000x128xf32, #tpu.memory_space<hbm>>
        tpu.enqueue_indirect_dma source(%dma_start3A_105 : memref<10000x128xf32, #tpu.memory_space<hbm>>) target(%arg13 : memref<128x128xf32, #tpu.memory_space<vmem>>) offsets(%dma_start3A_102 : memref<128xi32, #tpu.memory_space<vmem>>) semaphore(%arg23 : memref<!tpu.dma_semaphore, #tpu.memory_space<semaphore_mem>>)
        %dma_wait3A_106 = arith.constant 0 : i32
        %dma_wait3A_107 = arith.constant 0 : i32
        %dma_wait3A_108 = tpu.memref_slice %arg4[%add3A_46, %dma_wait3A_106, %dma_wait3A_107] : memref<400x2x128xi32, #tpu.memory_space<hbm>> -> memref<1x2x128xi32, #tpu.memory_space<hbm>>
        %dma_wait3A_109 = tpu.memref_squeeze %dma_wait3A_108 : memref<1x2x128xi32, #tpu.memory_space<hbm>> -> memref<2x128xi32, #tpu.memory_space<hbm>>
        %dma_wait3A_110 = arith.constant 0 : i32
        %dma_wait3A_111 = arith.constant 0 : i32
        %dma_wait3A_112 = tpu.memref_slice %arg4[%add3A_46, %dma_wait3A_110, %dma_wait3A_111] : memref<400x2x128xi32, #tpu.memory_space<hbm>> -> memref<1x2x128xi32, #tpu.memory_space<hbm>>
        %dma_wait3A_113 = tpu.memref_squeeze %dma_wait3A_112 : memref<1x2x128xi32, #tpu.memory_space<hbm>> -> memref<2x128xi32, #tpu.memory_space<hbm>>
        tpu.wait_dma2 semaphore(%arg19 : memref<!tpu.dma_semaphore, #tpu.memory_space<semaphore_mem>>) src(%dma_wait3A_113 : memref<2x128xi32, #tpu.memory_space<hbm>>) dst(%arg9 : memref<2x128xi32, #tpu.memory_space<vmem>>)
        %dma_start3A_114 = arith.constant 0 : i32
        %dma_start3A_115 = tpu.memref_slice %arg9[%arg0, %dma_start3A_114] : memref<2x128xi32, #tpu.memory_space<vmem>> -> memref<1x128xi32, #tpu.memory_space<vmem>>
        %dma_start3A_116 = tpu.memref_squeeze %dma_start3A_115 : memref<1x128xi32, #tpu.memory_space<vmem>> -> memref<128xi32, #tpu.memory_space<vmem>>
        %dma_start3A_117 = arith.constant 0 : i32
        %dma_start3A_118 = arith.constant 0 : i32
        %dma_start3A_119 = tpu.memref_slice %arg2[%dma_start3A_117, %dma_start3A_118] : memref<10000x128xf32, #tpu.memory_space<hbm>> -> memref<10000x128xf32, #tpu.memory_space<hbm>>
        tpu.enqueue_indirect_dma source(%dma_start3A_119 : memref<10000x128xf32, #tpu.memory_space<hbm>>) target(%arg14 : memref<128x128xf32, #tpu.memory_space<vmem>>) offsets(%dma_start3A_116 : memref<128xi32, #tpu.memory_space<vmem>>) semaphore(%arg24 : memref<!tpu.dma_semaphore, #tpu.memory_space<semaphore_mem>>)
        %dma_wait3A_120 = arith.constant 0 : i32
        %dma_wait3A_121 = arith.constant 0 : i32
        %dma_wait3A_122 = tpu.memref_slice %arg4[%add3A_56, %dma_wait3A_120, %dma_wait3A_121] : memref<400x2x128xi32, #tpu.memory_space<hbm>> -> memref<1x2x128xi32, #tpu.memory_space<hbm>>
        %dma_wait3A_123 = tpu.memref_squeeze %dma_wait3A_122 : memref<1x2x128xi32, #tpu.memory_space<hbm>> -> memref<2x128xi32, #tpu.memory_space<hbm>>
        %dma_wait3A_124 = arith.constant 0 : i32
        %dma_wait3A_125 = arith.constant 0 : i32
        %dma_wait3A_126 = tpu.memref_slice %arg4[%add3A_56, %dma_wait3A_124, %dma_wait3A_125] : memref<400x2x128xi32, #tpu.memory_space<hbm>> -> memref<1x2x128xi32, #tpu.memory_space<hbm>>
        %dma_wait3A_127 = tpu.memref_squeeze %dma_wait3A_126 : memref<1x2x128xi32, #tpu.memory_space<hbm>> -> memref<2x128xi32, #tpu.memory_space<hbm>>
        tpu.wait_dma2 semaphore(%arg20 : memref<!tpu.dma_semaphore, #tpu.memory_space<semaphore_mem>>) src(%dma_wait3A_127 : memref<2x128xi32, #tpu.memory_space<hbm>>) dst(%arg10 : memref<2x128xi32, #tpu.memory_space<vmem>>)
        %dma_start3A_128 = arith.constant 0 : i32
        %dma_start3A_129 = tpu.memref_slice %arg10[%arg0, %dma_start3A_128] : memref<2x128xi32, #tpu.memory_space<vmem>> -> memref<1x128xi32, #tpu.memory_space<vmem>>
        %dma_start3A_130 = tpu.memref_squeeze %dma_start3A_129 : memref<1x128xi32, #tpu.memory_space<vmem>> -> memref<128xi32, #tpu.memory_space<vmem>>
        %dma_start3A_131 = arith.constant 0 : i32
        %dma_start3A_132 = arith.constant 0 : i32
        %dma_start3A_133 = tpu.memref_slice %arg2[%dma_start3A_131, %dma_start3A_132] : memref<10000x128xf32, #tpu.memory_space<hbm>> -> memref<10000x128xf32, #tpu.memory_space<hbm>>
        tpu.enqueue_indirect_dma source(%dma_start3A_133 : memref<10000x128xf32, #tpu.memory_space<hbm>>) target(%arg15 : memref<128x128xf32, #tpu.memory_space<vmem>>) offsets(%dma_start3A_130 : memref<128xi32, #tpu.memory_space<vmem>>) semaphore(%arg25 : memref<!tpu.dma_semaphore, #tpu.memory_space<semaphore_mem>>)
        %dma_wait3A_134 = arith.constant 0 : i32
        %dma_wait3A_135 = tpu.memref_slice %arg6[%arg0, %dma_wait3A_134] : memref<2x128xi32, #tpu.memory_space<vmem>> -> memref<1x128xi32, #tpu.memory_space<vmem>>
        %dma_wait3A_136 = tpu.memref_squeeze %dma_wait3A_135 : memref<1x128xi32, #tpu.memory_space<vmem>> -> memref<128xi32, #tpu.memory_space<vmem>>
        %dma_wait3A_137 = arith.constant 0 : i32
        %dma_wait3A_138 = arith.constant 0 : i32
        %dma_wait3A_139 = tpu.memref_slice %arg2[%dma_wait3A_137, %dma_wait3A_138] : memref<10000x128xf32, #tpu.memory_space<hbm>> -> memref<10000x128xf32, #tpu.memory_space<hbm>>
        tpu.wait_indirect_dma semaphore(%arg21 : memref<!tpu.dma_semaphore, #tpu.memory_space<semaphore_mem>>) src(%dma_wait3A_139 : memref<10000x128xf32, #tpu.memory_space<hbm>>) dst(%arg11 : memref<128x128xf32, #tpu.memory_space<vmem>>)
        %add3A_140 = arith.constant 0 : i32
        %add3A_141 = arith.addi %add3A, %add3A_140 : i32
        %mul3A_142 = arith.constant 128 : i32
        %mul3A_143 = arith.muli %add3A_141, %mul3A_142 : i32
        %multiple_of3A = tpu.assume_multiple %mul3A_143, 128 : i32
        %dma_start3A_144 = arith.constant 0 : i32
        %dma_start3A_145 = tpu.memref_slice %arg5[%arg0, %multiple_of3A, %dma_start3A_144] : memref<2x51200x128xf32, #tpu.memory_space<hbm>> -> memref<1x128x128xf32, #tpu.memory_space<hbm>>
        %dma_start3A_146 = tpu.memref_squeeze %dma_start3A_145 : memref<1x128x128xf32, #tpu.memory_space<hbm>> -> memref<128x128xf32, #tpu.memory_space<hbm>>
        %dma_start3A_147 = arith.constant 0 : i32
        %dma_start3A_148 = tpu.memref_slice %arg5[%arg0, %multiple_of3A, %dma_start3A_147] : memref<2x51200x128xf32, #tpu.memory_space<hbm>> -> memref<1x128x128xf32, #tpu.memory_space<hbm>>
        %dma_start3A_149 = tpu.memref_squeeze %dma_start3A_148 : memref<1x128x128xf32, #tpu.memory_space<hbm>> -> memref<128x128xf32, #tpu.memory_space<hbm>>
        tpu.enqueue_dma source(%arg11 : memref<128x128xf32, #tpu.memory_space<vmem>>) target(%dma_start3A_149 : memref<128x128xf32, #tpu.memory_space<hbm>>) target_semaphore(%arg26 : memref<!tpu.dma_semaphore, #tpu.memory_space<semaphore_mem>>)
        %dma_wait3A_150 = arith.constant 0 : i32
        %dma_wait3A_151 = tpu.memref_slice %arg7[%arg0, %dma_wait3A_150] : memref<2x128xi32, #tpu.memory_space<vmem>> -> memref<1x128xi32, #tpu.memory_space<vmem>>
        %dma_wait3A_152 = tpu.memref_squeeze %dma_wait3A_151 : memref<1x128xi32, #tpu.memory_space<vmem>> -> memref<128xi32, #tpu.memory_space<vmem>>
        %dma_wait3A_153 = arith.constant 0 : i32
        %dma_wait3A_154 = arith.constant 0 : i32
        %dma_wait3A_155 = tpu.memref_slice %arg2[%dma_wait3A_153, %dma_wait3A_154] : memref<10000x128xf32, #tpu.memory_space<hbm>> -> memref<10000x128xf32, #tpu.memory_space<hbm>>
        tpu.wait_indirect_dma semaphore(%arg22 : memref<!tpu.dma_semaphore, #tpu.memory_space<semaphore_mem>>) src(%dma_wait3A_155 : memref<10000x128xf32, #tpu.memory_space<hbm>>) dst(%arg12 : memref<128x128xf32, #tpu.memory_space<vmem>>)
        %add3A_156 = arith.constant 1 : i32
        %add3A_157 = arith.addi %add3A, %add3A_156 : i32
        %mul3A_158 = arith.constant 128 : i32
        %mul3A_159 = arith.muli %add3A_157, %mul3A_158 : i32
        %multiple_of3A_160 = tpu.assume_multiple %mul3A_159, 128 : i32
        %dma_start3A_161 = arith.constant 0 : i32
        %dma_start3A_162 = tpu.memref_slice %arg5[%arg0, %multiple_of3A_160, %dma_start3A_161] : memref<2x51200x128xf32, #tpu.memory_space<hbm>> -> memref<1x128x128xf32, #tpu.memory_space<hbm>>
        %dma_start3A_163 = tpu.memref_squeeze %dma_start3A_162 : memref<1x128x128xf32, #tpu.memory_space<hbm>> -> memref<128x128xf32, #tpu.memory_space<hbm>>
        %dma_start3A_164 = arith.constant 0 : i32
        %dma_start3A_165 = tpu.memref_slice %arg5[%arg0, %multiple_of3A_160, %dma_start3A_164] : memref<2x51200x128xf32, #tpu.memory_space<hbm>> -> memref<1x128x128xf32, #tpu.memory_space<hbm>>
        %dma_start3A_166 = tpu.memref_squeeze %dma_start3A_165 : memref<1x128x128xf32, #tpu.memory_space<hbm>> -> memref<128x128xf32, #tpu.memory_space<hbm>>
        tpu.enqueue_dma source(%arg12 : memref<128x128xf32, #tpu.memory_space<vmem>>) target(%dma_start3A_166 : memref<128x128xf32, #tpu.memory_space<hbm>>) target_semaphore(%arg26 : memref<!tpu.dma_semaphore, #tpu.memory_space<semaphore_mem>>)
        %dma_wait3A_167 = arith.constant 0 : i32
        %dma_wait3A_168 = tpu.memref_slice %arg8[%arg0, %dma_wait3A_167] : memref<2x128xi32, #tpu.memory_space<vmem>> -> memref<1x128xi32, #tpu.memory_space<vmem>>
        %dma_wait3A_169 = tpu.memref_squeeze %dma_wait3A_168 : memref<1x128xi32, #tpu.memory_space<vmem>> -> memref<128xi32, #tpu.memory_space<vmem>>
        %dma_wait3A_170 = arith.constant 0 : i32
        %dma_wait3A_171 = arith.constant 0 : i32
        %dma_wait3A_172 = tpu.memref_slice %arg2[%dma_wait3A_170, %dma_wait3A_171] : memref<10000x128xf32, #tpu.memory_space<hbm>> -> memref<10000x128xf32, #tpu.memory_space<hbm>>
        tpu.wait_indirect_dma semaphore(%arg23 : memref<!tpu.dma_semaphore, #tpu.memory_space<semaphore_mem>>) src(%dma_wait3A_172 : memref<10000x128xf32, #tpu.memory_space<hbm>>) dst(%arg13 : memref<128x128xf32, #tpu.memory_space<vmem>>)
        %add3A_173 = arith.constant 2 : i32
        %add3A_174 = arith.addi %add3A, %add3A_173 : i32
        %mul3A_175 = arith.constant 128 : i32
        %mul3A_176 = arith.muli %add3A_174, %mul3A_175 : i32
        %multiple_of3A_177 = tpu.assume_multiple %mul3A_176, 128 : i32
        %dma_start3A_178 = arith.constant 0 : i32
        %dma_start3A_179 = tpu.memref_slice %arg5[%arg0, %multiple_of3A_177, %dma_start3A_178] : memref<2x51200x128xf32, #tpu.memory_space<hbm>> -> memref<1x128x128xf32, #tpu.memory_space<hbm>>
        %dma_start3A_180 = tpu.memref_squeeze %dma_start3A_179 : memref<1x128x128xf32, #tpu.memory_space<hbm>> -> memref<128x128xf32, #tpu.memory_space<hbm>>
        %dma_start3A_181 = arith.constant 0 : i32
        %dma_start3A_182 = tpu.memref_slice %arg5[%arg0, %multiple_of3A_177, %dma_start3A_181] : memref<2x51200x128xf32, #tpu.memory_space<hbm>> -> memref<1x128x128xf32, #tpu.memory_space<hbm>>
        %dma_start3A_183 = tpu.memref_squeeze %dma_start3A_182 : memref<1x128x128xf32, #tpu.memory_space<hbm>> -> memref<128x128xf32, #tpu.memory_space<hbm>>
        tpu.enqueue_dma source(%arg13 : memref<128x128xf32, #tpu.memory_space<vmem>>) target(%dma_start3A_183 : memref<128x128xf32, #tpu.memory_space<hbm>>) target_semaphore(%arg26 : memref<!tpu.dma_semaphore, #tpu.memory_space<semaphore_mem>>)
        %dma_wait3A_184 = arith.constant 0 : i32
        %dma_wait3A_185 = tpu.memref_slice %arg9[%arg0, %dma_wait3A_184] : memref<2x128xi32, #tpu.memory_space<vmem>> -> memref<1x128xi32, #tpu.memory_space<vmem>>
        %dma_wait3A_186 = tpu.memref_squeeze %dma_wait3A_185 : memref<1x128xi32, #tpu.memory_space<vmem>> -> memref<128xi32, #tpu.memory_space<vmem>>
        %dma_wait3A_187 = arith.constant 0 : i32
        %dma_wait3A_188 = arith.constant 0 : i32
        %dma_wait3A_189 = tpu.memref_slice %arg2[%dma_wait3A_187, %dma_wait3A_188] : memref<10000x128xf32, #tpu.memory_space<hbm>> -> memref<10000x128xf32, #tpu.memory_space<hbm>>
        tpu.wait_indirect_dma semaphore(%arg24 : memref<!tpu.dma_semaphore, #tpu.memory_space<semaphore_mem>>) src(%dma_wait3A_189 : memref<10000x128xf32, #tpu.memory_space<hbm>>) dst(%arg14 : memref<128x128xf32, #tpu.memory_space<vmem>>)
        %add3A_190 = arith.constant 3 : i32
        %add3A_191 = arith.addi %add3A, %add3A_190 : i32
        %mul3A_192 = arith.constant 128 : i32
        %mul3A_193 = arith.muli %add3A_191, %mul3A_192 : i32
        %multiple_of3A_194 = tpu.assume_multiple %mul3A_193, 128 : i32
        %dma_start3A_195 = arith.constant 0 : i32
        %dma_start3A_196 = tpu.memref_slice %arg5[%arg0, %multiple_of3A_194, %dma_start3A_195] : memref<2x51200x128xf32, #tpu.memory_space<hbm>> -> memref<1x128x128xf32, #tpu.memory_space<hbm>>
        %dma_start3A_197 = tpu.memref_squeeze %dma_start3A_196 : memref<1x128x128xf32, #tpu.memory_space<hbm>> -> memref<128x128xf32, #tpu.memory_space<hbm>>
        %dma_start3A_198 = arith.constant 0 : i32
        %dma_start3A_199 = tpu.memref_slice %arg5[%arg0, %multiple_of3A_194, %dma_start3A_198] : memref<2x51200x128xf32, #tpu.memory_space<hbm>> -> memref<1x128x128xf32, #tpu.memory_space<hbm>>
        %dma_start3A_200 = tpu.memref_squeeze %dma_start3A_199 : memref<1x128x128xf32, #tpu.memory_space<hbm>> -> memref<128x128xf32, #tpu.memory_space<hbm>>
        tpu.enqueue_dma source(%arg14 : memref<128x128xf32, #tpu.memory_space<vmem>>) target(%dma_start3A_200 : memref<128x128xf32, #tpu.memory_space<hbm>>) target_semaphore(%arg26 : memref<!tpu.dma_semaphore, #tpu.memory_space<semaphore_mem>>)
        %dma_wait3A_201 = arith.constant 0 : i32
        %dma_wait3A_202 = tpu.memref_slice %arg10[%arg0, %dma_wait3A_201] : memref<2x128xi32, #tpu.memory_space<vmem>> -> memref<1x128xi32, #tpu.memory_space<vmem>>
        %dma_wait3A_203 = tpu.memref_squeeze %dma_wait3A_202 : memref<1x128xi32, #tpu.memory_space<vmem>> -> memref<128xi32, #tpu.memory_space<vmem>>
        %dma_wait3A_204 = arith.constant 0 : i32
        %dma_wait3A_205 = arith.constant 0 : i32
        %dma_wait3A_206 = tpu.memref_slice %arg2[%dma_wait3A_204, %dma_wait3A_205] : memref<10000x128xf32, #tpu.memory_space<hbm>> -> memref<10000x128xf32, #tpu.memory_space<hbm>>
        tpu.wait_indirect_dma semaphore(%arg25 : memref<!tpu.dma_semaphore, #tpu.memory_space<semaphore_mem>>) src(%dma_wait3A_206 : memref<10000x128xf32, #tpu.memory_space<hbm>>) dst(%arg15 : memref<128x128xf32, #tpu.memory_space<vmem>>)
        %add3A_207 = arith.constant 4 : i32
        %add3A_208 = arith.addi %add3A, %add3A_207 : i32
        %mul3A_209 = arith.constant 128 : i32
        %mul3A_210 = arith.muli %add3A_208, %mul3A_209 : i32
        %multiple_of3A_211 = tpu.assume_multiple %mul3A_210, 128 : i32
        %dma_start3A_212 = arith.constant 0 : i32
        %dma_start3A_213 = tpu.memref_slice %arg5[%arg0, %multiple_of3A_211, %dma_start3A_212] : memref<2x51200x128xf32, #tpu.memory_space<hbm>> -> memref<1x128x128xf32, #tpu.memory_space<hbm>>
        %dma_start3A_214 = tpu.memref_squeeze %dma_start3A_213 : memref<1x128x128xf32, #tpu.memory_space<hbm>> -> memref<128x128xf32, #tpu.memory_space<hbm>>
        %dma_start3A_215 = arith.constant 0 : i32
        %dma_start3A_216 = tpu.memref_slice %arg5[%arg0, %multiple_of3A_211, %dma_start3A_215] : memref<2x51200x128xf32, #tpu.memory_space<hbm>> -> memref<1x128x128xf32, #tpu.memory_space<hbm>>
        %dma_start3A_217 = tpu.memref_squeeze %dma_start3A_216 : memref<1x128x128xf32, #tpu.memory_space<hbm>> -> memref<128x128xf32, #tpu.memory_space<hbm>>
        tpu.enqueue_dma source(%arg15 : memref<128x128xf32, #tpu.memory_space<vmem>>) target(%dma_start3A_217 : memref<128x128xf32, #tpu.memory_space<hbm>>) target_semaphore(%arg26 : memref<!tpu.dma_semaphore, #tpu.memory_space<semaphore_mem>>)
        %dma_wait3A_218 = arith.constant 0 : i32
        %dma_wait3A_219 = tpu.memref_slice %arg5[%arg0, %multiple_of3A, %dma_wait3A_218] : memref<2x51200x128xf32, #tpu.memory_space<hbm>> -> memref<1x128x128xf32, #tpu.memory_space<hbm>>
        %dma_wait3A_220 = tpu.memref_squeeze %dma_wait3A_219 : memref<1x128x128xf32, #tpu.memory_space<hbm>> -> memref<128x128xf32, #tpu.memory_space<hbm>>
        %dma_wait3A_221 = arith.constant 0 : i32
        %dma_wait3A_222 = tpu.memref_slice %arg5[%arg0, %multiple_of3A, %dma_wait3A_221] : memref<2x51200x128xf32, #tpu.memory_space<hbm>> -> memref<1x128x128xf32, #tpu.memory_space<hbm>>
        %dma_wait3A_223 = tpu.memref_squeeze %dma_wait3A_222 : memref<1x128x128xf32, #tpu.memory_space<hbm>> -> memref<128x128xf32, #tpu.memory_space<hbm>>
        tpu.wait_dma2 semaphore(%arg26 : memref<!tpu.dma_semaphore, #tpu.memory_space<semaphore_mem>>) src(%arg11 : memref<128x128xf32, #tpu.memory_space<vmem>>) dst(%dma_wait3A_223 : memref<128x128xf32, #tpu.memory_space<hbm>>)
        %dma_wait3A_224 = arith.constant 0 : i32
        %dma_wait3A_225 = tpu.memref_slice %arg5[%arg0, %multiple_of3A_160, %dma_wait3A_224] : memref<2x51200x128xf32, #tpu.memory_space<hbm>> -> memref<1x128x128xf32, #tpu.memory_space<hbm>>
        %dma_wait3A_226 = tpu.memref_squeeze %dma_wait3A_225 : memref<1x128x128xf32, #tpu.memory_space<hbm>> -> memref<128x128xf32, #tpu.memory_space<hbm>>
        %dma_wait3A_227 = arith.constant 0 : i32
        %dma_wait3A_228 = tpu.memref_slice %arg5[%arg0, %multiple_of3A_160, %dma_wait3A_227] : memref<2x51200x128xf32, #tpu.memory_space<hbm>> -> memref<1x128x128xf32, #tpu.memory_space<hbm>>
        %dma_wait3A_229 = tpu.memref_squeeze %dma_wait3A_228 : memref<1x128x128xf32, #tpu.memory_space<hbm>> -> memref<128x128xf32, #tpu.memory_space<hbm>>
        tpu.wait_dma2 semaphore(%arg26 : memref<!tpu.dma_semaphore, #tpu.memory_space<semaphore_mem>>) src(%arg12 : memref<128x128xf32, #tpu.memory_space<vmem>>) dst(%dma_wait3A_229 : memref<128x128xf32, #tpu.memory_space<hbm>>)
        %dma_wait3A_230 = arith.constant 0 : i32
        %dma_wait3A_231 = tpu.memref_slice %arg5[%arg0, %multiple_of3A_177, %dma_wait3A_230] : memref<2x51200x128xf32, #tpu.memory_space<hbm>> -> memref<1x128x128xf32, #tpu.memory_space<hbm>>
        %dma_wait3A_232 = tpu.memref_squeeze %dma_wait3A_231 : memref<1x128x128xf32, #tpu.memory_space<hbm>> -> memref<128x128xf32, #tpu.memory_space<hbm>>
        %dma_wait3A_233 = arith.constant 0 : i32
        %dma_wait3A_234 = tpu.memref_slice %arg5[%arg0, %multiple_of3A_177, %dma_wait3A_233] : memref<2x51200x128xf32, #tpu.memory_space<hbm>> -> memref<1x128x128xf32, #tpu.memory_space<hbm>>
        %dma_wait3A_235 = tpu.memref_squeeze %dma_wait3A_234 : memref<1x128x128xf32, #tpu.memory_space<hbm>> -> memref<128x128xf32, #tpu.memory_space<hbm>>
        tpu.wait_dma2 semaphore(%arg26 : memref<!tpu.dma_semaphore, #tpu.memory_space<semaphore_mem>>) src(%arg13 : memref<128x128xf32, #tpu.memory_space<vmem>>) dst(%dma_wait3A_235 : memref<128x128xf32, #tpu.memory_space<hbm>>)
        %dma_wait3A_236 = arith.constant 0 : i32
        %dma_wait3A_237 = tpu.memref_slice %arg5[%arg0, %multiple_of3A_194, %dma_wait3A_236] : memref<2x51200x128xf32, #tpu.memory_space<hbm>> -> memref<1x128x128xf32, #tpu.memory_space<hbm>>
        %dma_wait3A_238 = tpu.memref_squeeze %dma_wait3A_237 : memref<1x128x128xf32, #tpu.memory_space<hbm>> -> memref<128x128xf32, #tpu.memory_space<hbm>>
        %dma_wait3A_239 = arith.constant 0 : i32
        %dma_wait3A_240 = tpu.memref_slice %arg5[%arg0, %multiple_of3A_194, %dma_wait3A_239] : memref<2x51200x128xf32, #tpu.memory_space<hbm>> -> memref<1x128x128xf32, #tpu.memory_space<hbm>>
        %dma_wait3A_241 = tpu.memref_squeeze %dma_wait3A_240 : memref<1x128x128xf32, #tpu.memory_space<hbm>> -> memref<128x128xf32, #tpu.memory_space<hbm>>
        tpu.wait_dma2 semaphore(%arg26 : memref<!tpu.dma_semaphore, #tpu.memory_space<semaphore_mem>>) src(%arg14 : memref<128x128xf32, #tpu.memory_space<vmem>>) dst(%dma_wait3A_241 : memref<128x128xf32, #tpu.memory_space<hbm>>)
        %dma_wait3A_242 = arith.constant 0 : i32
        %dma_wait3A_243 = tpu.memref_slice %arg5[%arg0, %multiple_of3A_211, %dma_wait3A_242] : memref<2x51200x128xf32, #tpu.memory_space<hbm>> -> memref<1x128x128xf32, #tpu.memory_space<hbm>>
        %dma_wait3A_244 = tpu.memref_squeeze %dma_wait3A_243 : memref<1x128x128xf32, #tpu.memory_space<hbm>> -> memref<128x128xf32, #tpu.memory_space<hbm>>
        %dma_wait3A_245 = arith.constant 0 : i32
        %dma_wait3A_246 = tpu.memref_slice %arg5[%arg0, %multiple_of3A_211, %dma_wait3A_245] : memref<2x51200x128xf32, #tpu.memory_space<hbm>> -> memref<1x128x128xf32, #tpu.memory_space<hbm>>
        %dma_wait3A_247 = tpu.memref_squeeze %dma_wait3A_246 : memref<1x128x128xf32, #tpu.memory_space<hbm>> -> memref<128x128xf32, #tpu.memory_space<hbm>>
        tpu.wait_dma2 semaphore(%arg26 : memref<!tpu.dma_semaphore, #tpu.memory_space<semaphore_mem>>) src(%arg15 : memref<128x128xf32, #tpu.memory_space<vmem>>) dst(%dma_wait3A_247 : memref<128x128xf32, #tpu.memory_space<hbm>>)
      }
      %scan3A_12 = arith.constant 5 : i32
    } else {
    }
    %eq3A_3 = arith.constant 1 : i32
    %eq3A_4 = arith.cmpi eq, %arg0, %eq3A_3 : i32
    %convert_element_type3A_5 = arith.extui %eq3A_4 : i1 to i32
    %cond3A_6 = arith.constant 0 : i32
    %cond3A_7 = arith.cmpi ne, %convert_element_type3A_5, %cond3A_6 : i32
    scf.if %cond3A_7 {
      %scan3A = arith.constant 0 : i32
      %scan3A_8 = arith.constant 0 : i32
      %scan3A_9 = arith.constant 5 : i32
      %scan3A_10 = arith.addi %scan3A_8, %scan3A_9 : i32
      %scan3A_11 = arith.constant 1 : i32
      scf.for %scan3A_13 = %scan3A_8 to %scan3A_10 step %scan3A_11  : i32 {
        %mul3A_14 = arith.constant 5 : i32
        %mul3A_15 = arith.muli %scan3A_13, %mul3A_14 : i32
        %add3A = arith.addi %mul3A_0, %mul3A_15 : i32
        %add3A_16 = arith.constant 0 : i32
        %add3A_17 = arith.addi %add3A, %add3A_16 : i32
        %dma_start3A = arith.constant 0 : i32
        %dma_start3A_18 = arith.constant 0 : i32
        %dma_start3A_19 = tpu.memref_slice %arg4[%add3A_17, %dma_start3A, %dma_start3A_18] : memref<400x2x128xi32, #tpu.memory_space<hbm>> -> memref<1x2x128xi32, #tpu.memory_space<hbm>>
        %dma_start3A_20 = tpu.memref_squeeze %dma_start3A_19 : memref<1x2x128xi32, #tpu.memory_space<hbm>> -> memref<2x128xi32, #tpu.memory_space<hbm>>
        %dma_start3A_21 = arith.constant 0 : i32
        %dma_start3A_22 = arith.constant 0 : i32
        %dma_start3A_23 = tpu.memref_slice %arg4[%add3A_17, %dma_start3A_21, %dma_start3A_22] : memref<400x2x128xi32, #tpu.memory_space<hbm>> -> memref<1x2x128xi32, #tpu.memory_space<hbm>>
        %dma_start3A_24 = tpu.memref_squeeze %dma_start3A_23 : memref<1x2x128xi32, #tpu.memory_space<hbm>> -> memref<2x128xi32, #tpu.memory_space<hbm>>
        tpu.enqueue_dma source(%dma_start3A_24 : memref<2x128xi32, #tpu.memory_space<hbm>>) target(%arg6 : memref<2x128xi32, #tpu.memory_space<vmem>>) target_semaphore(%arg16 : memref<!tpu.dma_semaphore, #tpu.memory_space<semaphore_mem>>)
        %add3A_25 = arith.constant 1 : i32
        %add3A_26 = arith.addi %add3A, %add3A_25 : i32
        %dma_start3A_27 = arith.constant 0 : i32
        %dma_start3A_28 = arith.constant 0 : i32
        %dma_start3A_29 = tpu.memref_slice %arg4[%add3A_26, %dma_start3A_27, %dma_start3A_28] : memref<400x2x128xi32, #tpu.memory_space<hbm>> -> memref<1x2x128xi32, #tpu.memory_space<hbm>>
        %dma_start3A_30 = tpu.memref_squeeze %dma_start3A_29 : memref<1x2x128xi32, #tpu.memory_space<hbm>> -> memref<2x128xi32, #tpu.memory_space<hbm>>
        %dma_start3A_31 = arith.constant 0 : i32
        %dma_start3A_32 = arith.constant 0 : i32
        %dma_start3A_33 = tpu.memref_slice %arg4[%add3A_26, %dma_start3A_31, %dma_start3A_32] : memref<400x2x128xi32, #tpu.memory_space<hbm>> -> memref<1x2x128xi32, #tpu.memory_space<hbm>>
        %dma_start3A_34 = tpu.memref_squeeze %dma_start3A_33 : memref<1x2x128xi32, #tpu.memory_space<hbm>> -> memref<2x128xi32, #tpu.memory_space<hbm>>
        tpu.enqueue_dma source(%dma_start3A_34 : memref<2x128xi32, #tpu.memory_space<hbm>>) target(%arg7 : memref<2x128xi32, #tpu.memory_space<vmem>>) target_semaphore(%arg17 : memref<!tpu.dma_semaphore, #tpu.memory_space<semaphore_mem>>)
        %add3A_35 = arith.constant 2 : i32
        %add3A_36 = arith.addi %add3A, %add3A_35 : i32
        %dma_start3A_37 = arith.constant 0 : i32
        %dma_start3A_38 = arith.constant 0 : i32
        %dma_start3A_39 = tpu.memref_slice %arg4[%add3A_36, %dma_start3A_37, %dma_start3A_38] : memref<400x2x128xi32, #tpu.memory_space<hbm>> -> memref<1x2x128xi32, #tpu.memory_space<hbm>>
        %dma_start3A_40 = tpu.memref_squeeze %dma_start3A_39 : memref<1x2x128xi32, #tpu.memory_space<hbm>> -> memref<2x128xi32, #tpu.memory_space<hbm>>
        %dma_start3A_41 = arith.constant 0 : i32
        %dma_start3A_42 = arith.constant 0 : i32
        %dma_start3A_43 = tpu.memref_slice %arg4[%add3A_36, %dma_start3A_41, %dma_start3A_42] : memref<400x2x128xi32, #tpu.memory_space<hbm>> -> memref<1x2x128xi32, #tpu.memory_space<hbm>>
        %dma_start3A_44 = tpu.memref_squeeze %dma_start3A_43 : memref<1x2x128xi32, #tpu.memory_space<hbm>> -> memref<2x128xi32, #tpu.memory_space<hbm>>
        tpu.enqueue_dma source(%dma_start3A_44 : memref<2x128xi32, #tpu.memory_space<hbm>>) target(%arg8 : memref<2x128xi32, #tpu.memory_space<vmem>>) target_semaphore(%arg18 : memref<!tpu.dma_semaphore, #tpu.memory_space<semaphore_mem>>)
        %add3A_45 = arith.constant 3 : i32
        %add3A_46 = arith.addi %add3A, %add3A_45 : i32
        %dma_start3A_47 = arith.constant 0 : i32
        %dma_start3A_48 = arith.constant 0 : i32
        %dma_start3A_49 = tpu.memref_slice %arg4[%add3A_46, %dma_start3A_47, %dma_start3A_48] : memref<400x2x128xi32, #tpu.memory_space<hbm>> -> memref<1x2x128xi32, #tpu.memory_space<hbm>>
        %dma_start3A_50 = tpu.memref_squeeze %dma_start3A_49 : memref<1x2x128xi32, #tpu.memory_space<hbm>> -> memref<2x128xi32, #tpu.memory_space<hbm>>
        %dma_start3A_51 = arith.constant 0 : i32
        %dma_start3A_52 = arith.constant 0 : i32
        %dma_start3A_53 = tpu.memref_slice %arg4[%add3A_46, %dma_start3A_51, %dma_start3A_52] : memref<400x2x128xi32, #tpu.memory_space<hbm>> -> memref<1x2x128xi32, #tpu.memory_space<hbm>>
        %dma_start3A_54 = tpu.memref_squeeze %dma_start3A_53 : memref<1x2x128xi32, #tpu.memory_space<hbm>> -> memref<2x128xi32, #tpu.memory_space<hbm>>
        tpu.enqueue_dma source(%dma_start3A_54 : memref<2x128xi32, #tpu.memory_space<hbm>>) target(%arg9 : memref<2x128xi32, #tpu.memory_space<vmem>>) target_semaphore(%arg19 : memref<!tpu.dma_semaphore, #tpu.memory_space<semaphore_mem>>)
        %add3A_55 = arith.constant 4 : i32
        %add3A_56 = arith.addi %add3A, %add3A_55 : i32
        %dma_start3A_57 = arith.constant 0 : i32
        %dma_start3A_58 = arith.constant 0 : i32
        %dma_start3A_59 = tpu.memref_slice %arg4[%add3A_56, %dma_start3A_57, %dma_start3A_58] : memref<400x2x128xi32, #tpu.memory_space<hbm>> -> memref<1x2x128xi32, #tpu.memory_space<hbm>>
        %dma_start3A_60 = tpu.memref_squeeze %dma_start3A_59 : memref<1x2x128xi32, #tpu.memory_space<hbm>> -> memref<2x128xi32, #tpu.memory_space<hbm>>
        %dma_start3A_61 = arith.constant 0 : i32
        %dma_start3A_62 = arith.constant 0 : i32
        %dma_start3A_63 = tpu.memref_slice %arg4[%add3A_56, %dma_start3A_61, %dma_start3A_62] : memref<400x2x128xi32, #tpu.memory_space<hbm>> -> memref<1x2x128xi32, #tpu.memory_space<hbm>>
        %dma_start3A_64 = tpu.memref_squeeze %dma_start3A_63 : memref<1x2x128xi32, #tpu.memory_space<hbm>> -> memref<2x128xi32, #tpu.memory_space<hbm>>
        tpu.enqueue_dma source(%dma_start3A_64 : memref<2x128xi32, #tpu.memory_space<hbm>>) target(%arg10 : memref<2x128xi32, #tpu.memory_space<vmem>>) target_semaphore(%arg20 : memref<!tpu.dma_semaphore, #tpu.memory_space<semaphore_mem>>)
        %dma_wait3A = arith.constant 0 : i32
        %dma_wait3A_65 = arith.constant 0 : i32
        %dma_wait3A_66 = tpu.memref_slice %arg4[%add3A_17, %dma_wait3A, %dma_wait3A_65] : memref<400x2x128xi32, #tpu.memory_space<hbm>> -> memref<1x2x128xi32, #tpu.memory_space<hbm>>
        %dma_wait3A_67 = tpu.memref_squeeze %dma_wait3A_66 : memref<1x2x128xi32, #tpu.memory_space<hbm>> -> memref<2x128xi32, #tpu.memory_space<hbm>>
        %dma_wait3A_68 = arith.constant 0 : i32
        %dma_wait3A_69 = arith.constant 0 : i32
        %dma_wait3A_70 = tpu.memref_slice %arg4[%add3A_17, %dma_wait3A_68, %dma_wait3A_69] : memref<400x2x128xi32, #tpu.memory_space<hbm>> -> memref<1x2x128xi32, #tpu.memory_space<hbm>>
        %dma_wait3A_71 = tpu.memref_squeeze %dma_wait3A_70 : memref<1x2x128xi32, #tpu.memory_space<hbm>> -> memref<2x128xi32, #tpu.memory_space<hbm>>
        tpu.wait_dma2 semaphore(%arg16 : memref<!tpu.dma_semaphore, #tpu.memory_space<semaphore_mem>>) src(%dma_wait3A_71 : memref<2x128xi32, #tpu.memory_space<hbm>>) dst(%arg6 : memref<2x128xi32, #tpu.memory_space<vmem>>)
        %dma_start3A_72 = arith.constant 0 : i32
        %dma_start3A_73 = tpu.memref_slice %arg6[%arg0, %dma_start3A_72] : memref<2x128xi32, #tpu.memory_space<vmem>> -> memref<1x128xi32, #tpu.memory_space<vmem>>
        %dma_start3A_74 = tpu.memref_squeeze %dma_start3A_73 : memref<1x128xi32, #tpu.memory_space<vmem>> -> memref<128xi32, #tpu.memory_space<vmem>>
        %dma_start3A_75 = arith.constant 0 : i32
        %dma_start3A_76 = arith.constant 0 : i32
        %dma_start3A_77 = tpu.memref_slice %arg3[%dma_start3A_75, %dma_start3A_76] : memref<10000x128xf32, #tpu.memory_space<hbm>> -> memref<10000x128xf32, #tpu.memory_space<hbm>>
        tpu.enqueue_indirect_dma source(%dma_start3A_77 : memref<10000x128xf32, #tpu.memory_space<hbm>>) target(%arg11 : memref<128x128xf32, #tpu.memory_space<vmem>>) offsets(%dma_start3A_74 : memref<128xi32, #tpu.memory_space<vmem>>) semaphore(%arg21 : memref<!tpu.dma_semaphore, #tpu.memory_space<semaphore_mem>>)
        %dma_wait3A_78 = arith.constant 0 : i32
        %dma_wait3A_79 = arith.constant 0 : i32
        %dma_wait3A_80 = tpu.memref_slice %arg4[%add3A_26, %dma_wait3A_78, %dma_wait3A_79] : memref<400x2x128xi32, #tpu.memory_space<hbm>> -> memref<1x2x128xi32, #tpu.memory_space<hbm>>
        %dma_wait3A_81 = tpu.memref_squeeze %dma_wait3A_80 : memref<1x2x128xi32, #tpu.memory_space<hbm>> -> memref<2x128xi32, #tpu.memory_space<hbm>>
        %dma_wait3A_82 = arith.constant 0 : i32
        %dma_wait3A_83 = arith.constant 0 : i32
        %dma_wait3A_84 = tpu.memref_slice %arg4[%add3A_26, %dma_wait3A_82, %dma_wait3A_83] : memref<400x2x128xi32, #tpu.memory_space<hbm>> -> memref<1x2x128xi32, #tpu.memory_space<hbm>>
        %dma_wait3A_85 = tpu.memref_squeeze %dma_wait3A_84 : memref<1x2x128xi32, #tpu.memory_space<hbm>> -> memref<2x128xi32, #tpu.memory_space<hbm>>
        tpu.wait_dma2 semaphore(%arg17 : memref<!tpu.dma_semaphore, #tpu.memory_space<semaphore_mem>>) src(%dma_wait3A_85 : memref<2x128xi32, #tpu.memory_space<hbm>>) dst(%arg7 : memref<2x128xi32, #tpu.memory_space<vmem>>)
        %dma_start3A_86 = arith.constant 0 : i32
        %dma_start3A_87 = tpu.memref_slice %arg7[%arg0, %dma_start3A_86] : memref<2x128xi32, #tpu.memory_space<vmem>> -> memref<1x128xi32, #tpu.memory_space<vmem>>
        %dma_start3A_88 = tpu.memref_squeeze %dma_start3A_87 : memref<1x128xi32, #tpu.memory_space<vmem>> -> memref<128xi32, #tpu.memory_space<vmem>>
        %dma_start3A_89 = arith.constant 0 : i32
        %dma_start3A_90 = arith.constant 0 : i32
        %dma_start3A_91 = tpu.memref_slice %arg3[%dma_start3A_89, %dma_start3A_90] : memref<10000x128xf32, #tpu.memory_space<hbm>> -> memref<10000x128xf32, #tpu.memory_space<hbm>>
        tpu.enqueue_indirect_dma source(%dma_start3A_91 : memref<10000x128xf32, #tpu.memory_space<hbm>>) target(%arg12 : memref<128x128xf32, #tpu.memory_space<vmem>>) offsets(%dma_start3A_88 : memref<128xi32, #tpu.memory_space<vmem>>) semaphore(%arg22 : memref<!tpu.dma_semaphore, #tpu.memory_space<semaphore_mem>>)
        %dma_wait3A_92 = arith.constant 0 : i32
        %dma_wait3A_93 = arith.constant 0 : i32
        %dma_wait3A_94 = tpu.memref_slice %arg4[%add3A_36, %dma_wait3A_92, %dma_wait3A_93] : memref<400x2x128xi32, #tpu.memory_space<hbm>> -> memref<1x2x128xi32, #tpu.memory_space<hbm>>
        %dma_wait3A_95 = tpu.memref_squeeze %dma_wait3A_94 : memref<1x2x128xi32, #tpu.memory_space<hbm>> -> memref<2x128xi32, #tpu.memory_space<hbm>>
        %dma_wait3A_96 = arith.constant 0 : i32
        %dma_wait3A_97 = arith.constant 0 : i32
        %dma_wait3A_98 = tpu.memref_slice %arg4[%add3A_36, %dma_wait3A_96, %dma_wait3A_97] : memref<400x2x128xi32, #tpu.memory_space<hbm>> -> memref<1x2x128xi32, #tpu.memory_space<hbm>>
        %dma_wait3A_99 = tpu.memref_squeeze %dma_wait3A_98 : memref<1x2x128xi32, #tpu.memory_space<hbm>> -> memref<2x128xi32, #tpu.memory_space<hbm>>
        tpu.wait_dma2 semaphore(%arg18 : memref<!tpu.dma_semaphore, #tpu.memory_space<semaphore_mem>>) src(%dma_wait3A_99 : memref<2x128xi32, #tpu.memory_space<hbm>>) dst(%arg8 : memref<2x128xi32, #tpu.memory_space<vmem>>)
        %dma_start3A_100 = arith.constant 0 : i32
        %dma_start3A_101 = tpu.memref_slice %arg8[%arg0, %dma_start3A_100] : memref<2x128xi32, #tpu.memory_space<vmem>> -> memref<1x128xi32, #tpu.memory_space<vmem>>
        %dma_start3A_102 = tpu.memref_squeeze %dma_start3A_101 : memref<1x128xi32, #tpu.memory_space<vmem>> -> memref<128xi32, #tpu.memory_space<vmem>>
        %dma_start3A_103 = arith.constant 0 : i32
        %dma_start3A_104 = arith.constant 0 : i32
        %dma_start3A_105 = tpu.memref_slice %arg3[%dma_start3A_103, %dma_start3A_104] : memref<10000x128xf32, #tpu.memory_space<hbm>> -> memref<10000x128xf32, #tpu.memory_space<hbm>>
        tpu.enqueue_indirect_dma source(%dma_start3A_105 : memref<10000x128xf32, #tpu.memory_space<hbm>>) target(%arg13 : memref<128x128xf32, #tpu.memory_space<vmem>>) offsets(%dma_start3A_102 : memref<128xi32, #tpu.memory_space<vmem>>) semaphore(%arg23 : memref<!tpu.dma_semaphore, #tpu.memory_space<semaphore_mem>>)
        %dma_wait3A_106 = arith.constant 0 : i32
        %dma_wait3A_107 = arith.constant 0 : i32
        %dma_wait3A_108 = tpu.memref_slice %arg4[%add3A_46, %dma_wait3A_106, %dma_wait3A_107] : memref<400x2x128xi32, #tpu.memory_space<hbm>> -> memref<1x2x128xi32, #tpu.memory_space<hbm>>
        %dma_wait3A_109 = tpu.memref_squeeze %dma_wait3A_108 : memref<1x2x128xi32, #tpu.memory_space<hbm>> -> memref<2x128xi32, #tpu.memory_space<hbm>>
        %dma_wait3A_110 = arith.constant 0 : i32
        %dma_wait3A_111 = arith.constant 0 : i32
        %dma_wait3A_112 = tpu.memref_slice %arg4[%add3A_46, %dma_wait3A_110, %dma_wait3A_111] : memref<400x2x128xi32, #tpu.memory_space<hbm>> -> memref<1x2x128xi32, #tpu.memory_space<hbm>>
        %dma_wait3A_113 = tpu.memref_squeeze %dma_wait3A_112 : memref<1x2x128xi32, #tpu.memory_space<hbm>> -> memref<2x128xi32, #tpu.memory_space<hbm>>
        tpu.wait_dma2 semaphore(%arg19 : memref<!tpu.dma_semaphore, #tpu.memory_space<semaphore_mem>>) src(%dma_wait3A_113 : memref<2x128xi32, #tpu.memory_space<hbm>>) dst(%arg9 : memref<2x128xi32, #tpu.memory_space<vmem>>)
        %dma_start3A_114 = arith.constant 0 : i32
        %dma_start3A_115 = tpu.memref_slice %arg9[%arg0, %dma_start3A_114] : memref<2x128xi32, #tpu.memory_space<vmem>> -> memref<1x128xi32, #tpu.memory_space<vmem>>
        %dma_start3A_116 = tpu.memref_squeeze %dma_start3A_115 : memref<1x128xi32, #tpu.memory_space<vmem>> -> memref<128xi32, #tpu.memory_space<vmem>>
        %dma_start3A_117 = arith.constant 0 : i32
        %dma_start3A_118 = arith.constant 0 : i32
        %dma_start3A_119 = tpu.memref_slice %arg3[%dma_start3A_117, %dma_start3A_118] : memref<10000x128xf32, #tpu.memory_space<hbm>> -> memref<10000x128xf32, #tpu.memory_space<hbm>>
        tpu.enqueue_indirect_dma source(%dma_start3A_119 : memref<10000x128xf32, #tpu.memory_space<hbm>>) target(%arg14 : memref<128x128xf32, #tpu.memory_space<vmem>>) offsets(%dma_start3A_116 : memref<128xi32, #tpu.memory_space<vmem>>) semaphore(%arg24 : memref<!tpu.dma_semaphore, #tpu.memory_space<semaphore_mem>>)
        %dma_wait3A_120 = arith.constant 0 : i32
        %dma_wait3A_121 = arith.constant 0 : i32
        %dma_wait3A_122 = tpu.memref_slice %arg4[%add3A_56, %dma_wait3A_120, %dma_wait3A_121] : memref<400x2x128xi32, #tpu.memory_space<hbm>> -> memref<1x2x128xi32, #tpu.memory_space<hbm>>
        %dma_wait3A_123 = tpu.memref_squeeze %dma_wait3A_122 : memref<1x2x128xi32, #tpu.memory_space<hbm>> -> memref<2x128xi32, #tpu.memory_space<hbm>>
        %dma_wait3A_124 = arith.constant 0 : i32
        %dma_wait3A_125 = arith.constant 0 : i32
        %dma_wait3A_126 = tpu.memref_slice %arg4[%add3A_56, %dma_wait3A_124, %dma_wait3A_125] : memref<400x2x128xi32, #tpu.memory_space<hbm>> -> memref<1x2x128xi32, #tpu.memory_space<hbm>>
        %dma_wait3A_127 = tpu.memref_squeeze %dma_wait3A_126 : memref<1x2x128xi32, #tpu.memory_space<hbm>> -> memref<2x128xi32, #tpu.memory_space<hbm>>
        tpu.wait_dma2 semaphore(%arg20 : memref<!tpu.dma_semaphore, #tpu.memory_space<semaphore_mem>>) src(%dma_wait3A_127 : memref<2x128xi32, #tpu.memory_space<hbm>>) dst(%arg10 : memref<2x128xi32, #tpu.memory_space<vmem>>)
        %dma_start3A_128 = arith.constant 0 : i32
        %dma_start3A_129 = tpu.memref_slice %arg10[%arg0, %dma_start3A_128] : memref<2x128xi32, #tpu.memory_space<vmem>> -> memref<1x128xi32, #tpu.memory_space<vmem>>
        %dma_start3A_130 = tpu.memref_squeeze %dma_start3A_129 : memref<1x128xi32, #tpu.memory_space<vmem>> -> memref<128xi32, #tpu.memory_space<vmem>>
        %dma_start3A_131 = arith.constant 0 : i32
        %dma_start3A_132 = arith.constant 0 : i32
        %dma_start3A_133 = tpu.memref_slice %arg3[%dma_start3A_131, %dma_start3A_132] : memref<10000x128xf32, #tpu.memory_space<hbm>> -> memref<10000x128xf32, #tpu.memory_space<hbm>>
        tpu.enqueue_indirect_dma source(%dma_start3A_133 : memref<10000x128xf32, #tpu.memory_space<hbm>>) target(%arg15 : memref<128x128xf32, #tpu.memory_space<vmem>>) offsets(%dma_start3A_130 : memref<128xi32, #tpu.memory_space<vmem>>) semaphore(%arg25 : memref<!tpu.dma_semaphore, #tpu.memory_space<semaphore_mem>>)
        %dma_wait3A_134 = arith.constant 0 : i32
        %dma_wait3A_135 = tpu.memref_slice %arg6[%arg0, %dma_wait3A_134] : memref<2x128xi32, #tpu.memory_space<vmem>> -> memref<1x128xi32, #tpu.memory_space<vmem>>
        %dma_wait3A_136 = tpu.memref_squeeze %dma_wait3A_135 : memref<1x128xi32, #tpu.memory_space<vmem>> -> memref<128xi32, #tpu.memory_space<vmem>>
        %dma_wait3A_137 = arith.constant 0 : i32
        %dma_wait3A_138 = arith.constant 0 : i32
        %dma_wait3A_139 = tpu.memref_slice %arg3[%dma_wait3A_137, %dma_wait3A_138] : memref<10000x128xf32, #tpu.memory_space<hbm>> -> memref<10000x128xf32, #tpu.memory_space<hbm>>
        tpu.wait_indirect_dma semaphore(%arg21 : memref<!tpu.dma_semaphore, #tpu.memory_space<semaphore_mem>>) src(%dma_wait3A_139 : memref<10000x128xf32, #tpu.memory_space<hbm>>) dst(%arg11 : memref<128x128xf32, #tpu.memory_space<vmem>>)
        %add3A_140 = arith.constant 0 : i32
        %add3A_141 = arith.addi %add3A, %add3A_140 : i32
        %mul3A_142 = arith.constant 128 : i32
        %mul3A_143 = arith.muli %add3A_141, %mul3A_142 : i32
        %multiple_of3A = tpu.assume_multiple %mul3A_143, 128 : i32
        %dma_start3A_144 = arith.constant 0 : i32
        %dma_start3A_145 = tpu.memref_slice %arg5[%arg0, %multiple_of3A, %dma_start3A_144] : memref<2x51200x128xf32, #tpu.memory_space<hbm>> -> memref<1x128x128xf32, #tpu.memory_space<hbm>>
        %dma_start3A_146 = tpu.memref_squeeze %dma_start3A_145 : memref<1x128x128xf32, #tpu.memory_space<hbm>> -> memref<128x128xf32, #tpu.memory_space<hbm>>
        %dma_start3A_147 = arith.constant 0 : i32
        %dma_start3A_148 = tpu.memref_slice %arg5[%arg0, %multiple_of3A, %dma_start3A_147] : memref<2x51200x128xf32, #tpu.memory_space<hbm>> -> memref<1x128x128xf32, #tpu.memory_space<hbm>>
        %dma_start3A_149 = tpu.memref_squeeze %dma_start3A_148 : memref<1x128x128xf32, #tpu.memory_space<hbm>> -> memref<128x128xf32, #tpu.memory_space<hbm>>
        tpu.enqueue_dma source(%arg11 : memref<128x128xf32, #tpu.memory_space<vmem>>) target(%dma_start3A_149 : memref<128x128xf32, #tpu.memory_space<hbm>>) target_semaphore(%arg26 : memref<!tpu.dma_semaphore, #tpu.memory_space<semaphore_mem>>)
        %dma_wait3A_150 = arith.constant 0 : i32
        %dma_wait3A_151 = tpu.memref_slice %arg7[%arg0, %dma_wait3A_150] : memref<2x128xi32, #tpu.memory_space<vmem>> -> memref<1x128xi32, #tpu.memory_space<vmem>>
        %dma_wait3A_152 = tpu.memref_squeeze %dma_wait3A_151 : memref<1x128xi32, #tpu.memory_space<vmem>> -> memref<128xi32, #tpu.memory_space<vmem>>
        %dma_wait3A_153 = arith.constant 0 : i32
        %dma_wait3A_154 = arith.constant 0 : i32
        %dma_wait3A_155 = tpu.memref_slice %arg3[%dma_wait3A_153, %dma_wait3A_154] : memref<10000x128xf32, #tpu.memory_space<hbm>> -> memref<10000x128xf32, #tpu.memory_space<hbm>>
        tpu.wait_indirect_dma semaphore(%arg22 : memref<!tpu.dma_semaphore, #tpu.memory_space<semaphore_mem>>) src(%dma_wait3A_155 : memref<10000x128xf32, #tpu.memory_space<hbm>>) dst(%arg12 : memref<128x128xf32, #tpu.memory_space<vmem>>)
        %add3A_156 = arith.constant 1 : i32
        %add3A_157 = arith.addi %add3A, %add3A_156 : i32
        %mul3A_158 = arith.constant 128 : i32
        %mul3A_159 = arith.muli %add3A_157, %mul3A_158 : i32
        %multiple_of3A_160 = tpu.assume_multiple %mul3A_159, 128 : i32
        %dma_start3A_161 = arith.constant 0 : i32
        %dma_start3A_162 = tpu.memref_slice %arg5[%arg0, %multiple_of3A_160, %dma_start3A_161] : memref<2x51200x128xf32, #tpu.memory_space<hbm>> -> memref<1x128x128xf32, #tpu.memory_space<hbm>>
        %dma_start3A_163 = tpu.memref_squeeze %dma_start3A_162 : memref<1x128x128xf32, #tpu.memory_space<hbm>> -> memref<128x128xf32, #tpu.memory_space<hbm>>
        %dma_start3A_164 = arith.constant 0 : i32
        %dma_start3A_165 = tpu.memref_slice %arg5[%arg0, %multiple_of3A_160, %dma_start3A_164] : memref<2x51200x128xf32, #tpu.memory_space<hbm>> -> memref<1x128x128xf32, #tpu.memory_space<hbm>>
        %dma_start3A_166 = tpu.memref_squeeze %dma_start3A_165 : memref<1x128x128xf32, #tpu.memory_space<hbm>> -> memref<128x128xf32, #tpu.memory_space<hbm>>
        tpu.enqueue_dma source(%arg12 : memref<128x128xf32, #tpu.memory_space<vmem>>) target(%dma_start3A_166 : memref<128x128xf32, #tpu.memory_space<hbm>>) target_semaphore(%arg26 : memref<!tpu.dma_semaphore, #tpu.memory_space<semaphore_mem>>)
        %dma_wait3A_167 = arith.constant 0 : i32
        %dma_wait3A_168 = tpu.memref_slice %arg8[%arg0, %dma_wait3A_167] : memref<2x128xi32, #tpu.memory_space<vmem>> -> memref<1x128xi32, #tpu.memory_space<vmem>>
        %dma_wait3A_169 = tpu.memref_squeeze %dma_wait3A_168 : memref<1x128xi32, #tpu.memory_space<vmem>> -> memref<128xi32, #tpu.memory_space<vmem>>
        %dma_wait3A_170 = arith.constant 0 : i32
        %dma_wait3A_171 = arith.constant 0 : i32
        %dma_wait3A_172 = tpu.memref_slice %arg3[%dma_wait3A_170, %dma_wait3A_171] : memref<10000x128xf32, #tpu.memory_space<hbm>> -> memref<10000x128xf32, #tpu.memory_space<hbm>>
        tpu.wait_indirect_dma semaphore(%arg23 : memref<!tpu.dma_semaphore, #tpu.memory_space<semaphore_mem>>) src(%dma_wait3A_172 : memref<10000x128xf32, #tpu.memory_space<hbm>>) dst(%arg13 : memref<128x128xf32, #tpu.memory_space<vmem>>)
        %add3A_173 = arith.constant 2 : i32
        %add3A_174 = arith.addi %add3A, %add3A_173 : i32
        %mul3A_175 = arith.constant 128 : i32
        %mul3A_176 = arith.muli %add3A_174, %mul3A_175 : i32
        %multiple_of3A_177 = tpu.assume_multiple %mul3A_176, 128 : i32
        %dma_start3A_178 = arith.constant 0 : i32
        %dma_start3A_179 = tpu.memref_slice %arg5[%arg0, %multiple_of3A_177, %dma_start3A_178] : memref<2x51200x128xf32, #tpu.memory_space<hbm>> -> memref<1x128x128xf32, #tpu.memory_space<hbm>>
        %dma_start3A_180 = tpu.memref_squeeze %dma_start3A_179 : memref<1x128x128xf32, #tpu.memory_space<hbm>> -> memref<128x128xf32, #tpu.memory_space<hbm>>
        %dma_start3A_181 = arith.constant 0 : i32
        %dma_start3A_182 = tpu.memref_slice %arg5[%arg0, %multiple_of3A_177, %dma_start3A_181] : memref<2x51200x128xf32, #tpu.memory_space<hbm>> -> memref<1x128x128xf32, #tpu.memory_space<hbm>>
        %dma_start3A_183 = tpu.memref_squeeze %dma_start3A_182 : memref<1x128x128xf32, #tpu.memory_space<hbm>> -> memref<128x128xf32, #tpu.memory_space<hbm>>
        tpu.enqueue_dma source(%arg13 : memref<128x128xf32, #tpu.memory_space<vmem>>) target(%dma_start3A_183 : memref<128x128xf32, #tpu.memory_space<hbm>>) target_semaphore(%arg26 : memref<!tpu.dma_semaphore, #tpu.memory_space<semaphore_mem>>)
        %dma_wait3A_184 = arith.constant 0 : i32
        %dma_wait3A_185 = tpu.memref_slice %arg9[%arg0, %dma_wait3A_184] : memref<2x128xi32, #tpu.memory_space<vmem>> -> memref<1x128xi32, #tpu.memory_space<vmem>>
        %dma_wait3A_186 = tpu.memref_squeeze %dma_wait3A_185 : memref<1x128xi32, #tpu.memory_space<vmem>> -> memref<128xi32, #tpu.memory_space<vmem>>
        %dma_wait3A_187 = arith.constant 0 : i32
        %dma_wait3A_188 = arith.constant 0 : i32
        %dma_wait3A_189 = tpu.memref_slice %arg3[%dma_wait3A_187, %dma_wait3A_188] : memref<10000x128xf32, #tpu.memory_space<hbm>> -> memref<10000x128xf32, #tpu.memory_space<hbm>>
        tpu.wait_indirect_dma semaphore(%arg24 : memref<!tpu.dma_semaphore, #tpu.memory_space<semaphore_mem>>) src(%dma_wait3A_189 : memref<10000x128xf32, #tpu.memory_space<hbm>>) dst(%arg14 : memref<128x128xf32, #tpu.memory_space<vmem>>)
        %add3A_190 = arith.constant 3 : i32
        %add3A_191 = arith.addi %add3A, %add3A_190 : i32
        %mul3A_192 = arith.constant 128 : i32
        %mul3A_193 = arith.muli %add3A_191, %mul3A_192 : i32
        %multiple_of3A_194 = tpu.assume_multiple %mul3A_193, 128 : i32
        %dma_start3A_195 = arith.constant 0 : i32
        %dma_start3A_196 = tpu.memref_slice %arg5[%arg0, %multiple_of3A_194, %dma_start3A_195] : memref<2x51200x128xf32, #tpu.memory_space<hbm>> -> memref<1x128x128xf32, #tpu.memory_space<hbm>>
        %dma_start3A_197 = tpu.memref_squeeze %dma_start3A_196 : memref<1x128x128xf32, #tpu.memory_space<hbm>> -> memref<128x128xf32, #tpu.memory_space<hbm>>
        %dma_start3A_198 = arith.constant 0 : i32
        %dma_start3A_199 = tpu.memref_slice %arg5[%arg0, %multiple_of3A_194, %dma_start3A_198] : memref<2x51200x128xf32, #tpu.memory_space<hbm>> -> memref<1x128x128xf32, #tpu.memory_space<hbm>>
        %dma_start3A_200 = tpu.memref_squeeze %dma_start3A_199 : memref<1x128x128xf32, #tpu.memory_space<hbm>> -> memref<128x128xf32, #tpu.memory_space<hbm>>
        tpu.enqueue_dma source(%arg14 : memref<128x128xf32, #tpu.memory_space<vmem>>) target(%dma_start3A_200 : memref<128x128xf32, #tpu.memory_space<hbm>>) target_semaphore(%arg26 : memref<!tpu.dma_semaphore, #tpu.memory_space<semaphore_mem>>)
        %dma_wait3A_201 = arith.constant 0 : i32
        %dma_wait3A_202 = tpu.memref_slice %arg10[%arg0, %dma_wait3A_201] : memref<2x128xi32, #tpu.memory_space<vmem>> -> memref<1x128xi32, #tpu.memory_space<vmem>>
        %dma_wait3A_203 = tpu.memref_squeeze %dma_wait3A_202 : memref<1x128xi32, #tpu.memory_space<vmem>> -> memref<128xi32, #tpu.memory_space<vmem>>
        %dma_wait3A_204 = arith.constant 0 : i32
        %dma_wait3A_205 = arith.constant 0 : i32
        %dma_wait3A_206 = tpu.memref_slice %arg3[%dma_wait3A_204, %dma_wait3A_205] : memref<10000x128xf32, #tpu.memory_space<hbm>> -> memref<10000x128xf32, #tpu.memory_space<hbm>>
        tpu.wait_indirect_dma semaphore(%arg25 : memref<!tpu.dma_semaphore, #tpu.memory_space<semaphore_mem>>) src(%dma_wait3A_206 : memref<10000x128xf32, #tpu.memory_space<hbm>>) dst(%arg15 : memref<128x128xf32, #tpu.memory_space<vmem>>)
        %add3A_207 = arith.constant 4 : i32
        %add3A_208 = arith.addi %add3A, %add3A_207 : i32
        %mul3A_209 = arith.constant 128 : i32
        %mul3A_210 = arith.muli %add3A_208, %mul3A_209 : i32
        %multiple_of3A_211 = tpu.assume_multiple %mul3A_210, 128 : i32
        %dma_start3A_212 = arith.constant 0 : i32
        %dma_start3A_213 = tpu.memref_slice %arg5[%arg0, %multiple_of3A_211, %dma_start3A_212] : memref<2x51200x128xf32, #tpu.memory_space<hbm>> -> memref<1x128x128xf32, #tpu.memory_space<hbm>>
        %dma_start3A_214 = tpu.memref_squeeze %dma_start3A_213 : memref<1x128x128xf32, #tpu.memory_space<hbm>> -> memref<128x128xf32, #tpu.memory_space<hbm>>
        %dma_start3A_215 = arith.constant 0 : i32
        %dma_start3A_216 = tpu.memref_slice %arg5[%arg0, %multiple_of3A_211, %dma_start3A_215] : memref<2x51200x128xf32, #tpu.memory_space<hbm>> -> memref<1x128x128xf32, #tpu.memory_space<hbm>>
        %dma_start3A_217 = tpu.memref_squeeze %dma_start3A_216 : memref<1x128x128xf32, #tpu.memory_space<hbm>> -> memref<128x128xf32, #tpu.memory_space<hbm>>
        tpu.enqueue_dma source(%arg15 : memref<128x128xf32, #tpu.memory_space<vmem>>) target(%dma_start3A_217 : memref<128x128xf32, #tpu.memory_space<hbm>>) target_semaphore(%arg26 : memref<!tpu.dma_semaphore, #tpu.memory_space<semaphore_mem>>)
        %dma_wait3A_218 = arith.constant 0 : i32
        %dma_wait3A_219 = tpu.memref_slice %arg5[%arg0, %multiple_of3A, %dma_wait3A_218] : memref<2x51200x128xf32, #tpu.memory_space<hbm>> -> memref<1x128x128xf32, #tpu.memory_space<hbm>>
        %dma_wait3A_220 = tpu.memref_squeeze %dma_wait3A_219 : memref<1x128x128xf32, #tpu.memory_space<hbm>> -> memref<128x128xf32, #tpu.memory_space<hbm>>
        %dma_wait3A_221 = arith.constant 0 : i32
        %dma_wait3A_222 = tpu.memref_slice %arg5[%arg0, %multiple_of3A, %dma_wait3A_221] : memref<2x51200x128xf32, #tpu.memory_space<hbm>> -> memref<1x128x128xf32, #tpu.memory_space<hbm>>
        %dma_wait3A_223 = tpu.memref_squeeze %dma_wait3A_222 : memref<1x128x128xf32, #tpu.memory_space<hbm>> -> memref<128x128xf32, #tpu.memory_space<hbm>>
        tpu.wait_dma2 semaphore(%arg26 : memref<!tpu.dma_semaphore, #tpu.memory_space<semaphore_mem>>) src(%arg11 : memref<128x128xf32, #tpu.memory_space<vmem>>) dst(%dma_wait3A_223 : memref<128x128xf32, #tpu.memory_space<hbm>>)
        %dma_wait3A_224 = arith.constant 0 : i32
        %dma_wait3A_225 = tpu.memref_slice %arg5[%arg0, %multiple_of3A_160, %dma_wait3A_224] : memref<2x51200x128xf32, #tpu.memory_space<hbm>> -> memref<1x128x128xf32, #tpu.memory_space<hbm>>
        %dma_wait3A_226 = tpu.memref_squeeze %dma_wait3A_225 : memref<1x128x128xf32, #tpu.memory_space<hbm>> -> memref<128x128xf32, #tpu.memory_space<hbm>>
        %dma_wait3A_227 = arith.constant 0 : i32
        %dma_wait3A_228 = tpu.memref_slice %arg5[%arg0, %multiple_of3A_160, %dma_wait3A_227] : memref<2x51200x128xf32, #tpu.memory_space<hbm>> -> memref<1x128x128xf32, #tpu.memory_space<hbm>>
        %dma_wait3A_229 = tpu.memref_squeeze %dma_wait3A_228 : memref<1x128x128xf32, #tpu.memory_space<hbm>> -> memref<128x128xf32, #tpu.memory_space<hbm>>
        tpu.wait_dma2 semaphore(%arg26 : memref<!tpu.dma_semaphore, #tpu.memory_space<semaphore_mem>>) src(%arg12 : memref<128x128xf32, #tpu.memory_space<vmem>>) dst(%dma_wait3A_229 : memref<128x128xf32, #tpu.memory_space<hbm>>)
        %dma_wait3A_230 = arith.constant 0 : i32
        %dma_wait3A_231 = tpu.memref_slice %arg5[%arg0, %multiple_of3A_177, %dma_wait3A_230] : memref<2x51200x128xf32, #tpu.memory_space<hbm>> -> memref<1x128x128xf32, #tpu.memory_space<hbm>>
        %dma_wait3A_232 = tpu.memref_squeeze %dma_wait3A_231 : memref<1x128x128xf32, #tpu.memory_space<hbm>> -> memref<128x128xf32, #tpu.memory_space<hbm>>
        %dma_wait3A_233 = arith.constant 0 : i32
        %dma_wait3A_234 = tpu.memref_slice %arg5[%arg0, %multiple_of3A_177, %dma_wait3A_233] : memref<2x51200x128xf32, #tpu.memory_space<hbm>> -> memref<1x128x128xf32, #tpu.memory_space<hbm>>
        %dma_wait3A_235 = tpu.memref_squeeze %dma_wait3A_234 : memref<1x128x128xf32, #tpu.memory_space<hbm>> -> memref<128x128xf32, #tpu.memory_space<hbm>>
        tpu.wait_dma2 semaphore(%arg26 : memref<!tpu.dma_semaphore, #tpu.memory_space<semaphore_mem>>) src(%arg13 : memref<128x128xf32, #tpu.memory_space<vmem>>) dst(%dma_wait3A_235 : memref<128x128xf32, #tpu.memory_space<hbm>>)
        %dma_wait3A_236 = arith.constant 0 : i32
        %dma_wait3A_237 = tpu.memref_slice %arg5[%arg0, %multiple_of3A_194, %dma_wait3A_236] : memref<2x51200x128xf32, #tpu.memory_space<hbm>> -> memref<1x128x128xf32, #tpu.memory_space<hbm>>
        %dma_wait3A_238 = tpu.memref_squeeze %dma_wait3A_237 : memref<1x128x128xf32, #tpu.memory_space<hbm>> -> memref<128x128xf32, #tpu.memory_space<hbm>>
        %dma_wait3A_239 = arith.constant 0 : i32
        %dma_wait3A_240 = tpu.memref_slice %arg5[%arg0, %multiple_of3A_194, %dma_wait3A_239] : memref<2x51200x128xf32, #tpu.memory_space<hbm>> -> memref<1x128x128xf32, #tpu.memory_space<hbm>>
        %dma_wait3A_241 = tpu.memref_squeeze %dma_wait3A_240 : memref<1x128x128xf32, #tpu.memory_space<hbm>> -> memref<128x128xf32, #tpu.memory_space<hbm>>
        tpu.wait_dma2 semaphore(%arg26 : memref<!tpu.dma_semaphore, #tpu.memory_space<semaphore_mem>>) src(%arg14 : memref<128x128xf32, #tpu.memory_space<vmem>>) dst(%dma_wait3A_241 : memref<128x128xf32, #tpu.memory_space<hbm>>)
        %dma_wait3A_242 = arith.constant 0 : i32
        %dma_wait3A_243 = tpu.memref_slice %arg5[%arg0, %multiple_of3A_211, %dma_wait3A_242] : memref<2x51200x128xf32, #tpu.memory_space<hbm>> -> memref<1x128x128xf32, #tpu.memory_space<hbm>>
        %dma_wait3A_244 = tpu.memref_squeeze %dma_wait3A_243 : memref<1x128x128xf32, #tpu.memory_space<hbm>> -> memref<128x128xf32, #tpu.memory_space<hbm>>
        %dma_wait3A_245 = arith.constant 0 : i32
        %dma_wait3A_246 = tpu.memref_slice %arg5[%arg0, %multiple_of3A_211, %dma_wait3A_245] : memref<2x51200x128xf32, #tpu.memory_space<hbm>> -> memref<1x128x128xf32, #tpu.memory_space<hbm>>
        %dma_wait3A_247 = tpu.memref_squeeze %dma_wait3A_246 : memref<1x128x128xf32, #tpu.memory_space<hbm>> -> memref<128x128xf32, #tpu.memory_space<hbm>>
        tpu.wait_dma2 semaphore(%arg26 : memref<!tpu.dma_semaphore, #tpu.memory_space<semaphore_mem>>) src(%arg15 : memref<128x128xf32, #tpu.memory_space<vmem>>) dst(%dma_wait3A_247 : memref<128x128xf32, #tpu.memory_space<hbm>>)
      }
      %scan3A_12 = arith.constant 5 : i32
    } else {
    }
    return
  }
}

#map = affine_map<(d0, d1) -> (0, 0)>
#map1 = affine_map<(d0, d1) -> (0, 0, 0)>
module attributes {stable_mosaic.version = 14 : i64} {
  func.func @_agg_body(%arg0: i32, %arg1: i32, %arg2: memref<10000x128xf32, #tpu.memory_space<hbm>>, %arg3: memref<10000x128xf32, #tpu.memory_space<hbm>>, %arg4: memref<1344x2x128xi32, #tpu.memory_space<hbm>>, %arg5: memref<1344x2x128xi32, #tpu.memory_space<hbm>>, %arg6: memref<632x128xf32, #tpu.memory_space<hbm>>, %arg7: memref<2x10112x128xf32, #tpu.memory_space<hbm>>, %arg8: memref<10112x128xf32, #tpu.memory_space<vmem_shared>>, %arg9: memref<3x2x128xi32, #tpu.memory_space<vmem>>, %arg10: memref<128x128xf32, #tpu.memory_space<vmem>>, %arg11: memref<128x128xf32, #tpu.memory_space<vmem>>, %arg12: memref<128x128xf32, #tpu.memory_space<vmem>>, %arg13: memref<!tpu.dma_semaphore, #tpu.memory_space<semaphore_mem>>, %arg14: memref<!tpu.dma_semaphore, #tpu.memory_space<semaphore_mem>>, %arg15: memref<!tpu.dma_semaphore, #tpu.memory_space<semaphore_mem>>, %arg16: memref<!tpu.dma_semaphore, #tpu.memory_space<semaphore_mem>>, %arg17: memref<!tpu.dma_semaphore, #tpu.memory_space<semaphore_mem>>, %arg18: memref<!tpu.dma_semaphore, #tpu.memory_space<semaphore_mem>>, %arg19: memref<!tpu.dma_semaphore, #tpu.memory_space<semaphore_mem>>, %arg20: memref<!tpu.dma_semaphore, #tpu.memory_space<semaphore_mem>>, %arg21: memref<!tpu.dma_semaphore, #tpu.memory_space<semaphore_mem>>, %arg22: memref<!tpu.dma_semaphore, #tpu.memory_space<semaphore_mem>>) attributes {dimension_semantics = [#tpu.dimension_semantics<core_parallel>, #tpu.dimension_semantics<subcore_parallel>], iteration_bounds = array<i64: 2, 16>, scalar_prefetch = 0 : i64, scratch_operands = 15 : i64, tpu.core_type = #tpu.core_type<sc_vector_subcore>, window_params = [{transform_indices = #map}, {transform_indices = #map}, {transform_indices = #map1}, {transform_indices = #map1}, {transform_indices = #map}, {transform_indices = #map1}]} {
    %mul3A = arith.constant 632 : i32
    %mul3A_0 = arith.muli %arg1, %mul3A : i32
    %mul3A_1 = arith.constant 84 : i32
    %mul3A_2 = arith.muli %arg1, %mul3A_1 : i32
    "tpu.region"() ({
      %run_scoped3A = tpu.sem_alloc : memref<!tpu.dma_semaphore, #tpu.memory_space<semaphore_mem>>
      %dma_start3A = arith.constant 0 : i32
      %dma_start3A_10 = tpu.memref_slice %arg8[%mul3A_0, %dma_start3A] : memref<10112x128xf32, #tpu.memory_space<vmem_shared>> -> memref<632x128xf32, #tpu.memory_space<vmem_shared>>
      tpu.enqueue_dma source(%arg6 : memref<632x128xf32, #tpu.memory_space<hbm>>) target(%dma_start3A_10 : memref<632x128xf32, #tpu.memory_space<vmem_shared>>) target_semaphore(%run_scoped3A : memref<!tpu.dma_semaphore, #tpu.memory_space<semaphore_mem>>)
      %dma_wait3A = arith.constant 0 : i32
      %dma_wait3A_11 = tpu.memref_slice %arg8[%mul3A_0, %dma_wait3A] : memref<10112x128xf32, #tpu.memory_space<vmem_shared>> -> memref<632x128xf32, #tpu.memory_space<vmem_shared>>
      tpu.wait_dma2 semaphore(%run_scoped3A : memref<!tpu.dma_semaphore, #tpu.memory_space<semaphore_mem>>) src(%arg6 : memref<632x128xf32, #tpu.memory_space<hbm>>) dst(%dma_wait3A_11 : memref<632x128xf32, #tpu.memory_space<vmem_shared>>)
      tpu.yield
    }) : () -> ()
    %eq3A = arith.constant 0 : i32
    %eq3A_3 = arith.cmpi eq, %arg0, %eq3A : i32
    %convert_element_type3A = arith.extui %eq3A_3 : i1 to i32
    %cond3A = arith.constant 0 : i32
    %cond3A_4 = arith.cmpi ne, %convert_element_type3A, %cond3A : i32
    scf.if %cond3A_4 {
      "tpu.region"() ({
        %run_scoped3A = tpu.sem_alloc : memref<!tpu.dma_semaphore, #tpu.memory_space<semaphore_mem>>
        %dma_start3A = arith.constant 0 : i32
        %dma_start3A_16 = arith.constant 0 : i32
        %dma_start3A_17 = tpu.memref_slice %arg4[%mul3A_2, %dma_start3A, %dma_start3A_16] : memref<1344x2x128xi32, #tpu.memory_space<hbm>> -> memref<3x2x128xi32, #tpu.memory_space<hbm>>
        %dma_start3A_18 = arith.constant 0 : i32
        %dma_start3A_19 = arith.constant 0 : i32
        %dma_start3A_20 = tpu.memref_slice %arg4[%mul3A_2, %dma_start3A_18, %dma_start3A_19] : memref<1344x2x128xi32, #tpu.memory_space<hbm>> -> memref<3x2x128xi32, #tpu.memory_space<hbm>>
        tpu.enqueue_dma source(%dma_start3A_20 : memref<3x2x128xi32, #tpu.memory_space<hbm>>) target(%arg9 : memref<3x2x128xi32, #tpu.memory_space<vmem>>) target_semaphore(%run_scoped3A : memref<!tpu.dma_semaphore, #tpu.memory_space<semaphore_mem>>)
        %dma_wait3A = arith.constant 0 : i32
        %dma_wait3A_21 = arith.constant 0 : i32
        %dma_wait3A_22 = tpu.memref_slice %arg4[%mul3A_2, %dma_wait3A, %dma_wait3A_21] : memref<1344x2x128xi32, #tpu.memory_space<hbm>> -> memref<3x2x128xi32, #tpu.memory_space<hbm>>
        %dma_wait3A_23 = arith.constant 0 : i32
        %dma_wait3A_24 = arith.constant 0 : i32
        %dma_wait3A_25 = tpu.memref_slice %arg4[%mul3A_2, %dma_wait3A_23, %dma_wait3A_24] : memref<1344x2x128xi32, #tpu.memory_space<hbm>> -> memref<3x2x128xi32, #tpu.memory_space<hbm>>
        tpu.wait_dma2 semaphore(%run_scoped3A : memref<!tpu.dma_semaphore, #tpu.memory_space<semaphore_mem>>) src(%dma_wait3A_25 : memref<3x2x128xi32, #tpu.memory_space<hbm>>) dst(%arg9 : memref<3x2x128xi32, #tpu.memory_space<vmem>>)
        tpu.yield
      }) : () -> ()
      %barrier3A_10 = arith.constant 0 : index
      tpu.barrier barrier_id(%barrier3A_10)
      %scan3A = arith.constant 0 : i32
      %scan3A_11 = arith.constant 0 : i32
      %scan3A_12 = arith.constant 28 : i32
      %scan3A_13 = arith.addi %scan3A_11, %scan3A_12 : i32
      %scan3A_14 = arith.constant 1 : i32
      scf.for %scan3A_16 = %scan3A_11 to %scan3A_13 step %scan3A_14  : i32 {
        %gt3A = arith.constant 0 : i32
        %gt3A_17 = arith.cmpi sgt, %scan3A_16, %gt3A : i32
        %convert_element_type3A_18 = arith.extui %gt3A_17 : i1 to i32
        %cond3A_19 = arith.constant 0 : i32
        %cond3A_20 = arith.cmpi ne, %convert_element_type3A_18, %cond3A_19 : i32
        scf.if %cond3A_20 {
          %dma_wait3A_119 = arith.constant 0 : i32
          %dma_wait3A_120 = arith.constant 0 : i32
          %dma_wait3A_121 = tpu.memref_slice %arg4[%mul3A_2, %dma_wait3A_119, %dma_wait3A_120] : memref<1344x2x128xi32, #tpu.memory_space<hbm>> -> memref<3x2x128xi32, #tpu.memory_space<hbm>>
          %dma_wait3A_122 = arith.constant 0 : i32
          %dma_wait3A_123 = arith.constant 0 : i32
          %dma_wait3A_124 = tpu.memref_slice %arg4[%mul3A_2, %dma_wait3A_122, %dma_wait3A_123] : memref<1344x2x128xi32, #tpu.memory_space<hbm>> -> memref<3x2x128xi32, #tpu.memory_space<hbm>>
          tpu.wait_dma2 semaphore(%arg19 : memref<!tpu.dma_semaphore, #tpu.memory_space<semaphore_mem>>) src(%dma_wait3A_124 : memref<3x2x128xi32, #tpu.memory_space<hbm>>) dst(%arg9 : memref<3x2x128xi32, #tpu.memory_space<vmem>>)
        } else {
        }
        %dma_start3A = arith.constant 0 : i32
        %dma_start3A_21 = arith.constant 0 : i32
        %dma_start3A_22 = arith.constant 0 : i32
        %dma_start3A_23 = tpu.memref_slice %arg9[%dma_start3A, %dma_start3A_21, %dma_start3A_22] : memref<3x2x128xi32, #tpu.memory_space<vmem>> -> memref<1x1x128xi32, #tpu.memory_space<vmem>>
        %dma_start3A_24 = tpu.memref_squeeze %dma_start3A_23 : memref<1x1x128xi32, #tpu.memory_space<vmem>> -> memref<128xi32, #tpu.memory_space<vmem>>
        %dma_start3A_25 = arith.constant 0 : i32
        %dma_start3A_26 = arith.constant 0 : i32
        %dma_start3A_27 = tpu.memref_slice %arg2[%dma_start3A_25, %dma_start3A_26] : memref<10000x128xf32, #tpu.memory_space<hbm>> -> memref<10000x128xf32, #tpu.memory_space<hbm>>
        tpu.enqueue_indirect_dma source(%dma_start3A_27 : memref<10000x128xf32, #tpu.memory_space<hbm>>) target(%arg10 : memref<128x128xf32, #tpu.memory_space<vmem>>) offsets(%dma_start3A_24 : memref<128xi32, #tpu.memory_space<vmem>>) semaphore(%arg13 : memref<!tpu.dma_semaphore, #tpu.memory_space<semaphore_mem>>)
        %dma_start3A_28 = arith.constant 1 : i32
        %dma_start3A_29 = arith.constant 0 : i32
        %dma_start3A_30 = arith.constant 0 : i32
        %dma_start3A_31 = tpu.memref_slice %arg9[%dma_start3A_28, %dma_start3A_29, %dma_start3A_30] : memref<3x2x128xi32, #tpu.memory_space<vmem>> -> memref<1x1x128xi32, #tpu.memory_space<vmem>>
        %dma_start3A_32 = tpu.memref_squeeze %dma_start3A_31 : memref<1x1x128xi32, #tpu.memory_space<vmem>> -> memref<128xi32, #tpu.memory_space<vmem>>
        %dma_start3A_33 = arith.constant 0 : i32
        %dma_start3A_34 = arith.constant 0 : i32
        %dma_start3A_35 = tpu.memref_slice %arg2[%dma_start3A_33, %dma_start3A_34] : memref<10000x128xf32, #tpu.memory_space<hbm>> -> memref<10000x128xf32, #tpu.memory_space<hbm>>
        tpu.enqueue_indirect_dma source(%dma_start3A_35 : memref<10000x128xf32, #tpu.memory_space<hbm>>) target(%arg11 : memref<128x128xf32, #tpu.memory_space<vmem>>) offsets(%dma_start3A_32 : memref<128xi32, #tpu.memory_space<vmem>>) semaphore(%arg14 : memref<!tpu.dma_semaphore, #tpu.memory_space<semaphore_mem>>)
        %dma_start3A_36 = arith.constant 2 : i32
        %dma_start3A_37 = arith.constant 0 : i32
        %dma_start3A_38 = arith.constant 0 : i32
        %dma_start3A_39 = tpu.memref_slice %arg9[%dma_start3A_36, %dma_start3A_37, %dma_start3A_38] : memref<3x2x128xi32, #tpu.memory_space<vmem>> -> memref<1x1x128xi32, #tpu.memory_space<vmem>>
        %dma_start3A_40 = tpu.memref_squeeze %dma_start3A_39 : memref<1x1x128xi32, #tpu.memory_space<vmem>> -> memref<128xi32, #tpu.memory_space<vmem>>
        %dma_start3A_41 = arith.constant 0 : i32
        %dma_start3A_42 = arith.constant 0 : i32
        %dma_start3A_43 = tpu.memref_slice %arg2[%dma_start3A_41, %dma_start3A_42] : memref<10000x128xf32, #tpu.memory_space<hbm>> -> memref<10000x128xf32, #tpu.memory_space<hbm>>
        tpu.enqueue_indirect_dma source(%dma_start3A_43 : memref<10000x128xf32, #tpu.memory_space<hbm>>) target(%arg12 : memref<128x128xf32, #tpu.memory_space<vmem>>) offsets(%dma_start3A_40 : memref<128xi32, #tpu.memory_space<vmem>>) semaphore(%arg15 : memref<!tpu.dma_semaphore, #tpu.memory_space<semaphore_mem>>)
        %dma_wait3A = arith.constant 0 : i32
        %dma_wait3A_44 = arith.constant 0 : i32
        %dma_wait3A_45 = arith.constant 0 : i32
        %dma_wait3A_46 = tpu.memref_slice %arg9[%dma_wait3A, %dma_wait3A_44, %dma_wait3A_45] : memref<3x2x128xi32, #tpu.memory_space<vmem>> -> memref<1x1x128xi32, #tpu.memory_space<vmem>>
        %dma_wait3A_47 = tpu.memref_squeeze %dma_wait3A_46 : memref<1x1x128xi32, #tpu.memory_space<vmem>> -> memref<128xi32, #tpu.memory_space<vmem>>
        %dma_wait3A_48 = arith.constant 0 : i32
        %dma_wait3A_49 = arith.constant 0 : i32
        %dma_wait3A_50 = tpu.memref_slice %arg2[%dma_wait3A_48, %dma_wait3A_49] : memref<10000x128xf32, #tpu.memory_space<hbm>> -> memref<10000x128xf32, #tpu.memory_space<hbm>>
        tpu.wait_indirect_dma semaphore(%arg13 : memref<!tpu.dma_semaphore, #tpu.memory_space<semaphore_mem>>) src(%dma_wait3A_50 : memref<10000x128xf32, #tpu.memory_space<hbm>>) dst(%arg10 : memref<128x128xf32, #tpu.memory_space<vmem>>)
        %dma_start3A_51 = arith.constant 0 : i32
        %dma_start3A_52 = arith.constant 1 : i32
        %dma_start3A_53 = arith.constant 0 : i32
        %dma_start3A_54 = tpu.memref_slice %arg9[%dma_start3A_51, %dma_start3A_52, %dma_start3A_53] : memref<3x2x128xi32, #tpu.memory_space<vmem>> -> memref<1x1x128xi32, #tpu.memory_space<vmem>>
        %dma_start3A_55 = tpu.memref_squeeze %dma_start3A_54 : memref<1x1x128xi32, #tpu.memory_space<vmem>> -> memref<128xi32, #tpu.memory_space<vmem>>
        %dma_start3A_56 = arith.constant 0 : i32
        %dma_start3A_57 = arith.constant 0 : i32
        %dma_start3A_58 = tpu.memref_slice %arg8[%dma_start3A_56, %dma_start3A_57] : memref<10112x128xf32, #tpu.memory_space<vmem_shared>> -> memref<10112x128xf32, #tpu.memory_space<vmem_shared>>
        tpu.enqueue_indirect_dma source(%arg10 : memref<128x128xf32, #tpu.memory_space<vmem>>) target(%dma_start3A_58 : memref<10112x128xf32, #tpu.memory_space<vmem_shared>>) offsets(%dma_start3A_55 : memref<128xi32, #tpu.memory_space<vmem>>) semaphore(%arg16 : memref<!tpu.dma_semaphore, #tpu.memory_space<semaphore_mem>>) {add = true}
        %dma_wait3A_59 = arith.constant 1 : i32
        %dma_wait3A_60 = arith.constant 0 : i32
        %dma_wait3A_61 = arith.constant 0 : i32
        %dma_wait3A_62 = tpu.memref_slice %arg9[%dma_wait3A_59, %dma_wait3A_60, %dma_wait3A_61] : memref<3x2x128xi32, #tpu.memory_space<vmem>> -> memref<1x1x128xi32, #tpu.memory_space<vmem>>
        %dma_wait3A_63 = tpu.memref_squeeze %dma_wait3A_62 : memref<1x1x128xi32, #tpu.memory_space<vmem>> -> memref<128xi32, #tpu.memory_space<vmem>>
        %dma_wait3A_64 = arith.constant 0 : i32
        %dma_wait3A_65 = arith.constant 0 : i32
        %dma_wait3A_66 = tpu.memref_slice %arg2[%dma_wait3A_64, %dma_wait3A_65] : memref<10000x128xf32, #tpu.memory_space<hbm>> -> memref<10000x128xf32, #tpu.memory_space<hbm>>
        tpu.wait_indirect_dma semaphore(%arg14 : memref<!tpu.dma_semaphore, #tpu.memory_space<semaphore_mem>>) src(%dma_wait3A_66 : memref<10000x128xf32, #tpu.memory_space<hbm>>) dst(%arg11 : memref<128x128xf32, #tpu.memory_space<vmem>>)
        %dma_start3A_67 = arith.constant 1 : i32
        %dma_start3A_68 = arith.constant 1 : i32
        %dma_start3A_69 = arith.constant 0 : i32
        %dma_start3A_70 = tpu.memref_slice %arg9[%dma_start3A_67, %dma_start3A_68, %dma_start3A_69] : memref<3x2x128xi32, #tpu.memory_space<vmem>> -> memref<1x1x128xi32, #tpu.memory_space<vmem>>
        %dma_start3A_71 = tpu.memref_squeeze %dma_start3A_70 : memref<1x1x128xi32, #tpu.memory_space<vmem>> -> memref<128xi32, #tpu.memory_space<vmem>>
        %dma_start3A_72 = arith.constant 0 : i32
        %dma_start3A_73 = arith.constant 0 : i32
        %dma_start3A_74 = tpu.memref_slice %arg8[%dma_start3A_72, %dma_start3A_73] : memref<10112x128xf32, #tpu.memory_space<vmem_shared>> -> memref<10112x128xf32, #tpu.memory_space<vmem_shared>>
        tpu.enqueue_indirect_dma source(%arg11 : memref<128x128xf32, #tpu.memory_space<vmem>>) target(%dma_start3A_74 : memref<10112x128xf32, #tpu.memory_space<vmem_shared>>) offsets(%dma_start3A_71 : memref<128xi32, #tpu.memory_space<vmem>>) semaphore(%arg17 : memref<!tpu.dma_semaphore, #tpu.memory_space<semaphore_mem>>) {add = true}
        %dma_wait3A_75 = arith.constant 2 : i32
        %dma_wait3A_76 = arith.constant 0 : i32
        %dma_wait3A_77 = arith.constant 0 : i32
        %dma_wait3A_78 = tpu.memref_slice %arg9[%dma_wait3A_75, %dma_wait3A_76, %dma_wait3A_77] : memref<3x2x128xi32, #tpu.memory_space<vmem>> -> memref<1x1x128xi32, #tpu.memory_space<vmem>>
        %dma_wait3A_79 = tpu.memref_squeeze %dma_wait3A_78 : memref<1x1x128xi32, #tpu.memory_space<vmem>> -> memref<128xi32, #tpu.memory_space<vmem>>
        %dma_wait3A_80 = arith.constant 0 : i32
        %dma_wait3A_81 = arith.constant 0 : i32
        %dma_wait3A_82 = tpu.memref_slice %arg2[%dma_wait3A_80, %dma_wait3A_81] : memref<10000x128xf32, #tpu.memory_space<hbm>> -> memref<10000x128xf32, #tpu.memory_space<hbm>>
        tpu.wait_indirect_dma semaphore(%arg15 : memref<!tpu.dma_semaphore, #tpu.memory_space<semaphore_mem>>) src(%dma_wait3A_82 : memref<10000x128xf32, #tpu.memory_space<hbm>>) dst(%arg12 : memref<128x128xf32, #tpu.memory_space<vmem>>)
        %dma_start3A_83 = arith.constant 2 : i32
        %dma_start3A_84 = arith.constant 1 : i32
        %dma_start3A_85 = arith.constant 0 : i32
        %dma_start3A_86 = tpu.memref_slice %arg9[%dma_start3A_83, %dma_start3A_84, %dma_start3A_85] : memref<3x2x128xi32, #tpu.memory_space<vmem>> -> memref<1x1x128xi32, #tpu.memory_space<vmem>>
        %dma_start3A_87 = tpu.memref_squeeze %dma_start3A_86 : memref<1x1x128xi32, #tpu.memory_space<vmem>> -> memref<128xi32, #tpu.memory_space<vmem>>
        %dma_start3A_88 = arith.constant 0 : i32
        %dma_start3A_89 = arith.constant 0 : i32
        %dma_start3A_90 = tpu.memref_slice %arg8[%dma_start3A_88, %dma_start3A_89] : memref<10112x128xf32, #tpu.memory_space<vmem_shared>> -> memref<10112x128xf32, #tpu.memory_space<vmem_shared>>
        tpu.enqueue_indirect_dma source(%arg12 : memref<128x128xf32, #tpu.memory_space<vmem>>) target(%dma_start3A_90 : memref<10112x128xf32, #tpu.memory_space<vmem_shared>>) offsets(%dma_start3A_87 : memref<128xi32, #tpu.memory_space<vmem>>) semaphore(%arg18 : memref<!tpu.dma_semaphore, #tpu.memory_space<semaphore_mem>>) {add = true}
        %dma_wait3A_91 = arith.constant 0 : i32
        %dma_wait3A_92 = arith.constant 1 : i32
        %dma_wait3A_93 = arith.constant 0 : i32
        %dma_wait3A_94 = tpu.memref_slice %arg9[%dma_wait3A_91, %dma_wait3A_92, %dma_wait3A_93] : memref<3x2x128xi32, #tpu.memory_space<vmem>> -> memref<1x1x128xi32, #tpu.memory_space<vmem>>
        %dma_wait3A_95 = tpu.memref_squeeze %dma_wait3A_94 : memref<1x1x128xi32, #tpu.memory_space<vmem>> -> memref<128xi32, #tpu.memory_space<vmem>>
        %dma_wait3A_96 = arith.constant 0 : i32
        %dma_wait3A_97 = arith.constant 0 : i32
        %dma_wait3A_98 = tpu.memref_slice %arg8[%dma_wait3A_96, %dma_wait3A_97] : memref<10112x128xf32, #tpu.memory_space<vmem_shared>> -> memref<10112x128xf32, #tpu.memory_space<vmem_shared>>
        tpu.wait_indirect_dma semaphore(%arg16 : memref<!tpu.dma_semaphore, #tpu.memory_space<semaphore_mem>>) src(%arg10 : memref<128x128xf32, #tpu.memory_space<vmem>>) dst(%dma_wait3A_98 : memref<10112x128xf32, #tpu.memory_space<vmem_shared>>)
        %dma_wait3A_99 = arith.constant 1 : i32
        %dma_wait3A_100 = arith.constant 1 : i32
        %dma_wait3A_101 = arith.constant 0 : i32
        %dma_wait3A_102 = tpu.memref_slice %arg9[%dma_wait3A_99, %dma_wait3A_100, %dma_wait3A_101] : memref<3x2x128xi32, #tpu.memory_space<vmem>> -> memref<1x1x128xi32, #tpu.memory_space<vmem>>
        %dma_wait3A_103 = tpu.memref_squeeze %dma_wait3A_102 : memref<1x1x128xi32, #tpu.memory_space<vmem>> -> memref<128xi32, #tpu.memory_space<vmem>>
        %dma_wait3A_104 = arith.constant 0 : i32
        %dma_wait3A_105 = arith.constant 0 : i32
        %dma_wait3A_106 = tpu.memref_slice %arg8[%dma_wait3A_104, %dma_wait3A_105] : memref<10112x128xf32, #tpu.memory_space<vmem_shared>> -> memref<10112x128xf32, #tpu.memory_space<vmem_shared>>
        tpu.wait_indirect_dma semaphore(%arg17 : memref<!tpu.dma_semaphore, #tpu.memory_space<semaphore_mem>>) src(%arg11 : memref<128x128xf32, #tpu.memory_space<vmem>>) dst(%dma_wait3A_106 : memref<10112x128xf32, #tpu.memory_space<vmem_shared>>)
        %dma_wait3A_107 = arith.constant 2 : i32
        %dma_wait3A_108 = arith.constant 1 : i32
        %dma_wait3A_109 = arith.constant 0 : i32
        %dma_wait3A_110 = tpu.memref_slice %arg9[%dma_wait3A_107, %dma_wait3A_108, %dma_wait3A_109] : memref<3x2x128xi32, #tpu.memory_space<vmem>> -> memref<1x1x128xi32, #tpu.memory_space<vmem>>
        %dma_wait3A_111 = tpu.memref_squeeze %dma_wait3A_110 : memref<1x1x128xi32, #tpu.memory_space<vmem>> -> memref<128xi32, #tpu.memory_space<vmem>>
        %dma_wait3A_112 = arith.constant 0 : i32
        %dma_wait3A_113 = arith.constant 0 : i32
        %dma_wait3A_114 = tpu.memref_slice %arg8[%dma_wait3A_112, %dma_wait3A_113] : memref<10112x128xf32, #tpu.memory_space<vmem_shared>> -> memref<10112x128xf32, #tpu.memory_space<vmem_shared>>
        tpu.wait_indirect_dma semaphore(%arg18 : memref<!tpu.dma_semaphore, #tpu.memory_space<semaphore_mem>>) src(%arg12 : memref<128x128xf32, #tpu.memory_space<vmem>>) dst(%dma_wait3A_114 : memref<10112x128xf32, #tpu.memory_space<vmem_shared>>)
        %lt3A = arith.constant 27 : i32
        %lt3A_115 = arith.cmpi slt, %scan3A_16, %lt3A : i32
        %convert_element_type3A_116 = arith.extui %lt3A_115 : i1 to i32
        %cond3A_117 = arith.constant 0 : i32
        %cond3A_118 = arith.cmpi ne, %convert_element_type3A_116, %cond3A_117 : i32
        scf.if %cond3A_118 {
          %add3A = arith.constant 1 : i32
          %add3A_119 = arith.addi %scan3A_16, %add3A : i32
          %mul3A_120 = arith.constant 3 : i32
          %mul3A_121 = arith.muli %add3A_119, %mul3A_120 : i32
          %add3A_122 = arith.addi %mul3A_2, %mul3A_121 : i32
          %dma_start3A_123 = arith.constant 0 : i32
          %dma_start3A_124 = arith.constant 0 : i32
          %dma_start3A_125 = tpu.memref_slice %arg4[%add3A_122, %dma_start3A_123, %dma_start3A_124] : memref<1344x2x128xi32, #tpu.memory_space<hbm>> -> memref<3x2x128xi32, #tpu.memory_space<hbm>>
          %dma_start3A_126 = arith.constant 0 : i32
          %dma_start3A_127 = arith.constant 0 : i32
          %dma_start3A_128 = tpu.memref_slice %arg4[%add3A_122, %dma_start3A_126, %dma_start3A_127] : memref<1344x2x128xi32, #tpu.memory_space<hbm>> -> memref<3x2x128xi32, #tpu.memory_space<hbm>>
          tpu.enqueue_dma source(%dma_start3A_128 : memref<3x2x128xi32, #tpu.memory_space<hbm>>) target(%arg9 : memref<3x2x128xi32, #tpu.memory_space<vmem>>) target_semaphore(%arg19 : memref<!tpu.dma_semaphore, #tpu.memory_space<semaphore_mem>>)
        } else {
        }
      }
      %scan3A_15 = arith.constant 28 : i32
    } else {
    }
    %eq3A_5 = arith.constant 1 : i32
    %eq3A_6 = arith.cmpi eq, %arg0, %eq3A_5 : i32
    %convert_element_type3A_7 = arith.extui %eq3A_6 : i1 to i32
    %cond3A_8 = arith.constant 0 : i32
    %cond3A_9 = arith.cmpi ne, %convert_element_type3A_7, %cond3A_8 : i32
    scf.if %cond3A_9 {
      "tpu.region"() ({
        %run_scoped3A = tpu.sem_alloc : memref<!tpu.dma_semaphore, #tpu.memory_space<semaphore_mem>>
        %dma_start3A = arith.constant 0 : i32
        %dma_start3A_16 = arith.constant 0 : i32
        %dma_start3A_17 = tpu.memref_slice %arg5[%mul3A_2, %dma_start3A, %dma_start3A_16] : memref<1344x2x128xi32, #tpu.memory_space<hbm>> -> memref<3x2x128xi32, #tpu.memory_space<hbm>>
        %dma_start3A_18 = arith.constant 0 : i32
        %dma_start3A_19 = arith.constant 0 : i32
        %dma_start3A_20 = tpu.memref_slice %arg5[%mul3A_2, %dma_start3A_18, %dma_start3A_19] : memref<1344x2x128xi32, #tpu.memory_space<hbm>> -> memref<3x2x128xi32, #tpu.memory_space<hbm>>
        tpu.enqueue_dma source(%dma_start3A_20 : memref<3x2x128xi32, #tpu.memory_space<hbm>>) target(%arg9 : memref<3x2x128xi32, #tpu.memory_space<vmem>>) target_semaphore(%run_scoped3A : memref<!tpu.dma_semaphore, #tpu.memory_space<semaphore_mem>>)
        %dma_wait3A = arith.constant 0 : i32
        %dma_wait3A_21 = arith.constant 0 : i32
        %dma_wait3A_22 = tpu.memref_slice %arg5[%mul3A_2, %dma_wait3A, %dma_wait3A_21] : memref<1344x2x128xi32, #tpu.memory_space<hbm>> -> memref<3x2x128xi32, #tpu.memory_space<hbm>>
        %dma_wait3A_23 = arith.constant 0 : i32
        %dma_wait3A_24 = arith.constant 0 : i32
        %dma_wait3A_25 = tpu.memref_slice %arg5[%mul3A_2, %dma_wait3A_23, %dma_wait3A_24] : memref<1344x2x128xi32, #tpu.memory_space<hbm>> -> memref<3x2x128xi32, #tpu.memory_space<hbm>>
        tpu.wait_dma2 semaphore(%run_scoped3A : memref<!tpu.dma_semaphore, #tpu.memory_space<semaphore_mem>>) src(%dma_wait3A_25 : memref<3x2x128xi32, #tpu.memory_space<hbm>>) dst(%arg9 : memref<3x2x128xi32, #tpu.memory_space<vmem>>)
        tpu.yield
      }) : () -> ()
      %barrier3A_10 = arith.constant 0 : index
      tpu.barrier barrier_id(%barrier3A_10)
      %scan3A = arith.constant 0 : i32
      %scan3A_11 = arith.constant 0 : i32
      %scan3A_12 = arith.constant 28 : i32
      %scan3A_13 = arith.addi %scan3A_11, %scan3A_12 : i32
      %scan3A_14 = arith.constant 1 : i32
      scf.for %scan3A_16 = %scan3A_11 to %scan3A_13 step %scan3A_14  : i32 {
        %gt3A = arith.constant 0 : i32
        %gt3A_17 = arith.cmpi sgt, %scan3A_16, %gt3A : i32
        %convert_element_type3A_18 = arith.extui %gt3A_17 : i1 to i32
        %cond3A_19 = arith.constant 0 : i32
        %cond3A_20 = arith.cmpi ne, %convert_element_type3A_18, %cond3A_19 : i32
        scf.if %cond3A_20 {
          %dma_wait3A_119 = arith.constant 0 : i32
          %dma_wait3A_120 = arith.constant 0 : i32
          %dma_wait3A_121 = tpu.memref_slice %arg5[%mul3A_2, %dma_wait3A_119, %dma_wait3A_120] : memref<1344x2x128xi32, #tpu.memory_space<hbm>> -> memref<3x2x128xi32, #tpu.memory_space<hbm>>
          %dma_wait3A_122 = arith.constant 0 : i32
          %dma_wait3A_123 = arith.constant 0 : i32
          %dma_wait3A_124 = tpu.memref_slice %arg5[%mul3A_2, %dma_wait3A_122, %dma_wait3A_123] : memref<1344x2x128xi32, #tpu.memory_space<hbm>> -> memref<3x2x128xi32, #tpu.memory_space<hbm>>
          tpu.wait_dma2 semaphore(%arg19 : memref<!tpu.dma_semaphore, #tpu.memory_space<semaphore_mem>>) src(%dma_wait3A_124 : memref<3x2x128xi32, #tpu.memory_space<hbm>>) dst(%arg9 : memref<3x2x128xi32, #tpu.memory_space<vmem>>)
        } else {
        }
        %dma_start3A = arith.constant 0 : i32
        %dma_start3A_21 = arith.constant 0 : i32
        %dma_start3A_22 = arith.constant 0 : i32
        %dma_start3A_23 = tpu.memref_slice %arg9[%dma_start3A, %dma_start3A_21, %dma_start3A_22] : memref<3x2x128xi32, #tpu.memory_space<vmem>> -> memref<1x1x128xi32, #tpu.memory_space<vmem>>
        %dma_start3A_24 = tpu.memref_squeeze %dma_start3A_23 : memref<1x1x128xi32, #tpu.memory_space<vmem>> -> memref<128xi32, #tpu.memory_space<vmem>>
        %dma_start3A_25 = arith.constant 0 : i32
        %dma_start3A_26 = arith.constant 0 : i32
        %dma_start3A_27 = tpu.memref_slice %arg3[%dma_start3A_25, %dma_start3A_26] : memref<10000x128xf32, #tpu.memory_space<hbm>> -> memref<10000x128xf32, #tpu.memory_space<hbm>>
        tpu.enqueue_indirect_dma source(%dma_start3A_27 : memref<10000x128xf32, #tpu.memory_space<hbm>>) target(%arg10 : memref<128x128xf32, #tpu.memory_space<vmem>>) offsets(%dma_start3A_24 : memref<128xi32, #tpu.memory_space<vmem>>) semaphore(%arg13 : memref<!tpu.dma_semaphore, #tpu.memory_space<semaphore_mem>>)
        %dma_start3A_28 = arith.constant 1 : i32
        %dma_start3A_29 = arith.constant 0 : i32
        %dma_start3A_30 = arith.constant 0 : i32
        %dma_start3A_31 = tpu.memref_slice %arg9[%dma_start3A_28, %dma_start3A_29, %dma_start3A_30] : memref<3x2x128xi32, #tpu.memory_space<vmem>> -> memref<1x1x128xi32, #tpu.memory_space<vmem>>
        %dma_start3A_32 = tpu.memref_squeeze %dma_start3A_31 : memref<1x1x128xi32, #tpu.memory_space<vmem>> -> memref<128xi32, #tpu.memory_space<vmem>>
        %dma_start3A_33 = arith.constant 0 : i32
        %dma_start3A_34 = arith.constant 0 : i32
        %dma_start3A_35 = tpu.memref_slice %arg3[%dma_start3A_33, %dma_start3A_34] : memref<10000x128xf32, #tpu.memory_space<hbm>> -> memref<10000x128xf32, #tpu.memory_space<hbm>>
        tpu.enqueue_indirect_dma source(%dma_start3A_35 : memref<10000x128xf32, #tpu.memory_space<hbm>>) target(%arg11 : memref<128x128xf32, #tpu.memory_space<vmem>>) offsets(%dma_start3A_32 : memref<128xi32, #tpu.memory_space<vmem>>) semaphore(%arg14 : memref<!tpu.dma_semaphore, #tpu.memory_space<semaphore_mem>>)
        %dma_start3A_36 = arith.constant 2 : i32
        %dma_start3A_37 = arith.constant 0 : i32
        %dma_start3A_38 = arith.constant 0 : i32
        %dma_start3A_39 = tpu.memref_slice %arg9[%dma_start3A_36, %dma_start3A_37, %dma_start3A_38] : memref<3x2x128xi32, #tpu.memory_space<vmem>> -> memref<1x1x128xi32, #tpu.memory_space<vmem>>
        %dma_start3A_40 = tpu.memref_squeeze %dma_start3A_39 : memref<1x1x128xi32, #tpu.memory_space<vmem>> -> memref<128xi32, #tpu.memory_space<vmem>>
        %dma_start3A_41 = arith.constant 0 : i32
        %dma_start3A_42 = arith.constant 0 : i32
        %dma_start3A_43 = tpu.memref_slice %arg3[%dma_start3A_41, %dma_start3A_42] : memref<10000x128xf32, #tpu.memory_space<hbm>> -> memref<10000x128xf32, #tpu.memory_space<hbm>>
        tpu.enqueue_indirect_dma source(%dma_start3A_43 : memref<10000x128xf32, #tpu.memory_space<hbm>>) target(%arg12 : memref<128x128xf32, #tpu.memory_space<vmem>>) offsets(%dma_start3A_40 : memref<128xi32, #tpu.memory_space<vmem>>) semaphore(%arg15 : memref<!tpu.dma_semaphore, #tpu.memory_space<semaphore_mem>>)
        %dma_wait3A = arith.constant 0 : i32
        %dma_wait3A_44 = arith.constant 0 : i32
        %dma_wait3A_45 = arith.constant 0 : i32
        %dma_wait3A_46 = tpu.memref_slice %arg9[%dma_wait3A, %dma_wait3A_44, %dma_wait3A_45] : memref<3x2x128xi32, #tpu.memory_space<vmem>> -> memref<1x1x128xi32, #tpu.memory_space<vmem>>
        %dma_wait3A_47 = tpu.memref_squeeze %dma_wait3A_46 : memref<1x1x128xi32, #tpu.memory_space<vmem>> -> memref<128xi32, #tpu.memory_space<vmem>>
        %dma_wait3A_48 = arith.constant 0 : i32
        %dma_wait3A_49 = arith.constant 0 : i32
        %dma_wait3A_50 = tpu.memref_slice %arg3[%dma_wait3A_48, %dma_wait3A_49] : memref<10000x128xf32, #tpu.memory_space<hbm>> -> memref<10000x128xf32, #tpu.memory_space<hbm>>
        tpu.wait_indirect_dma semaphore(%arg13 : memref<!tpu.dma_semaphore, #tpu.memory_space<semaphore_mem>>) src(%dma_wait3A_50 : memref<10000x128xf32, #tpu.memory_space<hbm>>) dst(%arg10 : memref<128x128xf32, #tpu.memory_space<vmem>>)
        %dma_start3A_51 = arith.constant 0 : i32
        %dma_start3A_52 = arith.constant 1 : i32
        %dma_start3A_53 = arith.constant 0 : i32
        %dma_start3A_54 = tpu.memref_slice %arg9[%dma_start3A_51, %dma_start3A_52, %dma_start3A_53] : memref<3x2x128xi32, #tpu.memory_space<vmem>> -> memref<1x1x128xi32, #tpu.memory_space<vmem>>
        %dma_start3A_55 = tpu.memref_squeeze %dma_start3A_54 : memref<1x1x128xi32, #tpu.memory_space<vmem>> -> memref<128xi32, #tpu.memory_space<vmem>>
        %dma_start3A_56 = arith.constant 0 : i32
        %dma_start3A_57 = arith.constant 0 : i32
        %dma_start3A_58 = tpu.memref_slice %arg8[%dma_start3A_56, %dma_start3A_57] : memref<10112x128xf32, #tpu.memory_space<vmem_shared>> -> memref<10112x128xf32, #tpu.memory_space<vmem_shared>>
        tpu.enqueue_indirect_dma source(%arg10 : memref<128x128xf32, #tpu.memory_space<vmem>>) target(%dma_start3A_58 : memref<10112x128xf32, #tpu.memory_space<vmem_shared>>) offsets(%dma_start3A_55 : memref<128xi32, #tpu.memory_space<vmem>>) semaphore(%arg16 : memref<!tpu.dma_semaphore, #tpu.memory_space<semaphore_mem>>) {add = true}
        %dma_wait3A_59 = arith.constant 1 : i32
        %dma_wait3A_60 = arith.constant 0 : i32
        %dma_wait3A_61 = arith.constant 0 : i32
        %dma_wait3A_62 = tpu.memref_slice %arg9[%dma_wait3A_59, %dma_wait3A_60, %dma_wait3A_61] : memref<3x2x128xi32, #tpu.memory_space<vmem>> -> memref<1x1x128xi32, #tpu.memory_space<vmem>>
        %dma_wait3A_63 = tpu.memref_squeeze %dma_wait3A_62 : memref<1x1x128xi32, #tpu.memory_space<vmem>> -> memref<128xi32, #tpu.memory_space<vmem>>
        %dma_wait3A_64 = arith.constant 0 : i32
        %dma_wait3A_65 = arith.constant 0 : i32
        %dma_wait3A_66 = tpu.memref_slice %arg3[%dma_wait3A_64, %dma_wait3A_65] : memref<10000x128xf32, #tpu.memory_space<hbm>> -> memref<10000x128xf32, #tpu.memory_space<hbm>>
        tpu.wait_indirect_dma semaphore(%arg14 : memref<!tpu.dma_semaphore, #tpu.memory_space<semaphore_mem>>) src(%dma_wait3A_66 : memref<10000x128xf32, #tpu.memory_space<hbm>>) dst(%arg11 : memref<128x128xf32, #tpu.memory_space<vmem>>)
        %dma_start3A_67 = arith.constant 1 : i32
        %dma_start3A_68 = arith.constant 1 : i32
        %dma_start3A_69 = arith.constant 0 : i32
        %dma_start3A_70 = tpu.memref_slice %arg9[%dma_start3A_67, %dma_start3A_68, %dma_start3A_69] : memref<3x2x128xi32, #tpu.memory_space<vmem>> -> memref<1x1x128xi32, #tpu.memory_space<vmem>>
        %dma_start3A_71 = tpu.memref_squeeze %dma_start3A_70 : memref<1x1x128xi32, #tpu.memory_space<vmem>> -> memref<128xi32, #tpu.memory_space<vmem>>
        %dma_start3A_72 = arith.constant 0 : i32
        %dma_start3A_73 = arith.constant 0 : i32
        %dma_start3A_74 = tpu.memref_slice %arg8[%dma_start3A_72, %dma_start3A_73] : memref<10112x128xf32, #tpu.memory_space<vmem_shared>> -> memref<10112x128xf32, #tpu.memory_space<vmem_shared>>
        tpu.enqueue_indirect_dma source(%arg11 : memref<128x128xf32, #tpu.memory_space<vmem>>) target(%dma_start3A_74 : memref<10112x128xf32, #tpu.memory_space<vmem_shared>>) offsets(%dma_start3A_71 : memref<128xi32, #tpu.memory_space<vmem>>) semaphore(%arg17 : memref<!tpu.dma_semaphore, #tpu.memory_space<semaphore_mem>>) {add = true}
        %dma_wait3A_75 = arith.constant 2 : i32
        %dma_wait3A_76 = arith.constant 0 : i32
        %dma_wait3A_77 = arith.constant 0 : i32
        %dma_wait3A_78 = tpu.memref_slice %arg9[%dma_wait3A_75, %dma_wait3A_76, %dma_wait3A_77] : memref<3x2x128xi32, #tpu.memory_space<vmem>> -> memref<1x1x128xi32, #tpu.memory_space<vmem>>
        %dma_wait3A_79 = tpu.memref_squeeze %dma_wait3A_78 : memref<1x1x128xi32, #tpu.memory_space<vmem>> -> memref<128xi32, #tpu.memory_space<vmem>>
        %dma_wait3A_80 = arith.constant 0 : i32
        %dma_wait3A_81 = arith.constant 0 : i32
        %dma_wait3A_82 = tpu.memref_slice %arg3[%dma_wait3A_80, %dma_wait3A_81] : memref<10000x128xf32, #tpu.memory_space<hbm>> -> memref<10000x128xf32, #tpu.memory_space<hbm>>
        tpu.wait_indirect_dma semaphore(%arg15 : memref<!tpu.dma_semaphore, #tpu.memory_space<semaphore_mem>>) src(%dma_wait3A_82 : memref<10000x128xf32, #tpu.memory_space<hbm>>) dst(%arg12 : memref<128x128xf32, #tpu.memory_space<vmem>>)
        %dma_start3A_83 = arith.constant 2 : i32
        %dma_start3A_84 = arith.constant 1 : i32
        %dma_start3A_85 = arith.constant 0 : i32
        %dma_start3A_86 = tpu.memref_slice %arg9[%dma_start3A_83, %dma_start3A_84, %dma_start3A_85] : memref<3x2x128xi32, #tpu.memory_space<vmem>> -> memref<1x1x128xi32, #tpu.memory_space<vmem>>
        %dma_start3A_87 = tpu.memref_squeeze %dma_start3A_86 : memref<1x1x128xi32, #tpu.memory_space<vmem>> -> memref<128xi32, #tpu.memory_space<vmem>>
        %dma_start3A_88 = arith.constant 0 : i32
        %dma_start3A_89 = arith.constant 0 : i32
        %dma_start3A_90 = tpu.memref_slice %arg8[%dma_start3A_88, %dma_start3A_89] : memref<10112x128xf32, #tpu.memory_space<vmem_shared>> -> memref<10112x128xf32, #tpu.memory_space<vmem_shared>>
        tpu.enqueue_indirect_dma source(%arg12 : memref<128x128xf32, #tpu.memory_space<vmem>>) target(%dma_start3A_90 : memref<10112x128xf32, #tpu.memory_space<vmem_shared>>) offsets(%dma_start3A_87 : memref<128xi32, #tpu.memory_space<vmem>>) semaphore(%arg18 : memref<!tpu.dma_semaphore, #tpu.memory_space<semaphore_mem>>) {add = true}
        %dma_wait3A_91 = arith.constant 0 : i32
        %dma_wait3A_92 = arith.constant 1 : i32
        %dma_wait3A_93 = arith.constant 0 : i32
        %dma_wait3A_94 = tpu.memref_slice %arg9[%dma_wait3A_91, %dma_wait3A_92, %dma_wait3A_93] : memref<3x2x128xi32, #tpu.memory_space<vmem>> -> memref<1x1x128xi32, #tpu.memory_space<vmem>>
        %dma_wait3A_95 = tpu.memref_squeeze %dma_wait3A_94 : memref<1x1x128xi32, #tpu.memory_space<vmem>> -> memref<128xi32, #tpu.memory_space<vmem>>
        %dma_wait3A_96 = arith.constant 0 : i32
        %dma_wait3A_97 = arith.constant 0 : i32
        %dma_wait3A_98 = tpu.memref_slice %arg8[%dma_wait3A_96, %dma_wait3A_97] : memref<10112x128xf32, #tpu.memory_space<vmem_shared>> -> memref<10112x128xf32, #tpu.memory_space<vmem_shared>>
        tpu.wait_indirect_dma semaphore(%arg16 : memref<!tpu.dma_semaphore, #tpu.memory_space<semaphore_mem>>) src(%arg10 : memref<128x128xf32, #tpu.memory_space<vmem>>) dst(%dma_wait3A_98 : memref<10112x128xf32, #tpu.memory_space<vmem_shared>>)
        %dma_wait3A_99 = arith.constant 1 : i32
        %dma_wait3A_100 = arith.constant 1 : i32
        %dma_wait3A_101 = arith.constant 0 : i32
        %dma_wait3A_102 = tpu.memref_slice %arg9[%dma_wait3A_99, %dma_wait3A_100, %dma_wait3A_101] : memref<3x2x128xi32, #tpu.memory_space<vmem>> -> memref<1x1x128xi32, #tpu.memory_space<vmem>>
        %dma_wait3A_103 = tpu.memref_squeeze %dma_wait3A_102 : memref<1x1x128xi32, #tpu.memory_space<vmem>> -> memref<128xi32, #tpu.memory_space<vmem>>
        %dma_wait3A_104 = arith.constant 0 : i32
        %dma_wait3A_105 = arith.constant 0 : i32
        %dma_wait3A_106 = tpu.memref_slice %arg8[%dma_wait3A_104, %dma_wait3A_105] : memref<10112x128xf32, #tpu.memory_space<vmem_shared>> -> memref<10112x128xf32, #tpu.memory_space<vmem_shared>>
        tpu.wait_indirect_dma semaphore(%arg17 : memref<!tpu.dma_semaphore, #tpu.memory_space<semaphore_mem>>) src(%arg11 : memref<128x128xf32, #tpu.memory_space<vmem>>) dst(%dma_wait3A_106 : memref<10112x128xf32, #tpu.memory_space<vmem_shared>>)
        %dma_wait3A_107 = arith.constant 2 : i32
        %dma_wait3A_108 = arith.constant 1 : i32
        %dma_wait3A_109 = arith.constant 0 : i32
        %dma_wait3A_110 = tpu.memref_slice %arg9[%dma_wait3A_107, %dma_wait3A_108, %dma_wait3A_109] : memref<3x2x128xi32, #tpu.memory_space<vmem>> -> memref<1x1x128xi32, #tpu.memory_space<vmem>>
        %dma_wait3A_111 = tpu.memref_squeeze %dma_wait3A_110 : memref<1x1x128xi32, #tpu.memory_space<vmem>> -> memref<128xi32, #tpu.memory_space<vmem>>
        %dma_wait3A_112 = arith.constant 0 : i32
        %dma_wait3A_113 = arith.constant 0 : i32
        %dma_wait3A_114 = tpu.memref_slice %arg8[%dma_wait3A_112, %dma_wait3A_113] : memref<10112x128xf32, #tpu.memory_space<vmem_shared>> -> memref<10112x128xf32, #tpu.memory_space<vmem_shared>>
        tpu.wait_indirect_dma semaphore(%arg18 : memref<!tpu.dma_semaphore, #tpu.memory_space<semaphore_mem>>) src(%arg12 : memref<128x128xf32, #tpu.memory_space<vmem>>) dst(%dma_wait3A_114 : memref<10112x128xf32, #tpu.memory_space<vmem_shared>>)
        %lt3A = arith.constant 27 : i32
        %lt3A_115 = arith.cmpi slt, %scan3A_16, %lt3A : i32
        %convert_element_type3A_116 = arith.extui %lt3A_115 : i1 to i32
        %cond3A_117 = arith.constant 0 : i32
        %cond3A_118 = arith.cmpi ne, %convert_element_type3A_116, %cond3A_117 : i32
        scf.if %cond3A_118 {
          %add3A = arith.constant 1 : i32
          %add3A_119 = arith.addi %scan3A_16, %add3A : i32
          %mul3A_120 = arith.constant 3 : i32
          %mul3A_121 = arith.muli %add3A_119, %mul3A_120 : i32
          %add3A_122 = arith.addi %mul3A_2, %mul3A_121 : i32
          %dma_start3A_123 = arith.constant 0 : i32
          %dma_start3A_124 = arith.constant 0 : i32
          %dma_start3A_125 = tpu.memref_slice %arg5[%add3A_122, %dma_start3A_123, %dma_start3A_124] : memref<1344x2x128xi32, #tpu.memory_space<hbm>> -> memref<3x2x128xi32, #tpu.memory_space<hbm>>
          %dma_start3A_126 = arith.constant 0 : i32
          %dma_start3A_127 = arith.constant 0 : i32
          %dma_start3A_128 = tpu.memref_slice %arg5[%add3A_122, %dma_start3A_126, %dma_start3A_127] : memref<1344x2x128xi32, #tpu.memory_space<hbm>> -> memref<3x2x128xi32, #tpu.memory_space<hbm>>
          tpu.enqueue_dma source(%dma_start3A_128 : memref<3x2x128xi32, #tpu.memory_space<hbm>>) target(%arg9 : memref<3x2x128xi32, #tpu.memory_space<vmem>>) target_semaphore(%arg19 : memref<!tpu.dma_semaphore, #tpu.memory_space<semaphore_mem>>)
        } else {
        }
      }
      %scan3A_15 = arith.constant 28 : i32
    } else {
    }
    %barrier3A = arith.constant 0 : index
    tpu.barrier barrier_id(%barrier3A)
    "tpu.region"() ({
      %run_scoped3A = tpu.sem_alloc : memref<!tpu.dma_semaphore, #tpu.memory_space<semaphore_mem>>
      %dma_start3A = arith.constant 0 : i32
      %dma_start3A_10 = tpu.memref_slice %arg7[%arg0, %mul3A_0, %dma_start3A] : memref<2x10112x128xf32, #tpu.memory_space<hbm>> -> memref<1x632x128xf32, #tpu.memory_space<hbm>>
      %dma_start3A_11 = tpu.memref_squeeze %dma_start3A_10 : memref<1x632x128xf32, #tpu.memory_space<hbm>> -> memref<632x128xf32, #tpu.memory_space<hbm>>
      %dma_start3A_12 = arith.constant 0 : i32
      %dma_start3A_13 = tpu.memref_slice %arg8[%mul3A_0, %dma_start3A_12] : memref<10112x128xf32, #tpu.memory_space<vmem_shared>> -> memref<632x128xf32, #tpu.memory_space<vmem_shared>>
      tpu.enqueue_dma source(%dma_start3A_13 : memref<632x128xf32, #tpu.memory_space<vmem_shared>>) target(%dma_start3A_11 : memref<632x128xf32, #tpu.memory_space<hbm>>) target_semaphore(%run_scoped3A : memref<!tpu.dma_semaphore, #tpu.memory_space<semaphore_mem>>)
      %dma_wait3A = arith.constant 0 : i32
      %dma_wait3A_14 = tpu.memref_slice %arg7[%arg0, %mul3A_0, %dma_wait3A] : memref<2x10112x128xf32, #tpu.memory_space<hbm>> -> memref<1x632x128xf32, #tpu.memory_space<hbm>>
      %dma_wait3A_15 = tpu.memref_squeeze %dma_wait3A_14 : memref<1x632x128xf32, #tpu.memory_space<hbm>> -> memref<632x128xf32, #tpu.memory_space<hbm>>
      %dma_wait3A_16 = arith.constant 0 : i32
      %dma_wait3A_17 = tpu.memref_slice %arg8[%mul3A_0, %dma_wait3A_16] : memref<10112x128xf32, #tpu.memory_space<vmem_shared>> -> memref<632x128xf32, #tpu.memory_space<vmem_shared>>
      tpu.wait_dma2 semaphore(%run_scoped3A : memref<!tpu.dma_semaphore, #tpu.memory_space<semaphore_mem>>) src(%dma_wait3A_17 : memref<632x128xf32, #tpu.memory_space<vmem_shared>>) dst(%dma_wait3A_15 : memref<632x128xf32, #tpu.memory_space<hbm>>)
      tpu.yield
    }) : () -> ()
    return
  }
}

module attributes {stable_mosaic.version = 14 : i64} {
  func.func @_comb_body(%arg0: i32, %arg1: memref<1000x128xf32, #tpu.memory_space<vmem>>, %arg2: memref<1000x128xf32, #tpu.memory_space<vmem>>, %arg3: memref<1x1000x128xf32, #tpu.memory_space<vmem>>, %arg4: memref<1x1000x128xf32, #tpu.memory_space<vmem>>, %arg5: memref<1x1000x128xf32, #tpu.memory_space<vmem>>, %arg6: memref<1x1000x128xf32, #tpu.memory_space<vmem>>, %arg7: memref<128x128xf32, #tpu.memory_space<vmem>>, %arg8: memref<128x128xf32, #tpu.memory_space<vmem>>, %arg9: memref<128x128xf32, #tpu.memory_space<vmem>>, %arg10: memref<128x128xf32, #tpu.memory_space<vmem>>, %arg11: memref<1x128xf32, #tpu.memory_space<vmem>>, %arg12: memref<1x128xf32, #tpu.memory_space<vmem>>, %arg13: memref<1000x128xf32, #tpu.memory_space<vmem>>, %arg14: memref<1000x128xf32, #tpu.memory_space<vmem>>) attributes {dimension_semantics = [#tpu.dimension_semantics<arbitrary>], iteration_bounds = array<i64: 10>, scalar_prefetch = 0 : i64, scratch_operands = 0 : i64, tpu.core_type = #tpu.core_type<tc>, window_params = [{transform_indices = @transform_0, window_bounds = array<i64: 1000, 128>}, {transform_indices = @transform_1, window_bounds = array<i64: 1000, 128>}, {transform_indices = @transform_2, window_bounds = array<i64: 1, 1000, 128>}, {transform_indices = @transform_3, window_bounds = array<i64: 1, 1000, 128>}, {transform_indices = @transform_4, window_bounds = array<i64: 1, 1000, 128>}, {transform_indices = @transform_5, window_bounds = array<i64: 1, 1000, 128>}, {pipeline_mode = #tpu.pipeline_mode<synchronous>, transform_indices = @transform_6, window_bounds = array<i64: 128, 128>}, {pipeline_mode = #tpu.pipeline_mode<synchronous>, transform_indices = @transform_7, window_bounds = array<i64: 128, 128>}, {pipeline_mode = #tpu.pipeline_mode<synchronous>, transform_indices = @transform_8, window_bounds = array<i64: 128, 128>}, {pipeline_mode = #tpu.pipeline_mode<synchronous>, transform_indices = @transform_9, window_bounds = array<i64: 128, 128>}, {pipeline_mode = #tpu.pipeline_mode<synchronous>, transform_indices = @transform_10, window_bounds = array<i64: 1, 128>}, {pipeline_mode = #tpu.pipeline_mode<synchronous>, transform_indices = @transform_11, window_bounds = array<i64: 1, 128>}, {transform_indices = @transform_12, window_bounds = array<i64: 1000, 128>}, {transform_indices = @transform_13, window_bounds = array<i64: 1000, 128>}]} {
    %get3A = arith.constant 0 : index
    %get3A_0 = arith.constant 0 : index
    %get3A_1 = arith.constant 0 : index
    %get3A_2 = vector.load %arg3[%get3A, %get3A_0, %get3A_1] : memref<1x1000x128xf32, #tpu.memory_space<vmem>>, vector<1x1000x128xf32>
    %get3A_3 = vector.shape_cast %get3A_2 : vector<1x1000x128xf32> to vector<1000x128xf32>
    %get3A_4 = arith.constant 0 : index
    %get3A_5 = arith.constant 0 : index
    %get3A_6 = arith.constant 0 : index
    %get3A_7 = vector.load %arg5[%get3A_4, %get3A_5, %get3A_6] : memref<1x1000x128xf32, #tpu.memory_space<vmem>>, vector<1x1000x128xf32>
    %get3A_8 = vector.shape_cast %get3A_7 : vector<1x1000x128xf32> to vector<1000x128xf32>
    %max3A = arith.constant 1.000000e+00 : f32
    %max3A_9 = vector.broadcast %max3A : f32 to vector<1000x128xf32>
    %max3A_10 = arith.maximumf %get3A_8, %max3A_9 : vector<1000x128xf32>
    %div3A = arith.divf %get3A_3, %max3A_10 : vector<1000x128xf32>
    %get3A_11 = arith.constant 0 : index
    %get3A_12 = arith.constant 0 : index
    %get3A_13 = arith.constant 0 : index
    %get3A_14 = vector.load %arg4[%get3A_11, %get3A_12, %get3A_13] : memref<1x1000x128xf32, #tpu.memory_space<vmem>>, vector<1x1000x128xf32>
    %get3A_15 = vector.shape_cast %get3A_14 : vector<1x1000x128xf32> to vector<1000x128xf32>
    %get3A_16 = arith.constant 0 : index
    %get3A_17 = arith.constant 0 : index
    %get3A_18 = arith.constant 0 : index
    %get3A_19 = vector.load %arg6[%get3A_16, %get3A_17, %get3A_18] : memref<1x1000x128xf32, #tpu.memory_space<vmem>>, vector<1x1000x128xf32>
    %get3A_20 = vector.shape_cast %get3A_19 : vector<1x1000x128xf32> to vector<1000x128xf32>
    %max3A_21 = arith.constant 1.000000e+00 : f32
    %max3A_22 = vector.broadcast %max3A_21 : f32 to vector<1000x128xf32>
    %max3A_23 = arith.maximumf %get3A_20, %max3A_22 : vector<1000x128xf32>
    %div3A_24 = arith.divf %get3A_15, %max3A_23 : vector<1000x128xf32>
    %get3A_25 = arith.constant 0 : index
    %get3A_26 = arith.constant 0 : index
    %get3A_27 = vector.load %arg2[%get3A_25, %get3A_26] : memref<1000x128xf32, #tpu.memory_space<vmem>>, vector<1000x128xf32>
    %get3A_28 = arith.constant 0 : index
    %get3A_29 = arith.constant 0 : index
    %get3A_30 = vector.load %arg10[%get3A_28, %get3A_29] : memref<128x128xf32, #tpu.memory_space<vmem>>, vector<128x128xf32>
    %dot_general3A = arith.constant dense<0.000000e+00> : vector<1000x128xf32>
    %dot_general3A_31 = tpu.matmul %get3A_27, %get3A_30, %dot_general3A {dimension_numbers = #tpu.dot_dimension_numbers<[1], [0], [0], [1], [0, 0, 1, 1], [], []>, transpose_lhs_hint = false} : vector<1000x128xf32>, vector<128x128xf32>, vector<1000x128xf32> -> vector<1000x128xf32>
    %get3A_32 = arith.constant 0 : index
    %get3A_33 = arith.constant 0 : index
    %get3A_34 = vector.load %arg7[%get3A_32, %get3A_33] : memref<128x128xf32, #tpu.memory_space<vmem>>, vector<128x128xf32>
    %dot_general3A_35 = arith.constant dense<0.000000e+00> : vector<1000x128xf32>
    %dot_general3A_36 = tpu.matmul %div3A, %get3A_34, %dot_general3A_35 {dimension_numbers = #tpu.dot_dimension_numbers<[1], [0], [0], [1], [0, 0, 1, 1], [], []>, transpose_lhs_hint = false} : vector<1000x128xf32>, vector<128x128xf32>, vector<1000x128xf32> -> vector<1000x128xf32>
    %add3A = arith.addf %dot_general3A_31, %dot_general3A_36 : vector<1000x128xf32>
    %get3A_37 = arith.constant 0 : index
    %get3A_38 = arith.constant 0 : index
    %get3A_39 = vector.load %arg11[%get3A_37, %get3A_38] : memref<1x128xf32, #tpu.memory_space<vmem>>, vector<1x128xf32>
    %add3A_40 = vector.broadcast %get3A_39 : vector<1x128xf32> to vector<1000x128xf32>
    %add3A_41 = arith.addf %add3A, %add3A_40 : vector<1000x128xf32>
    %max3A_42 = arith.constant 0.000000e+00 : f32
    %max3A_43 = vector.broadcast %max3A_42 : f32 to vector<1000x128xf32>
    %max3A_44 = arith.maximumf %add3A_41, %max3A_43 : vector<1000x128xf32>
    %swap3A = arith.constant 0 : index
    %swap3A_45 = arith.constant 0 : index
    %swap3A_46 = vector.load %arg14[%swap3A, %swap3A_45] : memref<1000x128xf32, #tpu.memory_space<vmem>>, vector<1000x128xf32>
    tpu.vector_store %arg14[%swap3A, %swap3A_45], %max3A_44 {strides = array<i32>} : memref<1000x128xf32, #tpu.memory_space<vmem>>, vector<1000x128xf32>,
    %get3A_47 = arith.constant 0 : index
    %get3A_48 = arith.constant 0 : index
    %get3A_49 = vector.load %arg1[%get3A_47, %get3A_48] : memref<1000x128xf32, #tpu.memory_space<vmem>>, vector<1000x128xf32>
    %get3A_50 = arith.constant 0 : index
    %get3A_51 = arith.constant 0 : index
    %get3A_52 = vector.load %arg9[%get3A_50, %get3A_51] : memref<128x128xf32, #tpu.memory_space<vmem>>, vector<128x128xf32>
    %dot_general3A_53 = arith.constant dense<0.000000e+00> : vector<1000x128xf32>
    %dot_general3A_54 = tpu.matmul %get3A_49, %get3A_52, %dot_general3A_53 {dimension_numbers = #tpu.dot_dimension_numbers<[1], [0], [0], [1], [0, 0, 1, 1], [], []>, transpose_lhs_hint = false} : vector<1000x128xf32>, vector<128x128xf32>, vector<1000x128xf32> -> vector<1000x128xf32>
    %get3A_55 = arith.constant 0 : index
    %get3A_56 = arith.constant 0 : index
    %get3A_57 = vector.load %arg8[%get3A_55, %get3A_56] : memref<128x128xf32, #tpu.memory_space<vmem>>, vector<128x128xf32>
    %dot_general3A_58 = arith.constant dense<0.000000e+00> : vector<1000x128xf32>
    %dot_general3A_59 = tpu.matmul %div3A_24, %get3A_57, %dot_general3A_58 {dimension_numbers = #tpu.dot_dimension_numbers<[1], [0], [0], [1], [0, 0, 1, 1], [], []>, transpose_lhs_hint = false} : vector<1000x128xf32>, vector<128x128xf32>, vector<1000x128xf32> -> vector<1000x128xf32>
    %add3A_60 = arith.addf %dot_general3A_54, %dot_general3A_59 : vector<1000x128xf32>
    %get3A_61 = arith.constant 0 : index
    %get3A_62 = arith.constant 0 : index
    %get3A_63 = vector.load %arg12[%get3A_61, %get3A_62] : memref<1x128xf32, #tpu.memory_space<vmem>>, vector<1x128xf32>
    %add3A_64 = vector.broadcast %get3A_63 : vector<1x128xf32> to vector<1000x128xf32>
    %add3A_65 = arith.addf %add3A_60, %add3A_64 : vector<1000x128xf32>
    %max3A_66 = arith.constant 0.000000e+00 : f32
    %max3A_67 = vector.broadcast %max3A_66 : f32 to vector<1000x128xf32>
    %max3A_68 = arith.maximumf %add3A_65, %max3A_67 : vector<1000x128xf32>
    %swap3A_69 = arith.constant 0 : index
    %swap3A_70 = arith.constant 0 : index
    %swap3A_71 = vector.load %arg13[%swap3A_69, %swap3A_70] : memref<1000x128xf32, #tpu.memory_space<vmem>>, vector<1000x128xf32>
    tpu.vector_store %arg13[%swap3A_69, %swap3A_70], %max3A_68 {strides = array<i32>} : memref<1000x128xf32, #tpu.memory_space<vmem>>, vector<1000x128xf32>,
    return
  }
  func.func @transform_0(%arg0: i32) -> (i32, i32) {
    %c0_i32 = arith.constant 0 : i32
    %c0_i32_0 = arith.constant 0 : i32
    return %arg0, %c0_i32 : i32, i32
  }
  func.func @transform_1(%arg0: i32) -> (i32, i32) {
    %c0_i32 = arith.constant 0 : i32
    %c0_i32_0 = arith.constant 0 : i32
    return %arg0, %c0_i32 : i32, i32
  }
  func.func @transform_2(%arg0: i32) -> (i32, i32, i32) {
    %c0_i32 = arith.constant 0 : i32
    %c0_i32_0 = arith.constant 0 : i32
    %c0_i32_1 = arith.constant 0 : i32
    return %c0_i32, %arg0, %c0_i32_0 : i32, i32, i32
  }
  func.func @transform_3(%arg0: i32) -> (i32, i32, i32) {
    %c1_i32 = arith.constant 1 : i32
    %c0_i32 = arith.constant 0 : i32
    %c0_i32_0 = arith.constant 0 : i32
    return %c1_i32, %arg0, %c0_i32 : i32, i32, i32
  }
  func.func @transform_4(%arg0: i32) -> (i32, i32, i32) {
    %c0_i32 = arith.constant 0 : i32
    %c0_i32_0 = arith.constant 0 : i32
    %c0_i32_1 = arith.constant 0 : i32
    return %c0_i32, %arg0, %c0_i32_0 : i32, i32, i32
  }
  func.func @transform_5(%arg0: i32) -> (i32, i32, i32) {
    %c1_i32 = arith.constant 1 : i32
    %c0_i32 = arith.constant 0 : i32
    %c0_i32_0 = arith.constant 0 : i32
    return %c1_i32, %arg0, %c0_i32 : i32, i32, i32
  }
  func.func @transform_6(%arg0: i32) -> (i32, i32) {
    %c0_i32 = arith.constant 0 : i32
    %c0_i32_0 = arith.constant 0 : i32
    %c0_i32_1 = arith.constant 0 : i32
    return %c0_i32, %c0_i32_0 : i32, i32
  }
  func.func @transform_7(%arg0: i32) -> (i32, i32) {
    %c0_i32 = arith.constant 0 : i32
    %c0_i32_0 = arith.constant 0 : i32
    %c0_i32_1 = arith.constant 0 : i32
    return %c0_i32, %c0_i32_0 : i32, i32
  }
  func.func @transform_8(%arg0: i32) -> (i32, i32) {
    %c0_i32 = arith.constant 0 : i32
    %c0_i32_0 = arith.constant 0 : i32
    %c0_i32_1 = arith.constant 0 : i32
    return %c0_i32, %c0_i32_0 : i32, i32
  }
  func.func @transform_9(%arg0: i32) -> (i32, i32) {
    %c0_i32 = arith.constant 0 : i32
    %c0_i32_0 = arith.constant 0 : i32
    %c0_i32_1 = arith.constant 0 : i32
    return %c0_i32, %c0_i32_0 : i32, i32
  }
  func.func @transform_10(%arg0: i32) -> (i32, i32) {
    %c0_i32 = arith.constant 0 : i32
    %c0_i32_0 = arith.constant 0 : i32
    %c0_i32_1 = arith.constant 0 : i32
    return %c0_i32, %c0_i32_0 : i32, i32
  }
  func.func @transform_11(%arg0: i32) -> (i32, i32) {
    %c0_i32 = arith.constant 0 : i32
    %c0_i32_0 = arith.constant 0 : i32
    %c0_i32_1 = arith.constant 0 : i32
    return %c0_i32, %c0_i32_0 : i32, i32
  }
  func.func @transform_12(%arg0: i32) -> (i32, i32) {
    %c0_i32 = arith.constant 0 : i32
    %c0_i32_0 = arith.constant 0 : i32
    return %arg0, %c0_i32 : i32, i32
  }
  func.func @transform_13(%arg0: i32) -> (i32, i32) {
    %c0_i32 = arith.constant 0 : i32
    %c0_i32_0 = arith.constant 0 : i32
    return %arg0, %c0_i32 : i32, i32
  }
}

module attributes {stable_mosaic.version = 14 : i64} {
  func.func @_comb_body(%arg0: i32, %arg1: memref<1000x128xf32, #tpu.memory_space<vmem>>, %arg2: memref<1000x128xf32, #tpu.memory_space<vmem>>, %arg3: memref<1x1000x128xf32, #tpu.memory_space<vmem>>, %arg4: memref<1x1000x128xf32, #tpu.memory_space<vmem>>, %arg5: memref<1x1000x128xf32, #tpu.memory_space<vmem>>, %arg6: memref<1x1000x128xf32, #tpu.memory_space<vmem>>, %arg7: memref<128x128xf32, #tpu.memory_space<vmem>>, %arg8: memref<128x128xf32, #tpu.memory_space<vmem>>, %arg9: memref<128x128xf32, #tpu.memory_space<vmem>>, %arg10: memref<128x128xf32, #tpu.memory_space<vmem>>, %arg11: memref<1x128xf32, #tpu.memory_space<vmem>>, %arg12: memref<1x128xf32, #tpu.memory_space<vmem>>, %arg13: memref<1000x128xf32, #tpu.memory_space<vmem>>, %arg14: memref<1000x128xf32, #tpu.memory_space<vmem>>) attributes {dimension_semantics = [#tpu.dimension_semantics<arbitrary>], iteration_bounds = array<i64: 10>, scalar_prefetch = 0 : i64, scratch_operands = 0 : i64, tpu.core_type = #tpu.core_type<tc>, window_params = [{transform_indices = @transform_0, window_bounds = array<i64: 1000, 128>}, {transform_indices = @transform_1, window_bounds = array<i64: 1000, 128>}, {transform_indices = @transform_2, window_bounds = array<i64: 1, 1000, 128>}, {transform_indices = @transform_3, window_bounds = array<i64: 1, 1000, 128>}, {transform_indices = @transform_4, window_bounds = array<i64: 1, 1000, 128>}, {transform_indices = @transform_5, window_bounds = array<i64: 1, 1000, 128>}, {pipeline_mode = #tpu.pipeline_mode<synchronous>, transform_indices = @transform_6, window_bounds = array<i64: 128, 128>}, {pipeline_mode = #tpu.pipeline_mode<synchronous>, transform_indices = @transform_7, window_bounds = array<i64: 128, 128>}, {pipeline_mode = #tpu.pipeline_mode<synchronous>, transform_indices = @transform_8, window_bounds = array<i64: 128, 128>}, {pipeline_mode = #tpu.pipeline_mode<synchronous>, transform_indices = @transform_9, window_bounds = array<i64: 128, 128>}, {pipeline_mode = #tpu.pipeline_mode<synchronous>, transform_indices = @transform_10, window_bounds = array<i64: 1, 128>}, {pipeline_mode = #tpu.pipeline_mode<synchronous>, transform_indices = @transform_11, window_bounds = array<i64: 1, 128>}, {transform_indices = @transform_12, window_bounds = array<i64: 1000, 128>}, {transform_indices = @transform_13, window_bounds = array<i64: 1000, 128>}]} {
    %get3A = arith.constant 0 : index
    %get3A_0 = arith.constant 0 : index
    %get3A_1 = arith.constant 0 : index
    %get3A_2 = vector.load %arg3[%get3A, %get3A_0, %get3A_1] : memref<1x1000x128xf32, #tpu.memory_space<vmem>>, vector<1x1000x128xf32>
    %get3A_3 = vector.shape_cast %get3A_2 : vector<1x1000x128xf32> to vector<1000x128xf32>
    %get3A_4 = arith.constant 0 : index
    %get3A_5 = arith.constant 0 : index
    %get3A_6 = arith.constant 0 : index
    %get3A_7 = vector.load %arg5[%get3A_4, %get3A_5, %get3A_6] : memref<1x1000x128xf32, #tpu.memory_space<vmem>>, vector<1x1000x128xf32>
    %get3A_8 = vector.shape_cast %get3A_7 : vector<1x1000x128xf32> to vector<1000x128xf32>
    %max3A = arith.constant 1.000000e+00 : f32
    %max3A_9 = vector.broadcast %max3A : f32 to vector<1000x128xf32>
    %max3A_10 = arith.maximumf %get3A_8, %max3A_9 : vector<1000x128xf32>
    %div3A = arith.divf %get3A_3, %max3A_10 : vector<1000x128xf32>
    %get3A_11 = arith.constant 0 : index
    %get3A_12 = arith.constant 0 : index
    %get3A_13 = arith.constant 0 : index
    %get3A_14 = vector.load %arg4[%get3A_11, %get3A_12, %get3A_13] : memref<1x1000x128xf32, #tpu.memory_space<vmem>>, vector<1x1000x128xf32>
    %get3A_15 = vector.shape_cast %get3A_14 : vector<1x1000x128xf32> to vector<1000x128xf32>
    %get3A_16 = arith.constant 0 : index
    %get3A_17 = arith.constant 0 : index
    %get3A_18 = arith.constant 0 : index
    %get3A_19 = vector.load %arg6[%get3A_16, %get3A_17, %get3A_18] : memref<1x1000x128xf32, #tpu.memory_space<vmem>>, vector<1x1000x128xf32>
    %get3A_20 = vector.shape_cast %get3A_19 : vector<1x1000x128xf32> to vector<1000x128xf32>
    %max3A_21 = arith.constant 1.000000e+00 : f32
    %max3A_22 = vector.broadcast %max3A_21 : f32 to vector<1000x128xf32>
    %max3A_23 = arith.maximumf %get3A_20, %max3A_22 : vector<1000x128xf32>
    %div3A_24 = arith.divf %get3A_15, %max3A_23 : vector<1000x128xf32>
    %get3A_25 = arith.constant 0 : index
    %get3A_26 = arith.constant 0 : index
    %get3A_27 = vector.load %arg2[%get3A_25, %get3A_26] : memref<1000x128xf32, #tpu.memory_space<vmem>>, vector<1000x128xf32>
    %get3A_28 = arith.constant 0 : index
    %get3A_29 = arith.constant 0 : index
    %get3A_30 = vector.load %arg10[%get3A_28, %get3A_29] : memref<128x128xf32, #tpu.memory_space<vmem>>, vector<128x128xf32>
    %dot_general3A = arith.constant dense<0.000000e+00> : vector<1000x128xf32>
    %dot_general3A_31 = tpu.matmul %get3A_27, %get3A_30, %dot_general3A {dimension_numbers = #tpu.dot_dimension_numbers<[1], [0], [0], [1], [0, 0, 1, 1], [], []>, transpose_lhs_hint = false} : vector<1000x128xf32>, vector<128x128xf32>, vector<1000x128xf32> -> vector<1000x128xf32>
    %get3A_32 = arith.constant 0 : index
    %get3A_33 = arith.constant 0 : index
    %get3A_34 = vector.load %arg7[%get3A_32, %get3A_33] : memref<128x128xf32, #tpu.memory_space<vmem>>, vector<128x128xf32>
    %dot_general3A_35 = arith.constant dense<0.000000e+00> : vector<1000x128xf32>
    %dot_general3A_36 = tpu.matmul %div3A, %get3A_34, %dot_general3A_35 {dimension_numbers = #tpu.dot_dimension_numbers<[1], [0], [0], [1], [0, 0, 1, 1], [], []>, transpose_lhs_hint = false} : vector<1000x128xf32>, vector<128x128xf32>, vector<1000x128xf32> -> vector<1000x128xf32>
    %add3A = arith.addf %dot_general3A_31, %dot_general3A_36 : vector<1000x128xf32>
    %get3A_37 = arith.constant 0 : index
    %get3A_38 = arith.constant 0 : index
    %get3A_39 = vector.load %arg11[%get3A_37, %get3A_38] : memref<1x128xf32, #tpu.memory_space<vmem>>, vector<1x128xf32>
    %add3A_40 = vector.broadcast %get3A_39 : vector<1x128xf32> to vector<1000x128xf32>
    %add3A_41 = arith.addf %add3A, %add3A_40 : vector<1000x128xf32>
    %max3A_42 = arith.constant 0.000000e+00 : f32
    %max3A_43 = vector.broadcast %max3A_42 : f32 to vector<1000x128xf32>
    %max3A_44 = arith.maximumf %add3A_41, %max3A_43 : vector<1000x128xf32>
    %swap3A = arith.constant 0 : index
    %swap3A_45 = arith.constant 0 : index
    %swap3A_46 = vector.load %arg14[%swap3A, %swap3A_45] : memref<1000x128xf32, #tpu.memory_space<vmem>>, vector<1000x128xf32>
    tpu.vector_store %arg14[%swap3A, %swap3A_45], %max3A_44 {strides = array<i32>} : memref<1000x128xf32, #tpu.memory_space<vmem>>, vector<1000x128xf32>,
    %get3A_47 = arith.constant 0 : index
    %get3A_48 = arith.constant 0 : index
    %get3A_49 = vector.load %arg1[%get3A_47, %get3A_48] : memref<1000x128xf32, #tpu.memory_space<vmem>>, vector<1000x128xf32>
    %get3A_50 = arith.constant 0 : index
    %get3A_51 = arith.constant 0 : index
    %get3A_52 = vector.load %arg9[%get3A_50, %get3A_51] : memref<128x128xf32, #tpu.memory_space<vmem>>, vector<128x128xf32>
    %dot_general3A_53 = arith.constant dense<0.000000e+00> : vector<1000x128xf32>
    %dot_general3A_54 = tpu.matmul %get3A_49, %get3A_52, %dot_general3A_53 {dimension_numbers = #tpu.dot_dimension_numbers<[1], [0], [0], [1], [0, 0, 1, 1], [], []>, transpose_lhs_hint = false} : vector<1000x128xf32>, vector<128x128xf32>, vector<1000x128xf32> -> vector<1000x128xf32>
    %get3A_55 = arith.constant 0 : index
    %get3A_56 = arith.constant 0 : index
    %get3A_57 = vector.load %arg8[%get3A_55, %get3A_56] : memref<128x128xf32, #tpu.memory_space<vmem>>, vector<128x128xf32>
    %dot_general3A_58 = arith.constant dense<0.000000e+00> : vector<1000x128xf32>
    %dot_general3A_59 = tpu.matmul %div3A_24, %get3A_57, %dot_general3A_58 {dimension_numbers = #tpu.dot_dimension_numbers<[1], [0], [0], [1], [0, 0, 1, 1], [], []>, transpose_lhs_hint = false} : vector<1000x128xf32>, vector<128x128xf32>, vector<1000x128xf32> -> vector<1000x128xf32>
    %add3A_60 = arith.addf %dot_general3A_54, %dot_general3A_59 : vector<1000x128xf32>
    %get3A_61 = arith.constant 0 : index
    %get3A_62 = arith.constant 0 : index
    %get3A_63 = vector.load %arg12[%get3A_61, %get3A_62] : memref<1x128xf32, #tpu.memory_space<vmem>>, vector<1x128xf32>
    %add3A_64 = vector.broadcast %get3A_63 : vector<1x128xf32> to vector<1000x128xf32>
    %add3A_65 = arith.addf %add3A_60, %add3A_64 : vector<1000x128xf32>
    %max3A_66 = arith.constant 0.000000e+00 : f32
    %max3A_67 = vector.broadcast %max3A_66 : f32 to vector<1000x128xf32>
    %max3A_68 = arith.maximumf %add3A_65, %max3A_67 : vector<1000x128xf32>
    %swap3A_69 = arith.constant 0 : index
    %swap3A_70 = arith.constant 0 : index
    %swap3A_71 = vector.load %arg13[%swap3A_69, %swap3A_70] : memref<1000x128xf32, #tpu.memory_space<vmem>>, vector<1000x128xf32>
    tpu.vector_store %arg13[%swap3A_69, %swap3A_70], %max3A_68 {strides = array<i32>} : memref<1000x128xf32, #tpu.memory_space<vmem>>, vector<1000x128xf32>,
    return
  }
  func.func @transform_0(%arg0: i32) -> (i32, i32) {
    %c0_i32 = arith.constant 0 : i32
    %c0_i32_0 = arith.constant 0 : i32
    return %arg0, %c0_i32 : i32, i32
  }
  func.func @transform_1(%arg0: i32) -> (i32, i32) {
    %c0_i32 = arith.constant 0 : i32
    %c0_i32_0 = arith.constant 0 : i32
    return %arg0, %c0_i32 : i32, i32
  }
  func.func @transform_2(%arg0: i32) -> (i32, i32, i32) {
    %c0_i32 = arith.constant 0 : i32
    %c0_i32_0 = arith.constant 0 : i32
    %c0_i32_1 = arith.constant 0 : i32
    return %c0_i32, %arg0, %c0_i32_0 : i32, i32, i32
  }
  func.func @transform_3(%arg0: i32) -> (i32, i32, i32) {
    %c1_i32 = arith.constant 1 : i32
    %c0_i32 = arith.constant 0 : i32
    %c0_i32_0 = arith.constant 0 : i32
    return %c1_i32, %arg0, %c0_i32 : i32, i32, i32
  }
  func.func @transform_4(%arg0: i32) -> (i32, i32, i32) {
    %c0_i32 = arith.constant 0 : i32
    %c0_i32_0 = arith.constant 0 : i32
    %c0_i32_1 = arith.constant 0 : i32
    return %c0_i32, %arg0, %c0_i32_0 : i32, i32, i32
  }
  func.func @transform_5(%arg0: i32) -> (i32, i32, i32) {
    %c1_i32 = arith.constant 1 : i32
    %c0_i32 = arith.constant 0 : i32
    %c0_i32_0 = arith.constant 0 : i32
    return %c1_i32, %arg0, %c0_i32 : i32, i32, i32
  }
  func.func @transform_6(%arg0: i32) -> (i32, i32) {
    %c0_i32 = arith.constant 0 : i32
    %c0_i32_0 = arith.constant 0 : i32
    %c0_i32_1 = arith.constant 0 : i32
    return %c0_i32, %c0_i32_0 : i32, i32
  }
  func.func @transform_7(%arg0: i32) -> (i32, i32) {
    %c0_i32 = arith.constant 0 : i32
    %c0_i32_0 = arith.constant 0 : i32
    %c0_i32_1 = arith.constant 0 : i32
    return %c0_i32, %c0_i32_0 : i32, i32
  }
  func.func @transform_8(%arg0: i32) -> (i32, i32) {
    %c0_i32 = arith.constant 0 : i32
    %c0_i32_0 = arith.constant 0 : i32
    %c0_i32_1 = arith.constant 0 : i32
    return %c0_i32, %c0_i32_0 : i32, i32
  }
  func.func @transform_9(%arg0: i32) -> (i32, i32) {
    %c0_i32 = arith.constant 0 : i32
    %c0_i32_0 = arith.constant 0 : i32
    %c0_i32_1 = arith.constant 0 : i32
    return %c0_i32, %c0_i32_0 : i32, i32
  }
  func.func @transform_10(%arg0: i32) -> (i32, i32) {
    %c0_i32 = arith.constant 0 : i32
    %c0_i32_0 = arith.constant 0 : i32
    %c0_i32_1 = arith.constant 0 : i32
    return %c0_i32, %c0_i32_0 : i32, i32
  }
  func.func @transform_11(%arg0: i32) -> (i32, i32) {
    %c0_i32 = arith.constant 0 : i32
    %c0_i32_0 = arith.constant 0 : i32
    %c0_i32_1 = arith.constant 0 : i32
    return %c0_i32, %c0_i32_0 : i32, i32
  }
  func.func @transform_12(%arg0: i32) -> (i32, i32) {
    %c0_i32 = arith.constant 0 : i32
    %c0_i32_0 = arith.constant 0 : i32
    return %arg0, %c0_i32 : i32, i32
  }
  func.func @transform_13(%arg0: i32) -> (i32, i32) {
    %c0_i32 = arith.constant 0 : i32
    %c0_i32_0 = arith.constant 0 : i32
    return %arg0, %c0_i32 : i32, i32
  }
}

module attributes {stable_mosaic.version = 14 : i64} {
  func.func @_pred_body(%arg0: i32, %arg1: memref<1x2048x128xf32, #tpu.memory_space<vmem>>, %arg2: memref<1x2048x128xf32, #tpu.memory_space<vmem>>, %arg3: memref<10x128x128xf32, #tpu.memory_space<vmem>>, %arg4: memref<10x128xf32, #tpu.memory_space<vmem>>, %arg5: memref<10x128x128xf32, #tpu.memory_space<vmem>>, %arg6: memref<10x128xf32, #tpu.memory_space<vmem>>, %arg7: memref<2048xf32, #tpu.memory_space<vmem>>) attributes {dimension_semantics = [#tpu.dimension_semantics<arbitrary>], iteration_bounds = array<i64: 25>, scalar_prefetch = 0 : i64, scratch_operands = 0 : i64, tpu.core_type = #tpu.core_type<tc>, window_params = [{transform_indices = @transform_0, window_bounds = array<i64: 1, 2048, 128>}, {transform_indices = @transform_1, window_bounds = array<i64: 1, 2048, 128>}, {pipeline_mode = #tpu.pipeline_mode<synchronous>, transform_indices = @transform_2, window_bounds = array<i64: 10, 128, 128>}, {pipeline_mode = #tpu.pipeline_mode<synchronous>, transform_indices = @transform_3, window_bounds = array<i64: 10, 128>}, {pipeline_mode = #tpu.pipeline_mode<synchronous>, transform_indices = @transform_4, window_bounds = array<i64: 10, 128, 128>}, {pipeline_mode = #tpu.pipeline_mode<synchronous>, transform_indices = @transform_5, window_bounds = array<i64: 10, 128>}, {transform_indices = @transform_6, window_bounds = array<i64: 2048>}]} {
    %get3A = arith.constant 0 : index
    %get3A_0 = arith.constant 0 : index
    %get3A_1 = arith.constant 0 : index
    %get3A_2 = vector.load %arg1[%get3A, %get3A_0, %get3A_1] : memref<1x2048x128xf32, #tpu.memory_space<vmem>>, vector<1x2048x128xf32>
    %get3A_3 = vector.shape_cast %get3A_2 : vector<1x2048x128xf32> to vector<2048x128xf32>
    %get3A_4 = arith.constant 0 : index
    %get3A_5 = arith.constant 0 : index
    %get3A_6 = arith.constant 0 : index
    %get3A_7 = vector.load %arg3[%get3A_4, %get3A_5, %get3A_6] : memref<10x128x128xf32, #tpu.memory_space<vmem>>, vector<1x128x128xf32>
    %get3A_8 = vector.shape_cast %get3A_7 : vector<1x128x128xf32> to vector<128x128xf32>
    %dot_general3A = arith.constant dense<0.000000e+00> : vector<2048x128xf32>
    %dot_general3A_9 = tpu.matmul %get3A_3, %get3A_8, %dot_general3A {dimension_numbers = #tpu.dot_dimension_numbers<[1], [0], [0], [1], [0, 0, 1, 1], [], []>, transpose_lhs_hint = false} : vector<2048x128xf32>, vector<128x128xf32>, vector<2048x128xf32> -> vector<2048x128xf32>
    %get3A_10 = arith.constant 0 : index
    %get3A_11 = arith.constant 0 : index
    %get3A_12 = vector.load %arg4[%get3A_10, %get3A_11] : memref<10x128xf32, #tpu.memory_space<vmem>>, vector<1x128xf32>
    %add3A = vector.broadcast %get3A_12 : vector<1x128xf32> to vector<2048x128xf32>
    %add3A_13 = arith.addf %dot_general3A_9, %add3A : vector<2048x128xf32>
    %get3A_14 = arith.constant 1 : index
    %get3A_15 = arith.constant 0 : index
    %get3A_16 = arith.constant 0 : index
    %get3A_17 = vector.load %arg3[%get3A_14, %get3A_15, %get3A_16] : memref<10x128x128xf32, #tpu.memory_space<vmem>>, vector<1x128x128xf32>
    %get3A_18 = vector.shape_cast %get3A_17 : vector<1x128x128xf32> to vector<128x128xf32>
    %dot_general3A_19 = arith.constant dense<0.000000e+00> : vector<2048x128xf32>
    %dot_general3A_20 = tpu.matmul %add3A_13, %get3A_18, %dot_general3A_19 {dimension_numbers = #tpu.dot_dimension_numbers<[1], [0], [0], [1], [0, 0, 1, 1], [], []>, transpose_lhs_hint = false} : vector<2048x128xf32>, vector<128x128xf32>, vector<2048x128xf32> -> vector<2048x128xf32>
    %get3A_21 = arith.constant 1 : index
    %get3A_22 = arith.constant 0 : index
    %get3A_23 = vector.load %arg4[%get3A_21, %get3A_22] : memref<10x128xf32, #tpu.memory_space<vmem>>, vector<1x128xf32>
    %add3A_24 = vector.broadcast %get3A_23 : vector<1x128xf32> to vector<2048x128xf32>
    %add3A_25 = arith.addf %dot_general3A_20, %add3A_24 : vector<2048x128xf32>
    %get3A_26 = arith.constant 2 : index
    %get3A_27 = arith.constant 0 : index
    %get3A_28 = arith.constant 0 : index
    %get3A_29 = vector.load %arg3[%get3A_26, %get3A_27, %get3A_28] : memref<10x128x128xf32, #tpu.memory_space<vmem>>, vector<1x128x128xf32>
    %get3A_30 = vector.shape_cast %get3A_29 : vector<1x128x128xf32> to vector<128x128xf32>
    %dot_general3A_31 = arith.constant dense<0.000000e+00> : vector<2048x128xf32>
    %dot_general3A_32 = tpu.matmul %add3A_25, %get3A_30, %dot_general3A_31 {dimension_numbers = #tpu.dot_dimension_numbers<[1], [0], [0], [1], [0, 0, 1, 1], [], []>, transpose_lhs_hint = false} : vector<2048x128xf32>, vector<128x128xf32>, vector<2048x128xf32> -> vector<2048x128xf32>
    %get3A_33 = arith.constant 2 : index
    %get3A_34 = arith.constant 0 : index
    %get3A_35 = vector.load %arg4[%get3A_33, %get3A_34] : memref<10x128xf32, #tpu.memory_space<vmem>>, vector<1x128xf32>
    %add3A_36 = vector.broadcast %get3A_35 : vector<1x128xf32> to vector<2048x128xf32>
    %add3A_37 = arith.addf %dot_general3A_32, %add3A_36 : vector<2048x128xf32>
    %get3A_38 = arith.constant 3 : index
    %get3A_39 = arith.constant 0 : index
    %get3A_40 = arith.constant 0 : index
    %get3A_41 = vector.load %arg3[%get3A_38, %get3A_39, %get3A_40] : memref<10x128x128xf32, #tpu.memory_space<vmem>>, vector<1x128x128xf32>
    %get3A_42 = vector.shape_cast %get3A_41 : vector<1x128x128xf32> to vector<128x128xf32>
    %dot_general3A_43 = arith.constant dense<0.000000e+00> : vector<2048x128xf32>
    %dot_general3A_44 = tpu.matmul %add3A_37, %get3A_42, %dot_general3A_43 {dimension_numbers = #tpu.dot_dimension_numbers<[1], [0], [0], [1], [0, 0, 1, 1], [], []>, transpose_lhs_hint = false} : vector<2048x128xf32>, vector<128x128xf32>, vector<2048x128xf32> -> vector<2048x128xf32>
    %get3A_45 = arith.constant 3 : index
    %get3A_46 = arith.constant 0 : index
    %get3A_47 = vector.load %arg4[%get3A_45, %get3A_46] : memref<10x128xf32, #tpu.memory_space<vmem>>, vector<1x128xf32>
    %add3A_48 = vector.broadcast %get3A_47 : vector<1x128xf32> to vector<2048x128xf32>
    %add3A_49 = arith.addf %dot_general3A_44, %add3A_48 : vector<2048x128xf32>
    %get3A_50 = arith.constant 4 : index
    %get3A_51 = arith.constant 0 : index
    %get3A_52 = arith.constant 0 : index
    %get3A_53 = vector.load %arg3[%get3A_50, %get3A_51, %get3A_52] : memref<10x128x128xf32, #tpu.memory_space<vmem>>, vector<1x128x128xf32>
    %get3A_54 = vector.shape_cast %get3A_53 : vector<1x128x128xf32> to vector<128x128xf32>
    %dot_general3A_55 = arith.constant dense<0.000000e+00> : vector<2048x128xf32>
    %dot_general3A_56 = tpu.matmul %add3A_49, %get3A_54, %dot_general3A_55 {dimension_numbers = #tpu.dot_dimension_numbers<[1], [0], [0], [1], [0, 0, 1, 1], [], []>, transpose_lhs_hint = false} : vector<2048x128xf32>, vector<128x128xf32>, vector<2048x128xf32> -> vector<2048x128xf32>
    %get3A_57 = arith.constant 4 : index
    %get3A_58 = arith.constant 0 : index
    %get3A_59 = vector.load %arg4[%get3A_57, %get3A_58] : memref<10x128xf32, #tpu.memory_space<vmem>>, vector<1x128xf32>
    %add3A_60 = vector.broadcast %get3A_59 : vector<1x128xf32> to vector<2048x128xf32>
    %add3A_61 = arith.addf %dot_general3A_56, %add3A_60 : vector<2048x128xf32>
    %get3A_62 = arith.constant 5 : index
    %get3A_63 = arith.constant 0 : index
    %get3A_64 = arith.constant 0 : index
    %get3A_65 = vector.load %arg3[%get3A_62, %get3A_63, %get3A_64] : memref<10x128x128xf32, #tpu.memory_space<vmem>>, vector<1x128x128xf32>
    %get3A_66 = vector.shape_cast %get3A_65 : vector<1x128x128xf32> to vector<128x128xf32>
    %dot_general3A_67 = arith.constant dense<0.000000e+00> : vector<2048x128xf32>
    %dot_general3A_68 = tpu.matmul %add3A_61, %get3A_66, %dot_general3A_67 {dimension_numbers = #tpu.dot_dimension_numbers<[1], [0], [0], [1], [0, 0, 1, 1], [], []>, transpose_lhs_hint = false} : vector<2048x128xf32>, vector<128x128xf32>, vector<2048x128xf32> -> vector<2048x128xf32>
    %get3A_69 = arith.constant 5 : index
    %get3A_70 = arith.constant 0 : index
    %get3A_71 = vector.load %arg4[%get3A_69, %get3A_70] : memref<10x128xf32, #tpu.memory_space<vmem>>, vector<1x128xf32>
    %add3A_72 = vector.broadcast %get3A_71 : vector<1x128xf32> to vector<2048x128xf32>
    %add3A_73 = arith.addf %dot_general3A_68, %add3A_72 : vector<2048x128xf32>
    %get3A_74 = arith.constant 6 : index
    %get3A_75 = arith.constant 0 : index
    %get3A_76 = arith.constant 0 : index
    %get3A_77 = vector.load %arg3[%get3A_74, %get3A_75, %get3A_76] : memref<10x128x128xf32, #tpu.memory_space<vmem>>, vector<1x128x128xf32>
    %get3A_78 = vector.shape_cast %get3A_77 : vector<1x128x128xf32> to vector<128x128xf32>
    %dot_general3A_79 = arith.constant dense<0.000000e+00> : vector<2048x128xf32>
    %dot_general3A_80 = tpu.matmul %add3A_73, %get3A_78, %dot_general3A_79 {dimension_numbers = #tpu.dot_dimension_numbers<[1], [0], [0], [1], [0, 0, 1, 1], [], []>, transpose_lhs_hint = false} : vector<2048x128xf32>, vector<128x128xf32>, vector<2048x128xf32> -> vector<2048x128xf32>
    %get3A_81 = arith.constant 6 : index
    %get3A_82 = arith.constant 0 : index
    %get3A_83 = vector.load %arg4[%get3A_81, %get3A_82] : memref<10x128xf32, #tpu.memory_space<vmem>>, vector<1x128xf32>
    %add3A_84 = vector.broadcast %get3A_83 : vector<1x128xf32> to vector<2048x128xf32>
    %add3A_85 = arith.addf %dot_general3A_80, %add3A_84 : vector<2048x128xf32>
    %get3A_86 = arith.constant 7 : index
    %get3A_87 = arith.constant 0 : index
    %get3A_88 = arith.constant 0 : index
    %get3A_89 = vector.load %arg3[%get3A_86, %get3A_87, %get3A_88] : memref<10x128x128xf32, #tpu.memory_space<vmem>>, vector<1x128x128xf32>
    %get3A_90 = vector.shape_cast %get3A_89 : vector<1x128x128xf32> to vector<128x128xf32>
    %dot_general3A_91 = arith.constant dense<0.000000e+00> : vector<2048x128xf32>
    %dot_general3A_92 = tpu.matmul %add3A_85, %get3A_90, %dot_general3A_91 {dimension_numbers = #tpu.dot_dimension_numbers<[1], [0], [0], [1], [0, 0, 1, 1], [], []>, transpose_lhs_hint = false} : vector<2048x128xf32>, vector<128x128xf32>, vector<2048x128xf32> -> vector<2048x128xf32>
    %get3A_93 = arith.constant 7 : index
    %get3A_94 = arith.constant 0 : index
    %get3A_95 = vector.load %arg4[%get3A_93, %get3A_94] : memref<10x128xf32, #tpu.memory_space<vmem>>, vector<1x128xf32>
    %add3A_96 = vector.broadcast %get3A_95 : vector<1x128xf32> to vector<2048x128xf32>
    %add3A_97 = arith.addf %dot_general3A_92, %add3A_96 : vector<2048x128xf32>
    %get3A_98 = arith.constant 8 : index
    %get3A_99 = arith.constant 0 : index
    %get3A_100 = arith.constant 0 : index
    %get3A_101 = vector.load %arg3[%get3A_98, %get3A_99, %get3A_100] : memref<10x128x128xf32, #tpu.memory_space<vmem>>, vector<1x128x128xf32>
    %get3A_102 = vector.shape_cast %get3A_101 : vector<1x128x128xf32> to vector<128x128xf32>
    %dot_general3A_103 = arith.constant dense<0.000000e+00> : vector<2048x128xf32>
    %dot_general3A_104 = tpu.matmul %add3A_97, %get3A_102, %dot_general3A_103 {dimension_numbers = #tpu.dot_dimension_numbers<[1], [0], [0], [1], [0, 0, 1, 1], [], []>, transpose_lhs_hint = false} : vector<2048x128xf32>, vector<128x128xf32>, vector<2048x128xf32> -> vector<2048x128xf32>
    %get3A_105 = arith.constant 8 : index
    %get3A_106 = arith.constant 0 : index
    %get3A_107 = vector.load %arg4[%get3A_105, %get3A_106] : memref<10x128xf32, #tpu.memory_space<vmem>>, vector<1x128xf32>
    %add3A_108 = vector.broadcast %get3A_107 : vector<1x128xf32> to vector<2048x128xf32>
    %add3A_109 = arith.addf %dot_general3A_104, %add3A_108 : vector<2048x128xf32>
    %get3A_110 = arith.constant 9 : index
    %get3A_111 = arith.constant 0 : index
    %get3A_112 = arith.constant 0 : index
    %get3A_113 = vector.load %arg3[%get3A_110, %get3A_111, %get3A_112] : memref<10x128x128xf32, #tpu.memory_space<vmem>>, vector<1x128x128xf32>
    %get3A_114 = vector.shape_cast %get3A_113 : vector<1x128x128xf32> to vector<128x128xf32>
    %dot_general3A_115 = arith.constant dense<0.000000e+00> : vector<2048x128xf32>
    %dot_general3A_116 = tpu.matmul %add3A_109, %get3A_114, %dot_general3A_115 {dimension_numbers = #tpu.dot_dimension_numbers<[1], [0], [0], [1], [0, 0, 1, 1], [], []>, transpose_lhs_hint = false} : vector<2048x128xf32>, vector<128x128xf32>, vector<2048x128xf32> -> vector<2048x128xf32>
    %get3A_117 = arith.constant 9 : index
    %get3A_118 = arith.constant 0 : index
    %get3A_119 = vector.load %arg4[%get3A_117, %get3A_118] : memref<10x128xf32, #tpu.memory_space<vmem>>, vector<1x128xf32>
    %add3A_120 = vector.broadcast %get3A_119 : vector<1x128xf32> to vector<2048x128xf32>
    %add3A_121 = arith.addf %dot_general3A_116, %add3A_120 : vector<2048x128xf32>
    %get3A_122 = arith.constant 0 : index
    %get3A_123 = arith.constant 0 : index
    %get3A_124 = arith.constant 0 : index
    %get3A_125 = vector.load %arg2[%get3A_122, %get3A_123, %get3A_124] : memref<1x2048x128xf32, #tpu.memory_space<vmem>>, vector<1x2048x128xf32>
    %get3A_126 = vector.shape_cast %get3A_125 : vector<1x2048x128xf32> to vector<2048x128xf32>
    %get3A_127 = arith.constant 0 : index
    %get3A_128 = arith.constant 0 : index
    %get3A_129 = arith.constant 0 : index
    %get3A_130 = vector.load %arg5[%get3A_127, %get3A_128, %get3A_129] : memref<10x128x128xf32, #tpu.memory_space<vmem>>, vector<1x128x128xf32>
    %get3A_131 = vector.shape_cast %get3A_130 : vector<1x128x128xf32> to vector<128x128xf32>
    %dot_general3A_132 = arith.constant dense<0.000000e+00> : vector<2048x128xf32>
    %dot_general3A_133 = tpu.matmul %get3A_126, %get3A_131, %dot_general3A_132 {dimension_numbers = #tpu.dot_dimension_numbers<[1], [0], [0], [1], [0, 0, 1, 1], [], []>, transpose_lhs_hint = false} : vector<2048x128xf32>, vector<128x128xf32>, vector<2048x128xf32> -> vector<2048x128xf32>
    %get3A_134 = arith.constant 0 : index
    %get3A_135 = arith.constant 0 : index
    %get3A_136 = vector.load %arg6[%get3A_134, %get3A_135] : memref<10x128xf32, #tpu.memory_space<vmem>>, vector<1x128xf32>
    %add3A_137 = vector.broadcast %get3A_136 : vector<1x128xf32> to vector<2048x128xf32>
    %add3A_138 = arith.addf %dot_general3A_133, %add3A_137 : vector<2048x128xf32>
    %get3A_139 = arith.constant 1 : index
    %get3A_140 = arith.constant 0 : index
    %get3A_141 = arith.constant 0 : index
    %get3A_142 = vector.load %arg5[%get3A_139, %get3A_140, %get3A_141] : memref<10x128x128xf32, #tpu.memory_space<vmem>>, vector<1x128x128xf32>
    %get3A_143 = vector.shape_cast %get3A_142 : vector<1x128x128xf32> to vector<128x128xf32>
    %dot_general3A_144 = arith.constant dense<0.000000e+00> : vector<2048x128xf32>
    %dot_general3A_145 = tpu.matmul %add3A_138, %get3A_143, %dot_general3A_144 {dimension_numbers = #tpu.dot_dimension_numbers<[1], [0], [0], [1], [0, 0, 1, 1], [], []>, transpose_lhs_hint = false} : vector<2048x128xf32>, vector<128x128xf32>, vector<2048x128xf32> -> vector<2048x128xf32>
    %get3A_146 = arith.constant 1 : index
    %get3A_147 = arith.constant 0 : index
    %get3A_148 = vector.load %arg6[%get3A_146, %get3A_147] : memref<10x128xf32, #tpu.memory_space<vmem>>, vector<1x128xf32>
    %add3A_149 = vector.broadcast %get3A_148 : vector<1x128xf32> to vector<2048x128xf32>
    %add3A_150 = arith.addf %dot_general3A_145, %add3A_149 : vector<2048x128xf32>
    %get3A_151 = arith.constant 2 : index
    %get3A_152 = arith.constant 0 : index
    %get3A_153 = arith.constant 0 : index
    %get3A_154 = vector.load %arg5[%get3A_151, %get3A_152, %get3A_153] : memref<10x128x128xf32, #tpu.memory_space<vmem>>, vector<1x128x128xf32>
    %get3A_155 = vector.shape_cast %get3A_154 : vector<1x128x128xf32> to vector<128x128xf32>
    %dot_general3A_156 = arith.constant dense<0.000000e+00> : vector<2048x128xf32>
    %dot_general3A_157 = tpu.matmul %add3A_150, %get3A_155, %dot_general3A_156 {dimension_numbers = #tpu.dot_dimension_numbers<[1], [0], [0], [1], [0, 0, 1, 1], [], []>, transpose_lhs_hint = false} : vector<2048x128xf32>, vector<128x128xf32>, vector<2048x128xf32> -> vector<2048x128xf32>
    %get3A_158 = arith.constant 2 : index
    %get3A_159 = arith.constant 0 : index
    %get3A_160 = vector.load %arg6[%get3A_158, %get3A_159] : memref<10x128xf32, #tpu.memory_space<vmem>>, vector<1x128xf32>
    %add3A_161 = vector.broadcast %get3A_160 : vector<1x128xf32> to vector<2048x128xf32>
    %add3A_162 = arith.addf %dot_general3A_157, %add3A_161 : vector<2048x128xf32>
    %get3A_163 = arith.constant 3 : index
    %get3A_164 = arith.constant 0 : index
    %get3A_165 = arith.constant 0 : index
    %get3A_166 = vector.load %arg5[%get3A_163, %get3A_164, %get3A_165] : memref<10x128x128xf32, #tpu.memory_space<vmem>>, vector<1x128x128xf32>
    %get3A_167 = vector.shape_cast %get3A_166 : vector<1x128x128xf32> to vector<128x128xf32>
    %dot_general3A_168 = arith.constant dense<0.000000e+00> : vector<2048x128xf32>
    %dot_general3A_169 = tpu.matmul %add3A_162, %get3A_167, %dot_general3A_168 {dimension_numbers = #tpu.dot_dimension_numbers<[1], [0], [0], [1], [0, 0, 1, 1], [], []>, transpose_lhs_hint = false} : vector<2048x128xf32>, vector<128x128xf32>, vector<2048x128xf32> -> vector<2048x128xf32>
    %get3A_170 = arith.constant 3 : index
    %get3A_171 = arith.constant 0 : index
    %get3A_172 = vector.load %arg6[%get3A_170, %get3A_171] : memref<10x128xf32, #tpu.memory_space<vmem>>, vector<1x128xf32>
    %add3A_173 = vector.broadcast %get3A_172 : vector<1x128xf32> to vector<2048x128xf32>
    %add3A_174 = arith.addf %dot_general3A_169, %add3A_173 : vector<2048x128xf32>
    %get3A_175 = arith.constant 4 : index
    %get3A_176 = arith.constant 0 : index
    %get3A_177 = arith.constant 0 : index
    %get3A_178 = vector.load %arg5[%get3A_175, %get3A_176, %get3A_177] : memref<10x128x128xf32, #tpu.memory_space<vmem>>, vector<1x128x128xf32>
    %get3A_179 = vector.shape_cast %get3A_178 : vector<1x128x128xf32> to vector<128x128xf32>
    %dot_general3A_180 = arith.constant dense<0.000000e+00> : vector<2048x128xf32>
    %dot_general3A_181 = tpu.matmul %add3A_174, %get3A_179, %dot_general3A_180 {dimension_numbers = #tpu.dot_dimension_numbers<[1], [0], [0], [1], [0, 0, 1, 1], [], []>, transpose_lhs_hint = false} : vector<2048x128xf32>, vector<128x128xf32>, vector<2048x128xf32> -> vector<2048x128xf32>
    %get3A_182 = arith.constant 4 : index
    %get3A_183 = arith.constant 0 : index
    %get3A_184 = vector.load %arg6[%get3A_182, %get3A_183] : memref<10x128xf32, #tpu.memory_space<vmem>>, vector<1x128xf32>
    %add3A_185 = vector.broadcast %get3A_184 : vector<1x128xf32> to vector<2048x128xf32>
    %add3A_186 = arith.addf %dot_general3A_181, %add3A_185 : vector<2048x128xf32>
    %get3A_187 = arith.constant 5 : index
    %get3A_188 = arith.constant 0 : index
    %get3A_189 = arith.constant 0 : index
    %get3A_190 = vector.load %arg5[%get3A_187, %get3A_188, %get3A_189] : memref<10x128x128xf32, #tpu.memory_space<vmem>>, vector<1x128x128xf32>
    %get3A_191 = vector.shape_cast %get3A_190 : vector<1x128x128xf32> to vector<128x128xf32>
    %dot_general3A_192 = arith.constant dense<0.000000e+00> : vector<2048x128xf32>
    %dot_general3A_193 = tpu.matmul %add3A_186, %get3A_191, %dot_general3A_192 {dimension_numbers = #tpu.dot_dimension_numbers<[1], [0], [0], [1], [0, 0, 1, 1], [], []>, transpose_lhs_hint = false} : vector<2048x128xf32>, vector<128x128xf32>, vector<2048x128xf32> -> vector<2048x128xf32>
    %get3A_194 = arith.constant 5 : index
    %get3A_195 = arith.constant 0 : index
    %get3A_196 = vector.load %arg6[%get3A_194, %get3A_195] : memref<10x128xf32, #tpu.memory_space<vmem>>, vector<1x128xf32>
    %add3A_197 = vector.broadcast %get3A_196 : vector<1x128xf32> to vector<2048x128xf32>
    %add3A_198 = arith.addf %dot_general3A_193, %add3A_197 : vector<2048x128xf32>
    %get3A_199 = arith.constant 6 : index
    %get3A_200 = arith.constant 0 : index
    %get3A_201 = arith.constant 0 : index
    %get3A_202 = vector.load %arg5[%get3A_199, %get3A_200, %get3A_201] : memref<10x128x128xf32, #tpu.memory_space<vmem>>, vector<1x128x128xf32>
    %get3A_203 = vector.shape_cast %get3A_202 : vector<1x128x128xf32> to vector<128x128xf32>
    %dot_general3A_204 = arith.constant dense<0.000000e+00> : vector<2048x128xf32>
    %dot_general3A_205 = tpu.matmul %add3A_198, %get3A_203, %dot_general3A_204 {dimension_numbers = #tpu.dot_dimension_numbers<[1], [0], [0], [1], [0, 0, 1, 1], [], []>, transpose_lhs_hint = false} : vector<2048x128xf32>, vector<128x128xf32>, vector<2048x128xf32> -> vector<2048x128xf32>
    %get3A_206 = arith.constant 6 : index
    %get3A_207 = arith.constant 0 : index
    %get3A_208 = vector.load %arg6[%get3A_206, %get3A_207] : memref<10x128xf32, #tpu.memory_space<vmem>>, vector<1x128xf32>
    %add3A_209 = vector.broadcast %get3A_208 : vector<1x128xf32> to vector<2048x128xf32>
    %add3A_210 = arith.addf %dot_general3A_205, %add3A_209 : vector<2048x128xf32>
    %get3A_211 = arith.constant 7 : index
    %get3A_212 = arith.constant 0 : index
    %get3A_213 = arith.constant 0 : index
    %get3A_214 = vector.load %arg5[%get3A_211, %get3A_212, %get3A_213] : memref<10x128x128xf32, #tpu.memory_space<vmem>>, vector<1x128x128xf32>
    %get3A_215 = vector.shape_cast %get3A_214 : vector<1x128x128xf32> to vector<128x128xf32>
    %dot_general3A_216 = arith.constant dense<0.000000e+00> : vector<2048x128xf32>
    %dot_general3A_217 = tpu.matmul %add3A_210, %get3A_215, %dot_general3A_216 {dimension_numbers = #tpu.dot_dimension_numbers<[1], [0], [0], [1], [0, 0, 1, 1], [], []>, transpose_lhs_hint = false} : vector<2048x128xf32>, vector<128x128xf32>, vector<2048x128xf32> -> vector<2048x128xf32>
    %get3A_218 = arith.constant 7 : index
    %get3A_219 = arith.constant 0 : index
    %get3A_220 = vector.load %arg6[%get3A_218, %get3A_219] : memref<10x128xf32, #tpu.memory_space<vmem>>, vector<1x128xf32>
    %add3A_221 = vector.broadcast %get3A_220 : vector<1x128xf32> to vector<2048x128xf32>
    %add3A_222 = arith.addf %dot_general3A_217, %add3A_221 : vector<2048x128xf32>
    %get3A_223 = arith.constant 8 : index
    %get3A_224 = arith.constant 0 : index
    %get3A_225 = arith.constant 0 : index
    %get3A_226 = vector.load %arg5[%get3A_223, %get3A_224, %get3A_225] : memref<10x128x128xf32, #tpu.memory_space<vmem>>, vector<1x128x128xf32>
    %get3A_227 = vector.shape_cast %get3A_226 : vector<1x128x128xf32> to vector<128x128xf32>
    %dot_general3A_228 = arith.constant dense<0.000000e+00> : vector<2048x128xf32>
    %dot_general3A_229 = tpu.matmul %add3A_222, %get3A_227, %dot_general3A_228 {dimension_numbers = #tpu.dot_dimension_numbers<[1], [0], [0], [1], [0, 0, 1, 1], [], []>, transpose_lhs_hint = false} : vector<2048x128xf32>, vector<128x128xf32>, vector<2048x128xf32> -> vector<2048x128xf32>
    %get3A_230 = arith.constant 8 : index
    %get3A_231 = arith.constant 0 : index
    %get3A_232 = vector.load %arg6[%get3A_230, %get3A_231] : memref<10x128xf32, #tpu.memory_space<vmem>>, vector<1x128xf32>
    %add3A_233 = vector.broadcast %get3A_232 : vector<1x128xf32> to vector<2048x128xf32>
    %add3A_234 = arith.addf %dot_general3A_229, %add3A_233 : vector<2048x128xf32>
    %get3A_235 = arith.constant 9 : index
    %get3A_236 = arith.constant 0 : index
    %get3A_237 = arith.constant 0 : index
    %get3A_238 = vector.load %arg5[%get3A_235, %get3A_236, %get3A_237] : memref<10x128x128xf32, #tpu.memory_space<vmem>>, vector<1x128x128xf32>
    %get3A_239 = vector.shape_cast %get3A_238 : vector<1x128x128xf32> to vector<128x128xf32>
    %dot_general3A_240 = arith.constant dense<0.000000e+00> : vector<2048x128xf32>
    %dot_general3A_241 = tpu.matmul %add3A_234, %get3A_239, %dot_general3A_240 {dimension_numbers = #tpu.dot_dimension_numbers<[1], [0], [0], [1], [0, 0, 1, 1], [], []>, transpose_lhs_hint = false} : vector<2048x128xf32>, vector<128x128xf32>, vector<2048x128xf32> -> vector<2048x128xf32>
    %get3A_242 = arith.constant 9 : index
    %get3A_243 = arith.constant 0 : index
    %get3A_244 = vector.load %arg6[%get3A_242, %get3A_243] : memref<10x128xf32, #tpu.memory_space<vmem>>, vector<1x128xf32>
    %add3A_245 = vector.broadcast %get3A_244 : vector<1x128xf32> to vector<2048x128xf32>
    %add3A_246 = arith.addf %dot_general3A_241, %add3A_245 : vector<2048x128xf32>
    %mul3A = arith.mulf %add3A_121, %add3A_246 : vector<2048x128xf32>
    %reduce_sum3A = arith.constant dense<0.000000e+00> : vector<2048xf32>
    %reduce_sum3A_247 = vector.multi_reduction <add>, %mul3A, %reduce_sum3A [1] : vector<2048x128xf32> to vector<2048xf32>
    %logistic3A = arith.negf %reduce_sum3A_247 : vector<2048xf32>
    %logistic3A_248 = math.exp %logistic3A : vector<2048xf32>
    %logistic3A_249 = arith.constant 1.000000e+00 : f32
    %logistic3A_250 = vector.broadcast %logistic3A_249 : f32 to vector<2048xf32>
    %logistic3A_251 = arith.addf %logistic3A_250, %logistic3A_248 : vector<2048xf32>
    %logistic3A_252 = arith.divf %logistic3A_250, %logistic3A_251 : vector<2048xf32>
    %swap3A = arith.constant 0 : index
    %swap3A_253 = vector.load %arg7[%swap3A] : memref<2048xf32, #tpu.memory_space<vmem>>, vector<2048xf32>
    tpu.vector_store %arg7[%swap3A], %logistic3A_252 {strides = array<i32>} : memref<2048xf32, #tpu.memory_space<vmem>>, vector<2048xf32>,
    return
  }
  func.func @transform_0(%arg0: i32) -> (i32, i32, i32) {
    %c0_i32 = arith.constant 0 : i32
    %c0_i32_0 = arith.constant 0 : i32
    %c0_i32_1 = arith.constant 0 : i32
    return %c0_i32, %arg0, %c0_i32_0 : i32, i32, i32
  }
  func.func @transform_1(%arg0: i32) -> (i32, i32, i32) {
    %c1_i32 = arith.constant 1 : i32
    %c0_i32 = arith.constant 0 : i32
    %c0_i32_0 = arith.constant 0 : i32
    return %c1_i32, %arg0, %c0_i32 : i32, i32, i32
  }
  func.func @transform_2(%arg0: i32) -> (i32, i32, i32) {
    %c0_i32 = arith.constant 0 : i32
    %c0_i32_0 = arith.constant 0 : i32
    %c0_i32_1 = arith.constant 0 : i32
    %c0_i32_2 = arith.constant 0 : i32
    return %c0_i32, %c0_i32_0, %c0_i32_1 : i32, i32, i32
  }
  func.func @transform_3(%arg0: i32) -> (i32, i32) {
    %c0_i32 = arith.constant 0 : i32
    %c0_i32_0 = arith.constant 0 : i32
    %c0_i32_1 = arith.constant 0 : i32
    return %c0_i32, %c0_i32_0 : i32, i32
  }
  func.func @transform_4(%arg0: i32) -> (i32, i32, i32) {
    %c0_i32 = arith.constant 0 : i32
    %c0_i32_0 = arith.constant 0 : i32
    %c0_i32_1 = arith.constant 0 : i32
    %c0_i32_2 = arith.constant 0 : i32
    return %c0_i32, %c0_i32_0, %c0_i32_1 : i32, i32, i32
  }
  func.func @transform_5(%arg0: i32) -> (i32, i32) {
    %c0_i32 = arith.constant 0 : i32
    %c0_i32_0 = arith.constant 0 : i32
    %c0_i32_1 = arith.constant 0 : i32
    return %c0_i32, %c0_i32_0 : i32, i32
  }
  func.func @transform_6(%arg0: i32) -> i32 {
    %c0_i32 = arith.constant 0 : i32
    return %arg0 : i32
  }
}

</mosaic_0001>

<sc_bundles>
// kernel: kernel.15.cloned.1.call-start
scs
__scs_entry_jumppad:
0x0: {  	(pc) =	sbr.rel $0x88, $3  }
0x1: {  	(tag) =	ssettag $0x0;
	lr =	simm.s32 $0x1  }
0x2: {  	[smem:$0x3F56] =	sst lr;
	_ =	strace $0xD0000000  }
0x3: {  	_ = 	snop  }
0x4: {  	_ = 	snop  }
0x5: {  	_ = 	snop  }
0x6: {  	_ = 	snop  }
0x7: {  	_ = 	snop  }
__scs_overlays_trampoline_lowered:
0x8: {  	[smem:$0x3F65] =	sst s0  }
0x9: {  	[smem:$0x3F66] =	sst s1  }
0xa: {  	[smem:$0x3F67] =	sst s2  }
0xb: {  	[smem:$0x3F68] =	sst s3  }
0xc: {  	[smem:$0x3F69] =	sst s4  }
0xd: {  	[smem:$0x3F6A] =	sst s5  }
0xe: {  	[smem:$0x3F6B] =	sst s6  }
0xf: {  	[smem:$0x3F6C] =	sst s7  }
0x10: {  	[smem:$0x3F6D] =	sst s8  }
0x11: {  	[smem:$0x3F6E] =	sst s9;
	s0 =	simm.s32 @!p0 $0x0  }
0x12: {  	s1 =	sld [smem:$0x3F54];
	s0 =	simm.s32 @p0 $0x1  }
0x13: {  	[smem:$0x3F6F] =	sst s0;
	s0 =	simm.s32 @!p1 $0x0  }
0x14: {  	s2 =	sld [smem:$0x3F53];
	s0 =	simm.s32 @p1 $0x1  }
0x15: {  	[smem:$0x3F70] =	sst s0;
	s0 =	simm.s32 @!p2 $0x0  }
0x16: {  	s3 =	sld [smem:$0x3FDB];
	s0 =	simm.s32 @p2 $0x1  }
0x17: {  	s4 =	simm.s32 $0x1BF5;
	[smem:$0x3F72] =	sst s0  }
0x18: {  	s0 =	sld [smem:$0x3F55];
	_ =	swait.ge [sflag:s4], $0x0  }
0x19: {  	s7 =	sld [smem:$0x3F56]  }
0x1a: {  	s8 =	sadd.s32 $0xFFFFE003, lr  }
0x1b: {  	s9 =	sadd.s32 $0xFFFFFEF7, lr;
	s5 =	simm.s32 $0xFFFFFFFF;
	p2 =	slt.u32 s8, $0xFFFFF086  }
0x1c: {  	p1 =	slt.u32 s9, $0xF7A;
	s5 =	simm.s32 @!p2 $0x0  }
0x1d: {  	s5 =	simm.s32 @p1 $0x1;
	p0 =	seq.s32 s7, s2  }
0x1e: {  	s7 =	smul.u32 @!p0 $0xF7A, s2;
	p2 =	seq.s32 @!p0 s5, $0x0  }
0x1f: {  	s9 =	smul.u32 $0xF7A, s1;
	s8 =	simm.s32 @!p0 $0x1BF5;
	p2 =	por !p2, p0  }
0x20: {  	[sflag:s8] =	ssyncset.s32 @!p0 $0xFFFFF086;
	s6 =	sadd.s32 @!p0 s3, s7;
	s7 =	simm.s32 @!p0 $0x108  }
0x21: {  	s3 =	sadd.s32 s3, s9;
	s6 =	sadd.s32 @!p0 $0x88, s6;
	s7 =	simm.s32 @p2 $0x1082  }
0x22: {  	[simem:s7], [sflag:s8] =	dma.local @!p0 [hbm:s6], $0xF7A  }
0x23: {  	s9 =	sor.u32 $0xD0000000, s2;
	s6 =	simm.s32 $0x108;
	_ =	swait.ge @!p0 [sflag:s8], $0x0  }
0x24: {  	s3 =	sadd.s32 $0x88, s3;
	s6 =	simm.s32 @!p1 $0x1082;
	[sflag:s4] =	ssyncset.s32 $0xFFFFF086  }
0x25: {  	[simem:s6], [sflag:s4] =	dma.local [hbm:s3], $0xF7A  }
0x26: {  	[smem:$0x3F56] =	sst s1;
	(tag) =	ssettag s2;
	_ =	strace s9  }
0x27: {  	s1 =	sld [smem:$0x3F66]  }
0x28: {  	s2 =	sld [smem:$0x3F67]  }
0x29: {  	s4 =	sld [smem:$0x3F69]  }
0x2a: {  	p0 =	seq.s32 s5, $0x0;
	s5 =	sld [smem:$0x3F6A]  }
0x2b: {  	s6 =	sld [smem:$0x3F6B]  }
0x2c: {  	s7 =	sld [smem:$0x3F6C]  }
0x2d: {  	s3 =	simm.s32 $0x108;
	s8 =	sld [smem:$0x3F6D]  }
0x2e: {  	s3 =	simm.s32 @!p0 $0x1082;
	s9 =	sld [smem:$0x3F6E]  }
0x2f: {  	lr =	sadd.s32 s0, s3;
	s0 =	sld [smem:$0x3F65]  }
0x30: {  	s3 =	sld [smem:$0x3F68]  }
0x31: {  	[smem:$0x3F71] =	sst s10  }
0x32: {  	s10 =	sld [smem:$0x3F6F];
	_ =	sdelay $0x3  }
0x33: {  	p0 =	seq.s32 s10, $0x1;
	s10 =	sld [smem:$0x3F71];
	_ =	sdelay $0x3  }
0x34: {  	[smem:$0x3F71] =	sst s10  }
0x35: {  	s10 =	sld [smem:$0x3F70];
	_ =	sdelay $0x3  }
0x36: {  	p1 =	seq.s32 s10, $0x1;
	s10 =	sld [smem:$0x3F71];
	_ =	sdelay $0x3  }
0x37: {  	[smem:$0x3F71] =	sst s10  }
0x38: {  	s10 =	sld [smem:$0x3F72]  }
0x39: {  	_ = 	snop;
	(pc) =	sbr.ind lr, $3  }
0x3a: {  	_ = 	snop  }
0x3b: {  	_ = 	snop  }
0x3c: {  	p2 =	seq.s32 s10, $0x1;
	s10 =	sld [smem:$0x3F71]  }
0x3d: {  	_ =	shalt  }
0x3e: {  	_ =	shalt  }
0x3f: {  	_ =	shalt  }
0x40: {  	_ =	shalt  }
0x41: {  	_ =	shalt  }
0x42: {  	_ =	shalt  }
0x43: {  	_ =	shalt  }
0x44: {  	_ =	shalt  }
0x45: {  	_ =	shalt  }
0x46: {  	_ =	shalt  }
0x47: {  	_ =	shalt  }
0x48: {  	_ =	shalt  }
0x49: {  	_ =	shalt  }
0x4a: {  	_ =	shalt  }
0x4b: {  	_ =	shalt  }
0x4c: {  	_ =	shalt  }
0x4d: {  	_ =	shalt  }
0x4e: {  	_ =	shalt  }
0x4f: {  	_ =	shalt  }
0x50: {  	_ =	shalt  }
0x51: {  	_ =	shalt  }
0x52: {  	_ =	shalt  }
0x53: {  	_ =	shalt  }
0x54: {  	_ =	shalt  }
0x55: {  	_ =	shalt  }
0x56: {  	_ =	shalt  }
0x57: {  	_ =	shalt  }
0x58: {  	_ =	shalt  }
0x59: {  	_ =	shalt  }
0x5a: {  	_ =	shalt  }
0x5b: {  	_ =	shalt  }
0x5c: {  	_ =	shalt  }
0x5d: {  	_ =	shalt  }
0x5e: {  	_ =	shalt  }
0x5f: {  	_ =	shalt  }
0x60: {  	_ =	shalt  }
0x61: {  	_ =	shalt  }
0x62: {  	_ =	shalt  }
0x63: {  	_ =	shalt  }
0x64: {  	_ =	shalt  }
0x65: {  	_ =	shalt  }
0x66: {  	_ =	shalt  }
0x67: {  	_ =	shalt  }
0x68: {  	_ =	shalt  }
0x69: {  	_ =	shalt  }
0x6a: {  	_ =	shalt  }
0x6b: {  	_ =	shalt  }
0x6c: {  	_ =	shalt  }
0x6d: {  	_ =	shalt  }
0x6e: {  	_ =	shalt  }
0x6f: {  	_ =	shalt  }
0x70: {  	_ =	shalt  }
0x71: {  	_ =	shalt  }
0x72: {  	_ =	shalt  }
0x73: {  	_ =	shalt  }
0x74: {  	_ =	shalt  }
0x75: {  	_ =	shalt  }
0x76: {  	_ =	shalt  }
0x77: {  	_ =	shalt  }
0x78: {  	_ =	shalt  }
0x79: {  	_ =	shalt  }
0x7a: {  	_ =	shalt  }
0x7b: {  	_ =	shalt  }
0x7c: {  	_ =	shalt  }
0x7d: {  	_ =	shalt  }
0x7e: {  	_ =	shalt  }
0x7f: {  	_ =	shalt  }
0x80: {  	_ =	shalt  }
0x81: {  	_ =	shalt  }
0x82: {  	_ =	shalt  }
0x83: {  	_ =	shalt  }
0x84: {  	_ =	shalt  }
0x85: {  	_ =	shalt  }
0x86: {  	_ =	shalt  }
0x87: {  	_ =	shalt  }
.Lfunc_end0:
.L_simem_size_0:
called_computation_lowered:
.L_overlay_start_0:
0x88: {  	s2 =	sld [smem:$0x3FD9]  }
0x89: {  	s3 =	sld [smem:$0x3FFE];
	_ =	sdelay $0x1  }
0x8a: {  	s1 =	srdreg.scid  }
0x8b: {  	s0 =	sand.u32 $0x1, s1  }
0x8c: {  	s14 =	sshll.u32 s0, $0xA;
	s2 =	sadd.s32 s3, s2  }
0x8d: {  	s2 =	sadd.s32 s2, s14  }
0x8e: {  	[smem:$0x3F7D] =	sst s2  }
0x8f: {  	_ = 	snop  }
0x90: {  	s2 =	sld [smem:$0x3FD0];
	_ =	sdelay $0x2  }
0x91: {  	s15 =	simm.s32 $0xB;
	s4 =	simm.s32 $0x10  }
0x92: {  	[smem:s4], [sflag:s15] =	dma.local [hbm:s2], $0x1  }
0x93: {  	_ =	swait.eq [sflag:s15], $0x1  }
0x94: {  	[sflag:s15] =	ssyncset.done $0x0  }
0x95: {  	[sflag:s15] =	ssyncadd.s32 $0xFFFFFFFF  }
0x96: {  	s16 =	sld [smem:$0x14];
	(tm) =	ssettm $0x1  }
0x97: {  	s17 =	sld [smem:$0x3FFB];
	_ =	sdelay $0x3  }
0x98: {  	_ =	strace s17  }
0x99: {  	s3 =	sld [smem:$0x3FFC];
	_ =	sdelay $0x3  }
0x9a: {  	_ =	strace s3  }
0x9b: {  	s3 =	sld [smem:$0x3FFD];
	_ =	sdelay $0x3  }
0x9c: {  	_ =	strace s3  }
0x9d: {  	_ =	strace $0x8FFFFFFF  }
0x9e: {  	s18 =	sld [smem:$0x3FDB];
	_ =	sdelay $0x1  }
0x9f: {  	s19 =	simm.s32 $_scs_section_size  }
0xa0: {  	s5 =	simm.s32 $_size__tile_overlayer_lowered;
	s6 =	simm.s32 $_tile_overlayer_lowered  }
0xa1: {  	s22 =	simm.s32 $0x1BFF;
	s21 =	sshll.u32 s6, $0x1;
	s3 =	sadd.s32 s19, s18  }
0xa2: {  	s7 =	simm.s32 $0x0;
	s20 =	sshll.u32 s5, $0x1;
	s5 =	sadd.s32 s21, s3  }
0xa3: {  	[timem:s7], [sflag:s22] =	dma.local [hbm:s5], s20  }
0xa4: {  	_ =	swait.ge [sflag:s22], s20  }
0xa5: {  	s4 =	ssub.s32 $0x0, s20;
	[sflag:s22] =	ssyncset.done $0x0  }
0xa6: {  	[sflag:s22] =	ssyncadd.s32 s4;
	_ =	sdelay $0x1  }
0xa7: {  	s23 =	simm.s32 $0x1B8B  }
0xa8: {  	_ =	swait.ge [sflag:s23], $0x1  }
0xa9: {  	[sflag:s23] =	ssyncset.done $0x0  }
0xaa: {  	s25 =	simm.s32 $0x1B8E;
	s24 =	sld [smem:$0x3FFE];
	[sflag:s23] =	ssyncadd.s32 $0xFFFFFFFF  }
0xab: {  	s26 =	simm.s32 $execute0_lowered;
	[smem:$0x3FD2] =	sst s25  }
0xac: {  	s5 =	sshll.u32 s26, $0x1;
	_ =	strace $0x80000046;
	[dreg:$0x1] =	wrdreg $0xFFFFFFFF  }
0xad: {  	s28 =	simm.s32 $_size_execute0_lowered;
	s3 =	sadd.s32 s3, s5;
	[dreg:$0x0] =	wrdreg $0x0  }
0xae: {  	s5 =	sshll.u32 s28, $0x1;
	[dreg:$0x2] =	wrdreg s3  }
0xaf: {  	[dreg:$0x3] =	wrdreg s5  }
0xb0: {  	[dreg:$0x4] =	wrdreg $0xC0  }
0xb1: {  	_ =	task [dreg:s7], $0x5FFFF  }
0xb2: {  	[dreg:$0x1] =	wrdreg $0xFFFFFFFF  }
0xb3: {  	[dreg:$0x0] =	wrdreg $0x60  }
0xb4: {  	[dreg:$0x2] =	wrdreg s24  }
0xb5: {  	[dreg:$0x3] =	wrdreg s16  }
0xb6: {  	[dreg:$0x4] =	wrdreg $0x0  }
0xb7: {  	[dreg:$0x5] =	wrdreg $0x9  }
0xb8: {  	_ =	task.clear_ibuf [dreg:s7], $0x6FFFF;
	_ =	strace $0x90000046  }
0xb9: {  	s29 =	simm.s32 $0x9;
	_ =	strace $0x80000048  }
0xba: {  	_ =	swait.ge [sflag:s29], $0x1  }
0xbb: {  	[sflag:s29] =	ssyncadd.s32 $0xFFFFFFFF  }
0xbc: {  	_ =	strace $0x90000048  }
0xbd: {  	_ =	sfence  }
0xbe: {  	s30 =	sld [smem:$0x0];
	_ =	sdelay $0x2  }
0xbf: {  	s31 =	sshll.u32 s1, $0xD;
	s1 =	sshrl.u32 s1, $0x2  }
0xc0: {  	s3 =	sand.u32 $0x4000, s31;
	s1 =	sadd.s32 s1, s30  }
0xc1: {  	s0 =	sor.u32 s3, s0;
	s1 =	sshll.u32 s1, $0x11  }
0xc2: {  	s0 =	sor.u32 s1, s0  }
0xc3: {  	s0 =	sadd.s32 $0x8F2B, s0  }
0xc4: {  	[sflag:s0] =	ssyncadd.remote.s32 $0x1  }
0xc5: {  	_ =	sfence.sel $0xFFFF  }
0xc6: {  	[dreg:$0x0] =	wrdreg $0xFFFFFFFF;
	(pc) =	sbr.abs _section_cstart, $3  }
0xc7: {  	[dreg:$0x1] =	wrdreg $0xFFFFFFFF  }
0xc8: {  	_ =	task.clear_ibuf [dreg:s7], $0x2FFFF;
	_ =	strace $0x9FFFFFFF  }
0xc9: {  	(tm) =	ssettm $0x7FFFFFFF  }
tec
execute0_lowered:
.L_overlay_start_1:
0x0: {  	(tag) =	ssettag $0x1  }
0x1: {  	s6 =	rddreg [dreg:$0x0]  }
0x2: {  	s2 =	rddreg [dreg:$0x1];
	s0 =	srdreg.scid  }
0x3: {  	s3 =	rddreg [dreg:$0x2];
	s1 =	stileid.u32;
	s4 =	simm.s32 $0x0  }
0x4: {  	s14 =	simm.s32 $0x17C00;
	s15 =	simm.s32 $0x80;
	s8 =	smul.u32 $0x13C00, s1  }
0x5: {  	s16 =	simm.s32 $0x1;
	s17 =	simm.s32 $0x0;
	s9 =	smul.u32 $0xA80, s1  }
0x6: {  	s7 =	sand.u32 $0x1, s0;
	s0 =	rddreg [dreg:$0x3];
	s10 =	smul.u32 $0x4F000, s1  }
0x7: {  	[smem:$0x7FF] =	sst s4;
	s12 =	sshll.u32 s1, $0x6;
	s5 =	smul.u32 $0x13C000, s7  }
0x8: {  	_ =	strace $0x80000047;
	s31 =	ssub.s32 $0x2, s7;
	p0 =	seq.s32 s7, $0x1  }
0x9: {  	s29 =	sadd.s32 s9, s6;
	s11 =	sshrl.u32 s31, $0x1;
	s10 =	sshrl.u32 s10, $0x2  }
.Ltmp0:
0xa: {  	s5 =	sadd.s32 s8, s5;
	s11 =	ssub.s32 s31, s11;
	(pc) =	sbr.rel .LBB2_1-.Ltmp0, $4  }
0xb: {  	s13 =	sadd.s32 s10, s3;
	s7 =	sadd.s32 $0xE400, s29;
	s8 =	sadd.s32 $0x18C00, s29  }
0xc: {  	s30 =	sshrl.u32 s5, $0x3;
	s5 =	sadd.s32 $0x23400, s6;
	s10 =	smax.u32 s11, $0x1  }
0xd: {  	s11 =	sshrl.u32 s13, $0x3;
	s13 =	simm.s32 $0x13C00;
	s9 =	sadd.s32 s30, s6  }
0xe: {  	s6 =	sor.u32 $0x1C02, s12;
	s12 =	simm.s32 $0x2;
	s9 =	sadd.s32 $0x25C00, s9  }
.LBB2_11:
0xf: {  	[sflag:s16] =	ssyncadd.s32 $0xFFFFC000  }
.LBB2_12:
0x10: {  	s17 =	sadd.s32 $0x1, s17  }
0x11: {  	p1 =	sne.s32 s17, s10  }
.Ltmp1:
0x12: {  	[bflag:$0x0] =	sbarrier.arrive $0xFFFF;
	(pc) =	sbr.rel @!p1 .LBB2_13-.Ltmp1, $4  }
0x13: {  	[hbm:s9], [sflag:s6] =	dma.local [spmem:s11], $0x2780  }
0x14: {  	_ =	swait.ge [sflag:s12], $0x2780  }
0x15: {  	[sflag:s12] =	ssyncset.done $0x0  }
0x16: {  	[sflag:s12] =	ssyncadd.s32 $0xFFFFD880  }
.LBB2_1:
0x17: {  	[spmem:s11], [sflag:s6] =	dma.local [hbm:s5], $0x2780  }
0x18: {  	_ =	swait.ge [sflag:s12], $0x2780  }
0x19: {  	[sflag:s12] =	ssyncset.done $0x0  }
.Ltmp2:
0x1a: {  	[sflag:s12] =	ssyncadd.s32 $0xFFFFD880;
	(pc) =	sbr.rel @!p0 .LBB2_2-.Ltmp2, $4  }
0x1b: {  	[tilespmem:s13], [sflag:$0x2] =	stream.linear.gather [hbm4b:s2+s4], $0x4000, $0x38;
	[tilespmem:$0x1D000] =	vst v63  }
0x1c: {  	_ =	swait.ge [sflag:s12], $0x4000  }
0x1d: {  	[sflag:s12] =	ssyncset.done $0x0  }
0x1e: {  	[sflag:s12] =	ssyncadd.s32 $0xFFFFC000  }
0x1f: {  	[tilespmem:s14], [sflag:$0x2] =	stream.linear.gather [hbm4b:s8+s4], $0x5400, $0x38;
	[tilespmem:$0x1D000] =	vst v63  }
0x20: {  	_ =	swait.ge [sflag:s12], $0x5400  }
0x21: {  	[sflag:s12] =	ssyncset.done $0x0  }
0x22: {  	[sflag:s12] =	ssyncadd.s32 $0xFFFFAC00  }
0x23: {  	s18 =	simm.s32 $0x200;
	[bflag:$0x0] =	sbarrier.arrive $0xFFFF  }
.LBB2_8:
0x24: {  	p1 =	sne.s32 s18, $0x14E00  }
.Ltmp3:
0x25: {  	_ = 	snop;
	(pc) =	sbr.rel @p1 .LBB2_8-.Ltmp3, $4  }
0x26: {  	_ = 	snop  }
0x27: {  	s19 =	sshra.s32 s18, $0x2  }
0x28: {  	s18 =	sadd.s32 $0x400, s18;
	s19 =	sadd.s32 $0x17C00, s19  }
0x29: {  	[spmem:s3] =	stream.indirect.scatter.add.f32 [tilespmem:s13], [sflag:$0x1], $0x80, s19, s15, $0xb8;
	[tilespmem:$0x1D000] =	vst v63  }
0x2a: {  	_ =	swait.ge [sflag:s16], $0x4000  }
0x2b: {  	s18 =	simm.s32 $0x53;
	[sflag:s16] =	ssyncset.done $0x0  }
.LBB2_10:
0x2c: {  	p1 =	sne.s32 s18, $0x1;
	s18 =	sadd.s32 $0xFFFFFFFF, s18;
	[sflag:s16] =	ssyncadd.s32 $0xFFFFC000  }
.Ltmp4:
0x2d: {  	(pc) =	sbr.rel @p1 .LBB2_10-.Ltmp4, $3  }
0x2e: {  	_ =	sdelay $0x1  }
0x2f: {  	_ =	swait.ge [sflag:s16], $0x4000  }
0x30: {  	[sflag:s16] =	ssyncset.done $0x0  }
.Ltmp5:
0x31: {  	_ = 	snop;
	(pc) =	sbr.rel .LBB2_11-.Ltmp5, $1  }
0x32: {  	_ =	sdelay $0x3  }
.LBB2_2:
0x33: {  	[tilespmem:s14], [sflag:$0x2] =	stream.linear.gather [hbm4b:s7+s4], $0x5400, $0x38;
	[tilespmem:$0x1D000] =	vst v63  }
0x34: {  	_ =	swait.ge [sflag:s12], $0x5400  }
0x35: {  	[sflag:s12] =	ssyncset.done $0x0  }
0x36: {  	[sflag:s12] =	ssyncadd.s32 $0xFFFFAC00  }
0x37: {  	s18 =	simm.s32 $0x200;
	[bflag:$0x0] =	sbarrier.arrive $0xFFFF  }
.LBB2_3:
0x38: {  	p1 =	sne.s32 s18, $0x14E00  }
.Ltmp6:
0x39: {  	_ = 	snop;
	(pc) =	sbr.rel @p1 .LBB2_3-.Ltmp6, $4  }
0x3a: {  	_ = 	snop  }
0x3b: {  	s19 =	sshra.s32 s18, $0x2  }
0x3c: {  	s18 =	sadd.s32 $0x400, s18;
	s19 =	sadd.s32 $0x17C00, s19  }
0x3d: {  	[spmem:s3] =	stream.indirect.scatter.add.f32 [tilespmem:s13], [sflag:$0x1], $0x80, s19, s15, $0xb8;
	[tilespmem:$0x1D000] =	vst v63  }
0x3e: {  	_ =	swait.ge [sflag:s16], $0x4000  }
0x3f: {  	s18 =	simm.s32 $0x53;
	[sflag:s16] =	ssyncset.done $0x0  }
.LBB2_5:
0x40: {  	p1 =	seq.s32 s18, $0x1;
	s18 =	sadd.s32 $0xFFFFFFFF, s18;
	[sflag:s16] =	ssyncadd.s32 $0xFFFFC000  }
.Ltmp7:
0x41: {  	(pc) =	sbr.rel @!p1 .LBB2_5-.Ltmp7, $3  }
0x42: {  	_ =	sdelay $0x1  }
0x43: {  	_ =	swait.ge [sflag:s16], $0x4000  }
0x44: {  	[sflag:s16] =	ssyncset.done $0x0  }
.Ltmp8:
0x45: {  	(pc) =	sbr.rel .LBB2_12-.Ltmp8, $2  }
0x46: {  	_ =	sdelay $0x2  }
0x47: {  	[sflag:s16] =	ssyncadd.s32 $0xFFFFC000  }
.LBB2_13:
0x48: {  	_ =	sfence.sel $0x180000  }
0x49: {  	[bflag:$0x0] =	sbarrier.arrive $0xFFFF  }
0x4a: {  	p0 =	sne.s32 s1, $0x0;
	_ =	strace $0x90000047  }
0x4b: {  	s0 =	sadd.s32 @!p0 $0x100000, s0;
	[bflag:$0x2] =	sbarrier.arrive $0xFFFF  }
0x4c: {  	[sflag:s0] =	ssyncadd.tile.s32 @!p0 $0x1;
	_ =	shalt  }
.Lfunc_end2:
_tile_overlayer_lowered:
.L_overlay_start_2:
0x4d: {  	(tag) =	ssettag $0x2  }
0x4e: {  	s0 =	rddreg [dreg:$0x0];
	s2 =	stileid.u32  }
0x4f: {  	s1 =	rddreg [dreg:$0x1];
	p0 =	sne.s32 s2, $0x0  }
0x50: {  	s3 =	rddreg [dreg:$0x2];
	[bflag:$0x3] =	sbarrier.arrive $0xFFFF;
	s2 =	simm.s32 @!p0 $0x1C02  }
0x51: {  	[timem:s3], [sflag:s2] =	dma.local @!p0 [hbm:s0], s1  }
0x52: {  	s0 =	simm.s32 @!p0 $0x2  }
0x53: {  	_ =	swait.ge @!p0 [sflag:s0], s1  }
0x54: {  	s1 =	ssub.s32 @!p0 $0x0, s1;
	[sflag:s0] =	ssyncset.done @!p0 $0x0  }
0x55: {  	[sflag:s0] =	ssyncadd.s32 @!p0 s1  }
0x56: {  	[bflag:$0x3] =	sbarrier.arrive $0xFFFF  }
0x57: {  	_ =	shalt  }

// kernel: kernel.18.cloned.1.call-start
scs
__scs_entry_jumppad:
0x0: {  	(pc) =	sbr.rel $0x88, $3  }
0x1: {  	(tag) =	ssettag $0x0;
	lr =	simm.s32 $0x1  }
0x2: {  	[smem:$0x3F56] =	sst lr;
	_ =	strace $0xD0000000  }
0x3: {  	_ = 	snop  }
0x4: {  	_ = 	snop  }
0x5: {  	_ = 	snop  }
0x6: {  	_ = 	snop  }
0x7: {  	_ = 	snop  }
__scs_overlays_trampoline_lowered:
0x8: {  	[smem:$0x3F65] =	sst s0  }
0x9: {  	[smem:$0x3F66] =	sst s1  }
0xa: {  	[smem:$0x3F67] =	sst s2  }
0xb: {  	[smem:$0x3F68] =	sst s3  }
0xc: {  	[smem:$0x3F69] =	sst s4  }
0xd: {  	[smem:$0x3F6A] =	sst s5  }
0xe: {  	[smem:$0x3F6B] =	sst s6  }
0xf: {  	[smem:$0x3F6C] =	sst s7  }
0x10: {  	[smem:$0x3F6D] =	sst s8  }
0x11: {  	[smem:$0x3F6E] =	sst s9;
	s0 =	simm.s32 @!p0 $0x0  }
0x12: {  	s1 =	sld [smem:$0x3F54];
	s0 =	simm.s32 @p0 $0x1  }
0x13: {  	[smem:$0x3F6F] =	sst s0;
	s0 =	simm.s32 @!p1 $0x0  }
0x14: {  	s2 =	sld [smem:$0x3F53];
	s0 =	simm.s32 @p1 $0x1  }
0x15: {  	[smem:$0x3F70] =	sst s0;
	s0 =	simm.s32 @!p2 $0x0  }
0x16: {  	s3 =	sld [smem:$0x3FDB];
	s0 =	simm.s32 @p2 $0x1  }
0x17: {  	s4 =	simm.s32 $0x1BF5;
	[smem:$0x3F72] =	sst s0  }
0x18: {  	s0 =	sld [smem:$0x3F55];
	_ =	swait.ge [sflag:s4], $0x0  }
0x19: {  	s7 =	sld [smem:$0x3F56]  }
0x1a: {  	s8 =	sadd.s32 $0xFFFFE003, lr  }
0x1b: {  	s9 =	sadd.s32 $0xFFFFFEF7, lr;
	s5 =	simm.s32 $0xFFFFFFFF;
	p2 =	slt.u32 s8, $0xFFFFF086  }
0x1c: {  	p1 =	slt.u32 s9, $0xF7A;
	s5 =	simm.s32 @!p2 $0x0  }
0x1d: {  	s5 =	simm.s32 @p1 $0x1;
	p0 =	seq.s32 s7, s2  }
0x1e: {  	s7 =	smul.u32 @!p0 $0xF7A, s2;
	p2 =	seq.s32 @!p0 s5, $0x0  }
0x1f: {  	s9 =	smul.u32 $0xF7A, s1;
	s8 =	simm.s32 @!p0 $0x1BF5;
	p2 =	por !p2, p0  }
0x20: {  	[sflag:s8] =	ssyncset.s32 @!p0 $0xFFFFF086;
	s6 =	sadd.s32 @!p0 s3, s7;
	s7 =	simm.s32 @!p0 $0x108  }
0x21: {  	s3 =	sadd.s32 s3, s9;
	s6 =	sadd.s32 @!p0 $0x88, s6;
	s7 =	simm.s32 @p2 $0x1082  }
0x22: {  	[simem:s7], [sflag:s8] =	dma.local @!p0 [hbm:s6], $0xF7A  }
0x23: {  	s9 =	sor.u32 $0xD0000000, s2;
	s6 =	simm.s32 $0x108;
	_ =	swait.ge @!p0 [sflag:s8], $0x0  }
0x24: {  	s3 =	sadd.s32 $0x88, s3;
	s6 =	simm.s32 @!p1 $0x1082;
	[sflag:s4] =	ssyncset.s32 $0xFFFFF086  }
0x25: {  	[simem:s6], [sflag:s4] =	dma.local [hbm:s3], $0xF7A  }
0x26: {  	[smem:$0x3F56] =	sst s1;
	(tag) =	ssettag s2;
	_ =	strace s9  }
0x27: {  	s1 =	sld [smem:$0x3F66]  }
0x28: {  	s2 =	sld [smem:$0x3F67]  }
0x29: {  	s4 =	sld [smem:$0x3F69]  }
0x2a: {  	p0 =	seq.s32 s5, $0x0;
	s5 =	sld [smem:$0x3F6A]  }
0x2b: {  	s6 =	sld [smem:$0x3F6B]  }
0x2c: {  	s7 =	sld [smem:$0x3F6C]  }
0x2d: {  	s3 =	simm.s32 $0x108;
	s8 =	sld [smem:$0x3F6D]  }
0x2e: {  	s3 =	simm.s32 @!p0 $0x1082;
	s9 =	sld [smem:$0x3F6E]  }
0x2f: {  	lr =	sadd.s32 s0, s3;
	s0 =	sld [smem:$0x3F65]  }
0x30: {  	s3 =	sld [smem:$0x3F68]  }
0x31: {  	[smem:$0x3F71] =	sst s10  }
0x32: {  	s10 =	sld [smem:$0x3F6F];
	_ =	sdelay $0x3  }
0x33: {  	p0 =	seq.s32 s10, $0x1;
	s10 =	sld [smem:$0x3F71];
	_ =	sdelay $0x3  }
0x34: {  	[smem:$0x3F71] =	sst s10  }
0x35: {  	s10 =	sld [smem:$0x3F70];
	_ =	sdelay $0x3  }
0x36: {  	p1 =	seq.s32 s10, $0x1;
	s10 =	sld [smem:$0x3F71];
	_ =	sdelay $0x3  }
0x37: {  	[smem:$0x3F71] =	sst s10  }
0x38: {  	s10 =	sld [smem:$0x3F72]  }
0x39: {  	_ = 	snop;
	(pc) =	sbr.ind lr, $3  }
0x3a: {  	_ = 	snop  }
0x3b: {  	_ = 	snop  }
0x3c: {  	p2 =	seq.s32 s10, $0x1;
	s10 =	sld [smem:$0x3F71]  }
0x3d: {  	_ =	shalt  }
0x3e: {  	_ =	shalt  }
0x3f: {  	_ =	shalt  }
0x40: {  	_ =	shalt  }
0x41: {  	_ =	shalt  }
0x42: {  	_ =	shalt  }
0x43: {  	_ =	shalt  }
0x44: {  	_ =	shalt  }
0x45: {  	_ =	shalt  }
0x46: {  	_ =	shalt  }
0x47: {  	_ =	shalt  }
0x48: {  	_ =	shalt  }
0x49: {  	_ =	shalt  }
0x4a: {  	_ =	shalt  }
0x4b: {  	_ =	shalt  }
0x4c: {  	_ =	shalt  }
0x4d: {  	_ =	shalt  }
0x4e: {  	_ =	shalt  }
0x4f: {  	_ =	shalt  }
0x50: {  	_ =	shalt  }
0x51: {  	_ =	shalt  }
0x52: {  	_ =	shalt  }
0x53: {  	_ =	shalt  }
0x54: {  	_ =	shalt  }
0x55: {  	_ =	shalt  }
0x56: {  	_ =	shalt  }
0x57: {  	_ =	shalt  }
0x58: {  	_ =	shalt  }
0x59: {  	_ =	shalt  }
0x5a: {  	_ =	shalt  }
0x5b: {  	_ =	shalt  }
0x5c: {  	_ =	shalt  }
0x5d: {  	_ =	shalt  }
0x5e: {  	_ =	shalt  }
0x5f: {  	_ =	shalt  }
0x60: {  	_ =	shalt  }
0x61: {  	_ =	shalt  }
0x62: {  	_ =	shalt  }
0x63: {  	_ =	shalt  }
0x64: {  	_ =	shalt  }
0x65: {  	_ =	shalt  }
0x66: {  	_ =	shalt  }
0x67: {  	_ =	shalt  }
0x68: {  	_ =	shalt  }
0x69: {  	_ =	shalt  }
0x6a: {  	_ =	shalt  }
0x6b: {  	_ =	shalt  }
0x6c: {  	_ =	shalt  }
0x6d: {  	_ =	shalt  }
0x6e: {  	_ =	shalt  }
0x6f: {  	_ =	shalt  }
0x70: {  	_ =	shalt  }
0x71: {  	_ =	shalt  }
0x72: {  	_ =	shalt  }
0x73: {  	_ =	shalt  }
0x74: {  	_ =	shalt  }
0x75: {  	_ =	shalt  }
0x76: {  	_ =	shalt  }
0x77: {  	_ =	shalt  }
0x78: {  	_ =	shalt  }
0x79: {  	_ =	shalt  }
0x7a: {  	_ =	shalt  }
0x7b: {  	_ =	shalt  }
0x7c: {  	_ =	shalt  }
0x7d: {  	_ =	shalt  }
0x7e: {  	_ =	shalt  }
0x7f: {  	_ =	shalt  }
0x80: {  	_ =	shalt  }
0x81: {  	_ =	shalt  }
0x82: {  	_ =	shalt  }
0x83: {  	_ =	shalt  }
0x84: {  	_ =	shalt  }
0x85: {  	_ =	shalt  }
0x86: {  	_ =	shalt  }
0x87: {  	_ =	shalt  }
.Lfunc_end0:
.L_simem_size_0:
called_computation.1_lowered:
.L_overlay_start_0:
0x88: {  	s2 =	sld [smem:$0x3FD9]  }
0x89: {  	s3 =	sld [smem:$0x3FFE];
	_ =	sdelay $0x1  }
0x8a: {  	s1 =	srdreg.scid  }
0x8b: {  	s0 =	sand.u32 $0x1, s1  }
0x8c: {  	s17 =	sshll.u32 s0, $0xA;
	s2 =	sadd.s32 s3, s2  }
0x8d: {  	s2 =	sadd.s32 s2, s17  }
0x8e: {  	[smem:$0x3F7D] =	sst s2  }
0x8f: {  	_ = 	snop  }
0x90: {  	s18 =	sld [smem:$0x3FC9]  }
0x91: {  	s4 =	sld [smem:$0x3FC8];
	(tm) =	ssettm $0x1  }
0x92: {  	s19 =	sld [smem:$0x3FFB];
	_ =	sdelay $0x3  }
0x93: {  	_ =	strace s19  }
0x94: {  	s2 =	sld [smem:$0x3FFC];
	_ =	sdelay $0x3  }
0x95: {  	_ =	strace s2  }
0x96: {  	s2 =	sld [smem:$0x3FFD];
	_ =	sdelay $0x3  }
0x97: {  	_ =	strace s2  }
0x98: {  	_ =	strace $0x8FFFFFFF  }
0x99: {  	s20 =	sld [smem:$0x3FDB];
	_ =	sdelay $0x1  }
0x9a: {  	s5 =	simm.s32 $_scs_section_size  }
0x9b: {  	s6 =	simm.s32 $_size__tile_overlayer_lowered;
	s7 =	simm.s32 $_tile_overlayer_lowered  }
0x9c: {  	s8 =	simm.s32 $0x1BFF;
	s21 =	sshll.u32 s7, $0x1;
	s5 =	sadd.s32 s5, s20  }
0x9d: {  	s22 =	simm.s32 $0x0;
	s6 =	sshll.u32 s6, $0x1;
	s7 =	sadd.s32 s21, s5  }
0x9e: {  	[timem:s22], [sflag:s8] =	dma.local [hbm:s7], s6  }
0x9f: {  	_ =	swait.ge [sflag:s8], s6  }
0xa0: {  	s6 =	ssub.s32 $0x0, s6;
	[sflag:s8] =	ssyncset.done $0x0  }
0xa1: {  	[sflag:s8] =	ssyncadd.s32 s6;
	_ =	sdelay $0x1  }
0xa2: {  	s23 =	simm.s32 $0x1B8B  }
0xa3: {  	_ =	swait.ge [sflag:s23], $0x1  }
0xa4: {  	[sflag:s23] =	ssyncset.done $0x0  }
0xa5: {  	[sflag:s23] =	ssyncadd.s32 $0xFFFFFFFF  }
0xa6: {  	s6 =	sld [smem:$0x0]  }
0xa7: {  	s7 =	sand.u32 $0xFFFFFFFE, s1  }
0xa8: {  	p0 =	sne.s32 s1, s7  }
0xa9: {  	s7 =	sshll.u32 @p0 s7, $0xE  }
0xaa: {  	s7 =	sadd.s32 @p0 $0x11B8D, s7;
	s8 =	sshll.u32 @p0 s6, $0x11  }
0xab: {  	s7 =	sor.u32 @p0 s8, s7  }
0xac: {  	[sflag:s7] =	ssyncadd.remote.s32 @p0 $0x1;
	_ =	sdelay $0x1  }
0xad: {  	s7 =	simm.s32 @p0 $0x1B8D  }
0xae: {  	_ =	swait.eq @p0 [sflag:s7], $0x1  }
0xaf: {  	[sflag:s7] =	ssyncadd.s32 @p0 $0xFFFFFFFF  }
0xb0: {  	s8 =	sshll.u32 @!p0 s1, $0xE  }
0xb1: {  	s8 =	sor.u32 @!p0 $0x4000, s8;
	s7 =	simm.s32 @!p0 $0x1B8D  }
0xb2: {  	s6 =	sshll.u32 @!p0 s6, $0x11;
	s8 =	sadd.s32 @!p0 $0x11B8D, s8;
	_ =	swait.eq @!p0 [sflag:s7], $0x1  }
0xb3: {  	s6 =	sor.u32 @!p0 s6, s8;
	[sflag:s7] =	ssyncadd.s32 @!p0 $0xFFFFFFFF  }
0xb4: {  	s25 =	simm.s32 $0x1B8E;
	s24 =	sld [smem:$0x3FFE];
	[sflag:s6] =	ssyncadd.remote.s32 @!p0 $0x1  }
0xb5: {  	s26 =	simm.s32 $execute0_lowered;
	[smem:$0x3FD2] =	sst s25  }
0xb6: {  	s7 =	sshll.u32 s26, $0x1;
	_ =	strace $0x80000049;
	[dreg:$0x1] =	wrdreg $0xFFFFFFFF  }
0xb7: {  	s28 =	simm.s32 $_size_execute0_lowered;
	s5 =	sadd.s32 s5, s7;
	[dreg:$0x0] =	wrdreg $0x0  }
0xb8: {  	s7 =	sshll.u32 s28, $0x1;
	[dreg:$0x2] =	wrdreg s5  }
0xb9: {  	[dreg:$0x3] =	wrdreg s7  }
0xba: {  	[dreg:$0x4] =	wrdreg $0xC0  }
0xbb: {  	_ =	task [dreg:s22], $0x5FFFF  }
0xbc: {  	[dreg:$0x1] =	wrdreg $0xFFFFFFFF  }
0xbd: {  	[dreg:$0x0] =	wrdreg $0x60  }
0xbe: {  	[dreg:$0x2] =	wrdreg s18  }
0xbf: {  	[dreg:$0x3] =	wrdreg s4  }
0xc0: {  	[dreg:$0x4] =	wrdreg s24  }
0xc1: {  	[dreg:$0x5] =	wrdreg $0x0  }
0xc2: {  	[dreg:$0x6] =	wrdreg $0xA  }
0xc3: {  	_ =	task.clear_ibuf [dreg:s22], $0x7FFFF;
	_ =	strace $0x90000049  }
0xc4: {  	s29 =	simm.s32 $0xA;
	_ =	strace $0x8000004B  }
0xc5: {  	_ =	swait.ge [sflag:s29], $0x1  }
0xc6: {  	[sflag:s29] =	ssyncadd.s32 $0xFFFFFFFF  }
0xc7: {  	_ =	strace $0x9000004B  }
0xc8: {  	_ =	sfence  }
0xc9: {  	s30 =	sld [smem:$0x0];
	_ =	sdelay $0x2  }
0xca: {  	s31 =	sshll.u32 s1, $0xD;
	s1 =	sshrl.u32 s1, $0x2  }
0xcb: {  	s4 =	sand.u32 $0x4000, s31;
	s1 =	sadd.s32 s1, s30  }
0xcc: {  	s0 =	sor.u32 s4, s0;
	s1 =	sshll.u32 s1, $0x11  }
0xcd: {  	s0 =	sor.u32 s1, s0  }
0xce: {  	s0 =	sadd.s32 $0x8F2B, s0  }
0xcf: {  	[sflag:s0] =	ssyncadd.remote.s32 $0x1  }
0xd0: {  	_ =	sfence.sel $0xFFFF  }
0xd1: {  	[dreg:$0x0] =	wrdreg $0xFFFFFFFF;
	(pc) =	sbr.abs _section_cstart, $3  }
0xd2: {  	[dreg:$0x1] =	wrdreg $0xFFFFFFFF  }
0xd3: {  	_ =	task.clear_ibuf [dreg:s22], $0x2FFFF;
	_ =	strace $0x9FFFFFFF  }
0xd4: {  	(tm) =	ssettm $0x7FFFFFFF  }
0xd5: {  	_ =	shalt  }
tec
execute0_lowered:
.L_overlay_start_1:
0x0: {  	(tag) =	ssettag $0x1  }
0x1: {  	s1 =	rddreg [dreg:$0x0]  }
0x2: {  	s2 =	rddreg [dreg:$0x1]  }
0x3: {  	s0 =	rddreg [dreg:$0x2]  }
0x4: {  	s3 =	rddreg [dreg:$0x3];
	s4 =	srdreg.scid  }
0x5: {  	s5 =	simm.s32 $0x0;
	s14 =	stileid.u32;
	s15 =	simm.s32 $0x8  }
0x6: {  	s16 =	simm.s32 $0x13C00;
	s17 =	simm.s32 $0x80;
	s28 =	simm.s32 $0x3  }
0x7: {  	s29 =	simm.s32 $0x13E80;
	s30 =	simm.s32 $0x4;
	s31 =	simm.s32 $0x5  }
0x8: {  	s4 =	sand.u32 $0x1, s4;
	[smem:$0x7FF] =	sst s5;
	s7 =	smul.u32 $0x13C00, s14  }
0x9: {  	s12 =	sadd.s32 $0xE400, s0;
	s13 =	sadd.s32 $0x18C00, s0;
	s10 =	smul.u32 $0x4F000, s14  }
0xa: {  	s19 =	sadd.s32 $0x23400, s0;
	s21 =	sshll.u32 s14, $0x6;
	s22 =	smul.u32 $0xA80, s14  }
0xb: {  	s6 =	smul.u32 $0x13C000, s4;
	_ =	strace $0x8000004A;
	s18 =	ssub.s32 $0x2, s4  }
0xc: {  	[dreg:$0x5] =	wrdreg s19;
	p0 =	seq.s32 s4, $0x1;
	s19 =	simm.s32 $0x13D00  }
0xd: {  	s4 =	simm.s32 $0x7;
	s9 =	sshrl.u32 s18, $0x1;
	s20 =	sshrl.u32 s10, $0x2  }
0xe: {  	s24 =	sor.u32 $0x60, s22;
	s6 =	sadd.s32 s7, s6;
	s11 =	ssub.s32 s18, s9  }
0xf: {  	s23 =	sadd.s32 s20, s3;
	s7 =	sor.u32 $0x1C08, s21;
	s9 =	sadd.s32 s13, s22  }
0x10: {  	s25 =	sadd.s32 s12, s24;
	s26 =	sadd.s32 s13, s24;
	s18 =	simm.s32 $0x13F00  }
0x11: {  	s20 =	simm.s32 $0x17F00;
	s21 =	simm.s32 $0x13E00;
	s24 =	simm.s32 $0x13C80  }
.Ltmp0:
0x12: {  	s8 =	sshrl.u32 s6, $0x3;
	[dreg:$0x6] =	wrdreg s25;
	(pc) =	sbr.rel .LBB2_1-.Ltmp0, $4  }
0x13: {  	s11 =	smax.u32 s11, $0x1;
	[dreg:$0x7] =	wrdreg s26;
	s14 =	sshrl.u32 s23, $0x3  }
0x14: {  	s23 =	simm.s32 $0x1;
	s25 =	simm.s32 $0x2;
	s26 =	simm.s32 $0x13D80  }
0x15: {  	s0 =	sadd.s32 s8, s0;
	s8 =	sadd.s32 s12, s22;
	s22 =	simm.s32 $0x1BF00  }
0x16: {  	s12 =	simm.s32 $0x0;
	s10 =	sadd.s32 $0x74C00, s0;
	s0 =	simm.s32 $0x6  }
.LBB2_8:
0x17: {  	s12 =	sadd.s32 $0x1, s12  }
0x18: {  	p1 =	sne.s32 s12, s11  }
.Ltmp1:
0x19: {  	[bflag:$0x0] =	sbarrier.arrive $0xFFFF;
	(pc) =	sbr.rel @!p1 .LBB2_9-.Ltmp1, $4  }
0x1a: {  	[hbm:s10], [sflag:s7] =	dma.local [spmem:s14], $0x2780  }
0x1b: {  	_ =	swait.ge [sflag:s15], $0x2780  }
0x1c: {  	[sflag:s15] =	ssyncset.done $0x0  }
0x1d: {  	[sflag:s15] =	ssyncadd.s32 $0xFFFFD880  }
.LBB2_1:
.Ltmp2:
0x1e: {  	s6 =	rddreg [dreg:$0x5];
	(pc) =	sbr.rel @!p0 .LBB2_2-.Ltmp2, $4  }
0x1f: {  	[spmem:s14], [sflag:s7] =	dma.local [hbm:s6], $0x2780  }
0x20: {  	_ =	swait.ge [sflag:s15], $0x2780  }
0x21: {  	[sflag:s15] =	ssyncset.done $0x0  }
0x22: {  	[sflag:s15] =	ssyncadd.s32 $0xFFFFD880  }
0x23: {  	[tilespmem:s16], [sflag:$0x8] =	stream.linear.gather [hbm4b:s9+s5], $0x300, $0x38;
	[tilespmem:$0x1FF00] =	vst v63  }
0x24: {  	_ =	swait.ge [sflag:s15], $0x300  }
0x25: {  	[sflag:s15] =	ssyncset.done $0x0  }
0x26: {  	[sflag:s15] =	ssyncadd.s32 $0xFFFFFD00  }
0x27: {  	[bflag:$0x0] =	sbarrier.arrive $0xFFFF  }
0x28: {  	[tilespmem:s18], [sflag:$0x1] =	stream.indirect.gather [hbm4b:s2+s17], $0x80, s16, s17, $0xb8;
	[tilespmem:$0x1FF00] =	vst v63  }
0x29: {  	_ = 	snop  }
0x2a: {  	[tilespmem:s20], [sflag:$0x2] =	stream.indirect.gather [hbm4b:s2+s17], $0x80, s19, s17, $0xb8;
	[tilespmem:$0x1FF00] =	vst v63  }
0x2b: {  	_ = 	snop  }
0x2c: {  	[tilespmem:s22], [sflag:$0x3] =	stream.indirect.gather [hbm4b:s2+s17], $0x80, s21, s17, $0xb8;
	[tilespmem:$0x1FF00] =	vst v63  }
0x2d: {  	_ =	swait.ge [sflag:s23], $0x4000  }
0x2e: {  	[sflag:s23] =	ssyncset.done $0x0  }
0x2f: {  	[sflag:s23] =	ssyncadd.s32 $0xFFFFC000  }
0x30: {  	[spmem:s3] =	stream.indirect.scatter.add.f32 [tilespmem:s18], [sflag:$0x4], $0x80, s24, s17, $0xb8;
	[tilespmem:$0x1FF00] =	vst v63  }
0x31: {  	_ =	swait.ge [sflag:s25], $0x4000  }
0x32: {  	[sflag:s25] =	ssyncset.done $0x0  }
0x33: {  	[sflag:s25] =	ssyncadd.s32 $0xFFFFC000  }
0x34: {  	[spmem:s3] =	stream.indirect.scatter.add.f32 [tilespmem:s20], [sflag:$0x5], $0x80, s26, s17, $0xb8;
	[tilespmem:$0x1FF00] =	vst v63  }
0x35: {  	_ =	swait.ge [sflag:s28], $0x4000  }
0x36: {  	[sflag:s28] =	ssyncset.done $0x0  }
0x37: {  	[sflag:s28] =	ssyncadd.s32 $0xFFFFC000  }
0x38: {  	[spmem:s3] =	stream.indirect.scatter.add.f32 [tilespmem:s22], [sflag:$0x6], $0x80, s29, s17, $0xb8;
	[tilespmem:$0x1FF00] =	vst v63  }
0x39: {  	_ =	swait.ge [sflag:s30], $0x4000  }
0x3a: {  	[sflag:s30] =	ssyncset.done $0x0  }
0x3b: {  	[sflag:s30] =	ssyncadd.s32 $0xFFFFC000  }
0x3c: {  	_ =	swait.ge [sflag:s31], $0x4000  }
0x3d: {  	[sflag:s31] =	ssyncset.done $0x0  }
0x3e: {  	[sflag:s31] =	ssyncadd.s32 $0xFFFFC000  }
0x3f: {  	_ =	swait.ge [sflag:s0], $0x4000  }
0x40: {  	[sflag:s0] =	ssyncset.done $0x0  }
0x41: {  	s13 =	simm.s32 $0xC0;
	s6 =	rddreg [dreg:$0x7];
	[sflag:s0] =	ssyncadd.s32 $0xFFFFC000  }
0x42: {  	[tilespmem:s16], [sflag:$0x7] =	stream.linear.gather [hbm4b:s6+s5], $0x300, $0x38;
	[tilespmem:$0x1FF00] =	vst v63  }
.LBB2_6:
0x43: {  	_ =	swait.ge [sflag:s4], $0x300  }
0x44: {  	[sflag:s4] =	ssyncset.done $0x0  }
0x45: {  	[sflag:s4] =	ssyncadd.s32 $0xFFFFFD00  }
0x46: {  	[tilespmem:s18], [sflag:$0x1] =	stream.indirect.gather [hbm4b:s2+s17], $0x80, s16, s17, $0xb8;
	[tilespmem:$0x1FF00] =	vst v63  }
0x47: {  	_ = 	snop  }
0x48: {  	[tilespmem:s20], [sflag:$0x2] =	stream.indirect.gather [hbm4b:s2+s17], $0x80, s19, s17, $0xb8;
	[tilespmem:$0x1FF00] =	vst v63  }
0x49: {  	_ = 	snop  }
0x4a: {  	[tilespmem:s22], [sflag:$0x3] =	stream.indirect.gather [hbm4b:s2+s17], $0x80, s21, s17, $0xb8;
	[tilespmem:$0x1FF00] =	vst v63  }
0x4b: {  	_ =	swait.ge [sflag:s23], $0x4000  }
0x4c: {  	[sflag:s23] =	ssyncset.done $0x0  }
0x4d: {  	[sflag:s23] =	ssyncadd.s32 $0xFFFFC000  }
0x4e: {  	[spmem:s3] =	stream.indirect.scatter.add.f32 [tilespmem:s18], [sflag:$0x4], $0x80, s24, s17, $0xb8;
	[tilespmem:$0x1FF00] =	vst v63  }
0x4f: {  	_ =	swait.ge [sflag:s25], $0x4000  }
0x50: {  	[sflag:s25] =	ssyncset.done $0x0  }
0x51: {  	[sflag:s25] =	ssyncadd.s32 $0xFFFFC000  }
0x52: {  	[spmem:s3] =	stream.indirect.scatter.add.f32 [tilespmem:s20], [sflag:$0x5], $0x80, s26, s17, $0xb8;
	[tilespmem:$0x1FF00] =	vst v63  }
0x53: {  	_ =	swait.ge [sflag:s28], $0x4000  }
0x54: {  	[sflag:s28] =	ssyncset.done $0x0  }
0x55: {  	[sflag:s28] =	ssyncadd.s32 $0xFFFFC000  }
0x56: {  	[spmem:s3] =	stream.indirect.scatter.add.f32 [tilespmem:s22], [sflag:$0x6], $0x80, s29, s17, $0xb8;
	[tilespmem:$0x1FF00] =	vst v63  }
0x57: {  	_ =	swait.ge [sflag:s30], $0x4000  }
0x58: {  	[sflag:s30] =	ssyncset.done $0x0  }
0x59: {  	[sflag:s30] =	ssyncadd.s32 $0xFFFFC000  }
0x5a: {  	p1 =	seq.s32 s13, $0xA80;
	_ =	swait.ge [sflag:s31], $0x4000  }
.Ltmp3:
0x5b: {  	[sflag:s31] =	ssyncset.done $0x0;
	(pc) =	sbr.rel @p1 .LBB2_8-.Ltmp3, $4  }
0x5c: {  	[sflag:s31] =	ssyncadd.s32 $0xFFFFC000  }
0x5d: {  	_ =	swait.ge [sflag:s0], $0x4000  }
0x5e: {  	[sflag:s0] =	ssyncset.done $0x0  }
0x5f: {  	[sflag:s0] =	ssyncadd.s32 $0xFFFFC000  }
.Ltmp4:
0x60: {  	(pc) =	sbr.rel .LBB2_6-.Ltmp4, $3  }
0x61: {  	_ =	sdelay $0x1  }
0x62: {  	s6 =	sadd.s32 s13, s9;
	s13 =	sadd.s32 $0x60, s13  }
0x63: {  	[tilespmem:s16], [sflag:$0x7] =	stream.linear.gather [hbm4b:s6+s5], $0x300, $0x38;
	[tilespmem:$0x1FF00] =	vst v63  }
.LBB2_2:
0x64: {  	[tilespmem:s16], [sflag:$0x8] =	stream.linear.gather [hbm4b:s8+s5], $0x300, $0x38;
	[tilespmem:$0x1FF00] =	vst v63  }
0x65: {  	_ =	swait.ge [sflag:s15], $0x300  }
0x66: {  	[sflag:s15] =	ssyncset.done $0x0  }
0x67: {  	[sflag:s15] =	ssyncadd.s32 $0xFFFFFD00  }
0x68: {  	[bflag:$0x0] =	sbarrier.arrive $0xFFFF  }
0x69: {  	[tilespmem:s18], [sflag:$0x1] =	stream.indirect.gather [hbm4b:s1+s17], $0x80, s16, s17, $0xb8;
	[tilespmem:$0x1FF00] =	vst v63  }
0x6a: {  	_ = 	snop  }
0x6b: {  	[tilespmem:s20], [sflag:$0x2] =	stream.indirect.gather [hbm4b:s1+s17], $0x80, s19, s17, $0xb8;
	[tilespmem:$0x1FF00] =	vst v63  }
0x6c: {  	_ = 	snop  }
0x6d: {  	[tilespmem:s22], [sflag:$0x3] =	stream.indirect.gather [hbm4b:s1+s17], $0x80, s21, s17, $0xb8;
	[tilespmem:$0x1FF00] =	vst v63  }
0x6e: {  	_ =	swait.ge [sflag:s23], $0x4000  }
0x6f: {  	[sflag:s23] =	ssyncset.done $0x0  }
0x70: {  	[sflag:s23] =	ssyncadd.s32 $0xFFFFC000  }
0x71: {  	[spmem:s3] =	stream.indirect.scatter.add.f32 [tilespmem:s18], [sflag:$0x4], $0x80, s24, s17, $0xb8;
	[tilespmem:$0x1FF00] =	vst v63  }
0x72: {  	_ =	swait.ge [sflag:s25], $0x4000  }
0x73: {  	[sflag:s25] =	ssyncset.done $0x0  }
0x74: {  	[sflag:s25] =	ssyncadd.s32 $0xFFFFC000  }
0x75: {  	[spmem:s3] =	stream.indirect.scatter.add.f32 [tilespmem:s20], [sflag:$0x5], $0x80, s26, s17, $0xb8;
	[tilespmem:$0x1FF00] =	vst v63  }
0x76: {  	_ =	swait.ge [sflag:s28], $0x4000  }
0x77: {  	[sflag:s28] =	ssyncset.done $0x0  }
0x78: {  	[sflag:s28] =	ssyncadd.s32 $0xFFFFC000  }
0x79: {  	[spmem:s3] =	stream.indirect.scatter.add.f32 [tilespmem:s22], [sflag:$0x6], $0x80, s29, s17, $0xb8;
	[tilespmem:$0x1FF00] =	vst v63  }
0x7a: {  	_ =	swait.ge [sflag:s30], $0x4000  }
0x7b: {  	[sflag:s30] =	ssyncset.done $0x0  }
0x7c: {  	[sflag:s30] =	ssyncadd.s32 $0xFFFFC000  }
0x7d: {  	_ =	swait.ge [sflag:s31], $0x4000  }
0x7e: {  	[sflag:s31] =	ssyncset.done $0x0  }
0x7f: {  	[sflag:s31] =	ssyncadd.s32 $0xFFFFC000  }
0x80: {  	_ =	swait.ge [sflag:s0], $0x4000  }
0x81: {  	[sflag:s0] =	ssyncset.done $0x0  }
0x82: {  	s13 =	simm.s32 $0xC0;
	s6 =	rddreg [dreg:$0x6];
	[sflag:s0] =	ssyncadd.s32 $0xFFFFC000  }
0x83: {  	[tilespmem:s16], [sflag:$0x7] =	stream.linear.gather [hbm4b:s6+s5], $0x300, $0x38;
	[tilespmem:$0x1FF00] =	vst v63  }
.LBB2_3:
0x84: {  	_ =	swait.ge [sflag:s4], $0x300  }
0x85: {  	[sflag:s4] =	ssyncset.done $0x0  }
0x86: {  	[sflag:s4] =	ssyncadd.s32 $0xFFFFFD00  }
0x87: {  	[tilespmem:s18], [sflag:$0x1] =	stream.indirect.gather [hbm4b:s1+s17], $0x80, s16, s17, $0xb8;
	[tilespmem:$0x1FF00] =	vst v63  }
0x88: {  	_ = 	snop  }
0x89: {  	[tilespmem:s20], [sflag:$0x2] =	stream.indirect.gather [hbm4b:s1+s17], $0x80, s19, s17, $0xb8;
	[tilespmem:$0x1FF00] =	vst v63  }
0x8a: {  	_ = 	snop  }
0x8b: {  	[tilespmem:s22], [sflag:$0x3] =	stream.indirect.gather [hbm4b:s1+s17], $0x80, s21, s17, $0xb8;
	[tilespmem:$0x1FF00] =	vst v63  }
0x8c: {  	_ =	swait.ge [sflag:s23], $0x4000  }
0x8d: {  	[sflag:s23] =	ssyncset.done $0x0  }
0x8e: {  	[sflag:s23] =	ssyncadd.s32 $0xFFFFC000  }
0x8f: {  	[spmem:s3] =	stream.indirect.scatter.add.f32 [tilespmem:s18], [sflag:$0x4], $0x80, s24, s17, $0xb8;
	[tilespmem:$0x1FF00] =	vst v63  }
0x90: {  	_ =	swait.ge [sflag:s25], $0x4000  }
0x91: {  	[sflag:s25] =	ssyncset.done $0x0  }
0x92: {  	[sflag:s25] =	ssyncadd.s32 $0xFFFFC000  }
0x93: {  	[spmem:s3] =	stream.indirect.scatter.add.f32 [tilespmem:s20], [sflag:$0x5], $0x80, s26, s17, $0xb8;
	[tilespmem:$0x1FF00] =	vst v63  }
0x94: {  	_ =	swait.ge [sflag:s28], $0x4000  }
0x95: {  	[sflag:s28] =	ssyncset.done $0x0  }
0x96: {  	[sflag:s28] =	ssyncadd.s32 $0xFFFFC000  }
0x97: {  	[spmem:s3] =	stream.indirect.scatter.add.f32 [tilespmem:s22], [sflag:$0x6], $0x80, s29, s17, $0xb8;
	[tilespmem:$0x1FF00] =	vst v63  }
0x98: {  	_ =	swait.ge [sflag:s30], $0x4000  }
0x99: {  	[sflag:s30] =	ssyncset.done $0x0  }
0x9a: {  	[sflag:s30] =	ssyncadd.s32 $0xFFFFC000  }
0x9b: {  	p1 =	seq.s32 s13, $0xA80;
	_ =	swait.ge [sflag:s31], $0x4000  }
.Ltmp5:
0x9c: {  	[sflag:s31] =	ssyncset.done $0x0;
	(pc) =	sbr.rel @p1 .LBB2_8-.Ltmp5, $4  }
0x9d: {  	[sflag:s31] =	ssyncadd.s32 $0xFFFFC000  }
0x9e: {  	_ =	swait.ge [sflag:s0], $0x4000  }
0x9f: {  	[sflag:s0] =	ssyncset.done $0x0  }
0xa0: {  	[sflag:s0] =	ssyncadd.s32 $0xFFFFC000  }
.Ltmp6:
0xa1: {  	(pc) =	sbr.rel .LBB2_3-.Ltmp6, $3  }
0xa2: {  	_ =	sdelay $0x1  }
0xa3: {  	s6 =	sadd.s32 s13, s8;
	s13 =	sadd.s32 $0x60, s13  }
0xa4: {  	[tilespmem:s16], [sflag:$0x7] =	stream.linear.gather [hbm4b:s6+s5], $0x300, $0x38;
	[tilespmem:$0x1FF00] =	vst v63  }
.LBB2_9:
0xa5: {  	_ =	sfence.sel $0x180000  }
0xa6: {  	[bflag:$0x0] =	sbarrier.arrive $0xFFFF  }
0xa7: {  	_ =	strace $0x9000004A  }
0xa8: {  	s0 =	stileid.u32;
	[bflag:$0x2] =	sbarrier.arrive $0xFFFF  }
0xa9: {  	p0 =	sne.s32 s0, $0x0;
	s0 =	rddreg [dreg:$0x4]  }
0xaa: {  	s0 =	sadd.s32 @!p0 $0x100000, s0  }
0xab: {  	[sflag:s0] =	ssyncadd.tile.s32 @!p0 $0x1;
	_ =	shalt  }
.Lfunc_end2:
_tile_overlayer_lowered:
.L_overlay_start_2:
0xac: {  	(tag) =	ssettag $0x2  }
0xad: {  	s0 =	rddreg [dreg:$0x0];
	s2 =	stileid.u32  }
0xae: {  	s1 =	rddreg [dreg:$0x1];
	p0 =	sne.s32 s2, $0x0  }
0xaf: {  	s3 =	rddreg [dreg:$0x2];
	[bflag:$0x3] =	sbarrier.arrive $0xFFFF;
	s2 =	simm.s32 @!p0 $0x1C08  }
0xb0: {  	[timem:s3], [sflag:s2] =	dma.local @!p0 [hbm:s0], s1  }
0xb1: {  	s0 =	simm.s32 @!p0 $0x8  }
0xb2: {  	_ =	swait.ge @!p0 [sflag:s0], s1  }
0xb3: {  	s1 =	ssub.s32 @!p0 $0x0, s1;
	[sflag:s0] =	ssyncset.done @!p0 $0x0  }
0xb4: {  	[sflag:s0] =	ssyncadd.s32 @!p0 s1  }
0xb5: {  	[bflag:$0x3] =	sbarrier.arrive $0xFFFF  }
0xb6: {  	_ =	shalt  }

// kernel: kernel.21.cloned.1.call-start
scs
__scs_entry_jumppad:
0x0: {  	(pc) =	sbr.rel $0x88, $3  }
0x1: {  	(tag) =	ssettag $0x0;
	lr =	simm.s32 $0x1  }
0x2: {  	[smem:$0x3F56] =	sst lr;
	_ =	strace $0xD0000000  }
0x3: {  	_ = 	snop  }
0x4: {  	_ = 	snop  }
0x5: {  	_ = 	snop  }
0x6: {  	_ = 	snop  }
0x7: {  	_ = 	snop  }
__scs_overlays_trampoline_lowered:
0x8: {  	[smem:$0x3F65] =	sst s0  }
0x9: {  	[smem:$0x3F66] =	sst s1  }
0xa: {  	[smem:$0x3F67] =	sst s2  }
0xb: {  	[smem:$0x3F68] =	sst s3  }
0xc: {  	[smem:$0x3F69] =	sst s4  }
0xd: {  	[smem:$0x3F6A] =	sst s5  }
0xe: {  	[smem:$0x3F6B] =	sst s6  }
0xf: {  	[smem:$0x3F6C] =	sst s7  }
0x10: {  	[smem:$0x3F6D] =	sst s8  }
0x11: {  	[smem:$0x3F6E] =	sst s9;
	s0 =	simm.s32 @!p0 $0x0  }
0x12: {  	s1 =	sld [smem:$0x3F54];
	s0 =	simm.s32 @p0 $0x1  }
0x13: {  	[smem:$0x3F6F] =	sst s0;
	s0 =	simm.s32 @!p1 $0x0  }
0x14: {  	s2 =	sld [smem:$0x3F53];
	s0 =	simm.s32 @p1 $0x1  }
0x15: {  	[smem:$0x3F70] =	sst s0;
	s0 =	simm.s32 @!p2 $0x0  }
0x16: {  	s3 =	sld [smem:$0x3FDB];
	s0 =	simm.s32 @p2 $0x1  }
0x17: {  	s4 =	simm.s32 $0x1BF5;
	[smem:$0x3F72] =	sst s0  }
0x18: {  	s0 =	sld [smem:$0x3F55];
	_ =	swait.ge [sflag:s4], $0x0  }
0x19: {  	s7 =	sld [smem:$0x3F56]  }
0x1a: {  	s8 =	sadd.s32 $0xFFFFE003, lr  }
0x1b: {  	s9 =	sadd.s32 $0xFFFFFEF7, lr;
	s5 =	simm.s32 $0xFFFFFFFF;
	p2 =	slt.u32 s8, $0xFFFFF086  }
0x1c: {  	p1 =	slt.u32 s9, $0xF7A;
	s5 =	simm.s32 @!p2 $0x0  }
0x1d: {  	s5 =	simm.s32 @p1 $0x1;
	p0 =	seq.s32 s7, s2  }
0x1e: {  	s7 =	smul.u32 @!p0 $0xF7A, s2;
	p2 =	seq.s32 @!p0 s5, $0x0  }
0x1f: {  	s9 =	smul.u32 $0xF7A, s1;
	s8 =	simm.s32 @!p0 $0x1BF5;
	p2 =	por !p2, p0  }
0x20: {  	[sflag:s8] =	ssyncset.s32 @!p0 $0xFFFFF086;
	s6 =	sadd.s32 @!p0 s3, s7;
	s7 =	simm.s32 @!p0 $0x108  }
0x21: {  	s3 =	sadd.s32 s3, s9;
	s6 =	sadd.s32 @!p0 $0x88, s6;
	s7 =	simm.s32 @p2 $0x1082  }
0x22: {  	[simem:s7], [sflag:s8] =	dma.local @!p0 [hbm:s6], $0xF7A  }
0x23: {  	s9 =	sor.u32 $0xD0000000, s2;
	s6 =	simm.s32 $0x108;
	_ =	swait.ge @!p0 [sflag:s8], $0x0  }
0x24: {  	s3 =	sadd.s32 $0x88, s3;
	s6 =	simm.s32 @!p1 $0x1082;
	[sflag:s4] =	ssyncset.s32 $0xFFFFF086  }
0x25: {  	[simem:s6], [sflag:s4] =	dma.local [hbm:s3], $0xF7A  }
0x26: {  	[smem:$0x3F56] =	sst s1;
	(tag) =	ssettag s2;
	_ =	strace s9  }
0x27: {  	s1 =	sld [smem:$0x3F66]  }
0x28: {  	s2 =	sld [smem:$0x3F67]  }
0x29: {  	s4 =	sld [smem:$0x3F69]  }
0x2a: {  	p0 =	seq.s32 s5, $0x0;
	s5 =	sld [smem:$0x3F6A]  }
0x2b: {  	s6 =	sld [smem:$0x3F6B]  }
0x2c: {  	s7 =	sld [smem:$0x3F6C]  }
0x2d: {  	s3 =	simm.s32 $0x108;
	s8 =	sld [smem:$0x3F6D]  }
0x2e: {  	s3 =	simm.s32 @!p0 $0x1082;
	s9 =	sld [smem:$0x3F6E]  }
0x2f: {  	lr =	sadd.s32 s0, s3;
	s0 =	sld [smem:$0x3F65]  }
0x30: {  	s3 =	sld [smem:$0x3F68]  }
0x31: {  	[smem:$0x3F71] =	sst s10  }
0x32: {  	s10 =	sld [smem:$0x3F6F];
	_ =	sdelay $0x3  }
0x33: {  	p0 =	seq.s32 s10, $0x1;
	s10 =	sld [smem:$0x3F71];
	_ =	sdelay $0x3  }
0x34: {  	[smem:$0x3F71] =	sst s10  }
0x35: {  	s10 =	sld [smem:$0x3F70];
	_ =	sdelay $0x3  }
0x36: {  	p1 =	seq.s32 s10, $0x1;
	s10 =	sld [smem:$0x3F71];
	_ =	sdelay $0x3  }
0x37: {  	[smem:$0x3F71] =	sst s10  }
0x38: {  	s10 =	sld [smem:$0x3F72]  }
0x39: {  	_ = 	snop;
	(pc) =	sbr.ind lr, $3  }
0x3a: {  	_ = 	snop  }
0x3b: {  	_ = 	snop  }
0x3c: {  	p2 =	seq.s32 s10, $0x1;
	s10 =	sld [smem:$0x3F71]  }
0x3d: {  	_ =	shalt  }
0x3e: {  	_ =	shalt  }
0x3f: {  	_ =	shalt  }
0x40: {  	_ =	shalt  }
0x41: {  	_ =	shalt  }
0x42: {  	_ =	shalt  }
0x43: {  	_ =	shalt  }
0x44: {  	_ =	shalt  }
0x45: {  	_ =	shalt  }
0x46: {  	_ =	shalt  }
0x47: {  	_ =	shalt  }
0x48: {  	_ =	shalt  }
0x49: {  	_ =	shalt  }
0x4a: {  	_ =	shalt  }
0x4b: {  	_ =	shalt  }
0x4c: {  	_ =	shalt  }
0x4d: {  	_ =	shalt  }
0x4e: {  	_ =	shalt  }
0x4f: {  	_ =	shalt  }
0x50: {  	_ =	shalt  }
0x51: {  	_ =	shalt  }
0x52: {  	_ =	shalt  }
0x53: {  	_ =	shalt  }
0x54: {  	_ =	shalt  }
0x55: {  	_ =	shalt  }
0x56: {  	_ =	shalt  }
0x57: {  	_ =	shalt  }
0x58: {  	_ =	shalt  }
0x59: {  	_ =	shalt  }
0x5a: {  	_ =	shalt  }
0x5b: {  	_ =	shalt  }
0x5c: {  	_ =	shalt  }
0x5d: {  	_ =	shalt  }
0x5e: {  	_ =	shalt  }
0x5f: {  	_ =	shalt  }
0x60: {  	_ =	shalt  }
0x61: {  	_ =	shalt  }
0x62: {  	_ =	shalt  }
0x63: {  	_ =	shalt  }
0x64: {  	_ =	shalt  }
0x65: {  	_ =	shalt  }
0x66: {  	_ =	shalt  }
0x67: {  	_ =	shalt  }
0x68: {  	_ =	shalt  }
0x69: {  	_ =	shalt  }
0x6a: {  	_ =	shalt  }
0x6b: {  	_ =	shalt  }
0x6c: {  	_ =	shalt  }
0x6d: {  	_ =	shalt  }
0x6e: {  	_ =	shalt  }
0x6f: {  	_ =	shalt  }
0x70: {  	_ =	shalt  }
0x71: {  	_ =	shalt  }
0x72: {  	_ =	shalt  }
0x73: {  	_ =	shalt  }
0x74: {  	_ =	shalt  }
0x75: {  	_ =	shalt  }
0x76: {  	_ =	shalt  }
0x77: {  	_ =	shalt  }
0x78: {  	_ =	shalt  }
0x79: {  	_ =	shalt  }
0x7a: {  	_ =	shalt  }
0x7b: {  	_ =	shalt  }
0x7c: {  	_ =	shalt  }
0x7d: {  	_ =	shalt  }
0x7e: {  	_ =	shalt  }
0x7f: {  	_ =	shalt  }
0x80: {  	_ =	shalt  }
0x81: {  	_ =	shalt  }
0x82: {  	_ =	shalt  }
0x83: {  	_ =	shalt  }
0x84: {  	_ =	shalt  }
0x85: {  	_ =	shalt  }
0x86: {  	_ =	shalt  }
0x87: {  	_ =	shalt  }
.Lfunc_end0:
.L_simem_size_0:
called_computation.2_lowered:
.L_overlay_start_0:
0x88: {  	s2 =	sld [smem:$0x3FD9]  }
0x89: {  	s3 =	sld [smem:$0x3FFE];
	_ =	sdelay $0x1  }
0x8a: {  	s1 =	srdreg.scid  }
0x8b: {  	s0 =	sand.u32 $0x1, s1  }
0x8c: {  	s14 =	sshll.u32 s0, $0xA;
	s2 =	sadd.s32 s3, s2  }
0x8d: {  	s2 =	sadd.s32 s2, s14  }
0x8e: {  	[smem:$0x3F7D] =	sst s2  }
0x8f: {  	_ = 	snop  }
0x90: {  	s2 =	sld [smem:$0x3FD0];
	_ =	sdelay $0x2  }
0x91: {  	s15 =	simm.s32 $0xB;
	s4 =	simm.s32 $0x10  }
0x92: {  	[smem:s4], [sflag:s15] =	dma.local [hbm:s2], $0x1  }
0x93: {  	_ =	swait.eq [sflag:s15], $0x1  }
0x94: {  	[sflag:s15] =	ssyncset.done $0x0  }
0x95: {  	s16 =	sld [smem:$0x12];
	[sflag:s15] =	ssyncadd.s32 $0xFFFFFFFF  }
0x96: {  	s17 =	sld [smem:$0x13];
	(tm) =	ssettm $0x1  }
0x97: {  	s18 =	sld [smem:$0x3FFB];
	_ =	sdelay $0x3  }
0x98: {  	_ =	strace s18  }
0x99: {  	s4 =	sld [smem:$0x3FFC];
	_ =	sdelay $0x3  }
0x9a: {  	_ =	strace s4  }
0x9b: {  	s4 =	sld [smem:$0x3FFD];
	_ =	sdelay $0x3  }
0x9c: {  	_ =	strace s4  }
0x9d: {  	_ =	strace $0x8FFFFFFF  }
0x9e: {  	s19 =	sld [smem:$0x3FDB];
	_ =	sdelay $0x1  }
0x9f: {  	s5 =	simm.s32 $_scs_section_size  }
0xa0: {  	s6 =	simm.s32 $_size__tile_overlayer_lowered;
	s7 =	simm.s32 $_tile_overlayer_lowered  }
0xa1: {  	s22 =	simm.s32 $0x1BFF;
	s21 =	sshll.u32 s7, $0x1;
	s4 =	sadd.s32 s5, s19  }
0xa2: {  	s8 =	simm.s32 $0x0;
	s20 =	sshll.u32 s6, $0x1;
	s6 =	sadd.s32 s21, s4  }
0xa3: {  	[timem:s8], [sflag:s22] =	dma.local [hbm:s6], s20  }
0xa4: {  	_ =	swait.ge [sflag:s22], s20  }
0xa5: {  	s5 =	ssub.s32 $0x0, s20;
	[sflag:s22] =	ssyncset.done $0x0  }
0xa6: {  	[sflag:s22] =	ssyncadd.s32 s5;
	_ =	sdelay $0x1  }
0xa7: {  	s23 =	simm.s32 $0x1B8B  }
0xa8: {  	_ =	swait.ge [sflag:s23], $0x1  }
0xa9: {  	[sflag:s23] =	ssyncset.done $0x0  }
0xaa: {  	s25 =	simm.s32 $0x1B8E;
	s24 =	sld [smem:$0x3FFE];
	[sflag:s23] =	ssyncadd.s32 $0xFFFFFFFF  }
0xab: {  	s26 =	simm.s32 $execute0_lowered;
	[smem:$0x3FD2] =	sst s25  }
0xac: {  	s6 =	sshll.u32 s26, $0x1;
	_ =	strace $0x8000004C;
	[dreg:$0x1] =	wrdreg $0xFFFFFFFF  }
0xad: {  	s28 =	simm.s32 $_size_execute0_lowered;
	s4 =	sadd.s32 s4, s6;
	[dreg:$0x0] =	wrdreg $0x0  }
0xae: {  	s6 =	sshll.u32 s28, $0x1;
	[dreg:$0x2] =	wrdreg s4  }
0xaf: {  	[dreg:$0x3] =	wrdreg s6  }
0xb0: {  	[dreg:$0x4] =	wrdreg $0xC0  }
0xb1: {  	_ =	task [dreg:s8], $0x5FFFF  }
0xb2: {  	[dreg:$0x1] =	wrdreg $0xFFFFFFFF  }
0xb3: {  	[dreg:$0x0] =	wrdreg $0x60  }
0xb4: {  	[dreg:$0x2] =	wrdreg s17  }
0xb5: {  	[dreg:$0x3] =	wrdreg s16  }
0xb6: {  	[dreg:$0x4] =	wrdreg s24  }
0xb7: {  	[dreg:$0x5] =	wrdreg $0x0  }
0xb8: {  	[dreg:$0x6] =	wrdreg $0x9  }
0xb9: {  	_ =	task.clear_ibuf [dreg:s8], $0x7FFFF;
	_ =	strace $0x9000004C  }
0xba: {  	s29 =	simm.s32 $0x9;
	_ =	strace $0x8000004E  }
0xbb: {  	_ =	swait.ge [sflag:s29], $0x1  }
0xbc: {  	[sflag:s29] =	ssyncadd.s32 $0xFFFFFFFF  }
0xbd: {  	_ =	strace $0x9000004E  }
0xbe: {  	_ =	sfence  }
0xbf: {  	s30 =	sld [smem:$0x0];
	_ =	sdelay $0x2  }
0xc0: {  	s31 =	sshll.u32 s1, $0xD;
	s1 =	sshrl.u32 s1, $0x2  }
0xc1: {  	s3 =	sand.u32 $0x4000, s31;
	s1 =	sadd.s32 s1, s30  }
0xc2: {  	s0 =	sor.u32 s3, s0;
	s1 =	sshll.u32 s1, $0x11  }
0xc3: {  	s0 =	sor.u32 s1, s0  }
0xc4: {  	s0 =	sadd.s32 $0x8F2B, s0  }
0xc5: {  	[sflag:s0] =	ssyncadd.remote.s32 $0x1  }
0xc6: {  	_ =	sfence.sel $0xFFFF  }
0xc7: {  	[dreg:$0x0] =	wrdreg $0xFFFFFFFF;
	(pc) =	sbr.abs _section_cstart, $3  }
0xc8: {  	[dreg:$0x1] =	wrdreg $0xFFFFFFFF  }
0xc9: {  	_ =	task.clear_ibuf [dreg:s8], $0x2FFFF;
	_ =	strace $0x9FFFFFFF  }
0xca: {  	(tm) =	ssettm $0x7FFFFFFF  }
0xcb: {  	_ =	shalt  }
tec
execute0_lowered:
.L_overlay_start_1:
0x0: {  	(tag) =	ssettag $0x1  }
0x1: {  	s1 =	rddreg [dreg:$0x0]  }
0x2: {  	s2 =	rddreg [dreg:$0x1]  }
0x3: {  	s0 =	rddreg [dreg:$0x2]  }
0x4: {  	s3 =	rddreg [dreg:$0x3];
	s4 =	srdreg.scid  }
0x5: {  	s5 =	simm.s32 $0x0;
	s14 =	stileid.u32;
	s15 =	simm.s32 $0x8  }
0x6: {  	s16 =	simm.s32 $0x13C00;
	s17 =	simm.s32 $0x80;
	s28 =	simm.s32 $0x3  }
0x7: {  	s29 =	simm.s32 $0x13E80;
	s30 =	simm.s32 $0x4;
	s31 =	simm.s32 $0x5  }
0x8: {  	s4 =	sand.u32 $0x1, s4;
	[smem:$0x7FF] =	sst s5;
	s7 =	smul.u32 $0x13C00, s14  }
0x9: {  	s12 =	sadd.s32 $0xE400, s0;
	s13 =	sadd.s32 $0x18C00, s0;
	s10 =	smul.u32 $0x4F000, s14  }
0xa: {  	s19 =	sadd.s32 $0x23400, s0;
	s21 =	sshll.u32 s14, $0x6;
	s22 =	smul.u32 $0xA80, s14  }
0xb: {  	s6 =	smul.u32 $0x13C000, s4;
	_ =	strace $0x8000004D;
	s18 =	ssub.s32 $0x2, s4  }
0xc: {  	[dreg:$0x5] =	wrdreg s19;
	p0 =	seq.s32 s4, $0x1;
	s19 =	simm.s32 $0x13D00  }
0xd: {  	s4 =	simm.s32 $0x7;
	s9 =	sshrl.u32 s18, $0x1;
	s20 =	sshrl.u32 s10, $0x2  }
0xe: {  	s24 =	sor.u32 $0x60, s22;
	s6 =	sadd.s32 s7, s6;
	s11 =	ssub.s32 s18, s9  }
0xf: {  	s23 =	sadd.s32 s20, s3;
	s7 =	sor.u32 $0x1C08, s21;
	s9 =	sadd.s32 s13, s22  }
0x10: {  	s25 =	sadd.s32 s12, s24;
	s26 =	sadd.s32 s13, s24;
	s18 =	simm.s32 $0x13F00  }
0x11: {  	s20 =	simm.s32 $0x17F00;
	s21 =	simm.s32 $0x13E00;
	s24 =	simm.s32 $0x13C80  }
.Ltmp0:
0x12: {  	s8 =	sshrl.u32 s6, $0x3;
	[dreg:$0x6] =	wrdreg s25;
	(pc) =	sbr.rel .LBB2_1-.Ltmp0, $4  }
0x13: {  	s11 =	smax.u32 s11, $0x1;
	[dreg:$0x7] =	wrdreg s26;
	s14 =	sshrl.u32 s23, $0x3  }
0x14: {  	s23 =	simm.s32 $0x1;
	s25 =	simm.s32 $0x2;
	s26 =	simm.s32 $0x13D80  }
0x15: {  	s0 =	sadd.s32 s8, s0;
	s8 =	sadd.s32 s12, s22;
	s22 =	simm.s32 $0x1BF00  }
0x16: {  	s12 =	simm.s32 $0x0;
	s10 =	sadd.s32 $0x74C00, s0;
	s0 =	simm.s32 $0x6  }
.LBB2_8:
0x17: {  	s12 =	sadd.s32 $0x1, s12  }
0x18: {  	p1 =	sne.s32 s12, s11  }
.Ltmp1:
0x19: {  	[bflag:$0x0] =	sbarrier.arrive $0xFFFF;
	(pc) =	sbr.rel @!p1 .LBB2_9-.Ltmp1, $4  }
0x1a: {  	[hbm:s10], [sflag:s7] =	dma.local [spmem:s14], $0x2780  }
0x1b: {  	_ =	swait.ge [sflag:s15], $0x2780  }
0x1c: {  	[sflag:s15] =	ssyncset.done $0x0  }
0x1d: {  	[sflag:s15] =	ssyncadd.s32 $0xFFFFD880  }
.LBB2_1:
.Ltmp2:
0x1e: {  	s6 =	rddreg [dreg:$0x5];
	(pc) =	sbr.rel @!p0 .LBB2_2-.Ltmp2, $4  }
0x1f: {  	[spmem:s14], [sflag:s7] =	dma.local [hbm:s6], $0x2780  }
0x20: {  	_ =	swait.ge [sflag:s15], $0x2780  }
0x21: {  	[sflag:s15] =	ssyncset.done $0x0  }
0x22: {  	[sflag:s15] =	ssyncadd.s32 $0xFFFFD880  }
0x23: {  	[tilespmem:s16], [sflag:$0x8] =	stream.linear.gather [hbm4b:s9+s5], $0x300, $0x38;
	[tilespmem:$0x1FF00] =	vst v63  }
0x24: {  	_ =	swait.ge [sflag:s15], $0x300  }
0x25: {  	[sflag:s15] =	ssyncset.done $0x0  }
0x26: {  	[sflag:s15] =	ssyncadd.s32 $0xFFFFFD00  }
0x27: {  	[bflag:$0x0] =	sbarrier.arrive $0xFFFF  }
0x28: {  	[tilespmem:s18], [sflag:$0x1] =	stream.indirect.gather [hbm4b:s2+s17], $0x80, s16, s17, $0xb8;
	[tilespmem:$0x1FF00] =	vst v63  }
0x29: {  	_ = 	snop  }
0x2a: {  	[tilespmem:s20], [sflag:$0x2] =	stream.indirect.gather [hbm4b:s2+s17], $0x80, s19, s17, $0xb8;
	[tilespmem:$0x1FF00] =	vst v63  }
0x2b: {  	_ = 	snop  }
0x2c: {  	[tilespmem:s22], [sflag:$0x3] =	stream.indirect.gather [hbm4b:s2+s17], $0x80, s21, s17, $0xb8;
	[tilespmem:$0x1FF00] =	vst v63  }
0x2d: {  	_ =	swait.ge [sflag:s23], $0x4000  }
0x2e: {  	[sflag:s23] =	ssyncset.done $0x0  }
0x2f: {  	[sflag:s23] =	ssyncadd.s32 $0xFFFFC000  }
0x30: {  	[spmem:s3] =	stream.indirect.scatter.add.f32 [tilespmem:s18], [sflag:$0x4], $0x80, s24, s17, $0xb8;
	[tilespmem:$0x1FF00] =	vst v63  }
0x31: {  	_ =	swait.ge [sflag:s25], $0x4000  }
0x32: {  	[sflag:s25] =	ssyncset.done $0x0  }
0x33: {  	[sflag:s25] =	ssyncadd.s32 $0xFFFFC000  }
0x34: {  	[spmem:s3] =	stream.indirect.scatter.add.f32 [tilespmem:s20], [sflag:$0x5], $0x80, s26, s17, $0xb8;
	[tilespmem:$0x1FF00] =	vst v63  }
0x35: {  	_ =	swait.ge [sflag:s28], $0x4000  }
0x36: {  	[sflag:s28] =	ssyncset.done $0x0  }
0x37: {  	[sflag:s28] =	ssyncadd.s32 $0xFFFFC000  }
0x38: {  	[spmem:s3] =	stream.indirect.scatter.add.f32 [tilespmem:s22], [sflag:$0x6], $0x80, s29, s17, $0xb8;
	[tilespmem:$0x1FF00] =	vst v63  }
0x39: {  	_ =	swait.ge [sflag:s30], $0x4000  }
0x3a: {  	[sflag:s30] =	ssyncset.done $0x0  }
0x3b: {  	[sflag:s30] =	ssyncadd.s32 $0xFFFFC000  }
0x3c: {  	_ =	swait.ge [sflag:s31], $0x4000  }
0x3d: {  	[sflag:s31] =	ssyncset.done $0x0  }
0x3e: {  	[sflag:s31] =	ssyncadd.s32 $0xFFFFC000  }
0x3f: {  	_ =	swait.ge [sflag:s0], $0x4000  }
0x40: {  	[sflag:s0] =	ssyncset.done $0x0  }
0x41: {  	s13 =	simm.s32 $0xC0;
	s6 =	rddreg [dreg:$0x7];
	[sflag:s0] =	ssyncadd.s32 $0xFFFFC000  }
0x42: {  	[tilespmem:s16], [sflag:$0x7] =	stream.linear.gather [hbm4b:s6+s5], $0x300, $0x38;
	[tilespmem:$0x1FF00] =	vst v63  }
.LBB2_6:
0x43: {  	_ =	swait.ge [sflag:s4], $0x300  }
0x44: {  	[sflag:s4] =	ssyncset.done $0x0  }
0x45: {  	[sflag:s4] =	ssyncadd.s32 $0xFFFFFD00  }
0x46: {  	[tilespmem:s18], [sflag:$0x1] =	stream.indirect.gather [hbm4b:s2+s17], $0x80, s16, s17, $0xb8;
	[tilespmem:$0x1FF00] =	vst v63  }
0x47: {  	_ = 	snop  }
0x48: {  	[tilespmem:s20], [sflag:$0x2] =	stream.indirect.gather [hbm4b:s2+s17], $0x80, s19, s17, $0xb8;
	[tilespmem:$0x1FF00] =	vst v63  }
0x49: {  	_ = 	snop  }
0x4a: {  	[tilespmem:s22], [sflag:$0x3] =	stream.indirect.gather [hbm4b:s2+s17], $0x80, s21, s17, $0xb8;
	[tilespmem:$0x1FF00] =	vst v63  }
0x4b: {  	_ =	swait.ge [sflag:s23], $0x4000  }
0x4c: {  	[sflag:s23] =	ssyncset.done $0x0  }
0x4d: {  	[sflag:s23] =	ssyncadd.s32 $0xFFFFC000  }
0x4e: {  	[spmem:s3] =	stream.indirect.scatter.add.f32 [tilespmem:s18], [sflag:$0x4], $0x80, s24, s17, $0xb8;
	[tilespmem:$0x1FF00] =	vst v63  }
0x4f: {  	_ =	swait.ge [sflag:s25], $0x4000  }
0x50: {  	[sflag:s25] =	ssyncset.done $0x0  }
0x51: {  	[sflag:s25] =	ssyncadd.s32 $0xFFFFC000  }
0x52: {  	[spmem:s3] =	stream.indirect.scatter.add.f32 [tilespmem:s20], [sflag:$0x5], $0x80, s26, s17, $0xb8;
	[tilespmem:$0x1FF00] =	vst v63  }
0x53: {  	_ =	swait.ge [sflag:s28], $0x4000  }
0x54: {  	[sflag:s28] =	ssyncset.done $0x0  }
0x55: {  	[sflag:s28] =	ssyncadd.s32 $0xFFFFC000  }
0x56: {  	[spmem:s3] =	stream.indirect.scatter.add.f32 [tilespmem:s22], [sflag:$0x6], $0x80, s29, s17, $0xb8;
	[tilespmem:$0x1FF00] =	vst v63  }
0x57: {  	_ =	swait.ge [sflag:s30], $0x4000  }
0x58: {  	[sflag:s30] =	ssyncset.done $0x0  }
0x59: {  	[sflag:s30] =	ssyncadd.s32 $0xFFFFC000  }
0x5a: {  	p1 =	seq.s32 s13, $0xA80;
	_ =	swait.ge [sflag:s31], $0x4000  }
.Ltmp3:
0x5b: {  	[sflag:s31] =	ssyncset.done $0x0;
	(pc) =	sbr.rel @p1 .LBB2_8-.Ltmp3, $4  }
0x5c: {  	[sflag:s31] =	ssyncadd.s32 $0xFFFFC000  }
0x5d: {  	_ =	swait.ge [sflag:s0], $0x4000  }
0x5e: {  	[sflag:s0] =	ssyncset.done $0x0  }
0x5f: {  	[sflag:s0] =	ssyncadd.s32 $0xFFFFC000  }
.Ltmp4:
0x60: {  	(pc) =	sbr.rel .LBB2_6-.Ltmp4, $3  }
0x61: {  	_ =	sdelay $0x1  }
0x62: {  	s6 =	sadd.s32 s13, s9;
	s13 =	sadd.s32 $0x60, s13  }
0x63: {  	[tilespmem:s16], [sflag:$0x7] =	stream.linear.gather [hbm4b:s6+s5], $0x300, $0x38;
	[tilespmem:$0x1FF00] =	vst v63  }
.LBB2_2:
0x64: {  	[tilespmem:s16], [sflag:$0x8] =	stream.linear.gather [hbm4b:s8+s5], $0x300, $0x38;
	[tilespmem:$0x1FF00] =	vst v63  }
0x65: {  	_ =	swait.ge [sflag:s15], $0x300  }
0x66: {  	[sflag:s15] =	ssyncset.done $0x0  }
0x67: {  	[sflag:s15] =	ssyncadd.s32 $0xFFFFFD00  }
0x68: {  	[bflag:$0x0] =	sbarrier.arrive $0xFFFF  }
0x69: {  	[tilespmem:s18], [sflag:$0x1] =	stream.indirect.gather [hbm4b:s1+s17], $0x80, s16, s17, $0xb8;
	[tilespmem:$0x1FF00] =	vst v63  }
0x6a: {  	_ = 	snop  }
0x6b: {  	[tilespmem:s20], [sflag:$0x2] =	stream.indirect.gather [hbm4b:s1+s17], $0x80, s19, s17, $0xb8;
	[tilespmem:$0x1FF00] =	vst v63  }
0x6c: {  	_ = 	snop  }
0x6d: {  	[tilespmem:s22], [sflag:$0x3] =	stream.indirect.gather [hbm4b:s1+s17], $0x80, s21, s17, $0xb8;
	[tilespmem:$0x1FF00] =	vst v63  }
0x6e: {  	_ =	swait.ge [sflag:s23], $0x4000  }
0x6f: {  	[sflag:s23] =	ssyncset.done $0x0  }
0x70: {  	[sflag:s23] =	ssyncadd.s32 $0xFFFFC000  }
0x71: {  	[spmem:s3] =	stream.indirect.scatter.add.f32 [tilespmem:s18], [sflag:$0x4], $0x80, s24, s17, $0xb8;
	[tilespmem:$0x1FF00] =	vst v63  }
0x72: {  	_ =	swait.ge [sflag:s25], $0x4000  }
0x73: {  	[sflag:s25] =	ssyncset.done $0x0  }
0x74: {  	[sflag:s25] =	ssyncadd.s32 $0xFFFFC000  }
0x75: {  	[spmem:s3] =	stream.indirect.scatter.add.f32 [tilespmem:s20], [sflag:$0x5], $0x80, s26, s17, $0xb8;
	[tilespmem:$0x1FF00] =	vst v63  }
0x76: {  	_ =	swait.ge [sflag:s28], $0x4000  }
0x77: {  	[sflag:s28] =	ssyncset.done $0x0  }
0x78: {  	[sflag:s28] =	ssyncadd.s32 $0xFFFFC000  }
0x79: {  	[spmem:s3] =	stream.indirect.scatter.add.f32 [tilespmem:s22], [sflag:$0x6], $0x80, s29, s17, $0xb8;
	[tilespmem:$0x1FF00] =	vst v63  }
0x7a: {  	_ =	swait.ge [sflag:s30], $0x4000  }
0x7b: {  	[sflag:s30] =	ssyncset.done $0x0  }
0x7c: {  	[sflag:s30] =	ssyncadd.s32 $0xFFFFC000  }
0x7d: {  	_ =	swait.ge [sflag:s31], $0x4000  }
0x7e: {  	[sflag:s31] =	ssyncset.done $0x0  }
0x7f: {  	[sflag:s31] =	ssyncadd.s32 $0xFFFFC000  }
0x80: {  	_ =	swait.ge [sflag:s0], $0x4000  }
0x81: {  	[sflag:s0] =	ssyncset.done $0x0  }
0x82: {  	s13 =	simm.s32 $0xC0;
	s6 =	rddreg [dreg:$0x6];
	[sflag:s0] =	ssyncadd.s32 $0xFFFFC000  }
0x83: {  	[tilespmem:s16], [sflag:$0x7] =	stream.linear.gather [hbm4b:s6+s5], $0x300, $0x38;
	[tilespmem:$0x1FF00] =	vst v63  }
.LBB2_3:
0x84: {  	_ =	swait.ge [sflag:s4], $0x300  }
0x85: {  	[sflag:s4] =	ssyncset.done $0x0  }
0x86: {  	[sflag:s4] =	ssyncadd.s32 $0xFFFFFD00  }
0x87: {  	[tilespmem:s18], [sflag:$0x1] =	stream.indirect.gather [hbm4b:s1+s17], $0x80, s16, s17, $0xb8;
	[tilespmem:$0x1FF00] =	vst v63  }
0x88: {  	_ = 	snop  }
0x89: {  	[tilespmem:s20], [sflag:$0x2] =	stream.indirect.gather [hbm4b:s1+s17], $0x80, s19, s17, $0xb8;
	[tilespmem:$0x1FF00] =	vst v63  }
0x8a: {  	_ = 	snop  }
0x8b: {  	[tilespmem:s22], [sflag:$0x3] =	stream.indirect.gather [hbm4b:s1+s17], $0x80, s21, s17, $0xb8;
	[tilespmem:$0x1FF00] =	vst v63  }
0x8c: {  	_ =	swait.ge [sflag:s23], $0x4000  }
0x8d: {  	[sflag:s23] =	ssyncset.done $0x0  }
0x8e: {  	[sflag:s23] =	ssyncadd.s32 $0xFFFFC000  }
0x8f: {  	[spmem:s3] =	stream.indirect.scatter.add.f32 [tilespmem:s18], [sflag:$0x4], $0x80, s24, s17, $0xb8;
	[tilespmem:$0x1FF00] =	vst v63  }
0x90: {  	_ =	swait.ge [sflag:s25], $0x4000  }
0x91: {  	[sflag:s25] =	ssyncset.done $0x0  }
0x92: {  	[sflag:s25] =	ssyncadd.s32 $0xFFFFC000  }
0x93: {  	[spmem:s3] =	stream.indirect.scatter.add.f32 [tilespmem:s20], [sflag:$0x5], $0x80, s26, s17, $0xb8;
	[tilespmem:$0x1FF00] =	vst v63  }
0x94: {  	_ =	swait.ge [sflag:s28], $0x4000  }
0x95: {  	[sflag:s28] =	ssyncset.done $0x0  }
0x96: {  	[sflag:s28] =	ssyncadd.s32 $0xFFFFC000  }
0x97: {  	[spmem:s3] =	stream.indirect.scatter.add.f32 [tilespmem:s22], [sflag:$0x6], $0x80, s29, s17, $0xb8;
	[tilespmem:$0x1FF00] =	vst v63  }
0x98: {  	_ =	swait.ge [sflag:s30], $0x4000  }
0x99: {  	[sflag:s30] =	ssyncset.done $0x0  }
0x9a: {  	[sflag:s30] =	ssyncadd.s32 $0xFFFFC000  }
0x9b: {  	p1 =	seq.s32 s13, $0xA80;
	_ =	swait.ge [sflag:s31], $0x4000  }
.Ltmp5:
0x9c: {  	[sflag:s31] =	ssyncset.done $0x0;
	(pc) =	sbr.rel @p1 .LBB2_8-.Ltmp5, $4  }
0x9d: {  	[sflag:s31] =	ssyncadd.s32 $0xFFFFC000  }
0x9e: {  	_ =	swait.ge [sflag:s0], $0x4000  }
0x9f: {  	[sflag:s0] =	ssyncset.done $0x0  }
0xa0: {  	[sflag:s0] =	ssyncadd.s32 $0xFFFFC000  }
.Ltmp6:
0xa1: {  	(pc) =	sbr.rel .LBB2_3-.Ltmp6, $3  }
0xa2: {  	_ =	sdelay $0x1  }
0xa3: {  	s6 =	sadd.s32 s13, s8;
	s13 =	sadd.s32 $0x60, s13  }
0xa4: {  	[tilespmem:s16], [sflag:$0x7] =	stream.linear.gather [hbm4b:s6+s5], $0x300, $0x38;
	[tilespmem:$0x1FF00] =	vst v63  }
.LBB2_9:
0xa5: {  	_ =	sfence.sel $0x180000  }
0xa6: {  	[bflag:$0x0] =	sbarrier.arrive $0xFFFF  }
0xa7: {  	_ =	strace $0x9000004D  }
0xa8: {  	s0 =	stileid.u32;
	[bflag:$0x2] =	sbarrier.arrive $0xFFFF  }
0xa9: {  	p0 =	sne.s32 s0, $0x0;
	s0 =	rddreg [dreg:$0x4]  }
0xaa: {  	s0 =	sadd.s32 @!p0 $0x100000, s0  }
0xab: {  	[sflag:s0] =	ssyncadd.tile.s32 @!p0 $0x1;
	_ =	shalt  }
.Lfunc_end2:
_tile_overlayer_lowered:
.L_overlay_start_2:
0xac: {  	(tag) =	ssettag $0x2  }
0xad: {  	s0 =	rddreg [dreg:$0x0];
	s2 =	stileid.u32  }
0xae: {  	s1 =	rddreg [dreg:$0x1];
	p0 =	sne.s32 s2, $0x0  }
0xaf: {  	s3 =	rddreg [dreg:$0x2];
	[bflag:$0x3] =	sbarrier.arrive $0xFFFF;
	s2 =	simm.s32 @!p0 $0x1C08  }
0xb0: {  	[timem:s3], [sflag:s2] =	dma.local @!p0 [hbm:s0], s1  }
0xb1: {  	s0 =	simm.s32 @!p0 $0x8  }
0xb2: {  	_ =	swait.ge @!p0 [sflag:s0], s1  }
0xb3: {  	s1 =	ssub.s32 @!p0 $0x0, s1;
	[sflag:s0] =	ssyncset.done @!p0 $0x0  }
0xb4: {  	[sflag:s0] =	ssyncadd.s32 @!p0 s1  }
0xb5: {  	[bflag:$0x3] =	sbarrier.arrive $0xFFFF  }
0xb6: {  	_ =	shalt  }

// kernel: kernel.24.cloned.1.call-start
scs
__scs_entry_jumppad:
0x0: {  	(pc) =	sbr.rel $0x88, $3  }
0x1: {  	(tag) =	ssettag $0x0;
	lr =	simm.s32 $0x1  }
0x2: {  	[smem:$0x3F56] =	sst lr;
	_ =	strace $0xD0000000  }
0x3: {  	_ = 	snop  }
0x4: {  	_ = 	snop  }
0x5: {  	_ = 	snop  }
0x6: {  	_ = 	snop  }
0x7: {  	_ = 	snop  }
__scs_overlays_trampoline_lowered:
0x8: {  	[smem:$0x3F65] =	sst s0  }
0x9: {  	[smem:$0x3F66] =	sst s1  }
0xa: {  	[smem:$0x3F67] =	sst s2  }
0xb: {  	[smem:$0x3F68] =	sst s3  }
0xc: {  	[smem:$0x3F69] =	sst s4  }
0xd: {  	[smem:$0x3F6A] =	sst s5  }
0xe: {  	[smem:$0x3F6B] =	sst s6  }
0xf: {  	[smem:$0x3F6C] =	sst s7  }
0x10: {  	[smem:$0x3F6D] =	sst s8  }
0x11: {  	[smem:$0x3F6E] =	sst s9;
	s0 =	simm.s32 @!p0 $0x0  }
0x12: {  	s1 =	sld [smem:$0x3F54];
	s0 =	simm.s32 @p0 $0x1  }
0x13: {  	[smem:$0x3F6F] =	sst s0;
	s0 =	simm.s32 @!p1 $0x0  }
0x14: {  	s2 =	sld [smem:$0x3F53];
	s0 =	simm.s32 @p1 $0x1  }
0x15: {  	[smem:$0x3F70] =	sst s0;
	s0 =	simm.s32 @!p2 $0x0  }
0x16: {  	s3 =	sld [smem:$0x3FDB];
	s0 =	simm.s32 @p2 $0x1  }
0x17: {  	s4 =	simm.s32 $0x1BF5;
	[smem:$0x3F72] =	sst s0  }
0x18: {  	s0 =	sld [smem:$0x3F55];
	_ =	swait.ge [sflag:s4], $0x0  }
0x19: {  	s7 =	sld [smem:$0x3F56]  }
0x1a: {  	s8 =	sadd.s32 $0xFFFFE003, lr  }
0x1b: {  	s9 =	sadd.s32 $0xFFFFFEF7, lr;
	s5 =	simm.s32 $0xFFFFFFFF;
	p2 =	slt.u32 s8, $0xFFFFF086  }
0x1c: {  	p1 =	slt.u32 s9, $0xF7A;
	s5 =	simm.s32 @!p2 $0x0  }
0x1d: {  	s5 =	simm.s32 @p1 $0x1;
	p0 =	seq.s32 s7, s2  }
0x1e: {  	s7 =	smul.u32 @!p0 $0xF7A, s2;
	p2 =	seq.s32 @!p0 s5, $0x0  }
0x1f: {  	s9 =	smul.u32 $0xF7A, s1;
	s8 =	simm.s32 @!p0 $0x1BF5;
	p2 =	por !p2, p0  }
0x20: {  	[sflag:s8] =	ssyncset.s32 @!p0 $0xFFFFF086;
	s6 =	sadd.s32 @!p0 s3, s7;
	s7 =	simm.s32 @!p0 $0x108  }
0x21: {  	s3 =	sadd.s32 s3, s9;
	s6 =	sadd.s32 @!p0 $0x88, s6;
	s7 =	simm.s32 @p2 $0x1082  }
0x22: {  	[simem:s7], [sflag:s8] =	dma.local @!p0 [hbm:s6], $0xF7A  }
0x23: {  	s9 =	sor.u32 $0xD0000000, s2;
	s6 =	simm.s32 $0x108;
	_ =	swait.ge @!p0 [sflag:s8], $0x0  }
0x24: {  	s3 =	sadd.s32 $0x88, s3;
	s6 =	simm.s32 @!p1 $0x1082;
	[sflag:s4] =	ssyncset.s32 $0xFFFFF086  }
0x25: {  	[simem:s6], [sflag:s4] =	dma.local [hbm:s3], $0xF7A  }
0x26: {  	[smem:$0x3F56] =	sst s1;
	(tag) =	ssettag s2;
	_ =	strace s9  }
0x27: {  	s1 =	sld [smem:$0x3F66]  }
0x28: {  	s2 =	sld [smem:$0x3F67]  }
0x29: {  	s4 =	sld [smem:$0x3F69]  }
0x2a: {  	p0 =	seq.s32 s5, $0x0;
	s5 =	sld [smem:$0x3F6A]  }
0x2b: {  	s6 =	sld [smem:$0x3F6B]  }
0x2c: {  	s7 =	sld [smem:$0x3F6C]  }
0x2d: {  	s3 =	simm.s32 $0x108;
	s8 =	sld [smem:$0x3F6D]  }
0x2e: {  	s3 =	simm.s32 @!p0 $0x1082;
	s9 =	sld [smem:$0x3F6E]  }
0x2f: {  	lr =	sadd.s32 s0, s3;
	s0 =	sld [smem:$0x3F65]  }
0x30: {  	s3 =	sld [smem:$0x3F68]  }
0x31: {  	[smem:$0x3F71] =	sst s10  }
0x32: {  	s10 =	sld [smem:$0x3F6F];
	_ =	sdelay $0x3  }
0x33: {  	p0 =	seq.s32 s10, $0x1;
	s10 =	sld [smem:$0x3F71];
	_ =	sdelay $0x3  }
0x34: {  	[smem:$0x3F71] =	sst s10  }
0x35: {  	s10 =	sld [smem:$0x3F70];
	_ =	sdelay $0x3  }
0x36: {  	p1 =	seq.s32 s10, $0x1;
	s10 =	sld [smem:$0x3F71];
	_ =	sdelay $0x3  }
0x37: {  	[smem:$0x3F71] =	sst s10  }
0x38: {  	s10 =	sld [smem:$0x3F72]  }
0x39: {  	_ = 	snop;
	(pc) =	sbr.ind lr, $3  }
0x3a: {  	_ = 	snop  }
0x3b: {  	_ = 	snop  }
0x3c: {  	p2 =	seq.s32 s10, $0x1;
	s10 =	sld [smem:$0x3F71]  }
0x3d: {  	_ =	shalt  }
0x3e: {  	_ =	shalt  }
0x3f: {  	_ =	shalt  }
0x40: {  	_ =	shalt  }
0x41: {  	_ =	shalt  }
0x42: {  	_ =	shalt  }
0x43: {  	_ =	shalt  }
0x44: {  	_ =	shalt  }
0x45: {  	_ =	shalt  }
0x46: {  	_ =	shalt  }
0x47: {  	_ =	shalt  }
0x48: {  	_ =	shalt  }
0x49: {  	_ =	shalt  }
0x4a: {  	_ =	shalt  }
0x4b: {  	_ =	shalt  }
0x4c: {  	_ =	shalt  }
0x4d: {  	_ =	shalt  }
0x4e: {  	_ =	shalt  }
0x4f: {  	_ =	shalt  }
0x50: {  	_ =	shalt  }
0x51: {  	_ =	shalt  }
0x52: {  	_ =	shalt  }
0x53: {  	_ =	shalt  }
0x54: {  	_ =	shalt  }
0x55: {  	_ =	shalt  }
0x56: {  	_ =	shalt  }
0x57: {  	_ =	shalt  }
0x58: {  	_ =	shalt  }
0x59: {  	_ =	shalt  }
0x5a: {  	_ =	shalt  }
0x5b: {  	_ =	shalt  }
0x5c: {  	_ =	shalt  }
0x5d: {  	_ =	shalt  }
0x5e: {  	_ =	shalt  }
0x5f: {  	_ =	shalt  }
0x60: {  	_ =	shalt  }
0x61: {  	_ =	shalt  }
0x62: {  	_ =	shalt  }
0x63: {  	_ =	shalt  }
0x64: {  	_ =	shalt  }
0x65: {  	_ =	shalt  }
0x66: {  	_ =	shalt  }
0x67: {  	_ =	shalt  }
0x68: {  	_ =	shalt  }
0x69: {  	_ =	shalt  }
0x6a: {  	_ =	shalt  }
0x6b: {  	_ =	shalt  }
0x6c: {  	_ =	shalt  }
0x6d: {  	_ =	shalt  }
0x6e: {  	_ =	shalt  }
0x6f: {  	_ =	shalt  }
0x70: {  	_ =	shalt  }
0x71: {  	_ =	shalt  }
0x72: {  	_ =	shalt  }
0x73: {  	_ =	shalt  }
0x74: {  	_ =	shalt  }
0x75: {  	_ =	shalt  }
0x76: {  	_ =	shalt  }
0x77: {  	_ =	shalt  }
0x78: {  	_ =	shalt  }
0x79: {  	_ =	shalt  }
0x7a: {  	_ =	shalt  }
0x7b: {  	_ =	shalt  }
0x7c: {  	_ =	shalt  }
0x7d: {  	_ =	shalt  }
0x7e: {  	_ =	shalt  }
0x7f: {  	_ =	shalt  }
0x80: {  	_ =	shalt  }
0x81: {  	_ =	shalt  }
0x82: {  	_ =	shalt  }
0x83: {  	_ =	shalt  }
0x84: {  	_ =	shalt  }
0x85: {  	_ =	shalt  }
0x86: {  	_ =	shalt  }
0x87: {  	_ =	shalt  }
.Lfunc_end0:
.L_simem_size_0:
called_computation.3_lowered:
.L_overlay_start_0:
0x88: {  	s2 =	sld [smem:$0x3FD9]  }
0x89: {  	s3 =	sld [smem:$0x3FFE];
	_ =	sdelay $0x1  }
0x8a: {  	s1 =	srdreg.scid  }
0x8b: {  	s0 =	sand.u32 $0x1, s1  }
0x8c: {  	s14 =	sshll.u32 s0, $0xA;
	s2 =	sadd.s32 s3, s2  }
0x8d: {  	s2 =	sadd.s32 s2, s14  }
0x8e: {  	[smem:$0x3F7D] =	sst s2  }
0x8f: {  	_ = 	snop  }
0x90: {  	s2 =	sld [smem:$0x3FD0];
	_ =	sdelay $0x2  }
0x91: {  	s15 =	simm.s32 $0xB;
	s4 =	simm.s32 $0x10  }
0x92: {  	[smem:s4], [sflag:s15] =	dma.local [hbm:s2], $0x1  }
0x93: {  	_ =	swait.eq [sflag:s15], $0x1  }
0x94: {  	[sflag:s15] =	ssyncset.done $0x0  }
0x95: {  	s16 =	sld [smem:$0x10];
	[sflag:s15] =	ssyncadd.s32 $0xFFFFFFFF  }
0x96: {  	s17 =	sld [smem:$0x11];
	(tm) =	ssettm $0x1  }
0x97: {  	s18 =	sld [smem:$0x3FFB];
	_ =	sdelay $0x3  }
0x98: {  	_ =	strace s18  }
0x99: {  	s4 =	sld [smem:$0x3FFC];
	_ =	sdelay $0x3  }
0x9a: {  	_ =	strace s4  }
0x9b: {  	s4 =	sld [smem:$0x3FFD];
	_ =	sdelay $0x3  }
0x9c: {  	_ =	strace s4  }
0x9d: {  	_ =	strace $0x8FFFFFFF  }
0x9e: {  	s19 =	sld [smem:$0x3FDB];
	_ =	sdelay $0x1  }
0x9f: {  	s5 =	simm.s32 $_scs_section_size  }
0xa0: {  	s6 =	simm.s32 $_size__tile_overlayer_lowered;
	s7 =	simm.s32 $_tile_overlayer_lowered  }
0xa1: {  	s22 =	simm.s32 $0x1BFF;
	s21 =	sshll.u32 s7, $0x1;
	s4 =	sadd.s32 s5, s19  }
0xa2: {  	s8 =	simm.s32 $0x0;
	s20 =	sshll.u32 s6, $0x1;
	s6 =	sadd.s32 s21, s4  }
0xa3: {  	[timem:s8], [sflag:s22] =	dma.local [hbm:s6], s20  }
0xa4: {  	_ =	swait.ge [sflag:s22], s20  }
0xa5: {  	s5 =	ssub.s32 $0x0, s20;
	[sflag:s22] =	ssyncset.done $0x0  }
0xa6: {  	[sflag:s22] =	ssyncadd.s32 s5;
	_ =	sdelay $0x1  }
0xa7: {  	s23 =	simm.s32 $0x1B8B  }
0xa8: {  	_ =	swait.ge [sflag:s23], $0x1  }
0xa9: {  	[sflag:s23] =	ssyncset.done $0x0  }
0xaa: {  	s25 =	simm.s32 $0x1B8E;
	s24 =	sld [smem:$0x3FFE];
	[sflag:s23] =	ssyncadd.s32 $0xFFFFFFFF  }
0xab: {  	s26 =	simm.s32 $execute0_lowered;
	[smem:$0x3FD2] =	sst s25  }
0xac: {  	s6 =	sshll.u32 s26, $0x1;
	_ =	strace $0x8000004F;
	[dreg:$0x1] =	wrdreg $0xFFFFFFFF  }
0xad: {  	s28 =	simm.s32 $_size_execute0_lowered;
	s4 =	sadd.s32 s4, s6;
	[dreg:$0x0] =	wrdreg $0x0  }
0xae: {  	s6 =	sshll.u32 s28, $0x1;
	[dreg:$0x2] =	wrdreg s4  }
0xaf: {  	[dreg:$0x3] =	wrdreg s6  }
0xb0: {  	[dreg:$0x4] =	wrdreg $0xC0  }
0xb1: {  	_ =	task [dreg:s8], $0x5FFFF  }
0xb2: {  	[dreg:$0x1] =	wrdreg $0xFFFFFFFF  }
0xb3: {  	[dreg:$0x0] =	wrdreg $0x60  }
0xb4: {  	[dreg:$0x2] =	wrdreg s16  }
0xb5: {  	[dreg:$0x3] =	wrdreg s17  }
0xb6: {  	[dreg:$0x4] =	wrdreg s24  }
0xb7: {  	[dreg:$0x5] =	wrdreg $0x0  }
0xb8: {  	[dreg:$0x6] =	wrdreg $0x9  }
0xb9: {  	_ =	task.clear_ibuf [dreg:s8], $0x7FFFF;
	_ =	strace $0x9000004F  }
0xba: {  	s29 =	simm.s32 $0x9;
	_ =	strace $0x80000051  }
0xbb: {  	_ =	swait.ge [sflag:s29], $0x1  }
0xbc: {  	[sflag:s29] =	ssyncadd.s32 $0xFFFFFFFF  }
0xbd: {  	_ =	strace $0x90000051  }
0xbe: {  	_ =	sfence  }
0xbf: {  	s30 =	sld [smem:$0x0];
	_ =	sdelay $0x2  }
0xc0: {  	s31 =	sshll.u32 s1, $0xD;
	s1 =	sshrl.u32 s1, $0x2  }
0xc1: {  	s3 =	sand.u32 $0x4000, s31;
	s1 =	sadd.s32 s1, s30  }
0xc2: {  	s0 =	sor.u32 s3, s0;
	s1 =	sshll.u32 s1, $0x11  }
0xc3: {  	s0 =	sor.u32 s1, s0  }
0xc4: {  	s0 =	sadd.s32 $0x8F2B, s0  }
0xc5: {  	[sflag:s0] =	ssyncadd.remote.s32 $0x1  }
0xc6: {  	_ =	sfence.sel $0xFFFF  }
0xc7: {  	[dreg:$0x0] =	wrdreg $0xFFFFFFFF;
	(pc) =	sbr.abs _section_cstart, $3  }
0xc8: {  	[dreg:$0x1] =	wrdreg $0xFFFFFFFF  }
0xc9: {  	_ =	task.clear_ibuf [dreg:s8], $0x2FFFF;
	_ =	strace $0x9FFFFFFF  }
0xca: {  	(tm) =	ssettm $0x7FFFFFFF  }
0xcb: {  	_ =	shalt  }
tec
execute0_lowered:
.L_overlay_start_1:
0x0: {  	(tag) =	ssettag $0x1  }
0x1: {  	s1 =	rddreg [dreg:$0x0]  }
0x2: {  	s2 =	rddreg [dreg:$0x1]  }
0x3: {  	s0 =	rddreg [dreg:$0x2]  }
0x4: {  	s3 =	rddreg [dreg:$0x3];
	s4 =	srdreg.scid  }
0x5: {  	s5 =	simm.s32 $0x0;
	s14 =	stileid.u32;
	s15 =	simm.s32 $0x8  }
0x6: {  	s16 =	simm.s32 $0x13C00;
	s17 =	simm.s32 $0x80;
	s28 =	simm.s32 $0x3  }
0x7: {  	s29 =	simm.s32 $0x13E80;
	s30 =	simm.s32 $0x4;
	s31 =	simm.s32 $0x5  }
0x8: {  	s4 =	sand.u32 $0x1, s4;
	[smem:$0x7FF] =	sst s5;
	s7 =	smul.u32 $0x13C00, s14  }
0x9: {  	s12 =	sadd.s32 $0xE400, s0;
	s13 =	sadd.s32 $0x18C00, s0;
	s10 =	smul.u32 $0x4F000, s14  }
0xa: {  	s19 =	sadd.s32 $0x23400, s0;
	s21 =	sshll.u32 s14, $0x6;
	s22 =	smul.u32 $0xA80, s14  }
0xb: {  	s6 =	smul.u32 $0x13C000, s4;
	_ =	strace $0x80000050;
	s18 =	ssub.s32 $0x2, s4  }
0xc: {  	[dreg:$0x5] =	wrdreg s19;
	p0 =	seq.s32 s4, $0x1;
	s19 =	simm.s32 $0x13D00  }
0xd: {  	s4 =	simm.s32 $0x7;
	s9 =	sshrl.u32 s18, $0x1;
	s20 =	sshrl.u32 s10, $0x2  }
0xe: {  	s24 =	sor.u32 $0x60, s22;
	s6 =	sadd.s32 s7, s6;
	s11 =	ssub.s32 s18, s9  }
0xf: {  	s23 =	sadd.s32 s20, s3;
	s7 =	sor.u32 $0x1C08, s21;
	s9 =	sadd.s32 s13, s22  }
0x10: {  	s25 =	sadd.s32 s12, s24;
	s26 =	sadd.s32 s13, s24;
	s18 =	simm.s32 $0x13F00  }
0x11: {  	s20 =	simm.s32 $0x17F00;
	s21 =	simm.s32 $0x13E00;
	s24 =	simm.s32 $0x13C80  }
.Ltmp0:
0x12: {  	s8 =	sshrl.u32 s6, $0x3;
	[dreg:$0x6] =	wrdreg s25;
	(pc) =	sbr.rel .LBB2_1-.Ltmp0, $4  }
0x13: {  	s11 =	smax.u32 s11, $0x1;
	[dreg:$0x7] =	wrdreg s26;
	s14 =	sshrl.u32 s23, $0x3  }
0x14: {  	s23 =	simm.s32 $0x1;
	s25 =	simm.s32 $0x2;
	s26 =	simm.s32 $0x13D80  }
0x15: {  	s0 =	sadd.s32 s8, s0;
	s8 =	sadd.s32 s12, s22;
	s22 =	simm.s32 $0x1BF00  }
0x16: {  	s12 =	simm.s32 $0x0;
	s10 =	sadd.s32 $0x74C00, s0;
	s0 =	simm.s32 $0x6  }
.LBB2_8:
0x17: {  	s12 =	sadd.s32 $0x1, s12  }
0x18: {  	p1 =	sne.s32 s12, s11  }
.Ltmp1:
0x19: {  	[bflag:$0x0] =	sbarrier.arrive $0xFFFF;
	(pc) =	sbr.rel @!p1 .LBB2_9-.Ltmp1, $4  }
0x1a: {  	[hbm:s10], [sflag:s7] =	dma.local [spmem:s14], $0x2780  }
0x1b: {  	_ =	swait.ge [sflag:s15], $0x2780  }
0x1c: {  	[sflag:s15] =	ssyncset.done $0x0  }
0x1d: {  	[sflag:s15] =	ssyncadd.s32 $0xFFFFD880  }
.LBB2_1:
.Ltmp2:
0x1e: {  	s6 =	rddreg [dreg:$0x5];
	(pc) =	sbr.rel @!p0 .LBB2_2-.Ltmp2, $4  }
0x1f: {  	[spmem:s14], [sflag:s7] =	dma.local [hbm:s6], $0x2780  }
0x20: {  	_ =	swait.ge [sflag:s15], $0x2780  }
0x21: {  	[sflag:s15] =	ssyncset.done $0x0  }
0x22: {  	[sflag:s15] =	ssyncadd.s32 $0xFFFFD880  }
0x23: {  	[tilespmem:s16], [sflag:$0x8] =	stream.linear.gather [hbm4b:s9+s5], $0x300, $0x38;
	[tilespmem:$0x1FF00] =	vst v63  }
0x24: {  	_ =	swait.ge [sflag:s15], $0x300  }
0x25: {  	[sflag:s15] =	ssyncset.done $0x0  }
0x26: {  	[sflag:s15] =	ssyncadd.s32 $0xFFFFFD00  }
0x27: {  	[bflag:$0x0] =	sbarrier.arrive $0xFFFF  }
0x28: {  	[tilespmem:s18], [sflag:$0x1] =	stream.indirect.gather [hbm4b:s2+s17], $0x80, s16, s17, $0xb8;
	[tilespmem:$0x1FF00] =	vst v63  }
0x29: {  	_ = 	snop  }
0x2a: {  	[tilespmem:s20], [sflag:$0x2] =	stream.indirect.gather [hbm4b:s2+s17], $0x80, s19, s17, $0xb8;
	[tilespmem:$0x1FF00] =	vst v63  }
0x2b: {  	_ = 	snop  }
0x2c: {  	[tilespmem:s22], [sflag:$0x3] =	stream.indirect.gather [hbm4b:s2+s17], $0x80, s21, s17, $0xb8;
	[tilespmem:$0x1FF00] =	vst v63  }
0x2d: {  	_ =	swait.ge [sflag:s23], $0x4000  }
0x2e: {  	[sflag:s23] =	ssyncset.done $0x0  }
0x2f: {  	[sflag:s23] =	ssyncadd.s32 $0xFFFFC000  }
0x30: {  	[spmem:s3] =	stream.indirect.scatter.add.f32 [tilespmem:s18], [sflag:$0x4], $0x80, s24, s17, $0xb8;
	[tilespmem:$0x1FF00] =	vst v63  }
0x31: {  	_ =	swait.ge [sflag:s25], $0x4000  }
0x32: {  	[sflag:s25] =	ssyncset.done $0x0  }
0x33: {  	[sflag:s25] =	ssyncadd.s32 $0xFFFFC000  }
0x34: {  	[spmem:s3] =	stream.indirect.scatter.add.f32 [tilespmem:s20], [sflag:$0x5], $0x80, s26, s17, $0xb8;
	[tilespmem:$0x1FF00] =	vst v63  }
0x35: {  	_ =	swait.ge [sflag:s28], $0x4000  }
0x36: {  	[sflag:s28] =	ssyncset.done $0x0  }
0x37: {  	[sflag:s28] =	ssyncadd.s32 $0xFFFFC000  }
0x38: {  	[spmem:s3] =	stream.indirect.scatter.add.f32 [tilespmem:s22], [sflag:$0x6], $0x80, s29, s17, $0xb8;
	[tilespmem:$0x1FF00] =	vst v63  }
0x39: {  	_ =	swait.ge [sflag:s30], $0x4000  }
0x3a: {  	[sflag:s30] =	ssyncset.done $0x0  }
0x3b: {  	[sflag:s30] =	ssyncadd.s32 $0xFFFFC000  }
0x3c: {  	_ =	swait.ge [sflag:s31], $0x4000  }
0x3d: {  	[sflag:s31] =	ssyncset.done $0x0  }
0x3e: {  	[sflag:s31] =	ssyncadd.s32 $0xFFFFC000  }
0x3f: {  	_ =	swait.ge [sflag:s0], $0x4000  }
0x40: {  	[sflag:s0] =	ssyncset.done $0x0  }
0x41: {  	s13 =	simm.s32 $0xC0;
	s6 =	rddreg [dreg:$0x7];
	[sflag:s0] =	ssyncadd.s32 $0xFFFFC000  }
0x42: {  	[tilespmem:s16], [sflag:$0x7] =	stream.linear.gather [hbm4b:s6+s5], $0x300, $0x38;
	[tilespmem:$0x1FF00] =	vst v63  }
.LBB2_6:
0x43: {  	_ =	swait.ge [sflag:s4], $0x300  }
0x44: {  	[sflag:s4] =	ssyncset.done $0x0  }
0x45: {  	[sflag:s4] =	ssyncadd.s32 $0xFFFFFD00  }
0x46: {  	[tilespmem:s18], [sflag:$0x1] =	stream.indirect.gather [hbm4b:s2+s17], $0x80, s16, s17, $0xb8;
	[tilespmem:$0x1FF00] =	vst v63  }
0x47: {  	_ = 	snop  }
0x48: {  	[tilespmem:s20], [sflag:$0x2] =	stream.indirect.gather [hbm4b:s2+s17], $0x80, s19, s17, $0xb8;
	[tilespmem:$0x1FF00] =	vst v63  }
0x49: {  	_ = 	snop  }
0x4a: {  	[tilespmem:s22], [sflag:$0x3] =	stream.indirect.gather [hbm4b:s2+s17], $0x80, s21, s17, $0xb8;
	[tilespmem:$0x1FF00] =	vst v63  }
0x4b: {  	_ =	swait.ge [sflag:s23], $0x4000  }
0x4c: {  	[sflag:s23] =	ssyncset.done $0x0  }
0x4d: {  	[sflag:s23] =	ssyncadd.s32 $0xFFFFC000  }
0x4e: {  	[spmem:s3] =	stream.indirect.scatter.add.f32 [tilespmem:s18], [sflag:$0x4], $0x80, s24, s17, $0xb8;
	[tilespmem:$0x1FF00] =	vst v63  }
0x4f: {  	_ =	swait.ge [sflag:s25], $0x4000  }
0x50: {  	[sflag:s25] =	ssyncset.done $0x0  }
0x51: {  	[sflag:s25] =	ssyncadd.s32 $0xFFFFC000  }
0x52: {  	[spmem:s3] =	stream.indirect.scatter.add.f32 [tilespmem:s20], [sflag:$0x5], $0x80, s26, s17, $0xb8;
	[tilespmem:$0x1FF00] =	vst v63  }
0x53: {  	_ =	swait.ge [sflag:s28], $0x4000  }
0x54: {  	[sflag:s28] =	ssyncset.done $0x0  }
0x55: {  	[sflag:s28] =	ssyncadd.s32 $0xFFFFC000  }
0x56: {  	[spmem:s3] =	stream.indirect.scatter.add.f32 [tilespmem:s22], [sflag:$0x6], $0x80, s29, s17, $0xb8;
	[tilespmem:$0x1FF00] =	vst v63  }
0x57: {  	_ =	swait.ge [sflag:s30], $0x4000  }
0x58: {  	[sflag:s30] =	ssyncset.done $0x0  }
0x59: {  	[sflag:s30] =	ssyncadd.s32 $0xFFFFC000  }
0x5a: {  	p1 =	seq.s32 s13, $0xA80;
	_ =	swait.ge [sflag:s31], $0x4000  }
.Ltmp3:
0x5b: {  	[sflag:s31] =	ssyncset.done $0x0;
	(pc) =	sbr.rel @p1 .LBB2_8-.Ltmp3, $4  }
0x5c: {  	[sflag:s31] =	ssyncadd.s32 $0xFFFFC000  }
0x5d: {  	_ =	swait.ge [sflag:s0], $0x4000  }
0x5e: {  	[sflag:s0] =	ssyncset.done $0x0  }
0x5f: {  	[sflag:s0] =	ssyncadd.s32 $0xFFFFC000  }
.Ltmp4:
0x60: {  	(pc) =	sbr.rel .LBB2_6-.Ltmp4, $3  }
0x61: {  	_ =	sdelay $0x1  }
0x62: {  	s6 =	sadd.s32 s13, s9;
	s13 =	sadd.s32 $0x60, s13  }
0x63: {  	[tilespmem:s16], [sflag:$0x7] =	stream.linear.gather [hbm4b:s6+s5], $0x300, $0x38;
	[tilespmem:$0x1FF00] =	vst v63  }
.LBB2_2:
0x64: {  	[tilespmem:s16], [sflag:$0x8] =	stream.linear.gather [hbm4b:s8+s5], $0x300, $0x38;
	[tilespmem:$0x1FF00] =	vst v63  }
0x65: {  	_ =	swait.ge [sflag:s15], $0x300  }
0x66: {  	[sflag:s15] =	ssyncset.done $0x0  }
0x67: {  	[sflag:s15] =	ssyncadd.s32 $0xFFFFFD00  }
0x68: {  	[bflag:$0x0] =	sbarrier.arrive $0xFFFF  }
0x69: {  	[tilespmem:s18], [sflag:$0x1] =	stream.indirect.gather [hbm4b:s1+s17], $0x80, s16, s17, $0xb8;
	[tilespmem:$0x1FF00] =	vst v63  }
0x6a: {  	_ = 	snop  }
0x6b: {  	[tilespmem:s20], [sflag:$0x2] =	stream.indirect.gather [hbm4b:s1+s17], $0x80, s19, s17, $0xb8;
	[tilespmem:$0x1FF00] =	vst v63  }
0x6c: {  	_ = 	snop  }
0x6d: {  	[tilespmem:s22], [sflag:$0x3] =	stream.indirect.gather [hbm4b:s1+s17], $0x80, s21, s17, $0xb8;
	[tilespmem:$0x1FF00] =	vst v63  }
0x6e: {  	_ =	swait.ge [sflag:s23], $0x4000  }
0x6f: {  	[sflag:s23] =	ssyncset.done $0x0  }
0x70: {  	[sflag:s23] =	ssyncadd.s32 $0xFFFFC000  }
0x71: {  	[spmem:s3] =	stream.indirect.scatter.add.f32 [tilespmem:s18], [sflag:$0x4], $0x80, s24, s17, $0xb8;
	[tilespmem:$0x1FF00] =	vst v63  }
0x72: {  	_ =	swait.ge [sflag:s25], $0x4000  }
0x73: {  	[sflag:s25] =	ssyncset.done $0x0  }
0x74: {  	[sflag:s25] =	ssyncadd.s32 $0xFFFFC000  }
0x75: {  	[spmem:s3] =	stream.indirect.scatter.add.f32 [tilespmem:s20], [sflag:$0x5], $0x80, s26, s17, $0xb8;
	[tilespmem:$0x1FF00] =	vst v63  }
0x76: {  	_ =	swait.ge [sflag:s28], $0x4000  }
0x77: {  	[sflag:s28] =	ssyncset.done $0x0  }
0x78: {  	[sflag:s28] =	ssyncadd.s32 $0xFFFFC000  }
0x79: {  	[spmem:s3] =	stream.indirect.scatter.add.f32 [tilespmem:s22], [sflag:$0x6], $0x80, s29, s17, $0xb8;
	[tilespmem:$0x1FF00] =	vst v63  }
0x7a: {  	_ =	swait.ge [sflag:s30], $0x4000  }
0x7b: {  	[sflag:s30] =	ssyncset.done $0x0  }
0x7c: {  	[sflag:s30] =	ssyncadd.s32 $0xFFFFC000  }
0x7d: {  	_ =	swait.ge [sflag:s31], $0x4000  }
0x7e: {  	[sflag:s31] =	ssyncset.done $0x0  }
0x7f: {  	[sflag:s31] =	ssyncadd.s32 $0xFFFFC000  }
0x80: {  	_ =	swait.ge [sflag:s0], $0x4000  }
0x81: {  	[sflag:s0] =	ssyncset.done $0x0  }
0x82: {  	s13 =	simm.s32 $0xC0;
	s6 =	rddreg [dreg:$0x6];
	[sflag:s0] =	ssyncadd.s32 $0xFFFFC000  }
0x83: {  	[tilespmem:s16], [sflag:$0x7] =	stream.linear.gather [hbm4b:s6+s5], $0x300, $0x38;
	[tilespmem:$0x1FF00] =	vst v63  }
.LBB2_3:
0x84: {  	_ =	swait.ge [sflag:s4], $0x300  }
0x85: {  	[sflag:s4] =	ssyncset.done $0x0  }
0x86: {  	[sflag:s4] =	ssyncadd.s32 $0xFFFFFD00  }
0x87: {  	[tilespmem:s18], [sflag:$0x1] =	stream.indirect.gather [hbm4b:s1+s17], $0x80, s16, s17, $0xb8;
	[tilespmem:$0x1FF00] =	vst v63  }
0x88: {  	_ = 	snop  }
0x89: {  	[tilespmem:s20], [sflag:$0x2] =	stream.indirect.gather [hbm4b:s1+s17], $0x80, s19, s17, $0xb8;
	[tilespmem:$0x1FF00] =	vst v63  }
0x8a: {  	_ = 	snop  }
0x8b: {  	[tilespmem:s22], [sflag:$0x3] =	stream.indirect.gather [hbm4b:s1+s17], $0x80, s21, s17, $0xb8;
	[tilespmem:$0x1FF00] =	vst v63  }
0x8c: {  	_ =	swait.ge [sflag:s23], $0x4000  }
0x8d: {  	[sflag:s23] =	ssyncset.done $0x0  }
0x8e: {  	[sflag:s23] =	ssyncadd.s32 $0xFFFFC000  }
0x8f: {  	[spmem:s3] =	stream.indirect.scatter.add.f32 [tilespmem:s18], [sflag:$0x4], $0x80, s24, s17, $0xb8;
	[tilespmem:$0x1FF00] =	vst v63  }
0x90: {  	_ =	swait.ge [sflag:s25], $0x4000  }
0x91: {  	[sflag:s25] =	ssyncset.done $0x0  }
0x92: {  	[sflag:s25] =	ssyncadd.s32 $0xFFFFC000  }
0x93: {  	[spmem:s3] =	stream.indirect.scatter.add.f32 [tilespmem:s20], [sflag:$0x5], $0x80, s26, s17, $0xb8;
	[tilespmem:$0x1FF00] =	vst v63  }
0x94: {  	_ =	swait.ge [sflag:s28], $0x4000  }
0x95: {  	[sflag:s28] =	ssyncset.done $0x0  }
0x96: {  	[sflag:s28] =	ssyncadd.s32 $0xFFFFC000  }
0x97: {  	[spmem:s3] =	stream.indirect.scatter.add.f32 [tilespmem:s22], [sflag:$0x6], $0x80, s29, s17, $0xb8;
	[tilespmem:$0x1FF00] =	vst v63  }
0x98: {  	_ =	swait.ge [sflag:s30], $0x4000  }
0x99: {  	[sflag:s30] =	ssyncset.done $0x0  }
0x9a: {  	[sflag:s30] =	ssyncadd.s32 $0xFFFFC000  }
0x9b: {  	p1 =	seq.s32 s13, $0xA80;
	_ =	swait.ge [sflag:s31], $0x4000  }
.Ltmp5:
0x9c: {  	[sflag:s31] =	ssyncset.done $0x0;
	(pc) =	sbr.rel @p1 .LBB2_8-.Ltmp5, $4  }
0x9d: {  	[sflag:s31] =	ssyncadd.s32 $0xFFFFC000  }
0x9e: {  	_ =	swait.ge [sflag:s0], $0x4000  }
0x9f: {  	[sflag:s0] =	ssyncset.done $0x0  }
0xa0: {  	[sflag:s0] =	ssyncadd.s32 $0xFFFFC000  }
.Ltmp6:
0xa1: {  	(pc) =	sbr.rel .LBB2_3-.Ltmp6, $3  }
0xa2: {  	_ =	sdelay $0x1  }
0xa3: {  	s6 =	sadd.s32 s13, s8;
	s13 =	sadd.s32 $0x60, s13  }
0xa4: {  	[tilespmem:s16], [sflag:$0x7] =	stream.linear.gather [hbm4b:s6+s5], $0x300, $0x38;
	[tilespmem:$0x1FF00] =	vst v63  }
.LBB2_9:
0xa5: {  	_ =	sfence.sel $0x180000  }
0xa6: {  	[bflag:$0x0] =	sbarrier.arrive $0xFFFF  }
0xa7: {  	_ =	strace $0x90000050  }
0xa8: {  	s0 =	stileid.u32;
	[bflag:$0x2] =	sbarrier.arrive $0xFFFF  }
0xa9: {  	p0 =	sne.s32 s0, $0x0;
	s0 =	rddreg [dreg:$0x4]  }
0xaa: {  	s0 =	sadd.s32 @!p0 $0x100000, s0  }
0xab: {  	[sflag:s0] =	ssyncadd.tile.s32 @!p0 $0x1;
	_ =	shalt  }
.Lfunc_end2:
_tile_overlayer_lowered:
.L_overlay_start_2:
0xac: {  	(tag) =	ssettag $0x2  }
0xad: {  	s0 =	rddreg [dreg:$0x0];
	s2 =	stileid.u32  }
0xae: {  	s1 =	rddreg [dreg:$0x1];
	p0 =	sne.s32 s2, $0x0  }
0xaf: {  	s3 =	rddreg [dreg:$0x2];
	[bflag:$0x3] =	sbarrier.arrive $0xFFFF;
	s2 =	simm.s32 @!p0 $0x1C08  }
0xb0: {  	[timem:s3], [sflag:s2] =	dma.local @!p0 [hbm:s0], s1  }
0xb1: {  	s0 =	simm.s32 @!p0 $0x8  }
0xb2: {  	_ =	swait.ge @!p0 [sflag:s0], s1  }
0xb3: {  	s1 =	ssub.s32 @!p0 $0x0, s1;
	[sflag:s0] =	ssyncset.done @!p0 $0x0  }
0xb4: {  	[sflag:s0] =	ssyncadd.s32 @!p0 s1  }
0xb5: {  	[bflag:$0x3] =	sbarrier.arrive $0xFFFF  }
0xb6: {  	_ =	shalt  }

// kernel: kernel.27.cloned.1.call-start
scs
__scs_entry_jumppad:
0x0: {  	(pc) =	sbr.rel $0x88, $3  }
0x1: {  	(tag) =	ssettag $0x0;
	lr =	simm.s32 $0x1  }
0x2: {  	[smem:$0x3F56] =	sst lr;
	_ =	strace $0xD0000000  }
0x3: {  	_ = 	snop  }
0x4: {  	_ = 	snop  }
0x5: {  	_ = 	snop  }
0x6: {  	_ = 	snop  }
0x7: {  	_ = 	snop  }
__scs_overlays_trampoline_lowered:
0x8: {  	[smem:$0x3F65] =	sst s0  }
0x9: {  	[smem:$0x3F66] =	sst s1  }
0xa: {  	[smem:$0x3F67] =	sst s2  }
0xb: {  	[smem:$0x3F68] =	sst s3  }
0xc: {  	[smem:$0x3F69] =	sst s4  }
0xd: {  	[smem:$0x3F6A] =	sst s5  }
0xe: {  	[smem:$0x3F6B] =	sst s6  }
0xf: {  	[smem:$0x3F6C] =	sst s7  }
0x10: {  	[smem:$0x3F6D] =	sst s8  }
0x11: {  	[smem:$0x3F6E] =	sst s9;
	s0 =	simm.s32 @!p0 $0x0  }
0x12: {  	s1 =	sld [smem:$0x3F54];
	s0 =	simm.s32 @p0 $0x1  }
0x13: {  	[smem:$0x3F6F] =	sst s0;
	s0 =	simm.s32 @!p1 $0x0  }
0x14: {  	s2 =	sld [smem:$0x3F53];
	s0 =	simm.s32 @p1 $0x1  }
0x15: {  	[smem:$0x3F70] =	sst s0;
	s0 =	simm.s32 @!p2 $0x0  }
0x16: {  	s3 =	sld [smem:$0x3FDB];
	s0 =	simm.s32 @p2 $0x1  }
0x17: {  	s4 =	simm.s32 $0x1BF5;
	[smem:$0x3F72] =	sst s0  }
0x18: {  	s0 =	sld [smem:$0x3F55];
	_ =	swait.ge [sflag:s4], $0x0  }
0x19: {  	s7 =	sld [smem:$0x3F56]  }
0x1a: {  	s8 =	sadd.s32 $0xFFFFE003, lr  }
0x1b: {  	s9 =	sadd.s32 $0xFFFFFEF7, lr;
	s5 =	simm.s32 $0xFFFFFFFF;
	p2 =	slt.u32 s8, $0xFFFFF086  }
0x1c: {  	p1 =	slt.u32 s9, $0xF7A;
	s5 =	simm.s32 @!p2 $0x0  }
0x1d: {  	s5 =	simm.s32 @p1 $0x1;
	p0 =	seq.s32 s7, s2  }
0x1e: {  	s7 =	smul.u32 @!p0 $0xF7A, s2;
	p2 =	seq.s32 @!p0 s5, $0x0  }
0x1f: {  	s9 =	smul.u32 $0xF7A, s1;
	s8 =	simm.s32 @!p0 $0x1BF5;
	p2 =	por !p2, p0  }
0x20: {  	[sflag:s8] =	ssyncset.s32 @!p0 $0xFFFFF086;
	s6 =	sadd.s32 @!p0 s3, s7;
	s7 =	simm.s32 @!p0 $0x108  }
0x21: {  	s3 =	sadd.s32 s3, s9;
	s6 =	sadd.s32 @!p0 $0x88, s6;
	s7 =	simm.s32 @p2 $0x1082  }
0x22: {  	[simem:s7], [sflag:s8] =	dma.local @!p0 [hbm:s6], $0xF7A  }
0x23: {  	s9 =	sor.u32 $0xD0000000, s2;
	s6 =	simm.s32 $0x108;
	_ =	swait.ge @!p0 [sflag:s8], $0x0  }
0x24: {  	s3 =	sadd.s32 $0x88, s3;
	s6 =	simm.s32 @!p1 $0x1082;
	[sflag:s4] =	ssyncset.s32 $0xFFFFF086  }
0x25: {  	[simem:s6], [sflag:s4] =	dma.local [hbm:s3], $0xF7A  }
0x26: {  	[smem:$0x3F56] =	sst s1;
	(tag) =	ssettag s2;
	_ =	strace s9  }
0x27: {  	s1 =	sld [smem:$0x3F66]  }
0x28: {  	s2 =	sld [smem:$0x3F67]  }
0x29: {  	s4 =	sld [smem:$0x3F69]  }
0x2a: {  	p0 =	seq.s32 s5, $0x0;
	s5 =	sld [smem:$0x3F6A]  }
0x2b: {  	s6 =	sld [smem:$0x3F6B]  }
0x2c: {  	s7 =	sld [smem:$0x3F6C]  }
0x2d: {  	s3 =	simm.s32 $0x108;
	s8 =	sld [smem:$0x3F6D]  }
0x2e: {  	s3 =	simm.s32 @!p0 $0x1082;
	s9 =	sld [smem:$0x3F6E]  }
0x2f: {  	lr =	sadd.s32 s0, s3;
	s0 =	sld [smem:$0x3F65]  }
0x30: {  	s3 =	sld [smem:$0x3F68]  }
0x31: {  	[smem:$0x3F71] =	sst s10  }
0x32: {  	s10 =	sld [smem:$0x3F6F];
	_ =	sdelay $0x3  }
0x33: {  	p0 =	seq.s32 s10, $0x1;
	s10 =	sld [smem:$0x3F71];
	_ =	sdelay $0x3  }
0x34: {  	[smem:$0x3F71] =	sst s10  }
0x35: {  	s10 =	sld [smem:$0x3F70];
	_ =	sdelay $0x3  }
0x36: {  	p1 =	seq.s32 s10, $0x1;
	s10 =	sld [smem:$0x3F71];
	_ =	sdelay $0x3  }
0x37: {  	[smem:$0x3F71] =	sst s10  }
0x38: {  	s10 =	sld [smem:$0x3F72]  }
0x39: {  	_ = 	snop;
	(pc) =	sbr.ind lr, $3  }
0x3a: {  	_ = 	snop  }
0x3b: {  	_ = 	snop  }
0x3c: {  	p2 =	seq.s32 s10, $0x1;
	s10 =	sld [smem:$0x3F71]  }
0x3d: {  	_ =	shalt  }
0x3e: {  	_ =	shalt  }
0x3f: {  	_ =	shalt  }
0x40: {  	_ =	shalt  }
0x41: {  	_ =	shalt  }
0x42: {  	_ =	shalt  }
0x43: {  	_ =	shalt  }
0x44: {  	_ =	shalt  }
0x45: {  	_ =	shalt  }
0x46: {  	_ =	shalt  }
0x47: {  	_ =	shalt  }
0x48: {  	_ =	shalt  }
0x49: {  	_ =	shalt  }
0x4a: {  	_ =	shalt  }
0x4b: {  	_ =	shalt  }
0x4c: {  	_ =	shalt  }
0x4d: {  	_ =	shalt  }
0x4e: {  	_ =	shalt  }
0x4f: {  	_ =	shalt  }
0x50: {  	_ =	shalt  }
0x51: {  	_ =	shalt  }
0x52: {  	_ =	shalt  }
0x53: {  	_ =	shalt  }
0x54: {  	_ =	shalt  }
0x55: {  	_ =	shalt  }
0x56: {  	_ =	shalt  }
0x57: {  	_ =	shalt  }
0x58: {  	_ =	shalt  }
0x59: {  	_ =	shalt  }
0x5a: {  	_ =	shalt  }
0x5b: {  	_ =	shalt  }
0x5c: {  	_ =	shalt  }
0x5d: {  	_ =	shalt  }
0x5e: {  	_ =	shalt  }
0x5f: {  	_ =	shalt  }
0x60: {  	_ =	shalt  }
0x61: {  	_ =	shalt  }
0x62: {  	_ =	shalt  }
0x63: {  	_ =	shalt  }
0x64: {  	_ =	shalt  }
0x65: {  	_ =	shalt  }
0x66: {  	_ =	shalt  }
0x67: {  	_ =	shalt  }
0x68: {  	_ =	shalt  }
0x69: {  	_ =	shalt  }
0x6a: {  	_ =	shalt  }
0x6b: {  	_ =	shalt  }
0x6c: {  	_ =	shalt  }
0x6d: {  	_ =	shalt  }
0x6e: {  	_ =	shalt  }
0x6f: {  	_ =	shalt  }
0x70: {  	_ =	shalt  }
0x71: {  	_ =	shalt  }
0x72: {  	_ =	shalt  }
0x73: {  	_ =	shalt  }
0x74: {  	_ =	shalt  }
0x75: {  	_ =	shalt  }
0x76: {  	_ =	shalt  }
0x77: {  	_ =	shalt  }
0x78: {  	_ =	shalt  }
0x79: {  	_ =	shalt  }
0x7a: {  	_ =	shalt  }
0x7b: {  	_ =	shalt  }
0x7c: {  	_ =	shalt  }
0x7d: {  	_ =	shalt  }
0x7e: {  	_ =	shalt  }
0x7f: {  	_ =	shalt  }
0x80: {  	_ =	shalt  }
0x81: {  	_ =	shalt  }
0x82: {  	_ =	shalt  }
0x83: {  	_ =	shalt  }
0x84: {  	_ =	shalt  }
0x85: {  	_ =	shalt  }
0x86: {  	_ =	shalt  }
0x87: {  	_ =	shalt  }
.Lfunc_end0:
.L_simem_size_0:
called_computation.4_lowered:
.L_overlay_start_0:
0x88: {  	s2 =	sld [smem:$0x3FD9]  }
0x89: {  	s3 =	sld [smem:$0x3FFE];
	_ =	sdelay $0x1  }
0x8a: {  	s1 =	srdreg.scid  }
0x8b: {  	s0 =	sand.u32 $0x1, s1  }
0x8c: {  	s14 =	sshll.u32 s0, $0xA;
	s2 =	sadd.s32 s3, s2  }
0x8d: {  	s2 =	sadd.s32 s2, s14  }
0x8e: {  	[smem:$0x3F7D] =	sst s2  }
0x8f: {  	_ = 	snop  }
0x90: {  	s2 =	sld [smem:$0x3FD0];
	_ =	sdelay $0x2  }
0x91: {  	s15 =	simm.s32 $0xB;
	s4 =	simm.s32 $0x10  }
0x92: {  	[smem:s4], [sflag:s15] =	dma.local [hbm:s2], $0x1  }
0x93: {  	_ =	swait.eq [sflag:s15], $0x1  }
0x94: {  	[sflag:s15] =	ssyncset.done $0x0  }
0x95: {  	s16 =	sld [smem:$0x12];
	[sflag:s15] =	ssyncadd.s32 $0xFFFFFFFF  }
0x96: {  	s17 =	sld [smem:$0x13];
	(tm) =	ssettm $0x1  }
0x97: {  	s18 =	sld [smem:$0x3FFB];
	_ =	sdelay $0x3  }
0x98: {  	_ =	strace s18  }
0x99: {  	s4 =	sld [smem:$0x3FFC];
	_ =	sdelay $0x3  }
0x9a: {  	_ =	strace s4  }
0x9b: {  	s4 =	sld [smem:$0x3FFD];
	_ =	sdelay $0x3  }
0x9c: {  	_ =	strace s4  }
0x9d: {  	_ =	strace $0x8FFFFFFF  }
0x9e: {  	s19 =	sld [smem:$0x3FDB];
	_ =	sdelay $0x1  }
0x9f: {  	s5 =	simm.s32 $_scs_section_size  }
0xa0: {  	s6 =	simm.s32 $_size__tile_overlayer_lowered;
	s7 =	simm.s32 $_tile_overlayer_lowered  }
0xa1: {  	s22 =	simm.s32 $0x1BFF;
	s21 =	sshll.u32 s7, $0x1;
	s4 =	sadd.s32 s5, s19  }
0xa2: {  	s8 =	simm.s32 $0x0;
	s20 =	sshll.u32 s6, $0x1;
	s6 =	sadd.s32 s21, s4  }
0xa3: {  	[timem:s8], [sflag:s22] =	dma.local [hbm:s6], s20  }
0xa4: {  	_ =	swait.ge [sflag:s22], s20  }
0xa5: {  	s5 =	ssub.s32 $0x0, s20;
	[sflag:s22] =	ssyncset.done $0x0  }
0xa6: {  	[sflag:s22] =	ssyncadd.s32 s5;
	_ =	sdelay $0x1  }
0xa7: {  	s23 =	simm.s32 $0x1B8B  }
0xa8: {  	_ =	swait.ge [sflag:s23], $0x1  }
0xa9: {  	[sflag:s23] =	ssyncset.done $0x0  }
0xaa: {  	s25 =	simm.s32 $0x1B8E;
	s24 =	sld [smem:$0x3FFE];
	[sflag:s23] =	ssyncadd.s32 $0xFFFFFFFF  }
0xab: {  	s26 =	simm.s32 $execute0_lowered;
	[smem:$0x3FD2] =	sst s25  }
0xac: {  	s6 =	sshll.u32 s26, $0x1;
	_ =	strace $0x80000052;
	[dreg:$0x1] =	wrdreg $0xFFFFFFFF  }
0xad: {  	s28 =	simm.s32 $_size_execute0_lowered;
	s4 =	sadd.s32 s4, s6;
	[dreg:$0x0] =	wrdreg $0x0  }
0xae: {  	s6 =	sshll.u32 s28, $0x1;
	[dreg:$0x2] =	wrdreg s4  }
0xaf: {  	[dreg:$0x3] =	wrdreg s6  }
0xb0: {  	[dreg:$0x4] =	wrdreg $0xC0  }
0xb1: {  	_ =	task [dreg:s8], $0x5FFFF  }
0xb2: {  	[dreg:$0x1] =	wrdreg $0xFFFFFFFF  }
0xb3: {  	[dreg:$0x0] =	wrdreg $0x60  }
0xb4: {  	[dreg:$0x2] =	wrdreg s17  }
0xb5: {  	[dreg:$0x3] =	wrdreg s16  }
0xb6: {  	[dreg:$0x4] =	wrdreg s24  }
0xb7: {  	[dreg:$0x5] =	wrdreg $0x0  }
0xb8: {  	[dreg:$0x6] =	wrdreg $0xA  }
0xb9: {  	_ =	task.clear_ibuf [dreg:s8], $0x7FFFF;
	_ =	strace $0x90000052  }
0xba: {  	s29 =	simm.s32 $0xA;
	_ =	strace $0x80000054  }
0xbb: {  	_ =	swait.ge [sflag:s29], $0x1  }
0xbc: {  	[sflag:s29] =	ssyncadd.s32 $0xFFFFFFFF  }
0xbd: {  	_ =	strace $0x90000054  }
0xbe: {  	_ =	sfence  }
0xbf: {  	s30 =	sld [smem:$0x0];
	_ =	sdelay $0x2  }
0xc0: {  	s31 =	sshll.u32 s1, $0xD;
	s1 =	sshrl.u32 s1, $0x2  }
0xc1: {  	s3 =	sand.u32 $0x4000, s31;
	s1 =	sadd.s32 s1, s30  }
0xc2: {  	s0 =	sor.u32 s3, s0;
	s1 =	sshll.u32 s1, $0x11  }
0xc3: {  	s0 =	sor.u32 s1, s0  }
0xc4: {  	s0 =	sadd.s32 $0x8F2B, s0  }
0xc5: {  	[sflag:s0] =	ssyncadd.remote.s32 $0x1  }
0xc6: {  	_ =	sfence.sel $0xFFFF  }
0xc7: {  	[dreg:$0x0] =	wrdreg $0xFFFFFFFF;
	(pc) =	sbr.abs _section_cstart, $3  }
0xc8: {  	[dreg:$0x1] =	wrdreg $0xFFFFFFFF  }
0xc9: {  	_ =	task.clear_ibuf [dreg:s8], $0x2FFFF;
	_ =	strace $0x9FFFFFFF  }
0xca: {  	(tm) =	ssettm $0x7FFFFFFF  }
0xcb: {  	_ =	shalt  }
tec
execute0_lowered:
.L_overlay_start_1:
0x0: {  	(tag) =	ssettag $0x1  }
0x1: {  	s1 =	rddreg [dreg:$0x0]  }
0x2: {  	s2 =	rddreg [dreg:$0x1]  }
0x3: {  	s0 =	rddreg [dreg:$0x2]  }
0x4: {  	s3 =	rddreg [dreg:$0x3];
	s4 =	srdreg.scid  }
0x5: {  	s5 =	simm.s32 $0x0;
	s14 =	stileid.u32;
	s15 =	simm.s32 $0x8  }
0x6: {  	s16 =	simm.s32 $0x13C00;
	s17 =	simm.s32 $0x80;
	s28 =	simm.s32 $0x3  }
0x7: {  	s29 =	simm.s32 $0x13E80;
	s30 =	simm.s32 $0x4;
	s31 =	simm.s32 $0x5  }
0x8: {  	s4 =	sand.u32 $0x1, s4;
	[smem:$0x7FF] =	sst s5;
	s7 =	smul.u32 $0x13C00, s14  }
0x9: {  	s12 =	sadd.s32 $0xE400, s0;
	s13 =	sadd.s32 $0x18C00, s0;
	s10 =	smul.u32 $0x4F000, s14  }
0xa: {  	s19 =	sadd.s32 $0x23400, s0;
	s21 =	sshll.u32 s14, $0x6;
	s22 =	smul.u32 $0xA80, s14  }
0xb: {  	s6 =	smul.u32 $0x13C000, s4;
	_ =	strace $0x80000053;
	s18 =	ssub.s32 $0x2, s4  }
0xc: {  	[dreg:$0x5] =	wrdreg s19;
	p0 =	seq.s32 s4, $0x1;
	s19 =	simm.s32 $0x13D00  }
0xd: {  	s4 =	simm.s32 $0x7;
	s9 =	sshrl.u32 s18, $0x1;
	s20 =	sshrl.u32 s10, $0x2  }
0xe: {  	s24 =	sor.u32 $0x60, s22;
	s6 =	sadd.s32 s7, s6;
	s11 =	ssub.s32 s18, s9  }
0xf: {  	s23 =	sadd.s32 s20, s3;
	s7 =	sor.u32 $0x1C08, s21;
	s9 =	sadd.s32 s13, s22  }
0x10: {  	s25 =	sadd.s32 s12, s24;
	s26 =	sadd.s32 s13, s24;
	s18 =	simm.s32 $0x13F00  }
0x11: {  	s20 =	simm.s32 $0x17F00;
	s21 =	simm.s32 $0x13E00;
	s24 =	simm.s32 $0x13C80  }
.Ltmp0:
0x12: {  	s8 =	sshrl.u32 s6, $0x3;
	[dreg:$0x6] =	wrdreg s25;
	(pc) =	sbr.rel .LBB2_1-.Ltmp0, $4  }
0x13: {  	s11 =	smax.u32 s11, $0x1;
	[dreg:$0x7] =	wrdreg s26;
	s14 =	sshrl.u32 s23, $0x3  }
0x14: {  	s23 =	simm.s32 $0x1;
	s25 =	simm.s32 $0x2;
	s26 =	simm.s32 $0x13D80  }
0x15: {  	s0 =	sadd.s32 s8, s0;
	s8 =	sadd.s32 s12, s22;
	s22 =	simm.s32 $0x1BF00  }
0x16: {  	s12 =	simm.s32 $0x0;
	s10 =	sadd.s32 $0x74C00, s0;
	s0 =	simm.s32 $0x6  }
.LBB2_8:
0x17: {  	s12 =	sadd.s32 $0x1, s12  }
0x18: {  	p1 =	sne.s32 s12, s11  }
.Ltmp1:
0x19: {  	[bflag:$0x0] =	sbarrier.arrive $0xFFFF;
	(pc) =	sbr.rel @!p1 .LBB2_9-.Ltmp1, $4  }
0x1a: {  	[hbm:s10], [sflag:s7] =	dma.local [spmem:s14], $0x2780  }
0x1b: {  	_ =	swait.ge [sflag:s15], $0x2780  }
0x1c: {  	[sflag:s15] =	ssyncset.done $0x0  }
0x1d: {  	[sflag:s15] =	ssyncadd.s32 $0xFFFFD880  }
.LBB2_1:
.Ltmp2:
0x1e: {  	s6 =	rddreg [dreg:$0x5];
	(pc) =	sbr.rel @!p0 .LBB2_2-.Ltmp2, $4  }
0x1f: {  	[spmem:s14], [sflag:s7] =	dma.local [hbm:s6], $0x2780  }
0x20: {  	_ =	swait.ge [sflag:s15], $0x2780  }
0x21: {  	[sflag:s15] =	ssyncset.done $0x0  }
0x22: {  	[sflag:s15] =	ssyncadd.s32 $0xFFFFD880  }
0x23: {  	[tilespmem:s16], [sflag:$0x8] =	stream.linear.gather [hbm4b:s9+s5], $0x300, $0x38;
	[tilespmem:$0x1FF00] =	vst v63  }
0x24: {  	_ =	swait.ge [sflag:s15], $0x300  }
0x25: {  	[sflag:s15] =	ssyncset.done $0x0  }
0x26: {  	[sflag:s15] =	ssyncadd.s32 $0xFFFFFD00  }
0x27: {  	[bflag:$0x0] =	sbarrier.arrive $0xFFFF  }
0x28: {  	[tilespmem:s18], [sflag:$0x1] =	stream.indirect.gather [hbm4b:s2+s17], $0x80, s16, s17, $0xb8;
	[tilespmem:$0x1FF00] =	vst v63  }
0x29: {  	_ = 	snop  }
0x2a: {  	[tilespmem:s20], [sflag:$0x2] =	stream.indirect.gather [hbm4b:s2+s17], $0x80, s19, s17, $0xb8;
	[tilespmem:$0x1FF00] =	vst v63  }
0x2b: {  	_ = 	snop  }
0x2c: {  	[tilespmem:s22], [sflag:$0x3] =	stream.indirect.gather [hbm4b:s2+s17], $0x80, s21, s17, $0xb8;
	[tilespmem:$0x1FF00] =	vst v63  }
0x2d: {  	_ =	swait.ge [sflag:s23], $0x4000  }
0x2e: {  	[sflag:s23] =	ssyncset.done $0x0  }
0x2f: {  	[sflag:s23] =	ssyncadd.s32 $0xFFFFC000  }
0x30: {  	[spmem:s3] =	stream.indirect.scatter.add.f32 [tilespmem:s18], [sflag:$0x4], $0x80, s24, s17, $0xb8;
	[tilespmem:$0x1FF00] =	vst v63  }
0x31: {  	_ =	swait.ge [sflag:s25], $0x4000  }
0x32: {  	[sflag:s25] =	ssyncset.done $0x0  }
0x33: {  	[sflag:s25] =	ssyncadd.s32 $0xFFFFC000  }
0x34: {  	[spmem:s3] =	stream.indirect.scatter.add.f32 [tilespmem:s20], [sflag:$0x5], $0x80, s26, s17, $0xb8;
	[tilespmem:$0x1FF00] =	vst v63  }
0x35: {  	_ =	swait.ge [sflag:s28], $0x4000  }
0x36: {  	[sflag:s28] =	ssyncset.done $0x0  }
0x37: {  	[sflag:s28] =	ssyncadd.s32 $0xFFFFC000  }
0x38: {  	[spmem:s3] =	stream.indirect.scatter.add.f32 [tilespmem:s22], [sflag:$0x6], $0x80, s29, s17, $0xb8;
	[tilespmem:$0x1FF00] =	vst v63  }
0x39: {  	_ =	swait.ge [sflag:s30], $0x4000  }
0x3a: {  	[sflag:s30] =	ssyncset.done $0x0  }
0x3b: {  	[sflag:s30] =	ssyncadd.s32 $0xFFFFC000  }
0x3c: {  	_ =	swait.ge [sflag:s31], $0x4000  }
0x3d: {  	[sflag:s31] =	ssyncset.done $0x0  }
0x3e: {  	[sflag:s31] =	ssyncadd.s32 $0xFFFFC000  }
0x3f: {  	_ =	swait.ge [sflag:s0], $0x4000  }
0x40: {  	[sflag:s0] =	ssyncset.done $0x0  }
0x41: {  	s13 =	simm.s32 $0xC0;
	s6 =	rddreg [dreg:$0x7];
	[sflag:s0] =	ssyncadd.s32 $0xFFFFC000  }
0x42: {  	[tilespmem:s16], [sflag:$0x7] =	stream.linear.gather [hbm4b:s6+s5], $0x300, $0x38;
	[tilespmem:$0x1FF00] =	vst v63  }
.LBB2_6:
0x43: {  	_ =	swait.ge [sflag:s4], $0x300  }
0x44: {  	[sflag:s4] =	ssyncset.done $0x0  }
0x45: {  	[sflag:s4] =	ssyncadd.s32 $0xFFFFFD00  }
0x46: {  	[tilespmem:s18], [sflag:$0x1] =	stream.indirect.gather [hbm4b:s2+s17], $0x80, s16, s17, $0xb8;
	[tilespmem:$0x1FF00] =	vst v63  }
0x47: {  	_ = 	snop  }
0x48: {  	[tilespmem:s20], [sflag:$0x2] =	stream.indirect.gather [hbm4b:s2+s17], $0x80, s19, s17, $0xb8;
	[tilespmem:$0x1FF00] =	vst v63  }
0x49: {  	_ = 	snop  }
0x4a: {  	[tilespmem:s22], [sflag:$0x3] =	stream.indirect.gather [hbm4b:s2+s17], $0x80, s21, s17, $0xb8;
	[tilespmem:$0x1FF00] =	vst v63  }
0x4b: {  	_ =	swait.ge [sflag:s23], $0x4000  }
0x4c: {  	[sflag:s23] =	ssyncset.done $0x0  }
0x4d: {  	[sflag:s23] =	ssyncadd.s32 $0xFFFFC000  }
0x4e: {  	[spmem:s3] =	stream.indirect.scatter.add.f32 [tilespmem:s18], [sflag:$0x4], $0x80, s24, s17, $0xb8;
	[tilespmem:$0x1FF00] =	vst v63  }
0x4f: {  	_ =	swait.ge [sflag:s25], $0x4000  }
0x50: {  	[sflag:s25] =	ssyncset.done $0x0  }
0x51: {  	[sflag:s25] =	ssyncadd.s32 $0xFFFFC000  }
0x52: {  	[spmem:s3] =	stream.indirect.scatter.add.f32 [tilespmem:s20], [sflag:$0x5], $0x80, s26, s17, $0xb8;
	[tilespmem:$0x1FF00] =	vst v63  }
0x53: {  	_ =	swait.ge [sflag:s28], $0x4000  }
0x54: {  	[sflag:s28] =	ssyncset.done $0x0  }
0x55: {  	[sflag:s28] =	ssyncadd.s32 $0xFFFFC000  }
0x56: {  	[spmem:s3] =	stream.indirect.scatter.add.f32 [tilespmem:s22], [sflag:$0x6], $0x80, s29, s17, $0xb8;
	[tilespmem:$0x1FF00] =	vst v63  }
0x57: {  	_ =	swait.ge [sflag:s30], $0x4000  }
0x58: {  	[sflag:s30] =	ssyncset.done $0x0  }
0x59: {  	[sflag:s30] =	ssyncadd.s32 $0xFFFFC000  }
0x5a: {  	p1 =	seq.s32 s13, $0xA80;
	_ =	swait.ge [sflag:s31], $0x4000  }
.Ltmp3:
0x5b: {  	[sflag:s31] =	ssyncset.done $0x0;
	(pc) =	sbr.rel @p1 .LBB2_8-.Ltmp3, $4  }
0x5c: {  	[sflag:s31] =	ssyncadd.s32 $0xFFFFC000  }
0x5d: {  	_ =	swait.ge [sflag:s0], $0x4000  }
0x5e: {  	[sflag:s0] =	ssyncset.done $0x0  }
0x5f: {  	[sflag:s0] =	ssyncadd.s32 $0xFFFFC000  }
.Ltmp4:
0x60: {  	(pc) =	sbr.rel .LBB2_6-.Ltmp4, $3  }
0x61: {  	_ =	sdelay $0x1  }
0x62: {  	s6 =	sadd.s32 s13, s9;
	s13 =	sadd.s32 $0x60, s13  }
0x63: {  	[tilespmem:s16], [sflag:$0x7] =	stream.linear.gather [hbm4b:s6+s5], $0x300, $0x38;
	[tilespmem:$0x1FF00] =	vst v63  }
.LBB2_2:
0x64: {  	[tilespmem:s16], [sflag:$0x8] =	stream.linear.gather [hbm4b:s8+s5], $0x300, $0x38;
	[tilespmem:$0x1FF00] =	vst v63  }
0x65: {  	_ =	swait.ge [sflag:s15], $0x300  }
0x66: {  	[sflag:s15] =	ssyncset.done $0x0  }
0x67: {  	[sflag:s15] =	ssyncadd.s32 $0xFFFFFD00  }
0x68: {  	[bflag:$0x0] =	sbarrier.arrive $0xFFFF  }
0x69: {  	[tilespmem:s18], [sflag:$0x1] =	stream.indirect.gather [hbm4b:s1+s17], $0x80, s16, s17, $0xb8;
	[tilespmem:$0x1FF00] =	vst v63  }
0x6a: {  	_ = 	snop  }
0x6b: {  	[tilespmem:s20], [sflag:$0x2] =	stream.indirect.gather [hbm4b:s1+s17], $0x80, s19, s17, $0xb8;
	[tilespmem:$0x1FF00] =	vst v63  }
0x6c: {  	_ = 	snop  }
0x6d: {  	[tilespmem:s22], [sflag:$0x3] =	stream.indirect.gather [hbm4b:s1+s17], $0x80, s21, s17, $0xb8;
	[tilespmem:$0x1FF00] =	vst v63  }
0x6e: {  	_ =	swait.ge [sflag:s23], $0x4000  }
0x6f: {  	[sflag:s23] =	ssyncset.done $0x0  }
0x70: {  	[sflag:s23] =	ssyncadd.s32 $0xFFFFC000  }
0x71: {  	[spmem:s3] =	stream.indirect.scatter.add.f32 [tilespmem:s18], [sflag:$0x4], $0x80, s24, s17, $0xb8;
	[tilespmem:$0x1FF00] =	vst v63  }
0x72: {  	_ =	swait.ge [sflag:s25], $0x4000  }
0x73: {  	[sflag:s25] =	ssyncset.done $0x0  }
0x74: {  	[sflag:s25] =	ssyncadd.s32 $0xFFFFC000  }
0x75: {  	[spmem:s3] =	stream.indirect.scatter.add.f32 [tilespmem:s20], [sflag:$0x5], $0x80, s26, s17, $0xb8;
	[tilespmem:$0x1FF00] =	vst v63  }
0x76: {  	_ =	swait.ge [sflag:s28], $0x4000  }
0x77: {  	[sflag:s28] =	ssyncset.done $0x0  }
0x78: {  	[sflag:s28] =	ssyncadd.s32 $0xFFFFC000  }
0x79: {  	[spmem:s3] =	stream.indirect.scatter.add.f32 [tilespmem:s22], [sflag:$0x6], $0x80, s29, s17, $0xb8;
	[tilespmem:$0x1FF00] =	vst v63  }
0x7a: {  	_ =	swait.ge [sflag:s30], $0x4000  }
0x7b: {  	[sflag:s30] =	ssyncset.done $0x0  }
0x7c: {  	[sflag:s30] =	ssyncadd.s32 $0xFFFFC000  }
0x7d: {  	_ =	swait.ge [sflag:s31], $0x4000  }
0x7e: {  	[sflag:s31] =	ssyncset.done $0x0  }
0x7f: {  	[sflag:s31] =	ssyncadd.s32 $0xFFFFC000  }
0x80: {  	_ =	swait.ge [sflag:s0], $0x4000  }
0x81: {  	[sflag:s0] =	ssyncset.done $0x0  }
0x82: {  	s13 =	simm.s32 $0xC0;
	s6 =	rddreg [dreg:$0x6];
	[sflag:s0] =	ssyncadd.s32 $0xFFFFC000  }
0x83: {  	[tilespmem:s16], [sflag:$0x7] =	stream.linear.gather [hbm4b:s6+s5], $0x300, $0x38;
	[tilespmem:$0x1FF00] =	vst v63  }
.LBB2_3:
0x84: {  	_ =	swait.ge [sflag:s4], $0x300  }
0x85: {  	[sflag:s4] =	ssyncset.done $0x0  }
0x86: {  	[sflag:s4] =	ssyncadd.s32 $0xFFFFFD00  }
0x87: {  	[tilespmem:s18], [sflag:$0x1] =	stream.indirect.gather [hbm4b:s1+s17], $0x80, s16, s17, $0xb8;
	[tilespmem:$0x1FF00] =	vst v63  }
0x88: {  	_ = 	snop  }
0x89: {  	[tilespmem:s20], [sflag:$0x2] =	stream.indirect.gather [hbm4b:s1+s17], $0x80, s19, s17, $0xb8;
	[tilespmem:$0x1FF00] =	vst v63  }
0x8a: {  	_ = 	snop  }
0x8b: {  	[tilespmem:s22], [sflag:$0x3] =	stream.indirect.gather [hbm4b:s1+s17], $0x80, s21, s17, $0xb8;
	[tilespmem:$0x1FF00] =	vst v63  }
0x8c: {  	_ =	swait.ge [sflag:s23], $0x4000  }
0x8d: {  	[sflag:s23] =	ssyncset.done $0x0  }
0x8e: {  	[sflag:s23] =	ssyncadd.s32 $0xFFFFC000  }
0x8f: {  	[spmem:s3] =	stream.indirect.scatter.add.f32 [tilespmem:s18], [sflag:$0x4], $0x80, s24, s17, $0xb8;
	[tilespmem:$0x1FF00] =	vst v63  }
0x90: {  	_ =	swait.ge [sflag:s25], $0x4000  }
0x91: {  	[sflag:s25] =	ssyncset.done $0x0  }
0x92: {  	[sflag:s25] =	ssyncadd.s32 $0xFFFFC000  }
0x93: {  	[spmem:s3] =	stream.indirect.scatter.add.f32 [tilespmem:s20], [sflag:$0x5], $0x80, s26, s17, $0xb8;
	[tilespmem:$0x1FF00] =	vst v63  }
0x94: {  	_ =	swait.ge [sflag:s28], $0x4000  }
0x95: {  	[sflag:s28] =	ssyncset.done $0x0  }
0x96: {  	[sflag:s28] =	ssyncadd.s32 $0xFFFFC000  }
0x97: {  	[spmem:s3] =	stream.indirect.scatter.add.f32 [tilespmem:s22], [sflag:$0x6], $0x80, s29, s17, $0xb8;
	[tilespmem:$0x1FF00] =	vst v63  }
0x98: {  	_ =	swait.ge [sflag:s30], $0x4000  }
0x99: {  	[sflag:s30] =	ssyncset.done $0x0  }
0x9a: {  	[sflag:s30] =	ssyncadd.s32 $0xFFFFC000  }
0x9b: {  	p1 =	seq.s32 s13, $0xA80;
	_ =	swait.ge [sflag:s31], $0x4000  }
.Ltmp5:
0x9c: {  	[sflag:s31] =	ssyncset.done $0x0;
	(pc) =	sbr.rel @p1 .LBB2_8-.Ltmp5, $4  }
0x9d: {  	[sflag:s31] =	ssyncadd.s32 $0xFFFFC000  }
0x9e: {  	_ =	swait.ge [sflag:s0], $0x4000  }
0x9f: {  	[sflag:s0] =	ssyncset.done $0x0  }
0xa0: {  	[sflag:s0] =	ssyncadd.s32 $0xFFFFC000  }
.Ltmp6:
0xa1: {  	(pc) =	sbr.rel .LBB2_3-.Ltmp6, $3  }
0xa2: {  	_ =	sdelay $0x1  }
0xa3: {  	s6 =	sadd.s32 s13, s8;
	s13 =	sadd.s32 $0x60, s13  }
0xa4: {  	[tilespmem:s16], [sflag:$0x7] =	stream.linear.gather [hbm4b:s6+s5], $0x300, $0x38;
	[tilespmem:$0x1FF00] =	vst v63  }
.LBB2_9:
0xa5: {  	_ =	sfence.sel $0x180000  }
0xa6: {  	[bflag:$0x0] =	sbarrier.arrive $0xFFFF  }
0xa7: {  	_ =	strace $0x90000053  }
0xa8: {  	s0 =	stileid.u32;
	[bflag:$0x2] =	sbarrier.arrive $0xFFFF  }
0xa9: {  	p0 =	sne.s32 s0, $0x0;
	s0 =	rddreg [dreg:$0x4]  }
0xaa: {  	s0 =	sadd.s32 @!p0 $0x100000, s0  }
0xab: {  	[sflag:s0] =	ssyncadd.tile.s32 @!p0 $0x1;
	_ =	shalt  }
.Lfunc_end2:
_tile_overlayer_lowered:
.L_overlay_start_2:
0xac: {  	(tag) =	ssettag $0x2  }
0xad: {  	s0 =	rddreg [dreg:$0x0];
	s2 =	stileid.u32  }
0xae: {  	s1 =	rddreg [dreg:$0x1];
	p0 =	sne.s32 s2, $0x0  }
0xaf: {  	s3 =	rddreg [dreg:$0x2];
	[bflag:$0x3] =	sbarrier.arrive $0xFFFF;
	s2 =	simm.s32 @!p0 $0x1C08  }
0xb0: {  	[timem:s3], [sflag:s2] =	dma.local @!p0 [hbm:s0], s1  }
0xb1: {  	s0 =	simm.s32 @!p0 $0x8  }
0xb2: {  	_ =	swait.ge @!p0 [sflag:s0], s1  }
0xb3: {  	s1 =	ssub.s32 @!p0 $0x0, s1;
	[sflag:s0] =	ssyncset.done @!p0 $0x0  }
0xb4: {  	[sflag:s0] =	ssyncadd.s32 @!p0 s1  }
0xb5: {  	[bflag:$0x3] =	sbarrier.arrive $0xFFFF  }
0xb6: {  	_ =	shalt  }

// kernel: kernel.30.cloned.1.call-start
scs
__scs_entry_jumppad:
0x0: {  	(pc) =	sbr.rel $0x88, $3  }
0x1: {  	(tag) =	ssettag $0x0;
	lr =	simm.s32 $0x1  }
0x2: {  	[smem:$0x3F56] =	sst lr;
	_ =	strace $0xD0000000  }
0x3: {  	_ = 	snop  }
0x4: {  	_ = 	snop  }
0x5: {  	_ = 	snop  }
0x6: {  	_ = 	snop  }
0x7: {  	_ = 	snop  }
__scs_overlays_trampoline_lowered:
0x8: {  	[smem:$0x3F65] =	sst s0  }
0x9: {  	[smem:$0x3F66] =	sst s1  }
0xa: {  	[smem:$0x3F67] =	sst s2  }
0xb: {  	[smem:$0x3F68] =	sst s3  }
0xc: {  	[smem:$0x3F69] =	sst s4  }
0xd: {  	[smem:$0x3F6A] =	sst s5  }
0xe: {  	[smem:$0x3F6B] =	sst s6  }
0xf: {  	[smem:$0x3F6C] =	sst s7  }
0x10: {  	[smem:$0x3F6D] =	sst s8  }
0x11: {  	[smem:$0x3F6E] =	sst s9;
	s0 =	simm.s32 @!p0 $0x0  }
0x12: {  	s1 =	sld [smem:$0x3F54];
	s0 =	simm.s32 @p0 $0x1  }
0x13: {  	[smem:$0x3F6F] =	sst s0;
	s0 =	simm.s32 @!p1 $0x0  }
0x14: {  	s2 =	sld [smem:$0x3F53];
	s0 =	simm.s32 @p1 $0x1  }
0x15: {  	[smem:$0x3F70] =	sst s0;
	s0 =	simm.s32 @!p2 $0x0  }
0x16: {  	s3 =	sld [smem:$0x3FDB];
	s0 =	simm.s32 @p2 $0x1  }
0x17: {  	s4 =	simm.s32 $0x1BF5;
	[smem:$0x3F72] =	sst s0  }
0x18: {  	s0 =	sld [smem:$0x3F55];
	_ =	swait.ge [sflag:s4], $0x0  }
0x19: {  	s7 =	sld [smem:$0x3F56]  }
0x1a: {  	s8 =	sadd.s32 $0xFFFFE003, lr  }
0x1b: {  	s9 =	sadd.s32 $0xFFFFFEF7, lr;
	s5 =	simm.s32 $0xFFFFFFFF;
	p2 =	slt.u32 s8, $0xFFFFF086  }
0x1c: {  	p1 =	slt.u32 s9, $0xF7A;
	s5 =	simm.s32 @!p2 $0x0  }
0x1d: {  	s5 =	simm.s32 @p1 $0x1;
	p0 =	seq.s32 s7, s2  }
0x1e: {  	s7 =	smul.u32 @!p0 $0xF7A, s2;
	p2 =	seq.s32 @!p0 s5, $0x0  }
0x1f: {  	s9 =	smul.u32 $0xF7A, s1;
	s8 =	simm.s32 @!p0 $0x1BF5;
	p2 =	por !p2, p0  }
0x20: {  	[sflag:s8] =	ssyncset.s32 @!p0 $0xFFFFF086;
	s6 =	sadd.s32 @!p0 s3, s7;
	s7 =	simm.s32 @!p0 $0x108  }
0x21: {  	s3 =	sadd.s32 s3, s9;
	s6 =	sadd.s32 @!p0 $0x88, s6;
	s7 =	simm.s32 @p2 $0x1082  }
0x22: {  	[simem:s7], [sflag:s8] =	dma.local @!p0 [hbm:s6], $0xF7A  }
0x23: {  	s9 =	sor.u32 $0xD0000000, s2;
	s6 =	simm.s32 $0x108;
	_ =	swait.ge @!p0 [sflag:s8], $0x0  }
0x24: {  	s3 =	sadd.s32 $0x88, s3;
	s6 =	simm.s32 @!p1 $0x1082;
	[sflag:s4] =	ssyncset.s32 $0xFFFFF086  }
0x25: {  	[simem:s6], [sflag:s4] =	dma.local [hbm:s3], $0xF7A  }
0x26: {  	[smem:$0x3F56] =	sst s1;
	(tag) =	ssettag s2;
	_ =	strace s9  }
0x27: {  	s1 =	sld [smem:$0x3F66]  }
0x28: {  	s2 =	sld [smem:$0x3F67]  }
0x29: {  	s4 =	sld [smem:$0x3F69]  }
0x2a: {  	p0 =	seq.s32 s5, $0x0;
	s5 =	sld [smem:$0x3F6A]  }
0x2b: {  	s6 =	sld [smem:$0x3F6B]  }
0x2c: {  	s7 =	sld [smem:$0x3F6C]  }
0x2d: {  	s3 =	simm.s32 $0x108;
	s8 =	sld [smem:$0x3F6D]  }
0x2e: {  	s3 =	simm.s32 @!p0 $0x1082;
	s9 =	sld [smem:$0x3F6E]  }
0x2f: {  	lr =	sadd.s32 s0, s3;
	s0 =	sld [smem:$0x3F65]  }
0x30: {  	s3 =	sld [smem:$0x3F68]  }
0x31: {  	[smem:$0x3F71] =	sst s10  }
0x32: {  	s10 =	sld [smem:$0x3F6F];
	_ =	sdelay $0x3  }
0x33: {  	p0 =	seq.s32 s10, $0x1;
	s10 =	sld [smem:$0x3F71];
	_ =	sdelay $0x3  }
0x34: {  	[smem:$0x3F71] =	sst s10  }
0x35: {  	s10 =	sld [smem:$0x3F70];
	_ =	sdelay $0x3  }
0x36: {  	p1 =	seq.s32 s10, $0x1;
	s10 =	sld [smem:$0x3F71];
	_ =	sdelay $0x3  }
0x37: {  	[smem:$0x3F71] =	sst s10  }
0x38: {  	s10 =	sld [smem:$0x3F72]  }
0x39: {  	_ = 	snop;
	(pc) =	sbr.ind lr, $3  }
0x3a: {  	_ = 	snop  }
0x3b: {  	_ = 	snop  }
0x3c: {  	p2 =	seq.s32 s10, $0x1;
	s10 =	sld [smem:$0x3F71]  }
0x3d: {  	_ =	shalt  }
0x3e: {  	_ =	shalt  }
0x3f: {  	_ =	shalt  }
0x40: {  	_ =	shalt  }
0x41: {  	_ =	shalt  }
0x42: {  	_ =	shalt  }
0x43: {  	_ =	shalt  }
0x44: {  	_ =	shalt  }
0x45: {  	_ =	shalt  }
0x46: {  	_ =	shalt  }
0x47: {  	_ =	shalt  }
0x48: {  	_ =	shalt  }
0x49: {  	_ =	shalt  }
0x4a: {  	_ =	shalt  }
0x4b: {  	_ =	shalt  }
0x4c: {  	_ =	shalt  }
0x4d: {  	_ =	shalt  }
0x4e: {  	_ =	shalt  }
0x4f: {  	_ =	shalt  }
0x50: {  	_ =	shalt  }
0x51: {  	_ =	shalt  }
0x52: {  	_ =	shalt  }
0x53: {  	_ =	shalt  }
0x54: {  	_ =	shalt  }
0x55: {  	_ =	shalt  }
0x56: {  	_ =	shalt  }
0x57: {  	_ =	shalt  }
0x58: {  	_ =	shalt  }
0x59: {  	_ =	shalt  }
0x5a: {  	_ =	shalt  }
0x5b: {  	_ =	shalt  }
0x5c: {  	_ =	shalt  }
0x5d: {  	_ =	shalt  }
0x5e: {  	_ =	shalt  }
0x5f: {  	_ =	shalt  }
0x60: {  	_ =	shalt  }
0x61: {  	_ =	shalt  }
0x62: {  	_ =	shalt  }
0x63: {  	_ =	shalt  }
0x64: {  	_ =	shalt  }
0x65: {  	_ =	shalt  }
0x66: {  	_ =	shalt  }
0x67: {  	_ =	shalt  }
0x68: {  	_ =	shalt  }
0x69: {  	_ =	shalt  }
0x6a: {  	_ =	shalt  }
0x6b: {  	_ =	shalt  }
0x6c: {  	_ =	shalt  }
0x6d: {  	_ =	shalt  }
0x6e: {  	_ =	shalt  }
0x6f: {  	_ =	shalt  }
0x70: {  	_ =	shalt  }
0x71: {  	_ =	shalt  }
0x72: {  	_ =	shalt  }
0x73: {  	_ =	shalt  }
0x74: {  	_ =	shalt  }
0x75: {  	_ =	shalt  }
0x76: {  	_ =	shalt  }
0x77: {  	_ =	shalt  }
0x78: {  	_ =	shalt  }
0x79: {  	_ =	shalt  }
0x7a: {  	_ =	shalt  }
0x7b: {  	_ =	shalt  }
0x7c: {  	_ =	shalt  }
0x7d: {  	_ =	shalt  }
0x7e: {  	_ =	shalt  }
0x7f: {  	_ =	shalt  }
0x80: {  	_ =	shalt  }
0x81: {  	_ =	shalt  }
0x82: {  	_ =	shalt  }
0x83: {  	_ =	shalt  }
0x84: {  	_ =	shalt  }
0x85: {  	_ =	shalt  }
0x86: {  	_ =	shalt  }
0x87: {  	_ =	shalt  }
.Lfunc_end0:
.L_simem_size_0:
called_computation.5_lowered:
.L_overlay_start_0:
0x88: {  	s2 =	sld [smem:$0x3FD9]  }
0x89: {  	s3 =	sld [smem:$0x3FFE];
	_ =	sdelay $0x1  }
0x8a: {  	s1 =	srdreg.scid  }
0x8b: {  	s0 =	sand.u32 $0x1, s1  }
0x8c: {  	s15 =	sshll.u32 s0, $0xA;
	s2 =	sadd.s32 s3, s2  }
0x8d: {  	s2 =	sadd.s32 s2, s15  }
0x8e: {  	[smem:$0x3F7D] =	sst s2  }
0x8f: {  	_ = 	snop  }
0x90: {  	s2 =	sld [smem:$0x3FD0];
	_ =	sdelay $0x2  }
0x91: {  	s4 =	simm.s32 $0xB;
	s16 =	simm.s32 $0x10  }
0x92: {  	[smem:s16], [sflag:s4] =	dma.local [hbm:s2], $0x1  }
0x93: {  	_ =	swait.eq [sflag:s4], $0x1  }
0x94: {  	[sflag:s4] =	ssyncset.done $0x0  }
0x95: {  	s17 =	sld [smem:$0x12];
	[sflag:s4] =	ssyncadd.s32 $0xFFFFFFFF  }
0x96: {  	s18 =	sld [smem:$0x13];
	(tm) =	ssettm $0x1  }
0x97: {  	s19 =	sld [smem:$0x3FFB];
	_ =	sdelay $0x3  }
0x98: {  	_ =	strace s19  }
0x99: {  	s2 =	sld [smem:$0x3FFC];
	_ =	sdelay $0x3  }
0x9a: {  	_ =	strace s2  }
0x9b: {  	s2 =	sld [smem:$0x3FFD];
	_ =	sdelay $0x3  }
0x9c: {  	_ =	strace s2  }
0x9d: {  	_ =	strace $0x8FFFFFFF  }
0x9e: {  	s20 =	sld [smem:$0x3FDB];
	_ =	sdelay $0x1  }
0x9f: {  	s5 =	simm.s32 $_scs_section_size  }
0xa0: {  	s6 =	simm.s32 $_size__tile_overlayer_lowered;
	s7 =	simm.s32 $_tile_overlayer_lowered  }
0xa1: {  	s8 =	simm.s32 $0x1BFF;
	s21 =	sshll.u32 s7, $0x1;
	s5 =	sadd.s32 s5, s20  }
0xa2: {  	s22 =	simm.s32 $0x0;
	s6 =	sshll.u32 s6, $0x1;
	s7 =	sadd.s32 s21, s5  }
0xa3: {  	[timem:s22], [sflag:s8] =	dma.local [hbm:s7], s6  }
0xa4: {  	_ =	swait.ge [sflag:s8], s6  }
0xa5: {  	s6 =	ssub.s32 $0x0, s6;
	[sflag:s8] =	ssyncset.done $0x0  }
0xa6: {  	[sflag:s8] =	ssyncadd.s32 s6;
	_ =	sdelay $0x1  }
0xa7: {  	s23 =	simm.s32 $0x1B8B  }
0xa8: {  	_ =	swait.ge [sflag:s23], $0x1  }
0xa9: {  	[sflag:s23] =	ssyncset.done $0x0  }
0xaa: {  	[sflag:s23] =	ssyncadd.s32 $0xFFFFFFFF  }
0xab: {  	s6 =	sld [smem:$0x0]  }
0xac: {  	s7 =	sand.u32 $0xFFFFFFFE, s1  }
0xad: {  	p0 =	sne.s32 s1, s7  }
0xae: {  	s7 =	sshll.u32 @p0 s7, $0xE  }
0xaf: {  	s7 =	sadd.s32 @p0 $0x11B8D, s7;
	s8 =	sshll.u32 @p0 s6, $0x11  }
0xb0: {  	s7 =	sor.u32 @p0 s8, s7  }
0xb1: {  	[sflag:s7] =	ssyncadd.remote.s32 @p0 $0x1;
	_ =	sdelay $0x1  }
0xb2: {  	s7 =	simm.s32 @p0 $0x1B8D  }
0xb3: {  	_ =	swait.eq @p0 [sflag:s7], $0x1  }
0xb4: {  	[sflag:s7] =	ssyncadd.s32 @p0 $0xFFFFFFFF  }
0xb5: {  	s8 =	sshll.u32 @!p0 s1, $0xE  }
0xb6: {  	s8 =	sor.u32 @!p0 $0x4000, s8;
	s7 =	simm.s32 @!p0 $0x1B8D  }
0xb7: {  	s6 =	sshll.u32 @!p0 s6, $0x11;
	s8 =	sadd.s32 @!p0 $0x11B8D, s8;
	_ =	swait.eq @!p0 [sflag:s7], $0x1  }
0xb8: {  	s6 =	sor.u32 @!p0 s6, s8;
	[sflag:s7] =	ssyncadd.s32 @!p0 $0xFFFFFFFF  }
0xb9: {  	s25 =	simm.s32 $0x1B8E;
	s24 =	sld [smem:$0x3FFE];
	[sflag:s6] =	ssyncadd.remote.s32 @!p0 $0x1  }
0xba: {  	s26 =	simm.s32 $execute0_lowered;
	[smem:$0x3FD2] =	sst s25  }
0xbb: {  	s7 =	sshll.u32 s26, $0x1;
	_ =	strace $0x80000058;
	[dreg:$0x1] =	wrdreg $0xFFFFFFFF  }
0xbc: {  	s28 =	simm.s32 $_size_execute0_lowered;
	s5 =	sadd.s32 s5, s7;
	[dreg:$0x0] =	wrdreg $0x0  }
0xbd: {  	s7 =	sshll.u32 s28, $0x1;
	[dreg:$0x2] =	wrdreg s5  }
0xbe: {  	[dreg:$0x3] =	wrdreg s7  }
0xbf: {  	[dreg:$0x4] =	wrdreg $0xC0  }
0xc0: {  	_ =	task [dreg:s22], $0x5FFFF  }
0xc1: {  	[dreg:$0x1] =	wrdreg $0xFFFFFFFF  }
0xc2: {  	[dreg:$0x0] =	wrdreg $0x60  }
0xc3: {  	[dreg:$0x2] =	wrdreg s18  }
0xc4: {  	[dreg:$0x3] =	wrdreg s17  }
0xc5: {  	[dreg:$0x4] =	wrdreg s24  }
0xc6: {  	[dreg:$0x5] =	wrdreg $0x0  }
0xc7: {  	[dreg:$0x6] =	wrdreg $0xA  }
0xc8: {  	_ =	task.clear_ibuf [dreg:s22], $0x7FFFF;
	_ =	strace $0x90000058  }
0xc9: {  	s29 =	simm.s32 $0xA;
	_ =	strace $0x8000005A  }
0xca: {  	_ =	swait.ge [sflag:s29], $0x1  }
0xcb: {  	[sflag:s29] =	ssyncadd.s32 $0xFFFFFFFF  }
0xcc: {  	_ =	strace $0x9000005A  }
0xcd: {  	_ =	sfence  }
0xce: {  	s30 =	sld [smem:$0x0];
	_ =	sdelay $0x2  }
0xcf: {  	s31 =	sshll.u32 s1, $0xD;
	s1 =	sshrl.u32 s1, $0x2  }
0xd0: {  	s4 =	sand.u32 $0x4000, s31;
	s1 =	sadd.s32 s1, s30  }
0xd1: {  	s0 =	sor.u32 s4, s0;
	s1 =	sshll.u32 s1, $0x11  }
0xd2: {  	s0 =	sor.u32 s1, s0  }
0xd3: {  	s0 =	sadd.s32 $0x8F2B, s0  }
0xd4: {  	[sflag:s0] =	ssyncadd.remote.s32 $0x1  }
0xd5: {  	_ =	sfence.sel $0xFFFF  }
0xd6: {  	[dreg:$0x0] =	wrdreg $0xFFFFFFFF;
	(pc) =	sbr.abs _section_cstart, $3  }
0xd7: {  	[dreg:$0x1] =	wrdreg $0xFFFFFFFF  }
0xd8: {  	_ =	task.clear_ibuf [dreg:s22], $0x2FFFF;
	_ =	strace $0x9FFFFFFF  }
0xd9: {  	(tm) =	ssettm $0x7FFFFFFF  }
tec
execute0_lowered:
.L_overlay_start_1:
0x0: {  	(tag) =	ssettag $0x1  }
0x1: {  	s1 =	rddreg [dreg:$0x0]  }
0x2: {  	s2 =	rddreg [dreg:$0x1]  }
0x3: {  	s0 =	rddreg [dreg:$0x2]  }
0x4: {  	s3 =	rddreg [dreg:$0x3];
	s4 =	srdreg.scid  }
0x5: {  	s5 =	simm.s32 $0x0;
	s14 =	stileid.u32;
	s15 =	simm.s32 $0x8  }
0x6: {  	s16 =	simm.s32 $0x13C00;
	s17 =	simm.s32 $0x80;
	s28 =	simm.s32 $0x3  }
0x7: {  	s29 =	simm.s32 $0x13E80;
	s30 =	simm.s32 $0x4;
	s31 =	simm.s32 $0x5  }
0x8: {  	s4 =	sand.u32 $0x1, s4;
	[smem:$0x7FF] =	sst s5;
	s7 =	smul.u32 $0x13C00, s14  }
0x9: {  	s12 =	sadd.s32 $0xE400, s0;
	s13 =	sadd.s32 $0x18C00, s0;
	s10 =	smul.u32 $0x4F000, s14  }
0xa: {  	s19 =	sadd.s32 $0x23400, s0;
	s21 =	sshll.u32 s14, $0x6;
	s22 =	smul.u32 $0xA80, s14  }
0xb: {  	s6 =	smul.u32 $0x13C000, s4;
	_ =	strace $0x80000059;
	s18 =	ssub.s32 $0x2, s4  }
0xc: {  	[dreg:$0x5] =	wrdreg s19;
	p0 =	seq.s32 s4, $0x1;
	s19 =	simm.s32 $0x13D00  }
0xd: {  	s4 =	simm.s32 $0x7;
	s9 =	sshrl.u32 s18, $0x1;
	s20 =	sshrl.u32 s10, $0x2  }
0xe: {  	s24 =	sor.u32 $0x60, s22;
	s6 =	sadd.s32 s7, s6;
	s11 =	ssub.s32 s18, s9  }
0xf: {  	s23 =	sadd.s32 s20, s3;
	s7 =	sor.u32 $0x1C08, s21;
	s9 =	sadd.s32 s13, s22  }
0x10: {  	s25 =	sadd.s32 s12, s24;
	s26 =	sadd.s32 s13, s24;
	s18 =	simm.s32 $0x13F00  }
0x11: {  	s20 =	simm.s32 $0x17F00;
	s21 =	simm.s32 $0x13E00;
	s24 =	simm.s32 $0x13C80  }
.Ltmp0:
0x12: {  	s8 =	sshrl.u32 s6, $0x3;
	[dreg:$0x6] =	wrdreg s25;
	(pc) =	sbr.rel .LBB2_1-.Ltmp0, $4  }
0x13: {  	s11 =	smax.u32 s11, $0x1;
	[dreg:$0x7] =	wrdreg s26;
	s14 =	sshrl.u32 s23, $0x3  }
0x14: {  	s23 =	simm.s32 $0x1;
	s25 =	simm.s32 $0x2;
	s26 =	simm.s32 $0x13D80  }
0x15: {  	s0 =	sadd.s32 s8, s0;
	s8 =	sadd.s32 s12, s22;
	s22 =	simm.s32 $0x1BF00  }
0x16: {  	s12 =	simm.s32 $0x0;
	s10 =	sadd.s32 $0x74C00, s0;
	s0 =	simm.s32 $0x6  }
.LBB2_8:
0x17: {  	s12 =	sadd.s32 $0x1, s12  }
0x18: {  	p1 =	sne.s32 s12, s11  }
.Ltmp1:
0x19: {  	[bflag:$0x0] =	sbarrier.arrive $0xFFFF;
	(pc) =	sbr.rel @!p1 .LBB2_9-.Ltmp1, $4  }
0x1a: {  	[hbm:s10], [sflag:s7] =	dma.local [spmem:s14], $0x2780  }
0x1b: {  	_ =	swait.ge [sflag:s15], $0x2780  }
0x1c: {  	[sflag:s15] =	ssyncset.done $0x0  }
0x1d: {  	[sflag:s15] =	ssyncadd.s32 $0xFFFFD880  }
.LBB2_1:
.Ltmp2:
0x1e: {  	s6 =	rddreg [dreg:$0x5];
	(pc) =	sbr.rel @!p0 .LBB2_2-.Ltmp2, $4  }
0x1f: {  	[spmem:s14], [sflag:s7] =	dma.local [hbm:s6], $0x2780  }
0x20: {  	_ =	swait.ge [sflag:s15], $0x2780  }
0x21: {  	[sflag:s15] =	ssyncset.done $0x0  }
0x22: {  	[sflag:s15] =	ssyncadd.s32 $0xFFFFD880  }
0x23: {  	[tilespmem:s16], [sflag:$0x8] =	stream.linear.gather [hbm4b:s9+s5], $0x300, $0x38;
	[tilespmem:$0x1FF00] =	vst v63  }
0x24: {  	_ =	swait.ge [sflag:s15], $0x300  }
0x25: {  	[sflag:s15] =	ssyncset.done $0x0  }
0x26: {  	[sflag:s15] =	ssyncadd.s32 $0xFFFFFD00  }
0x27: {  	[bflag:$0x0] =	sbarrier.arrive $0xFFFF  }
0x28: {  	[tilespmem:s18], [sflag:$0x1] =	stream.indirect.gather [hbm4b:s2+s17], $0x80, s16, s17, $0xb8;
	[tilespmem:$0x1FF00] =	vst v63  }
0x29: {  	_ = 	snop  }
0x2a: {  	[tilespmem:s20], [sflag:$0x2] =	stream.indirect.gather [hbm4b:s2+s17], $0x80, s19, s17, $0xb8;
	[tilespmem:$0x1FF00] =	vst v63  }
0x2b: {  	_ = 	snop  }
0x2c: {  	[tilespmem:s22], [sflag:$0x3] =	stream.indirect.gather [hbm4b:s2+s17], $0x80, s21, s17, $0xb8;
	[tilespmem:$0x1FF00] =	vst v63  }
0x2d: {  	_ =	swait.ge [sflag:s23], $0x4000  }
0x2e: {  	[sflag:s23] =	ssyncset.done $0x0  }
0x2f: {  	[sflag:s23] =	ssyncadd.s32 $0xFFFFC000  }
0x30: {  	[spmem:s3] =	stream.indirect.scatter.add.f32 [tilespmem:s18], [sflag:$0x4], $0x80, s24, s17, $0xb8;
	[tilespmem:$0x1FF00] =	vst v63  }
0x31: {  	_ =	swait.ge [sflag:s25], $0x4000  }
0x32: {  	[sflag:s25] =	ssyncset.done $0x0  }
0x33: {  	[sflag:s25] =	ssyncadd.s32 $0xFFFFC000  }
0x34: {  	[spmem:s3] =	stream.indirect.scatter.add.f32 [tilespmem:s20], [sflag:$0x5], $0x80, s26, s17, $0xb8;
	[tilespmem:$0x1FF00] =	vst v63  }
0x35: {  	_ =	swait.ge [sflag:s28], $0x4000  }
0x36: {  	[sflag:s28] =	ssyncset.done $0x0  }
0x37: {  	[sflag:s28] =	ssyncadd.s32 $0xFFFFC000  }
0x38: {  	[spmem:s3] =	stream.indirect.scatter.add.f32 [tilespmem:s22], [sflag:$0x6], $0x80, s29, s17, $0xb8;
	[tilespmem:$0x1FF00] =	vst v63  }
0x39: {  	_ =	swait.ge [sflag:s30], $0x4000  }
0x3a: {  	[sflag:s30] =	ssyncset.done $0x0  }
0x3b: {  	[sflag:s30] =	ssyncadd.s32 $0xFFFFC000  }
0x3c: {  	_ =	swait.ge [sflag:s31], $0x4000  }
0x3d: {  	[sflag:s31] =	ssyncset.done $0x0  }
0x3e: {  	[sflag:s31] =	ssyncadd.s32 $0xFFFFC000  }
0x3f: {  	_ =	swait.ge [sflag:s0], $0x4000  }
0x40: {  	[sflag:s0] =	ssyncset.done $0x0  }
0x41: {  	s13 =	simm.s32 $0xC0;
	s6 =	rddreg [dreg:$0x7];
	[sflag:s0] =	ssyncadd.s32 $0xFFFFC000  }
0x42: {  	[tilespmem:s16], [sflag:$0x7] =	stream.linear.gather [hbm4b:s6+s5], $0x300, $0x38;
	[tilespmem:$0x1FF00] =	vst v63  }
.LBB2_6:
0x43: {  	_ =	swait.ge [sflag:s4], $0x300  }
0x44: {  	[sflag:s4] =	ssyncset.done $0x0  }
0x45: {  	[sflag:s4] =	ssyncadd.s32 $0xFFFFFD00  }
0x46: {  	[tilespmem:s18], [sflag:$0x1] =	stream.indirect.gather [hbm4b:s2+s17], $0x80, s16, s17, $0xb8;
	[tilespmem:$0x1FF00] =	vst v63  }
0x47: {  	_ = 	snop  }
0x48: {  	[tilespmem:s20], [sflag:$0x2] =	stream.indirect.gather [hbm4b:s2+s17], $0x80, s19, s17, $0xb8;
	[tilespmem:$0x1FF00] =	vst v63  }
0x49: {  	_ = 	snop  }
0x4a: {  	[tilespmem:s22], [sflag:$0x3] =	stream.indirect.gather [hbm4b:s2+s17], $0x80, s21, s17, $0xb8;
	[tilespmem:$0x1FF00] =	vst v63  }
0x4b: {  	_ =	swait.ge [sflag:s23], $0x4000  }
0x4c: {  	[sflag:s23] =	ssyncset.done $0x0  }
0x4d: {  	[sflag:s23] =	ssyncadd.s32 $0xFFFFC000  }
0x4e: {  	[spmem:s3] =	stream.indirect.scatter.add.f32 [tilespmem:s18], [sflag:$0x4], $0x80, s24, s17, $0xb8;
	[tilespmem:$0x1FF00] =	vst v63  }
0x4f: {  	_ =	swait.ge [sflag:s25], $0x4000  }
0x50: {  	[sflag:s25] =	ssyncset.done $0x0  }
0x51: {  	[sflag:s25] =	ssyncadd.s32 $0xFFFFC000  }
0x52: {  	[spmem:s3] =	stream.indirect.scatter.add.f32 [tilespmem:s20], [sflag:$0x5], $0x80, s26, s17, $0xb8;
	[tilespmem:$0x1FF00] =	vst v63  }
0x53: {  	_ =	swait.ge [sflag:s28], $0x4000  }
0x54: {  	[sflag:s28] =	ssyncset.done $0x0  }
0x55: {  	[sflag:s28] =	ssyncadd.s32 $0xFFFFC000  }
0x56: {  	[spmem:s3] =	stream.indirect.scatter.add.f32 [tilespmem:s22], [sflag:$0x6], $0x80, s29, s17, $0xb8;
	[tilespmem:$0x1FF00] =	vst v63  }
0x57: {  	_ =	swait.ge [sflag:s30], $0x4000  }
0x58: {  	[sflag:s30] =	ssyncset.done $0x0  }
0x59: {  	[sflag:s30] =	ssyncadd.s32 $0xFFFFC000  }
0x5a: {  	p1 =	seq.s32 s13, $0xA80;
	_ =	swait.ge [sflag:s31], $0x4000  }
.Ltmp3:
0x5b: {  	[sflag:s31] =	ssyncset.done $0x0;
	(pc) =	sbr.rel @p1 .LBB2_8-.Ltmp3, $4  }
0x5c: {  	[sflag:s31] =	ssyncadd.s32 $0xFFFFC000  }
0x5d: {  	_ =	swait.ge [sflag:s0], $0x4000  }
0x5e: {  	[sflag:s0] =	ssyncset.done $0x0  }
0x5f: {  	[sflag:s0] =	ssyncadd.s32 $0xFFFFC000  }
.Ltmp4:
0x60: {  	(pc) =	sbr.rel .LBB2_6-.Ltmp4, $3  }
0x61: {  	_ =	sdelay $0x1  }
0x62: {  	s6 =	sadd.s32 s13, s9;
	s13 =	sadd.s32 $0x60, s13  }
0x63: {  	[tilespmem:s16], [sflag:$0x7] =	stream.linear.gather [hbm4b:s6+s5], $0x300, $0x38;
	[tilespmem:$0x1FF00] =	vst v63  }
.LBB2_2:
0x64: {  	[tilespmem:s16], [sflag:$0x8] =	stream.linear.gather [hbm4b:s8+s5], $0x300, $0x38;
	[tilespmem:$0x1FF00] =	vst v63  }
0x65: {  	_ =	swait.ge [sflag:s15], $0x300  }
0x66: {  	[sflag:s15] =	ssyncset.done $0x0  }
0x67: {  	[sflag:s15] =	ssyncadd.s32 $0xFFFFFD00  }
0x68: {  	[bflag:$0x0] =	sbarrier.arrive $0xFFFF  }
0x69: {  	[tilespmem:s18], [sflag:$0x1] =	stream.indirect.gather [hbm4b:s1+s17], $0x80, s16, s17, $0xb8;
	[tilespmem:$0x1FF00] =	vst v63  }
0x6a: {  	_ = 	snop  }
0x6b: {  	[tilespmem:s20], [sflag:$0x2] =	stream.indirect.gather [hbm4b:s1+s17], $0x80, s19, s17, $0xb8;
	[tilespmem:$0x1FF00] =	vst v63  }
0x6c: {  	_ = 	snop  }
0x6d: {  	[tilespmem:s22], [sflag:$0x3] =	stream.indirect.gather [hbm4b:s1+s17], $0x80, s21, s17, $0xb8;
	[tilespmem:$0x1FF00] =	vst v63  }
0x6e: {  	_ =	swait.ge [sflag:s23], $0x4000  }
0x6f: {  	[sflag:s23] =	ssyncset.done $0x0  }
0x70: {  	[sflag:s23] =	ssyncadd.s32 $0xFFFFC000  }
0x71: {  	[spmem:s3] =	stream.indirect.scatter.add.f32 [tilespmem:s18], [sflag:$0x4], $0x80, s24, s17, $0xb8;
	[tilespmem:$0x1FF00] =	vst v63  }
0x72: {  	_ =	swait.ge [sflag:s25], $0x4000  }
0x73: {  	[sflag:s25] =	ssyncset.done $0x0  }
0x74: {  	[sflag:s25] =	ssyncadd.s32 $0xFFFFC000  }
0x75: {  	[spmem:s3] =	stream.indirect.scatter.add.f32 [tilespmem:s20], [sflag:$0x5], $0x80, s26, s17, $0xb8;
	[tilespmem:$0x1FF00] =	vst v63  }
0x76: {  	_ =	swait.ge [sflag:s28], $0x4000  }
0x77: {  	[sflag:s28] =	ssyncset.done $0x0  }
0x78: {  	[sflag:s28] =	ssyncadd.s32 $0xFFFFC000  }
0x79: {  	[spmem:s3] =	stream.indirect.scatter.add.f32 [tilespmem:s22], [sflag:$0x6], $0x80, s29, s17, $0xb8;
	[tilespmem:$0x1FF00] =	vst v63  }
0x7a: {  	_ =	swait.ge [sflag:s30], $0x4000  }
0x7b: {  	[sflag:s30] =	ssyncset.done $0x0  }
0x7c: {  	[sflag:s30] =	ssyncadd.s32 $0xFFFFC000  }
0x7d: {  	_ =	swait.ge [sflag:s31], $0x4000  }
0x7e: {  	[sflag:s31] =	ssyncset.done $0x0  }
0x7f: {  	[sflag:s31] =	ssyncadd.s32 $0xFFFFC000  }
0x80: {  	_ =	swait.ge [sflag:s0], $0x4000  }
0x81: {  	[sflag:s0] =	ssyncset.done $0x0  }
0x82: {  	s13 =	simm.s32 $0xC0;
	s6 =	rddreg [dreg:$0x6];
	[sflag:s0] =	ssyncadd.s32 $0xFFFFC000  }
0x83: {  	[tilespmem:s16], [sflag:$0x7] =	stream.linear.gather [hbm4b:s6+s5], $0x300, $0x38;
	[tilespmem:$0x1FF00] =	vst v63  }
.LBB2_3:
0x84: {  	_ =	swait.ge [sflag:s4], $0x300  }
0x85: {  	[sflag:s4] =	ssyncset.done $0x0  }
0x86: {  	[sflag:s4] =	ssyncadd.s32 $0xFFFFFD00  }
0x87: {  	[tilespmem:s18], [sflag:$0x1] =	stream.indirect.gather [hbm4b:s1+s17], $0x80, s16, s17, $0xb8;
	[tilespmem:$0x1FF00] =	vst v63  }
0x88: {  	_ = 	snop  }
0x89: {  	[tilespmem:s20], [sflag:$0x2] =	stream.indirect.gather [hbm4b:s1+s17], $0x80, s19, s17, $0xb8;
	[tilespmem:$0x1FF00] =	vst v63  }
0x8a: {  	_ = 	snop  }
0x8b: {  	[tilespmem:s22], [sflag:$0x3] =	stream.indirect.gather [hbm4b:s1+s17], $0x80, s21, s17, $0xb8;
	[tilespmem:$0x1FF00] =	vst v63  }
0x8c: {  	_ =	swait.ge [sflag:s23], $0x4000  }
0x8d: {  	[sflag:s23] =	ssyncset.done $0x0  }
0x8e: {  	[sflag:s23] =	ssyncadd.s32 $0xFFFFC000  }
0x8f: {  	[spmem:s3] =	stream.indirect.scatter.add.f32 [tilespmem:s18], [sflag:$0x4], $0x80, s24, s17, $0xb8;
	[tilespmem:$0x1FF00] =	vst v63  }
0x90: {  	_ =	swait.ge [sflag:s25], $0x4000  }
0x91: {  	[sflag:s25] =	ssyncset.done $0x0  }
0x92: {  	[sflag:s25] =	ssyncadd.s32 $0xFFFFC000  }
0x93: {  	[spmem:s3] =	stream.indirect.scatter.add.f32 [tilespmem:s20], [sflag:$0x5], $0x80, s26, s17, $0xb8;
	[tilespmem:$0x1FF00] =	vst v63  }
0x94: {  	_ =	swait.ge [sflag:s28], $0x4000  }
0x95: {  	[sflag:s28] =	ssyncset.done $0x0  }
0x96: {  	[sflag:s28] =	ssyncadd.s32 $0xFFFFC000  }
0x97: {  	[spmem:s3] =	stream.indirect.scatter.add.f32 [tilespmem:s22], [sflag:$0x6], $0x80, s29, s17, $0xb8;
	[tilespmem:$0x1FF00] =	vst v63  }
0x98: {  	_ =	swait.ge [sflag:s30], $0x4000  }
0x99: {  	[sflag:s30] =	ssyncset.done $0x0  }
0x9a: {  	[sflag:s30] =	ssyncadd.s32 $0xFFFFC000  }
0x9b: {  	p1 =	seq.s32 s13, $0xA80;
	_ =	swait.ge [sflag:s31], $0x4000  }
.Ltmp5:
0x9c: {  	[sflag:s31] =	ssyncset.done $0x0;
	(pc) =	sbr.rel @p1 .LBB2_8-.Ltmp5, $4  }
0x9d: {  	[sflag:s31] =	ssyncadd.s32 $0xFFFFC000  }
0x9e: {  	_ =	swait.ge [sflag:s0], $0x4000  }
0x9f: {  	[sflag:s0] =	ssyncset.done $0x0  }
0xa0: {  	[sflag:s0] =	ssyncadd.s32 $0xFFFFC000  }
.Ltmp6:
0xa1: {  	(pc) =	sbr.rel .LBB2_3-.Ltmp6, $3  }
0xa2: {  	_ =	sdelay $0x1  }
0xa3: {  	s6 =	sadd.s32 s13, s8;
	s13 =	sadd.s32 $0x60, s13  }
0xa4: {  	[tilespmem:s16], [sflag:$0x7] =	stream.linear.gather [hbm4b:s6+s5], $0x300, $0x38;
	[tilespmem:$0x1FF00] =	vst v63  }
.LBB2_9:
0xa5: {  	_ =	sfence.sel $0x180000  }
0xa6: {  	[bflag:$0x0] =	sbarrier.arrive $0xFFFF  }
0xa7: {  	_ =	strace $0x90000059  }
0xa8: {  	s0 =	stileid.u32;
	[bflag:$0x2] =	sbarrier.arrive $0xFFFF  }
0xa9: {  	p0 =	sne.s32 s0, $0x0;
	s0 =	rddreg [dreg:$0x4]  }
0xaa: {  	s0 =	sadd.s32 @!p0 $0x100000, s0  }
0xab: {  	[sflag:s0] =	ssyncadd.tile.s32 @!p0 $0x1;
	_ =	shalt  }
.Lfunc_end2:
_tile_overlayer_lowered:
.L_overlay_start_2:
0xac: {  	(tag) =	ssettag $0x2  }
0xad: {  	s0 =	rddreg [dreg:$0x0];
	s2 =	stileid.u32  }
0xae: {  	s1 =	rddreg [dreg:$0x1];
	p0 =	sne.s32 s2, $0x0  }
0xaf: {  	s3 =	rddreg [dreg:$0x2];
	[bflag:$0x3] =	sbarrier.arrive $0xFFFF;
	s2 =	simm.s32 @!p0 $0x1C08  }
0xb0: {  	[timem:s3], [sflag:s2] =	dma.local @!p0 [hbm:s0], s1  }
0xb1: {  	s0 =	simm.s32 @!p0 $0x8  }
0xb2: {  	_ =	swait.ge @!p0 [sflag:s0], s1  }
0xb3: {  	s1 =	ssub.s32 @!p0 $0x0, s1;
	[sflag:s0] =	ssyncset.done @!p0 $0x0  }
0xb4: {  	[sflag:s0] =	ssyncadd.s32 @!p0 s1  }
0xb5: {  	[bflag:$0x3] =	sbarrier.arrive $0xFFFF  }
0xb6: {  	_ =	shalt  }

// kernel: kernel.33.cloned.1.call-start
scs
__scs_entry_jumppad:
0x0: {  	(pc) =	sbr.rel $0x88, $3  }
0x1: {  	(tag) =	ssettag $0x0;
	lr =	simm.s32 $0x1  }
0x2: {  	[smem:$0x3F56] =	sst lr;
	_ =	strace $0xD0000000  }
0x3: {  	_ = 	snop  }
0x4: {  	_ = 	snop  }
0x5: {  	_ = 	snop  }
0x6: {  	_ = 	snop  }
0x7: {  	_ = 	snop  }
__scs_overlays_trampoline_lowered:
0x8: {  	[smem:$0x3F65] =	sst s0  }
0x9: {  	[smem:$0x3F66] =	sst s1  }
0xa: {  	[smem:$0x3F67] =	sst s2  }
0xb: {  	[smem:$0x3F68] =	sst s3  }
0xc: {  	[smem:$0x3F69] =	sst s4  }
0xd: {  	[smem:$0x3F6A] =	sst s5  }
0xe: {  	[smem:$0x3F6B] =	sst s6  }
0xf: {  	[smem:$0x3F6C] =	sst s7  }
0x10: {  	[smem:$0x3F6D] =	sst s8  }
0x11: {  	[smem:$0x3F6E] =	sst s9;
	s0 =	simm.s32 @!p0 $0x0  }
0x12: {  	s1 =	sld [smem:$0x3F54];
	s0 =	simm.s32 @p0 $0x1  }
0x13: {  	[smem:$0x3F6F] =	sst s0;
	s0 =	simm.s32 @!p1 $0x0  }
0x14: {  	s2 =	sld [smem:$0x3F53];
	s0 =	simm.s32 @p1 $0x1  }
0x15: {  	[smem:$0x3F70] =	sst s0;
	s0 =	simm.s32 @!p2 $0x0  }
0x16: {  	s3 =	sld [smem:$0x3FDB];
	s0 =	simm.s32 @p2 $0x1  }
0x17: {  	s4 =	simm.s32 $0x1BF5;
	[smem:$0x3F72] =	sst s0  }
0x18: {  	s0 =	sld [smem:$0x3F55];
	_ =	swait.ge [sflag:s4], $0x0  }
0x19: {  	s7 =	sld [smem:$0x3F56]  }
0x1a: {  	s8 =	sadd.s32 $0xFFFFE003, lr  }
0x1b: {  	s9 =	sadd.s32 $0xFFFFFEF7, lr;
	s5 =	simm.s32 $0xFFFFFFFF;
	p2 =	slt.u32 s8, $0xFFFFF086  }
0x1c: {  	p1 =	slt.u32 s9, $0xF7A;
	s5 =	simm.s32 @!p2 $0x0  }
0x1d: {  	s5 =	simm.s32 @p1 $0x1;
	p0 =	seq.s32 s7, s2  }
0x1e: {  	s7 =	smul.u32 @!p0 $0xF7A, s2;
	p2 =	seq.s32 @!p0 s5, $0x0  }
0x1f: {  	s9 =	smul.u32 $0xF7A, s1;
	s8 =	simm.s32 @!p0 $0x1BF5;
	p2 =	por !p2, p0  }
0x20: {  	[sflag:s8] =	ssyncset.s32 @!p0 $0xFFFFF086;
	s6 =	sadd.s32 @!p0 s3, s7;
	s7 =	simm.s32 @!p0 $0x108  }
0x21: {  	s3 =	sadd.s32 s3, s9;
	s6 =	sadd.s32 @!p0 $0x88, s6;
	s7 =	simm.s32 @p2 $0x1082  }
0x22: {  	[simem:s7], [sflag:s8] =	dma.local @!p0 [hbm:s6], $0xF7A  }
0x23: {  	s9 =	sor.u32 $0xD0000000, s2;
	s6 =	simm.s32 $0x108;
	_ =	swait.ge @!p0 [sflag:s8], $0x0  }
0x24: {  	s3 =	sadd.s32 $0x88, s3;
	s6 =	simm.s32 @!p1 $0x1082;
	[sflag:s4] =	ssyncset.s32 $0xFFFFF086  }
0x25: {  	[simem:s6], [sflag:s4] =	dma.local [hbm:s3], $0xF7A  }
0x26: {  	[smem:$0x3F56] =	sst s1;
	(tag) =	ssettag s2;
	_ =	strace s9  }
0x27: {  	s1 =	sld [smem:$0x3F66]  }
0x28: {  	s2 =	sld [smem:$0x3F67]  }
0x29: {  	s4 =	sld [smem:$0x3F69]  }
0x2a: {  	p0 =	seq.s32 s5, $0x0;
	s5 =	sld [smem:$0x3F6A]  }
0x2b: {  	s6 =	sld [smem:$0x3F6B]  }
0x2c: {  	s7 =	sld [smem:$0x3F6C]  }
0x2d: {  	s3 =	simm.s32 $0x108;
	s8 =	sld [smem:$0x3F6D]  }
0x2e: {  	s3 =	simm.s32 @!p0 $0x1082;
	s9 =	sld [smem:$0x3F6E]  }
0x2f: {  	lr =	sadd.s32 s0, s3;
	s0 =	sld [smem:$0x3F65]  }
0x30: {  	s3 =	sld [smem:$0x3F68]  }
0x31: {  	[smem:$0x3F71] =	sst s10  }
0x32: {  	s10 =	sld [smem:$0x3F6F];
	_ =	sdelay $0x3  }
0x33: {  	p0 =	seq.s32 s10, $0x1;
	s10 =	sld [smem:$0x3F71];
	_ =	sdelay $0x3  }
0x34: {  	[smem:$0x3F71] =	sst s10  }
0x35: {  	s10 =	sld [smem:$0x3F70];
	_ =	sdelay $0x3  }
0x36: {  	p1 =	seq.s32 s10, $0x1;
	s10 =	sld [smem:$0x3F71];
	_ =	sdelay $0x3  }
0x37: {  	[smem:$0x3F71] =	sst s10  }
0x38: {  	s10 =	sld [smem:$0x3F72]  }
0x39: {  	_ = 	snop;
	(pc) =	sbr.ind lr, $3  }
0x3a: {  	_ = 	snop  }
0x3b: {  	_ = 	snop  }
0x3c: {  	p2 =	seq.s32 s10, $0x1;
	s10 =	sld [smem:$0x3F71]  }
0x3d: {  	_ =	shalt  }
0x3e: {  	_ =	shalt  }
0x3f: {  	_ =	shalt  }
0x40: {  	_ =	shalt  }
0x41: {  	_ =	shalt  }
0x42: {  	_ =	shalt  }
0x43: {  	_ =	shalt  }
0x44: {  	_ =	shalt  }
0x45: {  	_ =	shalt  }
0x46: {  	_ =	shalt  }
0x47: {  	_ =	shalt  }
0x48: {  	_ =	shalt  }
0x49: {  	_ =	shalt  }
0x4a: {  	_ =	shalt  }
0x4b: {  	_ =	shalt  }
0x4c: {  	_ =	shalt  }
0x4d: {  	_ =	shalt  }
0x4e: {  	_ =	shalt  }
0x4f: {  	_ =	shalt  }
0x50: {  	_ =	shalt  }
0x51: {  	_ =	shalt  }
0x52: {  	_ =	shalt  }
0x53: {  	_ =	shalt  }
0x54: {  	_ =	shalt  }
0x55: {  	_ =	shalt  }
0x56: {  	_ =	shalt  }
0x57: {  	_ =	shalt  }
0x58: {  	_ =	shalt  }
0x59: {  	_ =	shalt  }
0x5a: {  	_ =	shalt  }
0x5b: {  	_ =	shalt  }
0x5c: {  	_ =	shalt  }
0x5d: {  	_ =	shalt  }
0x5e: {  	_ =	shalt  }
0x5f: {  	_ =	shalt  }
0x60: {  	_ =	shalt  }
0x61: {  	_ =	shalt  }
0x62: {  	_ =	shalt  }
0x63: {  	_ =	shalt  }
0x64: {  	_ =	shalt  }
0x65: {  	_ =	shalt  }
0x66: {  	_ =	shalt  }
0x67: {  	_ =	shalt  }
0x68: {  	_ =	shalt  }
0x69: {  	_ =	shalt  }
0x6a: {  	_ =	shalt  }
0x6b: {  	_ =	shalt  }
0x6c: {  	_ =	shalt  }
0x6d: {  	_ =	shalt  }
0x6e: {  	_ =	shalt  }
0x6f: {  	_ =	shalt  }
0x70: {  	_ =	shalt  }
0x71: {  	_ =	shalt  }
0x72: {  	_ =	shalt  }
0x73: {  	_ =	shalt  }
0x74: {  	_ =	shalt  }
0x75: {  	_ =	shalt  }
0x76: {  	_ =	shalt  }
0x77: {  	_ =	shalt  }
0x78: {  	_ =	shalt  }
0x79: {  	_ =	shalt  }
0x7a: {  	_ =	shalt  }
0x7b: {  	_ =	shalt  }
0x7c: {  	_ =	shalt  }
0x7d: {  	_ =	shalt  }
0x7e: {  	_ =	shalt  }
0x7f: {  	_ =	shalt  }
0x80: {  	_ =	shalt  }
0x81: {  	_ =	shalt  }
0x82: {  	_ =	shalt  }
0x83: {  	_ =	shalt  }
0x84: {  	_ =	shalt  }
0x85: {  	_ =	shalt  }
0x86: {  	_ =	shalt  }
0x87: {  	_ =	shalt  }
.Lfunc_end0:
.L_simem_size_0:
called_computation.6_lowered:
.L_overlay_start_0:
0x88: {  	s2 =	sld [smem:$0x3FD9]  }
0x89: {  	s3 =	sld [smem:$0x3FFE];
	_ =	sdelay $0x1  }
0x8a: {  	s1 =	srdreg.scid  }
0x8b: {  	s0 =	sand.u32 $0x1, s1  }
0x8c: {  	s15 =	sshll.u32 s0, $0xA;
	s2 =	sadd.s32 s3, s2  }
0x8d: {  	s2 =	sadd.s32 s2, s15  }
0x8e: {  	[smem:$0x3F7D] =	sst s2  }
0x8f: {  	_ = 	snop  }
0x90: {  	s2 =	sld [smem:$0x3FD0];
	_ =	sdelay $0x2  }
0x91: {  	s4 =	simm.s32 $0xB;
	s16 =	simm.s32 $0x10  }
0x92: {  	[smem:s16], [sflag:s4] =	dma.local [hbm:s2], $0x1  }
0x93: {  	_ =	swait.eq [sflag:s4], $0x1  }
0x94: {  	[sflag:s4] =	ssyncset.done $0x0  }
0x95: {  	s17 =	sld [smem:$0x10];
	[sflag:s4] =	ssyncadd.s32 $0xFFFFFFFF  }
0x96: {  	s18 =	sld [smem:$0x11];
	(tm) =	ssettm $0x1  }
0x97: {  	s19 =	sld [smem:$0x3FFB];
	_ =	sdelay $0x3  }
0x98: {  	_ =	strace s19  }
0x99: {  	s2 =	sld [smem:$0x3FFC];
	_ =	sdelay $0x3  }
0x9a: {  	_ =	strace s2  }
0x9b: {  	s2 =	sld [smem:$0x3FFD];
	_ =	sdelay $0x3  }
0x9c: {  	_ =	strace s2  }
0x9d: {  	_ =	strace $0x8FFFFFFF  }
0x9e: {  	s20 =	sld [smem:$0x3FDB];
	_ =	sdelay $0x1  }
0x9f: {  	s5 =	simm.s32 $_scs_section_size  }
0xa0: {  	s6 =	simm.s32 $_size__tile_overlayer_lowered;
	s7 =	simm.s32 $_tile_overlayer_lowered  }
0xa1: {  	s8 =	simm.s32 $0x1BFF;
	s21 =	sshll.u32 s7, $0x1;
	s5 =	sadd.s32 s5, s20  }
0xa2: {  	s22 =	simm.s32 $0x0;
	s6 =	sshll.u32 s6, $0x1;
	s7 =	sadd.s32 s21, s5  }
0xa3: {  	[timem:s22], [sflag:s8] =	dma.local [hbm:s7], s6  }
0xa4: {  	_ =	swait.ge [sflag:s8], s6  }
0xa5: {  	s6 =	ssub.s32 $0x0, s6;
	[sflag:s8] =	ssyncset.done $0x0  }
0xa6: {  	[sflag:s8] =	ssyncadd.s32 s6;
	_ =	sdelay $0x1  }
0xa7: {  	s23 =	simm.s32 $0x1B8B  }
0xa8: {  	_ =	swait.ge [sflag:s23], $0x1  }
0xa9: {  	[sflag:s23] =	ssyncset.done $0x0  }
0xaa: {  	[sflag:s23] =	ssyncadd.s32 $0xFFFFFFFF  }
0xab: {  	s6 =	sld [smem:$0x0]  }
0xac: {  	s7 =	sand.u32 $0xFFFFFFFE, s1  }
0xad: {  	p0 =	sne.s32 s1, s7  }
0xae: {  	s7 =	sshll.u32 @p0 s7, $0xE  }
0xaf: {  	s7 =	sadd.s32 @p0 $0x11B8D, s7;
	s8 =	sshll.u32 @p0 s6, $0x11  }
0xb0: {  	s7 =	sor.u32 @p0 s8, s7  }
0xb1: {  	[sflag:s7] =	ssyncadd.remote.s32 @p0 $0x1;
	_ =	sdelay $0x1  }
0xb2: {  	s7 =	simm.s32 @p0 $0x1B8D  }
0xb3: {  	_ =	swait.eq @p0 [sflag:s7], $0x1  }
0xb4: {  	[sflag:s7] =	ssyncadd.s32 @p0 $0xFFFFFFFF  }
0xb5: {  	s8 =	sshll.u32 @!p0 s1, $0xE  }
0xb6: {  	s8 =	sor.u32 @!p0 $0x4000, s8;
	s7 =	simm.s32 @!p0 $0x1B8D  }
0xb7: {  	s6 =	sshll.u32 @!p0 s6, $0x11;
	s8 =	sadd.s32 @!p0 $0x11B8D, s8;
	_ =	swait.eq @!p0 [sflag:s7], $0x1  }
0xb8: {  	s6 =	sor.u32 @!p0 s6, s8;
	[sflag:s7] =	ssyncadd.s32 @!p0 $0xFFFFFFFF  }
0xb9: {  	s25 =	simm.s32 $0x1B8E;
	s24 =	sld [smem:$0x3FFE];
	[sflag:s6] =	ssyncadd.remote.s32 @!p0 $0x1  }
0xba: {  	s26 =	simm.s32 $execute0_lowered;
	[smem:$0x3FD2] =	sst s25  }
0xbb: {  	s7 =	sshll.u32 s26, $0x1;
	_ =	strace $0x80000055;
	[dreg:$0x1] =	wrdreg $0xFFFFFFFF  }
0xbc: {  	s28 =	simm.s32 $_size_execute0_lowered;
	s5 =	sadd.s32 s5, s7;
	[dreg:$0x0] =	wrdreg $0x0  }
0xbd: {  	s7 =	sshll.u32 s28, $0x1;
	[dreg:$0x2] =	wrdreg s5  }
0xbe: {  	[dreg:$0x3] =	wrdreg s7  }
0xbf: {  	[dreg:$0x4] =	wrdreg $0xC0  }
0xc0: {  	_ =	task [dreg:s22], $0x5FFFF  }
0xc1: {  	[dreg:$0x1] =	wrdreg $0xFFFFFFFF  }
0xc2: {  	[dreg:$0x0] =	wrdreg $0x60  }
0xc3: {  	[dreg:$0x2] =	wrdreg s17  }
0xc4: {  	[dreg:$0x3] =	wrdreg s18  }
0xc5: {  	[dreg:$0x4] =	wrdreg s24  }
0xc6: {  	[dreg:$0x5] =	wrdreg $0x9  }
0xc7: {  	_ =	task.clear_ibuf [dreg:s22], $0x6FFFF;
	_ =	strace $0x90000055  }
0xc8: {  	s29 =	simm.s32 $0x9;
	_ =	strace $0x80000057  }
0xc9: {  	_ =	swait.ge [sflag:s29], $0x1  }
0xca: {  	[sflag:s29] =	ssyncadd.s32 $0xFFFFFFFF  }
0xcb: {  	_ =	strace $0x90000057  }
0xcc: {  	_ =	sfence  }
0xcd: {  	s30 =	sld [smem:$0x0];
	_ =	sdelay $0x2  }
0xce: {  	s31 =	sshll.u32 s1, $0xD;
	s1 =	sshrl.u32 s1, $0x2  }
0xcf: {  	s4 =	sand.u32 $0x4000, s31;
	s1 =	sadd.s32 s1, s30  }
0xd0: {  	s0 =	sor.u32 s4, s0;
	s1 =	sshll.u32 s1, $0x11  }
0xd1: {  	s0 =	sor.u32 s1, s0  }
0xd2: {  	s0 =	sadd.s32 $0x8F2B, s0  }
0xd3: {  	[sflag:s0] =	ssyncadd.remote.s32 $0x1  }
0xd4: {  	_ =	sfence.sel $0xFFFF  }
0xd5: {  	[dreg:$0x0] =	wrdreg $0xFFFFFFFF;
	(pc) =	sbr.abs _section_cstart, $3  }
0xd6: {  	[dreg:$0x1] =	wrdreg $0xFFFFFFFF  }
0xd7: {  	_ =	task.clear_ibuf [dreg:s22], $0x2FFFF;
	_ =	strace $0x9FFFFFFF  }
0xd8: {  	(tm) =	ssettm $0x7FFFFFFF  }
0xd9: {  	_ =	shalt  }
tec
execute0_lowered:
.L_overlay_start_1:
0x0: {  	(tag) =	ssettag $0x1  }
0x1: {  	s2 =	rddreg [dreg:$0x0]  }
0x2: {  	s3 =	rddreg [dreg:$0x1]  }
0x3: {  	s0 =	rddreg [dreg:$0x2];
	s6 =	stileid.u32  }
0x4: {  	s1 =	srdreg.scid;
	s4 =	simm.s32 $0x0;
	s9 =	simm.s32 $0x200  }
0x5: {  	s10 =	simm.s32 $0x300;
	s11 =	simm.s32 $0x400;
	s12 =	simm.s32 $0x1  }
0x6: {  	s13 =	simm.s32 $0x80;
	s14 =	simm.s32 $0x500;
	s15 =	simm.s32 $0x2  }
0x7: {  	s24 =	simm.s32 $0x180;
	s16 =	simm.s32 $0x4500;
	s25 =	simm.s32 $0x280  }
0x8: {  	s17 =	simm.s32 $0x3;
	s26 =	simm.s32 $0x380;
	s18 =	simm.s32 $0x8500  }
0x9: {  	s19 =	simm.s32 $0x4;
	s20 =	simm.s32 $0xC500;
	s21 =	simm.s32 $0x5  }
0xa: {  	s31 =	simm.s32 $0x480;
	s28 =	simm.s32 $0xA;
	[smem:$0x7FF] =	sst s4  }
0xb: {  	s29 =	simm.s32 $0xB;
	_ =	strace $0x80000056;
	[dreg:$0x4] =	wrdreg s24  }
0xc: {  	s30 =	simm.s32 $0x0;
	s5 =	smul.u32 $0x320, s6;
	[dreg:$0x5] =	wrdreg s25  }
0xd: {  	s1 =	sand.u32 $0x1, s1;
	s6 =	smul.u32 $0xC800, s6;
	[dreg:$0x6] =	wrdreg s26  }
0xe: {  	s7 =	ssub.s32 $0x2, s1;
	p0 =	seq.s32 s1, $0x1;
	[dreg:$0x7] =	wrdreg s31  }
.Ltmp0:
0xf: {  	s24 =	simm.s32 $0x7;
	s25 =	simm.s32 $0x8;
	(pc) =	sbr.rel .LBB2_1-.Ltmp0, $4  }
0x10: {  	s8 =	sadd.s32 s5, s0;
	s22 =	sshrl.u32 s7, $0x1;
	s0 =	sadd.s32 s6, s0  }
0x11: {  	s26 =	simm.s32 $0x9;
	s5 =	ssub.s32 s7, s22;
	s6 =	sadd.s32 $0xC6E00, s0  }
0x12: {  	s0 =	sadd.s32 $0xC3C00, s8;
	s8 =	simm.s32 $0x100;
	s23 =	smax.u32 s5, $0x1  }
0x13: {  	s22 =	simm.s32 $0x10500;
	[dreg:$0x8] =	wrdreg s23;
	s23 =	simm.s32 $0x6  }
.LBB2_7:
0x14: {  	[sflag:s29] =	ssyncadd.s32 $0xFFFFC000  }
.LBB2_8:
0x15: {  	s30 =	sadd.s32 $0x1, s30;
	s1 =	rddreg [dreg:$0x8]  }
0x16: {  	p1 =	sne.s32 s30, s1  }
.Ltmp1:
0x17: {  	_ = 	snop;
	(pc) =	sbr.rel @!p1 .LBB2_9-.Ltmp1, $1  }
0x18: {  	_ =	sdelay $0x3  }
.LBB2_1:
.Ltmp2:
0x19: {  	(pc) =	sbr.rel @!p0 .LBB2_2-.Ltmp2, $1  }
0x1a: {  	_ =	sdelay $0x3  }
0x1b: {  	[tilespmem:s4], [sflag:$0x1] =	stream.linear.gather [hbm4b:s0+s4], $0x100, $0x38;
	[tilespmem:$0x14500] =	vst v63  }
0x1c: {  	s1 =	sadd.s32 $0x20, s0  }
0x1d: {  	[tilespmem:s8], [sflag:$0x2] =	stream.linear.gather [hbm4b:s1+s4], $0x100, $0x38;
	[tilespmem:$0x14500] =	vst v63  }
0x1e: {  	s5 =	sadd.s32 $0x40, s0  }
0x1f: {  	[tilespmem:s9], [sflag:$0x3] =	stream.linear.gather [hbm4b:s5+s4], $0x100, $0x38;
	[tilespmem:$0x14500] =	vst v63  }
0x20: {  	s7 =	sadd.s32 $0x60, s0  }
0x21: {  	[tilespmem:s10], [sflag:$0x4] =	stream.linear.gather [hbm4b:s7+s4], $0x100, $0x38;
	[tilespmem:$0x14500] =	vst v63  }
0x22: {  	s5 =	sadd.s32 $0x80, s0  }
0x23: {  	[tilespmem:s11], [sflag:$0x5] =	stream.linear.gather [hbm4b:s5+s4], $0x100, $0x38;
	[tilespmem:$0x14500] =	vst v63  }
0x24: {  	_ =	swait.ge [sflag:s12], $0x100  }
0x25: {  	[sflag:s12] =	ssyncset.done $0x0  }
0x26: {  	[sflag:s12] =	ssyncadd.s32 $0xFFFFFF00  }
0x27: {  	[tilespmem:s14], [sflag:$0x6] =	stream.indirect.gather [hbm4b:s3+s13], $0x80, s13, s13, $0xb8;
	[tilespmem:$0x14500] =	vst v63  }
0x28: {  	_ =	swait.ge [sflag:s15], $0x100  }
0x29: {  	[sflag:s15] =	ssyncset.done $0x0  }
0x2a: {  	s7 =	rddreg [dreg:$0x4];
	[sflag:s15] =	ssyncadd.s32 $0xFFFFFF00  }
0x2b: {  	[tilespmem:s16], [sflag:$0x7] =	stream.indirect.gather [hbm4b:s3+s13], $0x80, s7, s13, $0xb8;
	[tilespmem:$0x14500] =	vst v63  }
0x2c: {  	_ =	swait.ge [sflag:s17], $0x100  }
0x2d: {  	[sflag:s17] =	ssyncset.done $0x0  }
0x2e: {  	s5 =	rddreg [dreg:$0x5];
	[sflag:s17] =	ssyncadd.s32 $0xFFFFFF00  }
0x2f: {  	[tilespmem:s18], [sflag:$0x8] =	stream.indirect.gather [hbm4b:s3+s13], $0x80, s5, s13, $0xb8;
	[tilespmem:$0x14500] =	vst v63  }
0x30: {  	_ =	swait.ge [sflag:s19], $0x100  }
0x31: {  	[sflag:s19] =	ssyncset.done $0x0  }
0x32: {  	s7 =	rddreg [dreg:$0x6];
	[sflag:s19] =	ssyncadd.s32 $0xFFFFFF00  }
0x33: {  	[tilespmem:s20], [sflag:$0x9] =	stream.indirect.gather [hbm4b:s3+s13], $0x80, s7, s13, $0xb8;
	[tilespmem:$0x14500] =	vst v63  }
0x34: {  	_ =	swait.ge [sflag:s21], $0x100  }
0x35: {  	[sflag:s21] =	ssyncset.done $0x0  }
0x36: {  	s5 =	rddreg [dreg:$0x7];
	[sflag:s21] =	ssyncadd.s32 $0xFFFFFF00  }
0x37: {  	[tilespmem:s22], [sflag:$0xA] =	stream.indirect.gather [hbm4b:s3+s13], $0x80, s5, s13, $0xb8;
	[tilespmem:$0x14500] =	vst v63  }
0x38: {  	_ =	swait.ge [sflag:s23], $0x4000  }
0x39: {  	s1 =	sadd.s32 $0x0, s6;
	[sflag:s23] =	ssyncset.done $0x0  }
0x3a: {  	s5 =	sadd.s32 $0xC8000, s1;
	[sflag:s23] =	ssyncadd.s32 $0xFFFFC000  }
0x3b: {  	[hbm4b:s5+s4] =	stream.linear.scatter [tilespmem:s14], [sflag:$0xB], $0x4000, $0x38;
	[tilespmem:$0x14500] =	vst v63  }
0x3c: {  	_ =	swait.ge [sflag:s24], $0x4000  }
0x3d: {  	[sflag:s24] =	ssyncset.done $0x0  }
0x3e: {  	s7 =	sadd.s32 $0xC8800, s1;
	[sflag:s24] =	ssyncadd.s32 $0xFFFFC000  }
0x3f: {  	[hbm4b:s7+s4] =	stream.linear.scatter [tilespmem:s16], [sflag:$0xB], $0x4000, $0x38;
	[tilespmem:$0x14500] =	vst v63  }
0x40: {  	_ =	swait.ge [sflag:s25], $0x4000  }
0x41: {  	[sflag:s25] =	ssyncset.done $0x0  }
0x42: {  	s7 =	sadd.s32 $0xC9000, s1;
	[sflag:s25] =	ssyncadd.s32 $0xFFFFC000  }
0x43: {  	[hbm4b:s7+s4] =	stream.linear.scatter [tilespmem:s18], [sflag:$0xB], $0x4000, $0x38;
	[tilespmem:$0x14500] =	vst v63  }
0x44: {  	_ =	swait.ge [sflag:s26], $0x4000  }
0x45: {  	[sflag:s26] =	ssyncset.done $0x0  }
0x46: {  	s7 =	sadd.s32 $0xC9800, s1;
	[sflag:s26] =	ssyncadd.s32 $0xFFFFC000  }
0x47: {  	[hbm4b:s7+s4] =	stream.linear.scatter [tilespmem:s20], [sflag:$0xB], $0x4000, $0x38;
	[tilespmem:$0x14500] =	vst v63  }
0x48: {  	_ =	swait.ge [sflag:s28], $0x4000  }
0x49: {  	[sflag:s28] =	ssyncset.done $0x0  }
0x4a: {  	s1 =	sadd.s32 $0xCA000, s1;
	[sflag:s28] =	ssyncadd.s32 $0xFFFFC000  }
0x4b: {  	[hbm4b:s1+s4] =	stream.linear.scatter [tilespmem:s22], [sflag:$0xB], $0x4000, $0x38;
	[tilespmem:$0x14500] =	vst v63  }
0x4c: {  	_ =	swait.ge [sflag:s29], $0x4000  }
0x4d: {  	[sflag:s29] =	ssyncset.done $0x0  }
0x4e: {  	[sflag:s29] =	ssyncadd.s32 $0xFFFFC000  }
0x4f: {  	_ =	swait.ge [sflag:s29], $0x4000  }
0x50: {  	[sflag:s29] =	ssyncset.done $0x0  }
0x51: {  	[sflag:s29] =	ssyncadd.s32 $0xFFFFC000  }
0x52: {  	_ =	swait.ge [sflag:s29], $0x4000  }
0x53: {  	[sflag:s29] =	ssyncset.done $0x0  }
0x54: {  	[sflag:s29] =	ssyncadd.s32 $0xFFFFC000  }
0x55: {  	_ =	swait.ge [sflag:s29], $0x4000  }
0x56: {  	[sflag:s29] =	ssyncset.done $0x0  }
0x57: {  	[sflag:s29] =	ssyncadd.s32 $0xFFFFC000  }
0x58: {  	_ =	swait.ge [sflag:s29], $0x4000  }
0x59: {  	s31 =	simm.s32 $0x2800;
	s7 =	smov.u32 s0;
	[sflag:s29] =	ssyncset.done $0x0  }
.LBB2_6:
0x5a: {  	[sflag:s29] =	ssyncadd.s32 $0xFFFFC000;
	s7 =	sadd.s32 $0xA0, s7  }
0x5b: {  	[tilespmem:s4], [sflag:$0x1] =	stream.linear.gather [hbm4b:s7+s4], $0x100, $0x38;
	[tilespmem:$0x14500] =	vst v63  }
0x5c: {  	s5 =	sadd.s32 $0x20, s7  }
0x5d: {  	[tilespmem:s8], [sflag:$0x2] =	stream.linear.gather [hbm4b:s5+s4], $0x100, $0x38;
	[tilespmem:$0x14500] =	vst v63  }
0x5e: {  	s5 =	sadd.s32 $0x40, s7  }
0x5f: {  	[tilespmem:s9], [sflag:$0x3] =	stream.linear.gather [hbm4b:s5+s4], $0x100, $0x38;
	[tilespmem:$0x14500] =	vst v63  }
0x60: {  	s5 =	sadd.s32 $0x60, s7  }
0x61: {  	[tilespmem:s10], [sflag:$0x4] =	stream.linear.gather [hbm4b:s5+s4], $0x100, $0x38;
	[tilespmem:$0x14500] =	vst v63  }
0x62: {  	s5 =	sadd.s32 $0x80, s7  }
0x63: {  	[tilespmem:s11], [sflag:$0x5] =	stream.linear.gather [hbm4b:s5+s4], $0x100, $0x38;
	[tilespmem:$0x14500] =	vst v63  }
0x64: {  	_ =	swait.ge [sflag:s12], $0x100  }
0x65: {  	[sflag:s12] =	ssyncset.done $0x0  }
0x66: {  	[sflag:s12] =	ssyncadd.s32 $0xFFFFFF00  }
0x67: {  	[tilespmem:s14], [sflag:$0x6] =	stream.indirect.gather [hbm4b:s3+s13], $0x80, s13, s13, $0xb8;
	[tilespmem:$0x14500] =	vst v63  }
0x68: {  	_ =	swait.ge [sflag:s15], $0x100  }
0x69: {  	[sflag:s15] =	ssyncset.done $0x0  }
0x6a: {  	s5 =	rddreg [dreg:$0x4];
	[sflag:s15] =	ssyncadd.s32 $0xFFFFFF00  }
0x6b: {  	[tilespmem:s16], [sflag:$0x7] =	stream.indirect.gather [hbm4b:s3+s13], $0x80, s5, s13, $0xb8;
	[tilespmem:$0x14500] =	vst v63  }
0x6c: {  	_ =	swait.ge [sflag:s17], $0x100  }
0x6d: {  	[sflag:s17] =	ssyncset.done $0x0  }
0x6e: {  	s5 =	rddreg [dreg:$0x5];
	[sflag:s17] =	ssyncadd.s32 $0xFFFFFF00  }
0x6f: {  	[tilespmem:s18], [sflag:$0x8] =	stream.indirect.gather [hbm4b:s3+s13], $0x80, s5, s13, $0xb8;
	[tilespmem:$0x14500] =	vst v63  }
0x70: {  	_ =	swait.ge [sflag:s19], $0x100  }
0x71: {  	[sflag:s19] =	ssyncset.done $0x0  }
0x72: {  	s5 =	rddreg [dreg:$0x6];
	[sflag:s19] =	ssyncadd.s32 $0xFFFFFF00  }
0x73: {  	[tilespmem:s20], [sflag:$0x9] =	stream.indirect.gather [hbm4b:s3+s13], $0x80, s5, s13, $0xb8;
	[tilespmem:$0x14500] =	vst v63  }
0x74: {  	_ =	swait.ge [sflag:s21], $0x100  }
0x75: {  	[sflag:s21] =	ssyncset.done $0x0  }
0x76: {  	s5 =	rddreg [dreg:$0x7];
	[sflag:s21] =	ssyncadd.s32 $0xFFFFFF00  }
0x77: {  	[tilespmem:s22], [sflag:$0xA] =	stream.indirect.gather [hbm4b:s3+s13], $0x80, s5, s13, $0xb8;
	[tilespmem:$0x14500] =	vst v63  }
0x78: {  	s1 =	smov.u32 s31;
	_ =	swait.ge [sflag:s23], $0x4000  }
0x79: {  	s1 =	sadd.s32 s1, s6;
	[sflag:s23] =	ssyncset.done $0x0  }
0x7a: {  	s5 =	sadd.s32 $0xC8000, s1;
	[sflag:s23] =	ssyncadd.s32 $0xFFFFC000  }
0x7b: {  	[hbm4b:s5+s4] =	stream.linear.scatter [tilespmem:s14], [sflag:$0xB], $0x4000, $0x38;
	[tilespmem:$0x14500] =	vst v63  }
0x7c: {  	_ =	swait.ge [sflag:s24], $0x4000  }
0x7d: {  	[sflag:s24] =	ssyncset.done $0x0  }
0x7e: {  	s5 =	sadd.s32 $0xC8800, s1;
	[sflag:s24] =	ssyncadd.s32 $0xFFFFC000  }
0x7f: {  	[hbm4b:s5+s4] =	stream.linear.scatter [tilespmem:s16], [sflag:$0xB], $0x4000, $0x38;
	[tilespmem:$0x14500] =	vst v63  }
0x80: {  	_ =	swait.ge [sflag:s25], $0x4000  }
0x81: {  	[sflag:s25] =	ssyncset.done $0x0  }
0x82: {  	s5 =	sadd.s32 $0xC9000, s1;
	[sflag:s25] =	ssyncadd.s32 $0xFFFFC000  }
0x83: {  	[hbm4b:s5+s4] =	stream.linear.scatter [tilespmem:s18], [sflag:$0xB], $0x4000, $0x38;
	[tilespmem:$0x14500] =	vst v63  }
0x84: {  	_ =	swait.ge [sflag:s26], $0x4000  }
0x85: {  	[sflag:s26] =	ssyncset.done $0x0  }
0x86: {  	s5 =	sadd.s32 $0xC9800, s1;
	[sflag:s26] =	ssyncadd.s32 $0xFFFFC000  }
0x87: {  	[hbm4b:s5+s4] =	stream.linear.scatter [tilespmem:s20], [sflag:$0xB], $0x4000, $0x38;
	[tilespmem:$0x14500] =	vst v63  }
0x88: {  	_ =	swait.ge [sflag:s28], $0x4000  }
0x89: {  	[sflag:s28] =	ssyncset.done $0x0  }
0x8a: {  	s1 =	sadd.s32 $0xCA000, s1;
	[sflag:s28] =	ssyncadd.s32 $0xFFFFC000  }
0x8b: {  	[hbm4b:s1+s4] =	stream.linear.scatter [tilespmem:s22], [sflag:$0xB], $0x4000, $0x38;
	[tilespmem:$0x14500] =	vst v63  }
0x8c: {  	_ =	swait.ge [sflag:s29], $0x4000  }
0x8d: {  	[sflag:s29] =	ssyncset.done $0x0  }
0x8e: {  	[sflag:s29] =	ssyncadd.s32 $0xFFFFC000  }
0x8f: {  	_ =	swait.ge [sflag:s29], $0x4000  }
0x90: {  	[sflag:s29] =	ssyncset.done $0x0  }
0x91: {  	[sflag:s29] =	ssyncadd.s32 $0xFFFFC000  }
0x92: {  	_ =	swait.ge [sflag:s29], $0x4000  }
0x93: {  	[sflag:s29] =	ssyncset.done $0x0  }
0x94: {  	p1 =	sne.s32 s31, $0xA000;
	[sflag:s29] =	ssyncadd.s32 $0xFFFFC000  }
.Ltmp3:
0x95: {  	_ =	swait.ge [sflag:s29], $0x4000;
	(pc) =	sbr.rel @p1 .LBB2_6-.Ltmp3, $4  }
0x96: {  	[sflag:s29] =	ssyncset.done $0x0  }
0x97: {  	[sflag:s29] =	ssyncadd.s32 $0xFFFFC000  }
0x98: {  	_ =	swait.ge [sflag:s29], $0x4000  }
0x99: {  	s31 =	sadd.s32 $0x2800, s31;
	[sflag:s29] =	ssyncset.done $0x0  }
.Ltmp4:
0x9a: {  	_ = 	snop;
	(pc) =	sbr.rel .LBB2_7-.Ltmp4, $1  }
0x9b: {  	_ =	sdelay $0x3  }
.LBB2_2:
0x9c: {  	[tilespmem:s4], [sflag:$0x1] =	stream.linear.gather [hbm4b:s0+s4], $0x100, $0x38;
	[tilespmem:$0x14500] =	vst v63  }
0x9d: {  	s1 =	sadd.s32 $0x20, s0  }
0x9e: {  	[tilespmem:s8], [sflag:$0x2] =	stream.linear.gather [hbm4b:s1+s4], $0x100, $0x38;
	[tilespmem:$0x14500] =	vst v63  }
0x9f: {  	s7 =	sadd.s32 $0x40, s0  }
0xa0: {  	[tilespmem:s9], [sflag:$0x3] =	stream.linear.gather [hbm4b:s7+s4], $0x100, $0x38;
	[tilespmem:$0x14500] =	vst v63  }
0xa1: {  	s5 =	sadd.s32 $0x60, s0  }
0xa2: {  	[tilespmem:s10], [sflag:$0x4] =	stream.linear.gather [hbm4b:s5+s4], $0x100, $0x38;
	[tilespmem:$0x14500] =	vst v63  }
0xa3: {  	s7 =	sadd.s32 $0x80, s0  }
0xa4: {  	[tilespmem:s11], [sflag:$0x5] =	stream.linear.gather [hbm4b:s7+s4], $0x100, $0x38;
	[tilespmem:$0x14500] =	vst v63  }
0xa5: {  	_ =	swait.ge [sflag:s12], $0x100  }
0xa6: {  	[sflag:s12] =	ssyncset.done $0x0  }
0xa7: {  	[sflag:s12] =	ssyncadd.s32 $0xFFFFFF00  }
0xa8: {  	[tilespmem:s14], [sflag:$0x6] =	stream.indirect.gather [hbm4b:s2+s13], $0x80, s4, s13, $0xb8;
	[tilespmem:$0x14500] =	vst v63  }
0xa9: {  	_ =	swait.ge [sflag:s15], $0x100  }
0xaa: {  	[sflag:s15] =	ssyncset.done $0x0  }
0xab: {  	[sflag:s15] =	ssyncadd.s32 $0xFFFFFF00  }
0xac: {  	[tilespmem:s16], [sflag:$0x7] =	stream.indirect.gather [hbm4b:s2+s13], $0x80, s8, s13, $0xb8;
	[tilespmem:$0x14500] =	vst v63  }
0xad: {  	_ =	swait.ge [sflag:s17], $0x100  }
0xae: {  	[sflag:s17] =	ssyncset.done $0x0  }
0xaf: {  	[sflag:s17] =	ssyncadd.s32 $0xFFFFFF00  }
0xb0: {  	[tilespmem:s18], [sflag:$0x8] =	stream.indirect.gather [hbm4b:s2+s13], $0x80, s9, s13, $0xb8;
	[tilespmem:$0x14500] =	vst v63  }
0xb1: {  	_ =	swait.ge [sflag:s19], $0x100  }
0xb2: {  	[sflag:s19] =	ssyncset.done $0x0  }
0xb3: {  	[sflag:s19] =	ssyncadd.s32 $0xFFFFFF00  }
0xb4: {  	[tilespmem:s20], [sflag:$0x9] =	stream.indirect.gather [hbm4b:s2+s13], $0x80, s10, s13, $0xb8;
	[tilespmem:$0x14500] =	vst v63  }
0xb5: {  	_ =	swait.ge [sflag:s21], $0x100  }
0xb6: {  	[sflag:s21] =	ssyncset.done $0x0  }
0xb7: {  	[sflag:s21] =	ssyncadd.s32 $0xFFFFFF00  }
0xb8: {  	[tilespmem:s22], [sflag:$0xA] =	stream.indirect.gather [hbm4b:s2+s13], $0x80, s11, s13, $0xb8;
	[tilespmem:$0x14500] =	vst v63  }
0xb9: {  	_ =	swait.ge [sflag:s23], $0x4000  }
0xba: {  	[sflag:s23] =	ssyncset.done $0x0  }
0xbb: {  	s1 =	sadd.s32 $0x0, s6;
	[sflag:s23] =	ssyncadd.s32 $0xFFFFC000  }
0xbc: {  	[hbm4b:s1+s4] =	stream.linear.scatter [tilespmem:s14], [sflag:$0xB], $0x4000, $0x38;
	[tilespmem:$0x14500] =	vst v63  }
0xbd: {  	_ =	swait.ge [sflag:s24], $0x4000  }
0xbe: {  	[sflag:s24] =	ssyncset.done $0x0  }
0xbf: {  	s7 =	sadd.s32 $0x800, s1;
	[sflag:s24] =	ssyncadd.s32 $0xFFFFC000  }
0xc0: {  	[hbm4b:s7+s4] =	stream.linear.scatter [tilespmem:s16], [sflag:$0xB], $0x4000, $0x38;
	[tilespmem:$0x14500] =	vst v63  }
0xc1: {  	_ =	swait.ge [sflag:s25], $0x4000  }
0xc2: {  	[sflag:s25] =	ssyncset.done $0x0  }
0xc3: {  	s5 =	sadd.s32 $0x1000, s1;
	[sflag:s25] =	ssyncadd.s32 $0xFFFFC000  }
0xc4: {  	[hbm4b:s5+s4] =	stream.linear.scatter [tilespmem:s18], [sflag:$0xB], $0x4000, $0x38;
	[tilespmem:$0x14500] =	vst v63  }
0xc5: {  	_ =	swait.ge [sflag:s26], $0x4000  }
0xc6: {  	[sflag:s26] =	ssyncset.done $0x0  }
0xc7: {  	s5 =	sadd.s32 $0x1800, s1;
	[sflag:s26] =	ssyncadd.s32 $0xFFFFC000  }
0xc8: {  	[hbm4b:s5+s4] =	stream.linear.scatter [tilespmem:s20], [sflag:$0xB], $0x4000, $0x38;
	[tilespmem:$0x14500] =	vst v63  }
0xc9: {  	_ =	swait.ge [sflag:s28], $0x4000  }
0xca: {  	[sflag:s28] =	ssyncset.done $0x0  }
0xcb: {  	s1 =	sadd.s32 $0x2000, s1;
	[sflag:s28] =	ssyncadd.s32 $0xFFFFC000  }
0xcc: {  	[hbm4b:s1+s4] =	stream.linear.scatter [tilespmem:s22], [sflag:$0xB], $0x4000, $0x38;
	[tilespmem:$0x14500] =	vst v63  }
0xcd: {  	_ =	swait.ge [sflag:s29], $0x4000  }
0xce: {  	[sflag:s29] =	ssyncset.done $0x0  }
0xcf: {  	[sflag:s29] =	ssyncadd.s32 $0xFFFFC000  }
0xd0: {  	_ =	swait.ge [sflag:s29], $0x4000  }
0xd1: {  	[sflag:s29] =	ssyncset.done $0x0  }
0xd2: {  	[sflag:s29] =	ssyncadd.s32 $0xFFFFC000  }
0xd3: {  	_ =	swait.ge [sflag:s29], $0x4000  }
0xd4: {  	[sflag:s29] =	ssyncset.done $0x0  }
0xd5: {  	[sflag:s29] =	ssyncadd.s32 $0xFFFFC000  }
0xd6: {  	_ =	swait.ge [sflag:s29], $0x4000  }
0xd7: {  	[sflag:s29] =	ssyncset.done $0x0  }
0xd8: {  	[sflag:s29] =	ssyncadd.s32 $0xFFFFC000  }
0xd9: {  	_ =	swait.ge [sflag:s29], $0x4000  }
0xda: {  	s31 =	smov.u32 s0;
	s7 =	simm.s32 $0x2800;
	[sflag:s29] =	ssyncset.done $0x0  }
.LBB2_3:
0xdb: {  	p1 =	seq.s32 s7, $0xA000;
	[sflag:s29] =	ssyncadd.s32 $0xFFFFC000;
	s31 =	sadd.s32 $0xA0, s31  }
0xdc: {  	[tilespmem:s4], [sflag:$0x1] =	stream.linear.gather [hbm4b:s31+s4], $0x100, $0x38;
	[tilespmem:$0x14500] =	vst v63  }
0xdd: {  	s5 =	smov.u32 s7;
	s7 =	sadd.s32 $0x2800, s7;
	s1 =	sadd.s32 $0x20, s31  }
0xde: {  	[tilespmem:s8], [sflag:$0x2] =	stream.linear.gather [hbm4b:s1+s4], $0x100, $0x38;
	[tilespmem:$0x14500] =	vst v63  }
0xdf: {  	s1 =	sadd.s32 $0x40, s31  }
0xe0: {  	[tilespmem:s9], [sflag:$0x3] =	stream.linear.gather [hbm4b:s1+s4], $0x100, $0x38;
	[tilespmem:$0x14500] =	vst v63  }
0xe1: {  	s1 =	sadd.s32 $0x60, s31  }
0xe2: {  	[tilespmem:s10], [sflag:$0x4] =	stream.linear.gather [hbm4b:s1+s4], $0x100, $0x38;
	[tilespmem:$0x14500] =	vst v63  }
0xe3: {  	s1 =	sadd.s32 $0x80, s31  }
0xe4: {  	[tilespmem:s11], [sflag:$0x5] =	stream.linear.gather [hbm4b:s1+s4], $0x100, $0x38;
	[tilespmem:$0x14500] =	vst v63  }
0xe5: {  	_ =	swait.ge [sflag:s12], $0x100  }
0xe6: {  	[sflag:s12] =	ssyncset.done $0x0  }
0xe7: {  	[sflag:s12] =	ssyncadd.s32 $0xFFFFFF00  }
0xe8: {  	[tilespmem:s14], [sflag:$0x6] =	stream.indirect.gather [hbm4b:s2+s13], $0x80, s4, s13, $0xb8;
	[tilespmem:$0x14500] =	vst v63  }
0xe9: {  	_ =	swait.ge [sflag:s15], $0x100  }
0xea: {  	[sflag:s15] =	ssyncset.done $0x0  }
0xeb: {  	[sflag:s15] =	ssyncadd.s32 $0xFFFFFF00  }
0xec: {  	[tilespmem:s16], [sflag:$0x7] =	stream.indirect.gather [hbm4b:s2+s13], $0x80, s8, s13, $0xb8;
	[tilespmem:$0x14500] =	vst v63  }
0xed: {  	_ =	swait.ge [sflag:s17], $0x100  }
0xee: {  	[sflag:s17] =	ssyncset.done $0x0  }
0xef: {  	[sflag:s17] =	ssyncadd.s32 $0xFFFFFF00  }
0xf0: {  	[tilespmem:s18], [sflag:$0x8] =	stream.indirect.gather [hbm4b:s2+s13], $0x80, s9, s13, $0xb8;
	[tilespmem:$0x14500] =	vst v63  }
0xf1: {  	_ =	swait.ge [sflag:s19], $0x100  }
0xf2: {  	[sflag:s19] =	ssyncset.done $0x0  }
0xf3: {  	[sflag:s19] =	ssyncadd.s32 $0xFFFFFF00  }
0xf4: {  	[tilespmem:s20], [sflag:$0x9] =	stream.indirect.gather [hbm4b:s2+s13], $0x80, s10, s13, $0xb8;
	[tilespmem:$0x14500] =	vst v63  }
0xf5: {  	_ =	swait.ge [sflag:s21], $0x100  }
0xf6: {  	[sflag:s21] =	ssyncset.done $0x0  }
0xf7: {  	[sflag:s21] =	ssyncadd.s32 $0xFFFFFF00  }
0xf8: {  	[tilespmem:s22], [sflag:$0xA] =	stream.indirect.gather [hbm4b:s2+s13], $0x80, s11, s13, $0xb8;
	[tilespmem:$0x14500] =	vst v63  }
0xf9: {  	_ =	swait.ge [sflag:s23], $0x4000  }
0xfa: {  	[sflag:s23] =	ssyncset.done $0x0  }
0xfb: {  	s1 =	sadd.s32 s5, s6;
	[sflag:s23] =	ssyncadd.s32 $0xFFFFC000  }
0xfc: {  	[hbm4b:s1+s4] =	stream.linear.scatter [tilespmem:s14], [sflag:$0xB], $0x4000, $0x38;
	[tilespmem:$0x14500] =	vst v63  }
0xfd: {  	_ =	swait.ge [sflag:s24], $0x4000  }
0xfe: {  	[sflag:s24] =	ssyncset.done $0x0  }
0xff: {  	s5 =	sadd.s32 $0x800, s1;
	[sflag:s24] =	ssyncadd.s32 $0xFFFFC000  }
0x100: {  	[hbm4b:s5+s4] =	stream.linear.scatter [tilespmem:s16], [sflag:$0xB], $0x4000, $0x38;
	[tilespmem:$0x14500] =	vst v63  }
0x101: {  	_ =	swait.ge [sflag:s25], $0x4000  }
0x102: {  	[sflag:s25] =	ssyncset.done $0x0  }
0x103: {  	s5 =	sadd.s32 $0x1000, s1;
	[sflag:s25] =	ssyncadd.s32 $0xFFFFC000  }
0x104: {  	[hbm4b:s5+s4] =	stream.linear.scatter [tilespmem:s18], [sflag:$0xB], $0x4000, $0x38;
	[tilespmem:$0x14500] =	vst v63  }
0x105: {  	_ =	swait.ge [sflag:s26], $0x4000  }
0x106: {  	[sflag:s26] =	ssyncset.done $0x0  }
0x107: {  	s5 =	sadd.s32 $0x1800, s1;
	[sflag:s26] =	ssyncadd.s32 $0xFFFFC000  }
0x108: {  	[hbm4b:s5+s4] =	stream.linear.scatter [tilespmem:s20], [sflag:$0xB], $0x4000, $0x38;
	[tilespmem:$0x14500] =	vst v63  }
0x109: {  	_ =	swait.ge [sflag:s28], $0x4000  }
0x10a: {  	[sflag:s28] =	ssyncset.done $0x0  }
0x10b: {  	s1 =	sadd.s32 $0x2000, s1;
	[sflag:s28] =	ssyncadd.s32 $0xFFFFC000  }
0x10c: {  	[hbm4b:s1+s4] =	stream.linear.scatter [tilespmem:s22], [sflag:$0xB], $0x4000, $0x38;
	[tilespmem:$0x14500] =	vst v63  }
0x10d: {  	_ =	swait.ge [sflag:s29], $0x4000  }
0x10e: {  	[sflag:s29] =	ssyncset.done $0x0  }
0x10f: {  	[sflag:s29] =	ssyncadd.s32 $0xFFFFC000  }
0x110: {  	_ =	swait.ge [sflag:s29], $0x4000  }
0x111: {  	[sflag:s29] =	ssyncset.done $0x0  }
0x112: {  	[sflag:s29] =	ssyncadd.s32 $0xFFFFC000  }
0x113: {  	_ =	swait.ge [sflag:s29], $0x4000  }
0x114: {  	[sflag:s29] =	ssyncset.done $0x0  }
0x115: {  	[sflag:s29] =	ssyncadd.s32 $0xFFFFC000  }
.Ltmp5:
0x116: {  	_ =	swait.ge [sflag:s29], $0x4000;
	(pc) =	sbr.rel @!p1 .LBB2_3-.Ltmp5, $4  }
0x117: {  	[sflag:s29] =	ssyncset.done $0x0  }
0x118: {  	[sflag:s29] =	ssyncadd.s32 $0xFFFFC000  }
0x119: {  	_ =	swait.ge [sflag:s29], $0x4000  }
0x11a: {  	[sflag:s29] =	ssyncset.done $0x0  }
.Ltmp6:
0x11b: {  	(pc) =	sbr.rel .LBB2_8-.Ltmp6, $2  }
0x11c: {  	_ =	sdelay $0x2  }
0x11d: {  	[sflag:s29] =	ssyncadd.s32 $0xFFFFC000  }
.LBB2_9:
0x11e: {  	_ =	sfence.sel $0x180000  }
0x11f: {  	[bflag:$0x0] =	sbarrier.arrive $0xFFFF  }
0x120: {  	_ =	strace $0x90000056  }
0x121: {  	s0 =	stileid.u32;
	[bflag:$0x2] =	sbarrier.arrive $0xFFFF  }
0x122: {  	p0 =	sne.s32 s0, $0x0;
	s0 =	rddreg [dreg:$0x3]  }
0x123: {  	s0 =	sadd.s32 @!p0 $0x100000, s0  }
0x124: {  	[sflag:s0] =	ssyncadd.tile.s32 @!p0 $0x1;
	_ =	shalt  }
.Lfunc_end2:
_tile_overlayer_lowered:
.L_overlay_start_2:
0x125: {  	(tag) =	ssettag $0x2  }
0x126: {  	s0 =	rddreg [dreg:$0x0];
	s2 =	stileid.u32  }
0x127: {  	s1 =	rddreg [dreg:$0x1];
	p0 =	sne.s32 s2, $0x0  }
0x128: {  	s3 =	rddreg [dreg:$0x2];
	[bflag:$0x3] =	sbarrier.arrive $0xFFFF;
	s2 =	simm.s32 @!p0 $0x1C0C  }
0x129: {  	[timem:s3], [sflag:s2] =	dma.local @!p0 [hbm:s0], s1  }
0x12a: {  	s0 =	simm.s32 @!p0 $0xC  }
0x12b: {  	_ =	swait.ge @!p0 [sflag:s0], s1  }
0x12c: {  	s1 =	ssub.s32 @!p0 $0x0, s1;
	[sflag:s0] =	ssyncset.done @!p0 $0x0  }
0x12d: {  	[sflag:s0] =	ssyncadd.s32 @!p0 s1  }
0x12e: {  	[bflag:$0x3] =	sbarrier.arrive $0xFFFF  }
0x12f: {  	_ =	shalt  }

</sc_bundles>
